<compile_context>
chip_gen: v7x
topology: tpu7x:2x2x1
jax: 0.10.2.dev20260603
libtpu: 0.0.44.dev20260713+nightly
codegen_flags: <defaults>
</compile_context>

<pallas_src>
import functools

import jax
import jax.numpy as jnp
from jax import lax
from jax.experimental import pallas as pl
from jax.experimental.pallas import tpu as pltpu
from jax.experimental.pallas import tpu_sc as plsc

_LANES = 16


@functools.lru_cache(maxsize=None)
def _gather_kernel(num_tokens, embed_dim, vocab):
    CH = 512
    TAILW = 64
    NB = vocab // 128
    END_AL = NB * 128
    NW = 32
    BASE_BLK, EXTRA = divmod(NB, NW)
    MAXR = (BASE_BLK + 1) * 128
    NCH = -(-MAXR // CH)
    TPB = 16384
    NTG = num_tokens // _LANES

    mesh = plsc.VectorSubcoreMesh(core_axis_name="c", subcore_axis_name="s")

    @functools.partial(
        pl.kernel,
        mesh=mesh,
        out_type=jax.ShapeDtypeStruct((num_tokens, embed_dim), jnp.float32),
        scratch_types=[
            pltpu.VMEM((TPB + _LANES,), jnp.int32),
            pltpu.VMEM((TPB + _LANES,), jnp.int32),
            pltpu.VMEM((embed_dim, 128), jnp.float32),
            pltpu.VMEM((_LANES, embed_dim), jnp.float32),
            pltpu.VMEM((2, embed_dim, CH), jnp.float32),
            pltpu.SemaphoreType.DMA,
            pltpu.SemaphoreType.DMA,
        ],
        compiler_params=pltpu.CompilerParams(needs_layout_passes=False),
    )
    def body(idx_hbm, wt_hbm, tail_hbm, out_hbm, csub, plist, tailb, stage,
             buf, sem_in, sem_o):
        w = lax.axis_index("c") * _LANES + lax.axis_index("s")
        nblk = BASE_BLK + (w < EXTRA).astype(jnp.int32)
        vstart = 128 * (BASE_BLK * w + jnp.minimum(w, EXTRA))
        vend_al = vstart + 128 * nblk
        is_last = w == NW - 1
        vend_memb = jnp.where(is_last, vocab, vend_al)
        w_lim = vend_al - CH

        pltpu.sync_copy(idx_hbm.at[pl.ds(0, num_tokens)],
                        csub.at[pl.ds(0, num_tokens)])

        iota16 = lax.iota(jnp.int32, _LANES)
        dqs = [iota16 + 16 * q for q in range(embed_dim // _LANES)]

        def scan_body(g, off):
            vec = csub[pl.ds(g * _LANES, _LANES)]
            m = (vec >= vstart) & (vec < vend_memb)
            e = (vec - vstart) * 16384 + (g * _LANES + iota16)
            plsc.store_compressed(plist.at[pl.ds(off, _LANES)], e, mask=m)
            return off + plsc.all_reduce_population_count(m)[0]

        nmem = lax.fori_loop(0, NTG, scan_body, 0)
        nmg = (nmem + _LANES - 1) >> 4

        @pl.when(is_last)
        def _():
            pltpu.sync_copy(tail_hbm, tailb)

        def fire_chunk(kn):
            w0 = jnp.minimum(vstart + kn * CH, w_lim)
            par = kn & 1
            for p in range(8):
                pltpu.async_copy(
                    wt_hbm.at[pl.ds(p * 8, 8), pl.ds(w0, CH)],
                    buf.at[par, pl.ds(p * 8, 8), :],
                    sem_in,
                )

        def wait_chunk():
            for _p in range(8):
                pltpu.make_async_copy(
                    wt_hbm.at[pl.ds(0, 8), pl.ds(0, CH)],
                    buf.at[0, pl.ds(0, 8), :],
                    sem_in,
                ).wait()

        def emit_groups(ng, get_values):

            def group_body(gg, _):
                ee = csub[pl.ds(gg * _LANES, _LANES)]
                vl_vec = get_values[0](ee)
                t_vec = ee & 16383
                for j in range(_LANES):
                    vlj = vl_vec[j]
                    j_v = jnp.full((_LANES,), j, jnp.int32)
                    for q, dq in enumerate(dqs):
                        vals = get_values[1](vlj, q, dq)
                        plsc.store_scatter(stage, [j_v, 16 * q + iota16], vals)
                for j in range(_LANES):
                    pltpu.async_copy(
                        stage.at[pl.ds(j, 1), :],
                        out_hbm.at[pl.ds(t_vec[j], 1), :],
                        sem_o,
                    )
                for j in range(_LANES):
                    pltpu.make_async_copy(
                        stage.at[pl.ds(0, 1), :],
                        out_hbm.at[pl.ds(0, 1), :],
                        sem_o,
                    ).wait()
                return 0

            lax.fori_loop(0, ng, group_body, 0)

        def rescan(lo_r, hi_r):

            def rbody(g, off):
                ee = plist[pl.ds(g * _LANES, _LANES)]
                vr = ee >> 14
                lane_ok = (g * _LANES + iota16) < nmem
                m = (vr >= lo_r) & (vr < hi_r) & lane_ok
                plsc.store_compressed(csub.at[pl.ds(off, _LANES)], ee, mask=m)
                return off + plsc.all_reduce_population_count(m)[0]

            n = lax.fori_loop(0, nmg, rbody, 0)

            @pl.when(n > 0)
            def _():
                e0 = csub[pl.ds(0, _LANES)][0]
                csub[pl.ds(n, _LANES)] = jnp.full((_LANES,), e0, jnp.int32)

            return jnp.where(n > 0, (n + _LANES - 1) >> 4, 0)

        def process_chunk(k):
            lo = vstart + k * CH
            hi = jnp.minimum(lo + CH, vend_al)
            w0 = jnp.minimum(lo, w_lim)
            par = k & 1
            par_v = jnp.full((_LANES,), par, jnp.int32)
            ng = rescan(lo - vstart, hi - vstart)
            shift = w0 - vstart

            def vl_of(ee):
                return (ee >> 14) - shift

            def val_of(vlj, q, dq):
                return plsc.load_gather(
                    buf, [par_v, dq, jnp.full((_LANES,), vlj, jnp.int32)])

            emit_groups(ng, (vl_of, val_of))

        fire_chunk(0)
        wait_chunk()

        def chunk_loop(k, _):
            @pl.when(k + 1 < NCH)
            def _():
                fire_chunk(k + 1)

            process_chunk(k)

            @pl.when(k + 1 < NCH)
            def _():
                wait_chunk()

            return 0

        lax.fori_loop(0, NCH, chunk_loop, 0)

        @pl.when(is_last)
        def _():
            ng = rescan(END_AL - vstart, vocab - vstart)
            tshift = END_AL - vstart

            def vl_of(ee):
                return (ee >> 14) - tshift

            def val_of(vlj, q, dq):
                return plsc.load_gather(
                    tailb, [dq, jnp.full((_LANES,), vlj, jnp.int32)])

            emit_groups(ng, (vl_of, val_of))

    return body


@jax.jit
def kernel(input_, weight):
    num_tokens = input_.shape[0]
    vocab, embed_dim = weight.shape
    idx = input_.astype(jnp.int32)
    end_al = (vocab // 128) * 128
    tail_tab = jnp.zeros((embed_dim, 128), jnp.float32)
    tail_tab = tail_tab.at[:, : vocab - end_al].set(weight[end_al:, :].T)
    fn = _gather_kernel(num_tokens, embed_dim, vocab)
    return fn(idx, weight.T, tail_tab)

# --- scband reference (transcript-rebuilt; emitter-appended) ---
"""Pipeline reference for scband-zip2-zip-vocab-parallel-embedding-74045236183430 (READ-ONLY COPY).

The authoritative reference and input builder live on the scoring server;
editing this copy changes nothing except your own understanding.
"""

import jax, jax.numpy as jnp
import numpy as np

NUM_EMBEDDINGS = 1000000
EMBED_DIM = 64
NUM_TOKENS = 16384


def setup_inputs(seed: int = 0) -> dict:
    key = jax.random.key(seed)
    k_idx, k_w = jax.random.split(key)
    input_ = jax.random.randint(k_idx, (NUM_TOKENS,), 0, NUM_EMBEDDINGS, dtype=jnp.int64 if jax.config.jax_enable_x64 else jnp.int32)
    weight = jax.random.normal(k_w, (NUM_EMBEDDINGS, EMBED_DIM), dtype=jnp.float32) * 0.02
    return {"input_": input_, "weight": weight}


def reference(input_, weight):
    # Zip2ZipVocabParallelEmbedding.forward simply delegates to the wrapped
    # VocabParallelEmbedding, i.e. a row-gather from the embedding table.
    # (forward_batch is unused in the forward path.)
    return jnp.take(weight, input_, axis=0)

if __name__ == "__main__":
    import jax
    _d = setup_inputs()
    print(jax.jit(kernel)(*tuple(_d.values())))

</pallas_src>

<mosaic_0001>
#map = affine_map<(d0, d1) -> (0)>
#map1 = affine_map<(d0, d1) -> (0, 0)>
module attributes {stable_mosaic.version = 14 : i64} {
  func.func @body(%arg0: i32, %arg1: i32, %arg2: memref<16384xi32, #tpu.memory_space<hbm>>, %arg3: memref<64x1000000xf32, #tpu.memory_space<hbm>>, %arg4: memref<64x128xf32, #tpu.memory_space<hbm>>, %arg5: memref<16384x64xf32, #tpu.memory_space<hbm>>, %arg6: memref<16400xi32, #tpu.memory_space<vmem>>, %arg7: memref<16400xi32, #tpu.memory_space<vmem>>, %arg8: memref<64x128xf32, #tpu.memory_space<vmem>>, %arg9: memref<16x64xf32, #tpu.memory_space<vmem>>, %arg10: memref<2x64x512xf32, #tpu.memory_space<vmem>>, %arg11: memref<!tpu.dma_semaphore, #tpu.memory_space<semaphore_mem>>, %arg12: memref<!tpu.dma_semaphore, #tpu.memory_space<semaphore_mem>>) attributes {dimension_semantics = [#tpu.dimension_semantics<core_parallel>, #tpu.dimension_semantics<subcore_parallel>], iteration_bounds = array<i64: 2, 16>, scalar_prefetch = 0 : i64, scratch_operands = 7 : i64, tpu.core_type = #tpu.core_type<sc_vector_subcore>, window_params = [{transform_indices = #map}, {transform_indices = #map1}, {transform_indices = #map1}, {transform_indices = #map1}]} {
    %mul3A = arith.constant 16 : i32
    %mul3A_0 = arith.muli %arg0, %mul3A : i32
    %add3A = arith.addi %mul3A_0, %arg1 : i32
    %lt3A = arith.constant 4 : i32
    %lt3A_1 = arith.cmpi slt, %add3A, %lt3A : i32
    %convert_element_type3A = arith.extui %lt3A_1 : i1 to i32
    %add3A_2 = arith.constant 244 : i32
    %add3A_3 = arith.addi %add3A_2, %convert_element_type3A : i32
    %mul3A_4 = arith.constant 244 : i32
    %mul3A_5 = arith.muli %mul3A_4, %add3A : i32
    %min3A = arith.constant 4 : i32
    %min3A_6 = arith.minsi %add3A, %min3A : i32
    %add3A_7 = arith.addi %mul3A_5, %min3A_6 : i32
    %mul3A_8 = arith.constant 128 : i32
    %mul3A_9 = arith.muli %mul3A_8, %add3A_7 : i32
    %mul3A_10 = arith.constant 128 : i32
    %mul3A_11 = arith.muli %mul3A_10, %add3A_3 : i32
    %add3A_12 = arith.addi %mul3A_9, %mul3A_11 : i32
    %eq3A = arith.constant 31 : i32
    %eq3A_13 = arith.cmpi eq, %add3A, %eq3A : i32
    %jit3A = arith.constant 1000000 : i32
    %select_n3A = arith.select %eq3A_13, %jit3A, %add3A_12 : i32
    %sub3A = arith.constant 512 : i32
    %sub3A_14 = arith.subi %add3A_12, %sub3A : i32
    "tpu.region"() ({
      %run_scoped3A = tpu.sem_alloc : memref<!tpu.dma_semaphore, #tpu.memory_space<semaphore_mem>>
      %dma_start3A_275 = arith.constant 0 : i32
      %dma_start3A_276 = tpu.memref_slice %arg6[%dma_start3A_275] : memref<16400xi32, #tpu.memory_space<vmem>> -> memref<16384xi32, #tpu.memory_space<vmem>>
      %dma_start3A_277 = arith.constant 0 : i32
      %dma_start3A_278 = tpu.memref_slice %arg2[%dma_start3A_277] : memref<16384xi32, #tpu.memory_space<hbm>> -> memref<16384xi32, #tpu.memory_space<hbm>>
      %dma_start3A_279 = arith.constant 0 : i32
      %dma_start3A_280 = tpu.memref_slice %arg6[%dma_start3A_279] : memref<16400xi32, #tpu.memory_space<vmem>> -> memref<16384xi32, #tpu.memory_space<vmem>>
      %dma_start3A_281 = arith.constant 0 : i32
      %dma_start3A_282 = tpu.memref_slice %arg2[%dma_start3A_281] : memref<16384xi32, #tpu.memory_space<hbm>> -> memref<16384xi32, #tpu.memory_space<hbm>>
      tpu.enqueue_dma source(%dma_start3A_282 : memref<16384xi32, #tpu.memory_space<hbm>>) target(%dma_start3A_280 : memref<16384xi32, #tpu.memory_space<vmem>>) target_semaphore(%run_scoped3A : memref<!tpu.dma_semaphore, #tpu.memory_space<semaphore_mem>>)
      %dma_wait3A_283 = arith.constant 0 : i32
      %dma_wait3A_284 = tpu.memref_slice %arg6[%dma_wait3A_283] : memref<16400xi32, #tpu.memory_space<vmem>> -> memref<16384xi32, #tpu.memory_space<vmem>>
      %dma_wait3A_285 = arith.constant 0 : i32
      %dma_wait3A_286 = tpu.memref_slice %arg2[%dma_wait3A_285] : memref<16384xi32, #tpu.memory_space<hbm>> -> memref<16384xi32, #tpu.memory_space<hbm>>
      %dma_wait3A_287 = arith.constant 0 : i32
      %dma_wait3A_288 = tpu.memref_slice %arg6[%dma_wait3A_287] : memref<16400xi32, #tpu.memory_space<vmem>> -> memref<16384xi32, #tpu.memory_space<vmem>>
      %dma_wait3A_289 = arith.constant 0 : i32
      %dma_wait3A_290 = tpu.memref_slice %arg2[%dma_wait3A_289] : memref<16384xi32, #tpu.memory_space<hbm>> -> memref<16384xi32, #tpu.memory_space<hbm>>
      tpu.wait_dma2 semaphore(%run_scoped3A : memref<!tpu.dma_semaphore, #tpu.memory_space<semaphore_mem>>) src(%dma_wait3A_290 : memref<16384xi32, #tpu.memory_space<hbm>>) dst(%dma_wait3A_288 : memref<16384xi32, #tpu.memory_space<vmem>>)
      tpu.yield
    }) : () -> ()
    %iota3A = tpu.iota {dimensions = array<i32: 0>} : vector<16xi32>
    %add3A_15 = arith.constant 0 : i32
    %add3A_16 = vector.broadcast %add3A_15 : i32 to vector<16xi32>
    %add3A_17 = arith.addi %iota3A, %add3A_16 : vector<16xi32>
    %add3A_18 = arith.constant 16 : i32
    %add3A_19 = vector.broadcast %add3A_18 : i32 to vector<16xi32>
    %add3A_20 = arith.addi %iota3A, %add3A_19 : vector<16xi32>
    %add3A_21 = arith.constant 32 : i32
    %add3A_22 = vector.broadcast %add3A_21 : i32 to vector<16xi32>
    %add3A_23 = arith.addi %iota3A, %add3A_22 : vector<16xi32>
    %add3A_24 = arith.constant 48 : i32
    %add3A_25 = vector.broadcast %add3A_24 : i32 to vector<16xi32>
    %add3A_26 = arith.addi %iota3A, %add3A_25 : vector<16xi32>
    %scan3A = arith.constant 0 : i32
    %scan3A_27 = arith.constant 0 : i32
    %scan3A_28 = arith.constant 1024 : i32
    %scan3A_29 = arith.addi %scan3A_27, %scan3A_28 : i32
    %scan3A_30 = arith.constant 1 : i32
    %scan3A_31 = scf.for %scan3A_275 = %scan3A_27 to %scan3A_29 step %scan3A_30 iter_args(%scan3A_276 = %scan3A) -> (i32)  : i32 {
      %mul3A_277 = arith.constant 16 : i32
      %mul3A_278 = arith.muli %scan3A_275, %mul3A_277 : i32
      %get3A = arith.index_cast %mul3A_278 : i32 to index
      %get3A_279 = tpu.vector_load %arg6[%get3A] {strides = array<i32>} : memref<16400xi32, #tpu.memory_space<vmem>>, vector<16xi32>,
      %ge3A = vector.broadcast %mul3A_9 : i32 to vector<16xi32>
      %ge3A_280 = arith.cmpi sge, %get3A_279, %ge3A : vector<16xi32>
      %lt3A_281 = vector.broadcast %select_n3A : i32 to vector<16xi32>
      %lt3A_282 = arith.cmpi slt, %get3A_279, %lt3A_281 : vector<16xi32>
      %and3A = arith.andi %ge3A_280, %lt3A_282 : vector<16xi1>
      %sub3A_283 = vector.broadcast %mul3A_9 : i32 to vector<16xi32>
      %sub3A_284 = arith.subi %get3A_279, %sub3A_283 : vector<16xi32>
      %mul3A_285 = arith.constant 16384 : i32
      %mul3A_286 = vector.broadcast %mul3A_285 : i32 to vector<16xi32>
      %mul3A_287 = arith.muli %sub3A_284, %mul3A_286 : vector<16xi32>
      %mul3A_288 = arith.constant 16 : i32
      %mul3A_289 = arith.muli %scan3A_275, %mul3A_288 : i32
      %add3A_290 = vector.broadcast %mul3A_289 : i32 to vector<16xi32>
      %add3A_291 = arith.addi %add3A_290, %iota3A : vector<16xi32>
      %add3A_292 = arith.addi %mul3A_287, %add3A_291 : vector<16xi32>
      %swap3A = arith.index_cast %scan3A_276 : i32 to index
      %swap3A_293 = tpu.vector_load %arg7[%swap3A] masked %and3A {strides = array<i32>} : memref<16400xi32, #tpu.memory_space<vmem>>, vector<16xi32>, vector<16xi1>
      tpu.vector_store %arg7[%swap3A], %add3A_292 masked %and3A {strides = array<i32>} : memref<16400xi32, #tpu.memory_space<vmem>>, vector<16xi32>, vector<16xi1>
      %all_reduce_population_count3A = tpu.all_reduce %and3A {dim = 0 : i64, kind = #tpu.reduction_kind<sum>} : vector<16xi1> -> vector<16xi32>
      %slice3A = vector.extract_strided_slice %all_reduce_population_count3A {offsets = [0], sizes = [1], strides = [1]} : vector<16xi32> to vector<1xi32>
      %squeeze3A = vector.extract %slice3A[0] : i32 from vector<1xi32>
      %add3A_294 = arith.addi %scan3A_276, %squeeze3A : i32
      scf.yield %add3A_294 : i32
    }
    %scan3A_32 = arith.constant 1024 : i32
    %add3A_33 = arith.constant 16 : i32
    %add3A_34 = arith.addi %scan3A_31, %add3A_33 : i32
    %sub3A_35 = arith.constant 1 : i32
    %sub3A_36 = arith.subi %add3A_34, %sub3A_35 : i32
    %shift_right_arithmetic3A = arith.constant 4 : i32
    %shift_right_arithmetic3A_37 = arith.shrsi %sub3A_36, %shift_right_arithmetic3A : i32
    %convert_element_type3A_38 = arith.extui %eq3A_13 : i1 to i32
    %cond3A = arith.constant 0 : i32
    %cond3A_39 = arith.cmpi ne, %convert_element_type3A_38, %cond3A : i32
    scf.if %cond3A_39 {
      "tpu.region"() ({
        %run_scoped3A = tpu.sem_alloc : memref<!tpu.dma_semaphore, #tpu.memory_space<semaphore_mem>>
        tpu.enqueue_dma source(%arg4 : memref<64x128xf32, #tpu.memory_space<hbm>>) target(%arg8 : memref<64x128xf32, #tpu.memory_space<vmem>>) target_semaphore(%run_scoped3A : memref<!tpu.dma_semaphore, #tpu.memory_space<semaphore_mem>>)
        tpu.wait_dma2 semaphore(%run_scoped3A : memref<!tpu.dma_semaphore, #tpu.memory_space<semaphore_mem>>) src(%arg4 : memref<64x128xf32, #tpu.memory_space<hbm>>) dst(%arg8 : memref<64x128xf32, #tpu.memory_space<vmem>>)
        tpu.yield
      }) : () -> ()
    } else {
    }
    %add3A_40 = arith.constant 0 : i32
    %add3A_41 = arith.addi %mul3A_9, %add3A_40 : i32
    %min3A_42 = arith.minsi %add3A_41, %sub3A_14 : i32
    %dma_start3A = arith.constant 0 : i32
    %dma_start3A_43 = arith.constant 0 : i32
    %dma_start3A_44 = arith.constant 0 : i32
    %dma_start3A_45 = tpu.memref_slice %arg10[%dma_start3A, %dma_start3A_43, %dma_start3A_44] : memref<2x64x512xf32, #tpu.memory_space<vmem>> -> memref<1x8x512xf32, #tpu.memory_space<vmem>>
    %dma_start3A_46 = tpu.memref_squeeze %dma_start3A_45 : memref<1x8x512xf32, #tpu.memory_space<vmem>> -> memref<8x512xf32, #tpu.memory_space<vmem>>
    %dma_start3A_47 = arith.constant 0 : i32
    %dma_start3A_48 = tpu.memref_slice %arg3[%dma_start3A_47, %min3A_42] : memref<64x1000000xf32, #tpu.memory_space<hbm>> -> memref<8x512xf32, #tpu.memory_space<hbm>>
    %dma_start3A_49 = arith.constant 0 : i32
    %dma_start3A_50 = arith.constant 0 : i32
    %dma_start3A_51 = tpu.memref_slice %arg10[%dma_start3A, %dma_start3A_49, %dma_start3A_50] : memref<2x64x512xf32, #tpu.memory_space<vmem>> -> memref<1x8x512xf32, #tpu.memory_space<vmem>>
    %dma_start3A_52 = tpu.memref_squeeze %dma_start3A_51 : memref<1x8x512xf32, #tpu.memory_space<vmem>> -> memref<8x512xf32, #tpu.memory_space<vmem>>
    %dma_start3A_53 = arith.constant 0 : i32
    %dma_start3A_54 = tpu.memref_slice %arg3[%dma_start3A_53, %min3A_42] : memref<64x1000000xf32, #tpu.memory_space<hbm>> -> memref<8x512xf32, #tpu.memory_space<hbm>>
    tpu.enqueue_dma source(%dma_start3A_54 : memref<8x512xf32, #tpu.memory_space<hbm>>) target(%dma_start3A_52 : memref<8x512xf32, #tpu.memory_space<vmem>>) target_semaphore(%arg11 : memref<!tpu.dma_semaphore, #tpu.memory_space<semaphore_mem>>)
    %dma_start3A_55 = arith.constant 0 : i32
    %dma_start3A_56 = arith.constant 8 : i32
    %dma_start3A_57 = arith.constant 0 : i32
    %dma_start3A_58 = tpu.memref_slice %arg10[%dma_start3A_55, %dma_start3A_56, %dma_start3A_57] : memref<2x64x512xf32, #tpu.memory_space<vmem>> -> memref<1x8x512xf32, #tpu.memory_space<vmem>>
    %dma_start3A_59 = tpu.memref_squeeze %dma_start3A_58 : memref<1x8x512xf32, #tpu.memory_space<vmem>> -> memref<8x512xf32, #tpu.memory_space<vmem>>
    %dma_start3A_60 = arith.constant 8 : i32
    %dma_start3A_61 = tpu.memref_slice %arg3[%dma_start3A_60, %min3A_42] : memref<64x1000000xf32, #tpu.memory_space<hbm>> -> memref<8x512xf32, #tpu.memory_space<hbm>>
    %dma_start3A_62 = arith.constant 8 : i32
    %dma_start3A_63 = arith.constant 0 : i32
    %dma_start3A_64 = tpu.memref_slice %arg10[%dma_start3A_55, %dma_start3A_62, %dma_start3A_63] : memref<2x64x512xf32, #tpu.memory_space<vmem>> -> memref<1x8x512xf32, #tpu.memory_space<vmem>>
    %dma_start3A_65 = tpu.memref_squeeze %dma_start3A_64 : memref<1x8x512xf32, #tpu.memory_space<vmem>> -> memref<8x512xf32, #tpu.memory_space<vmem>>
    %dma_start3A_66 = arith.constant 8 : i32
    %dma_start3A_67 = tpu.memref_slice %arg3[%dma_start3A_66, %min3A_42] : memref<64x1000000xf32, #tpu.memory_space<hbm>> -> memref<8x512xf32, #tpu.memory_space<hbm>>
    tpu.enqueue_dma source(%dma_start3A_67 : memref<8x512xf32, #tpu.memory_space<hbm>>) target(%dma_start3A_65 : memref<8x512xf32, #tpu.memory_space<vmem>>) target_semaphore(%arg11 : memref<!tpu.dma_semaphore, #tpu.memory_space<semaphore_mem>>)
    %dma_start3A_68 = arith.constant 0 : i32
    %dma_start3A_69 = arith.constant 16 : i32
    %dma_start3A_70 = arith.constant 0 : i32
    %dma_start3A_71 = tpu.memref_slice %arg10[%dma_start3A_68, %dma_start3A_69, %dma_start3A_70] : memref<2x64x512xf32, #tpu.memory_space<vmem>> -> memref<1x8x512xf32, #tpu.memory_space<vmem>>
    %dma_start3A_72 = tpu.memref_squeeze %dma_start3A_71 : memref<1x8x512xf32, #tpu.memory_space<vmem>> -> memref<8x512xf32, #tpu.memory_space<vmem>>
    %dma_start3A_73 = arith.constant 16 : i32
    %dma_start3A_74 = tpu.memref_slice %arg3[%dma_start3A_73, %min3A_42] : memref<64x1000000xf32, #tpu.memory_space<hbm>> -> memref<8x512xf32, #tpu.memory_space<hbm>>
    %dma_start3A_75 = arith.constant 16 : i32
    %dma_start3A_76 = arith.constant 0 : i32
    %dma_start3A_77 = tpu.memref_slice %arg10[%dma_start3A_68, %dma_start3A_75, %dma_start3A_76] : memref<2x64x512xf32, #tpu.memory_space<vmem>> -> memref<1x8x512xf32, #tpu.memory_space<vmem>>
    %dma_start3A_78 = tpu.memref_squeeze %dma_start3A_77 : memref<1x8x512xf32, #tpu.memory_space<vmem>> -> memref<8x512xf32, #tpu.memory_space<vmem>>
    %dma_start3A_79 = arith.constant 16 : i32
    %dma_start3A_80 = tpu.memref_slice %arg3[%dma_start3A_79, %min3A_42] : memref<64x1000000xf32, #tpu.memory_space<hbm>> -> memref<8x512xf32, #tpu.memory_space<hbm>>
    tpu.enqueue_dma source(%dma_start3A_80 : memref<8x512xf32, #tpu.memory_space<hbm>>) target(%dma_start3A_78 : memref<8x512xf32, #tpu.memory_space<vmem>>) target_semaphore(%arg11 : memref<!tpu.dma_semaphore, #tpu.memory_space<semaphore_mem>>)
    %dma_start3A_81 = arith.constant 0 : i32
    %dma_start3A_82 = arith.constant 24 : i32
    %dma_start3A_83 = arith.constant 0 : i32
    %dma_start3A_84 = tpu.memref_slice %arg10[%dma_start3A_81, %dma_start3A_82, %dma_start3A_83] : memref<2x64x512xf32, #tpu.memory_space<vmem>> -> memref<1x8x512xf32, #tpu.memory_space<vmem>>
    %dma_start3A_85 = tpu.memref_squeeze %dma_start3A_84 : memref<1x8x512xf32, #tpu.memory_space<vmem>> -> memref<8x512xf32, #tpu.memory_space<vmem>>
    %dma_start3A_86 = arith.constant 24 : i32
    %dma_start3A_87 = tpu.memref_slice %arg3[%dma_start3A_86, %min3A_42] : memref<64x1000000xf32, #tpu.memory_space<hbm>> -> memref<8x512xf32, #tpu.memory_space<hbm>>
    %dma_start3A_88 = arith.constant 24 : i32
    %dma_start3A_89 = arith.constant 0 : i32
    %dma_start3A_90 = tpu.memref_slice %arg10[%dma_start3A_81, %dma_start3A_88, %dma_start3A_89] : memref<2x64x512xf32, #tpu.memory_space<vmem>> -> memref<1x8x512xf32, #tpu.memory_space<vmem>>
    %dma_start3A_91 = tpu.memref_squeeze %dma_start3A_90 : memref<1x8x512xf32, #tpu.memory_space<vmem>> -> memref<8x512xf32, #tpu.memory_space<vmem>>
    %dma_start3A_92 = arith.constant 24 : i32
    %dma_start3A_93 = tpu.memref_slice %arg3[%dma_start3A_92, %min3A_42] : memref<64x1000000xf32, #tpu.memory_space<hbm>> -> memref<8x512xf32, #tpu.memory_space<hbm>>
    tpu.enqueue_dma source(%dma_start3A_93 : memref<8x512xf32, #tpu.memory_space<hbm>>) target(%dma_start3A_91 : memref<8x512xf32, #tpu.memory_space<vmem>>) target_semaphore(%arg11 : memref<!tpu.dma_semaphore, #tpu.memory_space<semaphore_mem>>)
    %dma_start3A_94 = arith.constant 0 : i32
    %dma_start3A_95 = arith.constant 32 : i32
    %dma_start3A_96 = arith.constant 0 : i32
    %dma_start3A_97 = tpu.memref_slice %arg10[%dma_start3A_94, %dma_start3A_95, %dma_start3A_96] : memref<2x64x512xf32, #tpu.memory_space<vmem>> -> memref<1x8x512xf32, #tpu.memory_space<vmem>>
    %dma_start3A_98 = tpu.memref_squeeze %dma_start3A_97 : memref<1x8x512xf32, #tpu.memory_space<vmem>> -> memref<8x512xf32, #tpu.memory_space<vmem>>
    %dma_start3A_99 = arith.constant 32 : i32
    %dma_start3A_100 = tpu.memref_slice %arg3[%dma_start3A_99, %min3A_42] : memref<64x1000000xf32, #tpu.memory_space<hbm>> -> memref<8x512xf32, #tpu.memory_space<hbm>>
    %dma_start3A_101 = arith.constant 32 : i32
    %dma_start3A_102 = arith.constant 0 : i32
    %dma_start3A_103 = tpu.memref_slice %arg10[%dma_start3A_94, %dma_start3A_101, %dma_start3A_102] : memref<2x64x512xf32, #tpu.memory_space<vmem>> -> memref<1x8x512xf32, #tpu.memory_space<vmem>>
    %dma_start3A_104 = tpu.memref_squeeze %dma_start3A_103 : memref<1x8x512xf32, #tpu.memory_space<vmem>> -> memref<8x512xf32, #tpu.memory_space<vmem>>
    %dma_start3A_105 = arith.constant 32 : i32
    %dma_start3A_106 = tpu.memref_slice %arg3[%dma_start3A_105, %min3A_42] : memref<64x1000000xf32, #tpu.memory_space<hbm>> -> memref<8x512xf32, #tpu.memory_space<hbm>>
    tpu.enqueue_dma source(%dma_start3A_106 : memref<8x512xf32, #tpu.memory_space<hbm>>) target(%dma_start3A_104 : memref<8x512xf32, #tpu.memory_space<vmem>>) target_semaphore(%arg11 : memref<!tpu.dma_semaphore, #tpu.memory_space<semaphore_mem>>)
    %dma_start3A_107 = arith.constant 0 : i32
    %dma_start3A_108 = arith.constant 40 : i32
    %dma_start3A_109 = arith.constant 0 : i32
    %dma_start3A_110 = tpu.memref_slice %arg10[%dma_start3A_107, %dma_start3A_108, %dma_start3A_109] : memref<2x64x512xf32, #tpu.memory_space<vmem>> -> memref<1x8x512xf32, #tpu.memory_space<vmem>>
    %dma_start3A_111 = tpu.memref_squeeze %dma_start3A_110 : memref<1x8x512xf32, #tpu.memory_space<vmem>> -> memref<8x512xf32, #tpu.memory_space<vmem>>
    %dma_start3A_112 = arith.constant 40 : i32
    %dma_start3A_113 = tpu.memref_slice %arg3[%dma_start3A_112, %min3A_42] : memref<64x1000000xf32, #tpu.memory_space<hbm>> -> memref<8x512xf32, #tpu.memory_space<hbm>>
    %dma_start3A_114 = arith.constant 40 : i32
    %dma_start3A_115 = arith.constant 0 : i32
    %dma_start3A_116 = tpu.memref_slice %arg10[%dma_start3A_107, %dma_start3A_114, %dma_start3A_115] : memref<2x64x512xf32, #tpu.memory_space<vmem>> -> memref<1x8x512xf32, #tpu.memory_space<vmem>>
    %dma_start3A_117 = tpu.memref_squeeze %dma_start3A_116 : memref<1x8x512xf32, #tpu.memory_space<vmem>> -> memref<8x512xf32, #tpu.memory_space<vmem>>
    %dma_start3A_118 = arith.constant 40 : i32
    %dma_start3A_119 = tpu.memref_slice %arg3[%dma_start3A_118, %min3A_42] : memref<64x1000000xf32, #tpu.memory_space<hbm>> -> memref<8x512xf32, #tpu.memory_space<hbm>>
    tpu.enqueue_dma source(%dma_start3A_119 : memref<8x512xf32, #tpu.memory_space<hbm>>) target(%dma_start3A_117 : memref<8x512xf32, #tpu.memory_space<vmem>>) target_semaphore(%arg11 : memref<!tpu.dma_semaphore, #tpu.memory_space<semaphore_mem>>)
    %dma_start3A_120 = arith.constant 0 : i32
    %dma_start3A_121 = arith.constant 48 : i32
    %dma_start3A_122 = arith.constant 0 : i32
    %dma_start3A_123 = tpu.memref_slice %arg10[%dma_start3A_120, %dma_start3A_121, %dma_start3A_122] : memref<2x64x512xf32, #tpu.memory_space<vmem>> -> memref<1x8x512xf32, #tpu.memory_space<vmem>>
    %dma_start3A_124 = tpu.memref_squeeze %dma_start3A_123 : memref<1x8x512xf32, #tpu.memory_space<vmem>> -> memref<8x512xf32, #tpu.memory_space<vmem>>
    %dma_start3A_125 = arith.constant 48 : i32
    %dma_start3A_126 = tpu.memref_slice %arg3[%dma_start3A_125, %min3A_42] : memref<64x1000000xf32, #tpu.memory_space<hbm>> -> memref<8x512xf32, #tpu.memory_space<hbm>>
    %dma_start3A_127 = arith.constant 48 : i32
    %dma_start3A_128 = arith.constant 0 : i32
    %dma_start3A_129 = tpu.memref_slice %arg10[%dma_start3A_120, %dma_start3A_127, %dma_start3A_128] : memref<2x64x512xf32, #tpu.memory_space<vmem>> -> memref<1x8x512xf32, #tpu.memory_space<vmem>>
    %dma_start3A_130 = tpu.memref_squeeze %dma_start3A_129 : memref<1x8x512xf32, #tpu.memory_space<vmem>> -> memref<8x512xf32, #tpu.memory_space<vmem>>
    %dma_start3A_131 = arith.constant 48 : i32
    %dma_start3A_132 = tpu.memref_slice %arg3[%dma_start3A_131, %min3A_42] : memref<64x1000000xf32, #tpu.memory_space<hbm>> -> memref<8x512xf32, #tpu.memory_space<hbm>>
    tpu.enqueue_dma source(%dma_start3A_132 : memref<8x512xf32, #tpu.memory_space<hbm>>) target(%dma_start3A_130 : memref<8x512xf32, #tpu.memory_space<vmem>>) target_semaphore(%arg11 : memref<!tpu.dma_semaphore, #tpu.memory_space<semaphore_mem>>)
    %dma_start3A_133 = arith.constant 0 : i32
    %dma_start3A_134 = arith.constant 56 : i32
    %dma_start3A_135 = arith.constant 0 : i32
    %dma_start3A_136 = tpu.memref_slice %arg10[%dma_start3A_133, %dma_start3A_134, %dma_start3A_135] : memref<2x64x512xf32, #tpu.memory_space<vmem>> -> memref<1x8x512xf32, #tpu.memory_space<vmem>>
    %dma_start3A_137 = tpu.memref_squeeze %dma_start3A_136 : memref<1x8x512xf32, #tpu.memory_space<vmem>> -> memref<8x512xf32, #tpu.memory_space<vmem>>
    %dma_start3A_138 = arith.constant 56 : i32
    %dma_start3A_139 = tpu.memref_slice %arg3[%dma_start3A_138, %min3A_42] : memref<64x1000000xf32, #tpu.memory_space<hbm>> -> memref<8x512xf32, #tpu.memory_space<hbm>>
    %dma_start3A_140 = arith.constant 56 : i32
    %dma_start3A_141 = arith.constant 0 : i32
    %dma_start3A_142 = tpu.memref_slice %arg10[%dma_start3A_133, %dma_start3A_140, %dma_start3A_141] : memref<2x64x512xf32, #tpu.memory_space<vmem>> -> memref<1x8x512xf32, #tpu.memory_space<vmem>>
    %dma_start3A_143 = tpu.memref_squeeze %dma_start3A_142 : memref<1x8x512xf32, #tpu.memory_space<vmem>> -> memref<8x512xf32, #tpu.memory_space<vmem>>
    %dma_start3A_144 = arith.constant 56 : i32
    %dma_start3A_145 = tpu.memref_slice %arg3[%dma_start3A_144, %min3A_42] : memref<64x1000000xf32, #tpu.memory_space<hbm>> -> memref<8x512xf32, #tpu.memory_space<hbm>>
    tpu.enqueue_dma source(%dma_start3A_145 : memref<8x512xf32, #tpu.memory_space<hbm>>) target(%dma_start3A_143 : memref<8x512xf32, #tpu.memory_space<vmem>>) target_semaphore(%arg11 : memref<!tpu.dma_semaphore, #tpu.memory_space<semaphore_mem>>)
    %dma_wait3A = arith.constant 0 : i32
    %dma_wait3A_146 = arith.constant 0 : i32
    %dma_wait3A_147 = arith.constant 0 : i32
    %dma_wait3A_148 = tpu.memref_slice %arg10[%dma_wait3A, %dma_wait3A_146, %dma_wait3A_147] : memref<2x64x512xf32, #tpu.memory_space<vmem>> -> memref<1x8x512xf32, #tpu.memory_space<vmem>>
    %dma_wait3A_149 = tpu.memref_squeeze %dma_wait3A_148 : memref<1x8x512xf32, #tpu.memory_space<vmem>> -> memref<8x512xf32, #tpu.memory_space<vmem>>
    %dma_wait3A_150 = arith.constant 0 : i32
    %dma_wait3A_151 = arith.constant 0 : i32
    %dma_wait3A_152 = tpu.memref_slice %arg3[%dma_wait3A_150, %dma_wait3A_151] : memref<64x1000000xf32, #tpu.memory_space<hbm>> -> memref<8x512xf32, #tpu.memory_space<hbm>>
    %dma_wait3A_153 = arith.constant 0 : i32
    %dma_wait3A_154 = arith.constant 0 : i32
    %dma_wait3A_155 = tpu.memref_slice %arg10[%dma_wait3A, %dma_wait3A_153, %dma_wait3A_154] : memref<2x64x512xf32, #tpu.memory_space<vmem>> -> memref<1x8x512xf32, #tpu.memory_space<vmem>>
    %dma_wait3A_156 = tpu.memref_squeeze %dma_wait3A_155 : memref<1x8x512xf32, #tpu.memory_space<vmem>> -> memref<8x512xf32, #tpu.memory_space<vmem>>
    %dma_wait3A_157 = arith.constant 0 : i32
    %dma_wait3A_158 = arith.constant 0 : i32
    %dma_wait3A_159 = tpu.memref_slice %arg3[%dma_wait3A_157, %dma_wait3A_158] : memref<64x1000000xf32, #tpu.memory_space<hbm>> -> memref<8x512xf32, #tpu.memory_space<hbm>>
    tpu.wait_dma2 semaphore(%arg11 : memref<!tpu.dma_semaphore, #tpu.memory_space<semaphore_mem>>) src(%dma_wait3A_159 : memref<8x512xf32, #tpu.memory_space<hbm>>) dst(%dma_wait3A_156 : memref<8x512xf32, #tpu.memory_space<vmem>>)
    %dma_wait3A_160 = arith.constant 0 : i32
    %dma_wait3A_161 = arith.constant 0 : i32
    %dma_wait3A_162 = arith.constant 0 : i32
    %dma_wait3A_163 = tpu.memref_slice %arg10[%dma_wait3A_160, %dma_wait3A_161, %dma_wait3A_162] : memref<2x64x512xf32, #tpu.memory_space<vmem>> -> memref<1x8x512xf32, #tpu.memory_space<vmem>>
    %dma_wait3A_164 = tpu.memref_squeeze %dma_wait3A_163 : memref<1x8x512xf32, #tpu.memory_space<vmem>> -> memref<8x512xf32, #tpu.memory_space<vmem>>
    %dma_wait3A_165 = arith.constant 0 : i32
    %dma_wait3A_166 = arith.constant 0 : i32
    %dma_wait3A_167 = tpu.memref_slice %arg3[%dma_wait3A_165, %dma_wait3A_166] : memref<64x1000000xf32, #tpu.memory_space<hbm>> -> memref<8x512xf32, #tpu.memory_space<hbm>>
    %dma_wait3A_168 = arith.constant 0 : i32
    %dma_wait3A_169 = arith.constant 0 : i32
    %dma_wait3A_170 = tpu.memref_slice %arg10[%dma_wait3A_160, %dma_wait3A_168, %dma_wait3A_169] : memref<2x64x512xf32, #tpu.memory_space<vmem>> -> memref<1x8x512xf32, #tpu.memory_space<vmem>>
    %dma_wait3A_171 = tpu.memref_squeeze %dma_wait3A_170 : memref<1x8x512xf32, #tpu.memory_space<vmem>> -> memref<8x512xf32, #tpu.memory_space<vmem>>
    %dma_wait3A_172 = arith.constant 0 : i32
    %dma_wait3A_173 = arith.constant 0 : i32
    %dma_wait3A_174 = tpu.memref_slice %arg3[%dma_wait3A_172, %dma_wait3A_173] : memref<64x1000000xf32, #tpu.memory_space<hbm>> -> memref<8x512xf32, #tpu.memory_space<hbm>>
    tpu.wait_dma2 semaphore(%arg11 : memref<!tpu.dma_semaphore, #tpu.memory_space<semaphore_mem>>) src(%dma_wait3A_174 : memref<8x512xf32, #tpu.memory_space<hbm>>) dst(%dma_wait3A_171 : memref<8x512xf32, #tpu.memory_space<vmem>>)
    %dma_wait3A_175 = arith.constant 0 : i32
    %dma_wait3A_176 = arith.constant 0 : i32
    %dma_wait3A_177 = arith.constant 0 : i32
    %dma_wait3A_178 = tpu.memref_slice %arg10[%dma_wait3A_175, %dma_wait3A_176, %dma_wait3A_177] : memref<2x64x512xf32, #tpu.memory_space<vmem>> -> memref<1x8x512xf32, #tpu.memory_space<vmem>>
    %dma_wait3A_179 = tpu.memref_squeeze %dma_wait3A_178 : memref<1x8x512xf32, #tpu.memory_space<vmem>> -> memref<8x512xf32, #tpu.memory_space<vmem>>
    %dma_wait3A_180 = arith.constant 0 : i32
    %dma_wait3A_181 = arith.constant 0 : i32
    %dma_wait3A_182 = tpu.memref_slice %arg3[%dma_wait3A_180, %dma_wait3A_181] : memref<64x1000000xf32, #tpu.memory_space<hbm>> -> memref<8x512xf32, #tpu.memory_space<hbm>>
    %dma_wait3A_183 = arith.constant 0 : i32
    %dma_wait3A_184 = arith.constant 0 : i32
    %dma_wait3A_185 = tpu.memref_slice %arg10[%dma_wait3A_175, %dma_wait3A_183, %dma_wait3A_184] : memref<2x64x512xf32, #tpu.memory_space<vmem>> -> memref<1x8x512xf32, #tpu.memory_space<vmem>>
    %dma_wait3A_186 = tpu.memref_squeeze %dma_wait3A_185 : memref<1x8x512xf32, #tpu.memory_space<vmem>> -> memref<8x512xf32, #tpu.memory_space<vmem>>
    %dma_wait3A_187 = arith.constant 0 : i32
    %dma_wait3A_188 = arith.constant 0 : i32
    %dma_wait3A_189 = tpu.memref_slice %arg3[%dma_wait3A_187, %dma_wait3A_188] : memref<64x1000000xf32, #tpu.memory_space<hbm>> -> memref<8x512xf32, #tpu.memory_space<hbm>>
    tpu.wait_dma2 semaphore(%arg11 : memref<!tpu.dma_semaphore, #tpu.memory_space<semaphore_mem>>) src(%dma_wait3A_189 : memref<8x512xf32, #tpu.memory_space<hbm>>) dst(%dma_wait3A_186 : memref<8x512xf32, #tpu.memory_space<vmem>>)
    %dma_wait3A_190 = arith.constant 0 : i32
    %dma_wait3A_191 = arith.constant 0 : i32
    %dma_wait3A_192 = arith.constant 0 : i32
    %dma_wait3A_193 = tpu.memref_slice %arg10[%dma_wait3A_190, %dma_wait3A_191, %dma_wait3A_192] : memref<2x64x512xf32, #tpu.memory_space<vmem>> -> memref<1x8x512xf32, #tpu.memory_space<vmem>>
    %dma_wait3A_194 = tpu.memref_squeeze %dma_wait3A_193 : memref<1x8x512xf32, #tpu.memory_space<vmem>> -> memref<8x512xf32, #tpu.memory_space<vmem>>
    %dma_wait3A_195 = arith.constant 0 : i32
    %dma_wait3A_196 = arith.constant 0 : i32
    %dma_wait3A_197 = tpu.memref_slice %arg3[%dma_wait3A_195, %dma_wait3A_196] : memref<64x1000000xf32, #tpu.memory_space<hbm>> -> memref<8x512xf32, #tpu.memory_space<hbm>>
    %dma_wait3A_198 = arith.constant 0 : i32
    %dma_wait3A_199 = arith.constant 0 : i32
    %dma_wait3A_200 = tpu.memref_slice %arg10[%dma_wait3A_190, %dma_wait3A_198, %dma_wait3A_199] : memref<2x64x512xf32, #tpu.memory_space<vmem>> -> memref<1x8x512xf32, #tpu.memory_space<vmem>>
    %dma_wait3A_201 = tpu.memref_squeeze %dma_wait3A_200 : memref<1x8x512xf32, #tpu.memory_space<vmem>> -> memref<8x512xf32, #tpu.memory_space<vmem>>
    %dma_wait3A_202 = arith.constant 0 : i32
    %dma_wait3A_203 = arith.constant 0 : i32
    %dma_wait3A_204 = tpu.memref_slice %arg3[%dma_wait3A_202, %dma_wait3A_203] : memref<64x1000000xf32, #tpu.memory_space<hbm>> -> memref<8x512xf32, #tpu.memory_space<hbm>>
    tpu.wait_dma2 semaphore(%arg11 : memref<!tpu.dma_semaphore, #tpu.memory_space<semaphore_mem>>) src(%dma_wait3A_204 : memref<8x512xf32, #tpu.memory_space<hbm>>) dst(%dma_wait3A_201 : memref<8x512xf32, #tpu.memory_space<vmem>>)
    %dma_wait3A_205 = arith.constant 0 : i32
    %dma_wait3A_206 = arith.constant 0 : i32
    %dma_wait3A_207 = arith.constant 0 : i32
    %dma_wait3A_208 = tpu.memref_slice %arg10[%dma_wait3A_205, %dma_wait3A_206, %dma_wait3A_207] : memref<2x64x512xf32, #tpu.memory_space<vmem>> -> memref<1x8x512xf32, #tpu.memory_space<vmem>>
    %dma_wait3A_209 = tpu.memref_squeeze %dma_wait3A_208 : memref<1x8x512xf32, #tpu.memory_space<vmem>> -> memref<8x512xf32, #tpu.memory_space<vmem>>
    %dma_wait3A_210 = arith.constant 0 : i32
    %dma_wait3A_211 = arith.constant 0 : i32
    %dma_wait3A_212 = tpu.memref_slice %arg3[%dma_wait3A_210, %dma_wait3A_211] : memref<64x1000000xf32, #tpu.memory_space<hbm>> -> memref<8x512xf32, #tpu.memory_space<hbm>>
    %dma_wait3A_213 = arith.constant 0 : i32
    %dma_wait3A_214 = arith.constant 0 : i32
    %dma_wait3A_215 = tpu.memref_slice %arg10[%dma_wait3A_205, %dma_wait3A_213, %dma_wait3A_214] : memref<2x64x512xf32, #tpu.memory_space<vmem>> -> memref<1x8x512xf32, #tpu.memory_space<vmem>>
    %dma_wait3A_216 = tpu.memref_squeeze %dma_wait3A_215 : memref<1x8x512xf32, #tpu.memory_space<vmem>> -> memref<8x512xf32, #tpu.memory_space<vmem>>
    %dma_wait3A_217 = arith.constant 0 : i32
    %dma_wait3A_218 = arith.constant 0 : i32
    %dma_wait3A_219 = tpu.memref_slice %arg3[%dma_wait3A_217, %dma_wait3A_218] : memref<64x1000000xf32, #tpu.memory_space<hbm>> -> memref<8x512xf32, #tpu.memory_space<hbm>>
    tpu.wait_dma2 semaphore(%arg11 : memref<!tpu.dma_semaphore, #tpu.memory_space<semaphore_mem>>) src(%dma_wait3A_219 : memref<8x512xf32, #tpu.memory_space<hbm>>) dst(%dma_wait3A_216 : memref<8x512xf32, #tpu.memory_space<vmem>>)
    %dma_wait3A_220 = arith.constant 0 : i32
    %dma_wait3A_221 = arith.constant 0 : i32
    %dma_wait3A_222 = arith.constant 0 : i32
    %dma_wait3A_223 = tpu.memref_slice %arg10[%dma_wait3A_220, %dma_wait3A_221, %dma_wait3A_222] : memref<2x64x512xf32, #tpu.memory_space<vmem>> -> memref<1x8x512xf32, #tpu.memory_space<vmem>>
    %dma_wait3A_224 = tpu.memref_squeeze %dma_wait3A_223 : memref<1x8x512xf32, #tpu.memory_space<vmem>> -> memref<8x512xf32, #tpu.memory_space<vmem>>
    %dma_wait3A_225 = arith.constant 0 : i32
    %dma_wait3A_226 = arith.constant 0 : i32
    %dma_wait3A_227 = tpu.memref_slice %arg3[%dma_wait3A_225, %dma_wait3A_226] : memref<64x1000000xf32, #tpu.memory_space<hbm>> -> memref<8x512xf32, #tpu.memory_space<hbm>>
    %dma_wait3A_228 = arith.constant 0 : i32
    %dma_wait3A_229 = arith.constant 0 : i32
    %dma_wait3A_230 = tpu.memref_slice %arg10[%dma_wait3A_220, %dma_wait3A_228, %dma_wait3A_229] : memref<2x64x512xf32, #tpu.memory_space<vmem>> -> memref<1x8x512xf32, #tpu.memory_space<vmem>>
    %dma_wait3A_231 = tpu.memref_squeeze %dma_wait3A_230 : memref<1x8x512xf32, #tpu.memory_space<vmem>> -> memref<8x512xf32, #tpu.memory_space<vmem>>
    %dma_wait3A_232 = arith.constant 0 : i32
    %dma_wait3A_233 = arith.constant 0 : i32
    %dma_wait3A_234 = tpu.memref_slice %arg3[%dma_wait3A_232, %dma_wait3A_233] : memref<64x1000000xf32, #tpu.memory_space<hbm>> -> memref<8x512xf32, #tpu.memory_space<hbm>>
    tpu.wait_dma2 semaphore(%arg11 : memref<!tpu.dma_semaphore, #tpu.memory_space<semaphore_mem>>) src(%dma_wait3A_234 : memref<8x512xf32, #tpu.memory_space<hbm>>) dst(%dma_wait3A_231 : memref<8x512xf32, #tpu.memory_space<vmem>>)
    %dma_wait3A_235 = arith.constant 0 : i32
    %dma_wait3A_236 = arith.constant 0 : i32
    %dma_wait3A_237 = arith.constant 0 : i32
    %dma_wait3A_238 = tpu.memref_slice %arg10[%dma_wait3A_235, %dma_wait3A_236, %dma_wait3A_237] : memref<2x64x512xf32, #tpu.memory_space<vmem>> -> memref<1x8x512xf32, #tpu.memory_space<vmem>>
    %dma_wait3A_239 = tpu.memref_squeeze %dma_wait3A_238 : memref<1x8x512xf32, #tpu.memory_space<vmem>> -> memref<8x512xf32, #tpu.memory_space<vmem>>
    %dma_wait3A_240 = arith.constant 0 : i32
    %dma_wait3A_241 = arith.constant 0 : i32
    %dma_wait3A_242 = tpu.memref_slice %arg3[%dma_wait3A_240, %dma_wait3A_241] : memref<64x1000000xf32, #tpu.memory_space<hbm>> -> memref<8x512xf32, #tpu.memory_space<hbm>>
    %dma_wait3A_243 = arith.constant 0 : i32
    %dma_wait3A_244 = arith.constant 0 : i32
    %dma_wait3A_245 = tpu.memref_slice %arg10[%dma_wait3A_235, %dma_wait3A_243, %dma_wait3A_244] : memref<2x64x512xf32, #tpu.memory_space<vmem>> -> memref<1x8x512xf32, #tpu.memory_space<vmem>>
    %dma_wait3A_246 = tpu.memref_squeeze %dma_wait3A_245 : memref<1x8x512xf32, #tpu.memory_space<vmem>> -> memref<8x512xf32, #tpu.memory_space<vmem>>
    %dma_wait3A_247 = arith.constant 0 : i32
    %dma_wait3A_248 = arith.constant 0 : i32
    %dma_wait3A_249 = tpu.memref_slice %arg3[%dma_wait3A_247, %dma_wait3A_248] : memref<64x1000000xf32, #tpu.memory_space<hbm>> -> memref<8x512xf32, #tpu.memory_space<hbm>>
    tpu.wait_dma2 semaphore(%arg11 : memref<!tpu.dma_semaphore, #tpu.memory_space<semaphore_mem>>) src(%dma_wait3A_249 : memref<8x512xf32, #tpu.memory_space<hbm>>) dst(%dma_wait3A_246 : memref<8x512xf32, #tpu.memory_space<vmem>>)
    %dma_wait3A_250 = arith.constant 0 : i32
    %dma_wait3A_251 = arith.constant 0 : i32
    %dma_wait3A_252 = arith.constant 0 : i32
    %dma_wait3A_253 = tpu.memref_slice %arg10[%dma_wait3A_250, %dma_wait3A_251, %dma_wait3A_252] : memref<2x64x512xf32, #tpu.memory_space<vmem>> -> memref<1x8x512xf32, #tpu.memory_space<vmem>>
    %dma_wait3A_254 = tpu.memref_squeeze %dma_wait3A_253 : memref<1x8x512xf32, #tpu.memory_space<vmem>> -> memref<8x512xf32, #tpu.memory_space<vmem>>
    %dma_wait3A_255 = arith.constant 0 : i32
    %dma_wait3A_256 = arith.constant 0 : i32
    %dma_wait3A_257 = tpu.memref_slice %arg3[%dma_wait3A_255, %dma_wait3A_256] : memref<64x1000000xf32, #tpu.memory_space<hbm>> -> memref<8x512xf32, #tpu.memory_space<hbm>>
    %dma_wait3A_258 = arith.constant 0 : i32
    %dma_wait3A_259 = arith.constant 0 : i32
    %dma_wait3A_260 = tpu.memref_slice %arg10[%dma_wait3A_250, %dma_wait3A_258, %dma_wait3A_259] : memref<2x64x512xf32, #tpu.memory_space<vmem>> -> memref<1x8x512xf32, #tpu.memory_space<vmem>>
    %dma_wait3A_261 = tpu.memref_squeeze %dma_wait3A_260 : memref<1x8x512xf32, #tpu.memory_space<vmem>> -> memref<8x512xf32, #tpu.memory_space<vmem>>
    %dma_wait3A_262 = arith.constant 0 : i32
    %dma_wait3A_263 = arith.constant 0 : i32
    %dma_wait3A_264 = tpu.memref_slice %arg3[%dma_wait3A_262, %dma_wait3A_263] : memref<64x1000000xf32, #tpu.memory_space<hbm>> -> memref<8x512xf32, #tpu.memory_space<hbm>>
    tpu.wait_dma2 semaphore(%arg11 : memref<!tpu.dma_semaphore, #tpu.memory_space<semaphore_mem>>) src(%dma_wait3A_264 : memref<8x512xf32, #tpu.memory_space<hbm>>) dst(%dma_wait3A_261 : memref<8x512xf32, #tpu.memory_space<vmem>>)
    %scan3A_265 = arith.constant 0 : i32
    %scan3A_266 = arith.constant 0 : i32
    %scan3A_267 = arith.constant 62 : i32
    %scan3A_268 = arith.addi %scan3A_266, %scan3A_267 : i32
    %scan3A_269 = arith.constant 1 : i32
    %scan3A_270 = scf.for %scan3A_275 = %scan3A_266 to %scan3A_268 step %scan3A_269 iter_args(%scan3A_276 = %scan3A_265) -> (i32)  : i32 {
      %add3A_277 = arith.constant 1 : i32
      %add3A_278 = arith.addi %scan3A_275, %add3A_277 : i32
      %lt3A_279 = arith.constant 62 : i32
      %lt3A_280 = arith.cmpi slt, %add3A_278, %lt3A_279 : i32
      %convert_element_type3A_281 = arith.extui %lt3A_280 : i1 to i32
      %cond3A_282 = arith.constant 0 : i32
      %cond3A_283 = arith.cmpi ne, %convert_element_type3A_281, %cond3A_282 : i32
      scf.if %cond3A_283 {
        %add3A_340 = arith.constant 1 : i32
        %add3A_341 = arith.addi %scan3A_275, %add3A_340 : i32
        %mul3A_342 = arith.constant 512 : i32
        %mul3A_343 = arith.muli %add3A_341, %mul3A_342 : i32
        %add3A_344 = arith.addi %mul3A_9, %mul3A_343 : i32
        %min3A_345 = arith.minsi %add3A_344, %sub3A_14 : i32
        %and3A_346 = arith.constant 1 : i32
        %and3A_347 = arith.andi %add3A_341, %and3A_346 : i32
        %dma_start3A_348 = arith.constant 0 : i32
        %dma_start3A_349 = arith.constant 0 : i32
        %dma_start3A_350 = tpu.memref_slice %arg10[%and3A_347, %dma_start3A_348, %dma_start3A_349] : memref<2x64x512xf32, #tpu.memory_space<vmem>> -> memref<1x8x512xf32, #tpu.memory_space<vmem>>
        %dma_start3A_351 = tpu.memref_squeeze %dma_start3A_350 : memref<1x8x512xf32, #tpu.memory_space<vmem>> -> memref<8x512xf32, #tpu.memory_space<vmem>>
        %dma_start3A_352 = arith.constant 0 : i32
        %dma_start3A_353 = tpu.memref_slice %arg3[%dma_start3A_352, %min3A_345] : memref<64x1000000xf32, #tpu.memory_space<hbm>> -> memref<8x512xf32, #tpu.memory_space<hbm>>
        %dma_start3A_354 = arith.constant 0 : i32
        %dma_start3A_355 = arith.constant 0 : i32
        %dma_start3A_356 = tpu.memref_slice %arg10[%and3A_347, %dma_start3A_354, %dma_start3A_355] : memref<2x64x512xf32, #tpu.memory_space<vmem>> -> memref<1x8x512xf32, #tpu.memory_space<vmem>>
        %dma_start3A_357 = tpu.memref_squeeze %dma_start3A_356 : memref<1x8x512xf32, #tpu.memory_space<vmem>> -> memref<8x512xf32, #tpu.memory_space<vmem>>
        %dma_start3A_358 = arith.constant 0 : i32
        %dma_start3A_359 = tpu.memref_slice %arg3[%dma_start3A_358, %min3A_345] : memref<64x1000000xf32, #tpu.memory_space<hbm>> -> memref<8x512xf32, #tpu.memory_space<hbm>>
        tpu.enqueue_dma source(%dma_start3A_359 : memref<8x512xf32, #tpu.memory_space<hbm>>) target(%dma_start3A_357 : memref<8x512xf32, #tpu.memory_space<vmem>>) target_semaphore(%arg11 : memref<!tpu.dma_semaphore, #tpu.memory_space<semaphore_mem>>)
        %dma_start3A_360 = arith.constant 8 : i32
        %dma_start3A_361 = arith.constant 0 : i32
        %dma_start3A_362 = tpu.memref_slice %arg10[%and3A_347, %dma_start3A_360, %dma_start3A_361] : memref<2x64x512xf32, #tpu.memory_space<vmem>> -> memref<1x8x512xf32, #tpu.memory_space<vmem>>
        %dma_start3A_363 = tpu.memref_squeeze %dma_start3A_362 : memref<1x8x512xf32, #tpu.memory_space<vmem>> -> memref<8x512xf32, #tpu.memory_space<vmem>>
        %dma_start3A_364 = arith.constant 8 : i32
        %dma_start3A_365 = tpu.memref_slice %arg3[%dma_start3A_364, %min3A_345] : memref<64x1000000xf32, #tpu.memory_space<hbm>> -> memref<8x512xf32, #tpu.memory_space<hbm>>
        %dma_start3A_366 = arith.constant 8 : i32
        %dma_start3A_367 = arith.constant 0 : i32
        %dma_start3A_368 = tpu.memref_slice %arg10[%and3A_347, %dma_start3A_366, %dma_start3A_367] : memref<2x64x512xf32, #tpu.memory_space<vmem>> -> memref<1x8x512xf32, #tpu.memory_space<vmem>>
        %dma_start3A_369 = tpu.memref_squeeze %dma_start3A_368 : memref<1x8x512xf32, #tpu.memory_space<vmem>> -> memref<8x512xf32, #tpu.memory_space<vmem>>
        %dma_start3A_370 = arith.constant 8 : i32
        %dma_start3A_371 = tpu.memref_slice %arg3[%dma_start3A_370, %min3A_345] : memref<64x1000000xf32, #tpu.memory_space<hbm>> -> memref<8x512xf32, #tpu.memory_space<hbm>>
        tpu.enqueue_dma source(%dma_start3A_371 : memref<8x512xf32, #tpu.memory_space<hbm>>) target(%dma_start3A_369 : memref<8x512xf32, #tpu.memory_space<vmem>>) target_semaphore(%arg11 : memref<!tpu.dma_semaphore, #tpu.memory_space<semaphore_mem>>)
        %dma_start3A_372 = arith.constant 16 : i32
        %dma_start3A_373 = arith.constant 0 : i32
        %dma_start3A_374 = tpu.memref_slice %arg10[%and3A_347, %dma_start3A_372, %dma_start3A_373] : memref<2x64x512xf32, #tpu.memory_space<vmem>> -> memref<1x8x512xf32, #tpu.memory_space<vmem>>
        %dma_start3A_375 = tpu.memref_squeeze %dma_start3A_374 : memref<1x8x512xf32, #tpu.memory_space<vmem>> -> memref<8x512xf32, #tpu.memory_space<vmem>>
        %dma_start3A_376 = arith.constant 16 : i32
        %dma_start3A_377 = tpu.memref_slice %arg3[%dma_start3A_376, %min3A_345] : memref<64x1000000xf32, #tpu.memory_space<hbm>> -> memref<8x512xf32, #tpu.memory_space<hbm>>
        %dma_start3A_378 = arith.constant 16 : i32
        %dma_start3A_379 = arith.constant 0 : i32
        %dma_start3A_380 = tpu.memref_slice %arg10[%and3A_347, %dma_start3A_378, %dma_start3A_379] : memref<2x64x512xf32, #tpu.memory_space<vmem>> -> memref<1x8x512xf32, #tpu.memory_space<vmem>>
        %dma_start3A_381 = tpu.memref_squeeze %dma_start3A_380 : memref<1x8x512xf32, #tpu.memory_space<vmem>> -> memref<8x512xf32, #tpu.memory_space<vmem>>
        %dma_start3A_382 = arith.constant 16 : i32
        %dma_start3A_383 = tpu.memref_slice %arg3[%dma_start3A_382, %min3A_345] : memref<64x1000000xf32, #tpu.memory_space<hbm>> -> memref<8x512xf32, #tpu.memory_space<hbm>>
        tpu.enqueue_dma source(%dma_start3A_383 : memref<8x512xf32, #tpu.memory_space<hbm>>) target(%dma_start3A_381 : memref<8x512xf32, #tpu.memory_space<vmem>>) target_semaphore(%arg11 : memref<!tpu.dma_semaphore, #tpu.memory_space<semaphore_mem>>)
        %dma_start3A_384 = arith.constant 24 : i32
        %dma_start3A_385 = arith.constant 0 : i32
        %dma_start3A_386 = tpu.memref_slice %arg10[%and3A_347, %dma_start3A_384, %dma_start3A_385] : memref<2x64x512xf32, #tpu.memory_space<vmem>> -> memref<1x8x512xf32, #tpu.memory_space<vmem>>
        %dma_start3A_387 = tpu.memref_squeeze %dma_start3A_386 : memref<1x8x512xf32, #tpu.memory_space<vmem>> -> memref<8x512xf32, #tpu.memory_space<vmem>>
        %dma_start3A_388 = arith.constant 24 : i32
        %dma_start3A_389 = tpu.memref_slice %arg3[%dma_start3A_388, %min3A_345] : memref<64x1000000xf32, #tpu.memory_space<hbm>> -> memref<8x512xf32, #tpu.memory_space<hbm>>
        %dma_start3A_390 = arith.constant 24 : i32
        %dma_start3A_391 = arith.constant 0 : i32
        %dma_start3A_392 = tpu.memref_slice %arg10[%and3A_347, %dma_start3A_390, %dma_start3A_391] : memref<2x64x512xf32, #tpu.memory_space<vmem>> -> memref<1x8x512xf32, #tpu.memory_space<vmem>>
        %dma_start3A_393 = tpu.memref_squeeze %dma_start3A_392 : memref<1x8x512xf32, #tpu.memory_space<vmem>> -> memref<8x512xf32, #tpu.memory_space<vmem>>
        %dma_start3A_394 = arith.constant 24 : i32
        %dma_start3A_395 = tpu.memref_slice %arg3[%dma_start3A_394, %min3A_345] : memref<64x1000000xf32, #tpu.memory_space<hbm>> -> memref<8x512xf32, #tpu.memory_space<hbm>>
        tpu.enqueue_dma source(%dma_start3A_395 : memref<8x512xf32, #tpu.memory_space<hbm>>) target(%dma_start3A_393 : memref<8x512xf32, #tpu.memory_space<vmem>>) target_semaphore(%arg11 : memref<!tpu.dma_semaphore, #tpu.memory_space<semaphore_mem>>)
        %dma_start3A_396 = arith.constant 32 : i32
        %dma_start3A_397 = arith.constant 0 : i32
        %dma_start3A_398 = tpu.memref_slice %arg10[%and3A_347, %dma_start3A_396, %dma_start3A_397] : memref<2x64x512xf32, #tpu.memory_space<vmem>> -> memref<1x8x512xf32, #tpu.memory_space<vmem>>
        %dma_start3A_399 = tpu.memref_squeeze %dma_start3A_398 : memref<1x8x512xf32, #tpu.memory_space<vmem>> -> memref<8x512xf32, #tpu.memory_space<vmem>>
        %dma_start3A_400 = arith.constant 32 : i32
        %dma_start3A_401 = tpu.memref_slice %arg3[%dma_start3A_400, %min3A_345] : memref<64x1000000xf32, #tpu.memory_space<hbm>> -> memref<8x512xf32, #tpu.memory_space<hbm>>
        %dma_start3A_402 = arith.constant 32 : i32
        %dma_start3A_403 = arith.constant 0 : i32
        %dma_start3A_404 = tpu.memref_slice %arg10[%and3A_347, %dma_start3A_402, %dma_start3A_403] : memref<2x64x512xf32, #tpu.memory_space<vmem>> -> memref<1x8x512xf32, #tpu.memory_space<vmem>>
        %dma_start3A_405 = tpu.memref_squeeze %dma_start3A_404 : memref<1x8x512xf32, #tpu.memory_space<vmem>> -> memref<8x512xf32, #tpu.memory_space<vmem>>
        %dma_start3A_406 = arith.constant 32 : i32
        %dma_start3A_407 = tpu.memref_slice %arg3[%dma_start3A_406, %min3A_345] : memref<64x1000000xf32, #tpu.memory_space<hbm>> -> memref<8x512xf32, #tpu.memory_space<hbm>>
        tpu.enqueue_dma source(%dma_start3A_407 : memref<8x512xf32, #tpu.memory_space<hbm>>) target(%dma_start3A_405 : memref<8x512xf32, #tpu.memory_space<vmem>>) target_semaphore(%arg11 : memref<!tpu.dma_semaphore, #tpu.memory_space<semaphore_mem>>)
        %dma_start3A_408 = arith.constant 40 : i32
        %dma_start3A_409 = arith.constant 0 : i32
        %dma_start3A_410 = tpu.memref_slice %arg10[%and3A_347, %dma_start3A_408, %dma_start3A_409] : memref<2x64x512xf32, #tpu.memory_space<vmem>> -> memref<1x8x512xf32, #tpu.memory_space<vmem>>
        %dma_start3A_411 = tpu.memref_squeeze %dma_start3A_410 : memref<1x8x512xf32, #tpu.memory_space<vmem>> -> memref<8x512xf32, #tpu.memory_space<vmem>>
        %dma_start3A_412 = arith.constant 40 : i32
        %dma_start3A_413 = tpu.memref_slice %arg3[%dma_start3A_412, %min3A_345] : memref<64x1000000xf32, #tpu.memory_space<hbm>> -> memref<8x512xf32, #tpu.memory_space<hbm>>
        %dma_start3A_414 = arith.constant 40 : i32
        %dma_start3A_415 = arith.constant 0 : i32
        %dma_start3A_416 = tpu.memref_slice %arg10[%and3A_347, %dma_start3A_414, %dma_start3A_415] : memref<2x64x512xf32, #tpu.memory_space<vmem>> -> memref<1x8x512xf32, #tpu.memory_space<vmem>>
        %dma_start3A_417 = tpu.memref_squeeze %dma_start3A_416 : memref<1x8x512xf32, #tpu.memory_space<vmem>> -> memref<8x512xf32, #tpu.memory_space<vmem>>
        %dma_start3A_418 = arith.constant 40 : i32
        %dma_start3A_419 = tpu.memref_slice %arg3[%dma_start3A_418, %min3A_345] : memref<64x1000000xf32, #tpu.memory_space<hbm>> -> memref<8x512xf32, #tpu.memory_space<hbm>>
        tpu.enqueue_dma source(%dma_start3A_419 : memref<8x512xf32, #tpu.memory_space<hbm>>) target(%dma_start3A_417 : memref<8x512xf32, #tpu.memory_space<vmem>>) target_semaphore(%arg11 : memref<!tpu.dma_semaphore, #tpu.memory_space<semaphore_mem>>)
        %dma_start3A_420 = arith.constant 48 : i32
        %dma_start3A_421 = arith.constant 0 : i32
        %dma_start3A_422 = tpu.memref_slice %arg10[%and3A_347, %dma_start3A_420, %dma_start3A_421] : memref<2x64x512xf32, #tpu.memory_space<vmem>> -> memref<1x8x512xf32, #tpu.memory_space<vmem>>
        %dma_start3A_423 = tpu.memref_squeeze %dma_start3A_422 : memref<1x8x512xf32, #tpu.memory_space<vmem>> -> memref<8x512xf32, #tpu.memory_space<vmem>>
        %dma_start3A_424 = arith.constant 48 : i32
        %dma_start3A_425 = tpu.memref_slice %arg3[%dma_start3A_424, %min3A_345] : memref<64x1000000xf32, #tpu.memory_space<hbm>> -> memref<8x512xf32, #tpu.memory_space<hbm>>
        %dma_start3A_426 = arith.constant 48 : i32
        %dma_start3A_427 = arith.constant 0 : i32
        %dma_start3A_428 = tpu.memref_slice %arg10[%and3A_347, %dma_start3A_426, %dma_start3A_427] : memref<2x64x512xf32, #tpu.memory_space<vmem>> -> memref<1x8x512xf32, #tpu.memory_space<vmem>>
        %dma_start3A_429 = tpu.memref_squeeze %dma_start3A_428 : memref<1x8x512xf32, #tpu.memory_space<vmem>> -> memref<8x512xf32, #tpu.memory_space<vmem>>
        %dma_start3A_430 = arith.constant 48 : i32
        %dma_start3A_431 = tpu.memref_slice %arg3[%dma_start3A_430, %min3A_345] : memref<64x1000000xf32, #tpu.memory_space<hbm>> -> memref<8x512xf32, #tpu.memory_space<hbm>>
        tpu.enqueue_dma source(%dma_start3A_431 : memref<8x512xf32, #tpu.memory_space<hbm>>) target(%dma_start3A_429 : memref<8x512xf32, #tpu.memory_space<vmem>>) target_semaphore(%arg11 : memref<!tpu.dma_semaphore, #tpu.memory_space<semaphore_mem>>)
        %dma_start3A_432 = arith.constant 56 : i32
        %dma_start3A_433 = arith.constant 0 : i32
        %dma_start3A_434 = tpu.memref_slice %arg10[%and3A_347, %dma_start3A_432, %dma_start3A_433] : memref<2x64x512xf32, #tpu.memory_space<vmem>> -> memref<1x8x512xf32, #tpu.memory_space<vmem>>
        %dma_start3A_435 = tpu.memref_squeeze %dma_start3A_434 : memref<1x8x512xf32, #tpu.memory_space<vmem>> -> memref<8x512xf32, #tpu.memory_space<vmem>>
        %dma_start3A_436 = arith.constant 56 : i32
        %dma_start3A_437 = tpu.memref_slice %arg3[%dma_start3A_436, %min3A_345] : memref<64x1000000xf32, #tpu.memory_space<hbm>> -> memref<8x512xf32, #tpu.memory_space<hbm>>
        %dma_start3A_438 = arith.constant 56 : i32
        %dma_start3A_439 = arith.constant 0 : i32
        %dma_start3A_440 = tpu.memref_slice %arg10[%and3A_347, %dma_start3A_438, %dma_start3A_439] : memref<2x64x512xf32, #tpu.memory_space<vmem>> -> memref<1x8x512xf32, #tpu.memory_space<vmem>>
        %dma_start3A_441 = tpu.memref_squeeze %dma_start3A_440 : memref<1x8x512xf32, #tpu.memory_space<vmem>> -> memref<8x512xf32, #tpu.memory_space<vmem>>
        %dma_start3A_442 = arith.constant 56 : i32
        %dma_start3A_443 = tpu.memref_slice %arg3[%dma_start3A_442, %min3A_345] : memref<64x1000000xf32, #tpu.memory_space<hbm>> -> memref<8x512xf32, #tpu.memory_space<hbm>>
        tpu.enqueue_dma source(%dma_start3A_443 : memref<8x512xf32, #tpu.memory_space<hbm>>) target(%dma_start3A_441 : memref<8x512xf32, #tpu.memory_space<vmem>>) target_semaphore(%arg11 : memref<!tpu.dma_semaphore, #tpu.memory_space<semaphore_mem>>)
      } else {
      }
      %mul3A_284 = arith.constant 512 : i32
      %mul3A_285 = arith.muli %scan3A_275, %mul3A_284 : i32
      %add3A_286 = arith.addi %mul3A_9, %mul3A_285 : i32
      %add3A_287 = arith.constant 512 : i32
      %add3A_288 = arith.addi %add3A_286, %add3A_287 : i32
      %min3A_289 = arith.minsi %add3A_288, %add3A_12 : i32
      %min3A_290 = arith.minsi %add3A_286, %sub3A_14 : i32
      %and3A = arith.constant 1 : i32
      %and3A_291 = arith.andi %scan3A_275, %and3A : i32
      %broadcast_in_dim3A = vector.broadcast %and3A_291 : i32 to vector<16xi32>
      %sub3A_292 = arith.subi %add3A_286, %mul3A_9 : i32
      %sub3A_293 = arith.subi %min3A_289, %mul3A_9 : i32
      %while3A = arith.constant 0 : i32
      %while3A_294 = arith.constant 0 : i32
      %while3A_295 = arith.subi %shift_right_arithmetic3A_37, %while3A : i32
      %while3A_296 = arith.addi %while3A, %while3A_295 : i32
      %while3A_297 = arith.constant 1 : i32
      %while3A_298 = arith.divsi %while3A_295, %while3A_297 : i32
      %while3A_299 = arith.muli %while3A_298, %while3A_297 : i32
      %while3A_300 = arith.addi %while3A, %while3A_299 : i32
      %while3A_301 = arith.constant 1 : i32
      %while3A_302 = scf.for %while3A_340 = %while3A to %while3A_300 step %while3A_301 iter_args(%while3A_341 = %while3A_294) -> (i32)  : i32 {
        %mul3A_342 = arith.constant 16 : i32
        %mul3A_343 = arith.muli %while3A_340, %mul3A_342 : i32
        %get3A = arith.index_cast %mul3A_343 : i32 to index
        %get3A_344 = tpu.vector_load %arg7[%get3A] {strides = array<i32>} : memref<16400xi32, #tpu.memory_space<vmem>>, vector<16xi32>,
        %shift_right_arithmetic3A_345 = arith.constant 14 : i32
        %shift_right_arithmetic3A_346 = vector.broadcast %shift_right_arithmetic3A_345 : i32 to vector<16xi32>
        %shift_right_arithmetic3A_347 = arith.shrsi %get3A_344, %shift_right_arithmetic3A_346 : vector<16xi32>
        %mul3A_348 = arith.constant 16 : i32
        %mul3A_349 = arith.muli %while3A_340, %mul3A_348 : i32
        %add3A_350 = vector.broadcast %mul3A_349 : i32 to vector<16xi32>
        %add3A_351 = arith.addi %add3A_350, %iota3A : vector<16xi32>
        %lt3A_352 = vector.broadcast %scan3A_31 : i32 to vector<16xi32>
        %lt3A_353 = arith.cmpi slt, %add3A_351, %lt3A_352 : vector<16xi32>
        %ge3A = vector.broadcast %sub3A_292 : i32 to vector<16xi32>
        %ge3A_354 = arith.cmpi sge, %shift_right_arithmetic3A_347, %ge3A : vector<16xi32>
        %lt3A_355 = vector.broadcast %sub3A_293 : i32 to vector<16xi32>
        %lt3A_356 = arith.cmpi slt, %shift_right_arithmetic3A_347, %lt3A_355 : vector<16xi32>
        %and3A_357 = arith.andi %ge3A_354, %lt3A_356 : vector<16xi1>
        %and3A_358 = arith.andi %and3A_357, %lt3A_353 : vector<16xi1>
        %swap3A = arith.index_cast %while3A_341 : i32 to index
        %swap3A_359 = tpu.vector_load %arg6[%swap3A] masked %and3A_358 {strides = array<i32>} : memref<16400xi32, #tpu.memory_space<vmem>>, vector<16xi32>, vector<16xi1>
        tpu.vector_store %arg6[%swap3A], %get3A_344 masked %and3A_358 {strides = array<i32>} : memref<16400xi32, #tpu.memory_space<vmem>>, vector<16xi32>, vector<16xi1>
        %all_reduce_population_count3A = tpu.all_reduce %and3A_358 {dim = 0 : i64, kind = #tpu.reduction_kind<sum>} : vector<16xi1> -> vector<16xi32>
        %slice3A = vector.extract_strided_slice %all_reduce_population_count3A {offsets = [0], sizes = [1], strides = [1]} : vector<16xi32> to vector<1xi32>
        %squeeze3A = vector.extract %slice3A[0] : i32 from vector<1xi32>
        %add3A_360 = arith.addi %while3A_341, %squeeze3A : i32
        scf.yield %add3A_360 : i32
      }
      %while3A_303 = arith.constant 1 : i32
      %while3A_304 = scf.for %while3A_340 = %while3A_300 to %while3A_296 step %while3A_303 iter_args(%while3A_341 = %while3A_302) -> (i32)  : i32 {
        %mul3A_342 = arith.constant 16 : i32
        %mul3A_343 = arith.muli %while3A_340, %mul3A_342 : i32
        %get3A = arith.index_cast %mul3A_343 : i32 to index
        %get3A_344 = tpu.vector_load %arg7[%get3A] {strides = array<i32>} : memref<16400xi32, #tpu.memory_space<vmem>>, vector<16xi32>,
        %shift_right_arithmetic3A_345 = arith.constant 14 : i32
        %shift_right_arithmetic3A_346 = vector.broadcast %shift_right_arithmetic3A_345 : i32 to vector<16xi32>
        %shift_right_arithmetic3A_347 = arith.shrsi %get3A_344, %shift_right_arithmetic3A_346 : vector<16xi32>
        %mul3A_348 = arith.constant 16 : i32
        %mul3A_349 = arith.muli %while3A_340, %mul3A_348 : i32
        %add3A_350 = vector.broadcast %mul3A_349 : i32 to vector<16xi32>
        %add3A_351 = arith.addi %add3A_350, %iota3A : vector<16xi32>
        %lt3A_352 = vector.broadcast %scan3A_31 : i32 to vector<16xi32>
        %lt3A_353 = arith.cmpi slt, %add3A_351, %lt3A_352 : vector<16xi32>
        %ge3A = vector.broadcast %sub3A_292 : i32 to vector<16xi32>
        %ge3A_354 = arith.cmpi sge, %shift_right_arithmetic3A_347, %ge3A : vector<16xi32>
        %lt3A_355 = vector.broadcast %sub3A_293 : i32 to vector<16xi32>
        %lt3A_356 = arith.cmpi slt, %shift_right_arithmetic3A_347, %lt3A_355 : vector<16xi32>
        %and3A_357 = arith.andi %ge3A_354, %lt3A_356 : vector<16xi1>
        %and3A_358 = arith.andi %and3A_357, %lt3A_353 : vector<16xi1>
        %swap3A = arith.index_cast %while3A_341 : i32 to index
        %swap3A_359 = tpu.vector_load %arg6[%swap3A] masked %and3A_358 {strides = array<i32>} : memref<16400xi32, #tpu.memory_space<vmem>>, vector<16xi32>, vector<16xi1>
        tpu.vector_store %arg6[%swap3A], %get3A_344 masked %and3A_358 {strides = array<i32>} : memref<16400xi32, #tpu.memory_space<vmem>>, vector<16xi32>, vector<16xi1>
        %all_reduce_population_count3A = tpu.all_reduce %and3A_358 {dim = 0 : i64, kind = #tpu.reduction_kind<sum>} : vector<16xi1> -> vector<16xi32>
        %slice3A = vector.extract_strided_slice %all_reduce_population_count3A {offsets = [0], sizes = [1], strides = [1]} : vector<16xi32> to vector<1xi32>
        %squeeze3A = vector.extract %slice3A[0] : i32 from vector<1xi32>
        %add3A_360 = arith.addi %while3A_341, %squeeze3A : i32
        scf.yield %add3A_360 : i32
      }
      %gt3A = arith.constant 0 : i32
      %gt3A_305 = arith.cmpi sgt, %while3A_304, %gt3A : i32
      %convert_element_type3A_306 = arith.extui %gt3A_305 : i1 to i32
      %cond3A_307 = arith.constant 0 : i32
      %cond3A_308 = arith.cmpi ne, %convert_element_type3A_306, %cond3A_307 : i32
      scf.if %cond3A_308 {
        %get3A = arith.constant 0 : index
        %get3A_340 = tpu.vector_load %arg6[%get3A] {strides = array<i32>} : memref<16400xi32, #tpu.memory_space<vmem>>, vector<16xi32>,
        %slice3A = vector.extract_strided_slice %get3A_340 {offsets = [0], sizes = [1], strides = [1]} : vector<16xi32> to vector<1xi32>
        %squeeze3A = vector.extract %slice3A[0] : i32 from vector<1xi32>
        %broadcast_in_dim3A_341 = vector.broadcast %squeeze3A : i32 to vector<16xi32>
        %swap3A = arith.index_cast %while3A_304 : i32 to index
        %swap3A_342 = tpu.vector_load %arg6[%swap3A] {strides = array<i32>} : memref<16400xi32, #tpu.memory_space<vmem>>, vector<16xi32>,
        tpu.vector_store %arg6[%swap3A], %broadcast_in_dim3A_341 {strides = array<i32>} : memref<16400xi32, #tpu.memory_space<vmem>>, vector<16xi32>,
      } else {
      }
      %gt3A_309 = arith.constant 0 : i32
      %gt3A_310 = arith.cmpi sgt, %while3A_304, %gt3A_309 : i32
      %add3A_311 = arith.constant 16 : i32
      %add3A_312 = arith.addi %while3A_304, %add3A_311 : i32
      %sub3A_313 = arith.constant 1 : i32
      %sub3A_314 = arith.subi %add3A_312, %sub3A_313 : i32
      %shift_right_arithmetic3A_315 = arith.constant 4 : i32
      %shift_right_arithmetic3A_316 = arith.shrsi %sub3A_314, %shift_right_arithmetic3A_315 : i32
      %jit3A_317 = arith.constant 0 : i32
      %select_n3A_318 = arith.select %gt3A_310, %shift_right_arithmetic3A_316, %jit3A_317 : i32
      %sub3A_319 = arith.subi %min3A_290, %mul3A_9 : i32
      %while3A_320 = arith.constant 0 : i32
      %while3A_321 = arith.constant 0 : i32
      %while3A_322 = arith.subi %select_n3A_318, %while3A_320 : i32
      %while3A_323 = arith.addi %while3A_320, %while3A_322 : i32
      %while3A_324 = arith.constant 1 : i32
      %while3A_325 = arith.divsi %while3A_322, %while3A_324 : i32
      %while3A_326 = arith.muli %while3A_325, %while3A_324 : i32
      %while3A_327 = arith.addi %while3A_320, %while3A_326 : i32
      %while3A_328 = arith.constant 1 : i32
      %while3A_329 = scf.for %while3A_340 = %while3A_320 to %while3A_327 step %while3A_328 iter_args(%while3A_341 = %while3A_321) -> (i32)  : i32 {
        %mul3A_342 = arith.constant 16 : i32
        %mul3A_343 = arith.muli %while3A_340, %mul3A_342 : i32
        %get3A = arith.index_cast %mul3A_343 : i32 to index
        %get3A_344 = tpu.vector_load %arg6[%get3A] {strides = array<i32>} : memref<16400xi32, #tpu.memory_space<vmem>>, vector<16xi32>,
        %shift_right_arithmetic3A_345 = arith.constant 14 : i32
        %shift_right_arithmetic3A_346 = vector.broadcast %shift_right_arithmetic3A_345 : i32 to vector<16xi32>
        %shift_right_arithmetic3A_347 = arith.shrsi %get3A_344, %shift_right_arithmetic3A_346 : vector<16xi32>
        %sub3A_348 = vector.broadcast %sub3A_319 : i32 to vector<16xi32>
        %sub3A_349 = arith.subi %shift_right_arithmetic3A_347, %sub3A_348 : vector<16xi32>
        %and3A_350 = arith.constant 16383 : i32
        %and3A_351 = vector.broadcast %and3A_350 : i32 to vector<16xi32>
        %and3A_352 = arith.andi %get3A_344, %and3A_351 : vector<16xi32>
        %slice3A = vector.extract_strided_slice %sub3A_349 {offsets = [0], sizes = [1], strides = [1]} : vector<16xi32> to vector<1xi32>
        %squeeze3A = vector.extract %slice3A[0] : i32 from vector<1xi32>
        %broadcast_in_dim3A_353 = arith.constant 0 : i32
        %broadcast_in_dim3A_354 = vector.broadcast %broadcast_in_dim3A_353 : i32 to vector<16xi32>
        %broadcast_in_dim3A_355 = vector.broadcast %squeeze3A : i32 to vector<16xi32>
        %gather3A = tpu.vector_load_idx %arg10[%broadcast_in_dim3A, %add3A_17, %broadcast_in_dim3A_355] : memref<2x64x512xf32, #tpu.memory_space<vmem>>[vector<16xi32>, vector<16xi32>, vector<16xi32>], vector<16xf32>,
        %add3A_356 = arith.constant 0 : i32
        %add3A_357 = vector.broadcast %add3A_356 : i32 to vector<16xi32>
        %add3A_358 = arith.addi %add3A_357, %iota3A : vector<16xi32>
        tpu.vector_store_idx %arg9[%broadcast_in_dim3A_354, %add3A_358], %gather3A : memref<16x64xf32, #tpu.memory_space<vmem>>[vector<16xi32>, vector<16xi32>], vector<16xf32>,
        %broadcast_in_dim3A_359 = vector.broadcast %squeeze3A : i32 to vector<16xi32>
        %gather3A_360 = tpu.vector_load_idx %arg10[%broadcast_in_dim3A, %add3A_20, %broadcast_in_dim3A_359] : memref<2x64x512xf32, #tpu.memory_space<vmem>>[vector<16xi32>, vector<16xi32>, vector<16xi32>], vector<16xf32>,
        %add3A_361 = arith.constant 16 : i32
        %add3A_362 = vector.broadcast %add3A_361 : i32 to vector<16xi32>
        %add3A_363 = arith.addi %add3A_362, %iota3A : vector<16xi32>
        tpu.vector_store_idx %arg9[%broadcast_in_dim3A_354, %add3A_363], %gather3A_360 : memref<16x64xf32, #tpu.memory_space<vmem>>[vector<16xi32>, vector<16xi32>], vector<16xf32>,
        %broadcast_in_dim3A_364 = vector.broadcast %squeeze3A : i32 to vector<16xi32>
        %gather3A_365 = tpu.vector_load_idx %arg10[%broadcast_in_dim3A, %add3A_23, %broadcast_in_dim3A_364] : memref<2x64x512xf32, #tpu.memory_space<vmem>>[vector<16xi32>, vector<16xi32>, vector<16xi32>], vector<16xf32>,
        %add3A_366 = arith.constant 32 : i32
        %add3A_367 = vector.broadcast %add3A_366 : i32 to vector<16xi32>
        %add3A_368 = arith.addi %add3A_367, %iota3A : vector<16xi32>
        tpu.vector_store_idx %arg9[%broadcast_in_dim3A_354, %add3A_368], %gather3A_365 : memref<16x64xf32, #tpu.memory_space<vmem>>[vector<16xi32>, vector<16xi32>], vector<16xf32>,
        %broadcast_in_dim3A_369 = vector.broadcast %squeeze3A : i32 to vector<16xi32>
        %gather3A_370 = tpu.vector_load_idx %arg10[%broadcast_in_dim3A, %add3A_26, %broadcast_in_dim3A_369] : memref<2x64x512xf32, #tpu.memory_space<vmem>>[vector<16xi32>, vector<16xi32>, vector<16xi32>], vector<16xf32>,
        %add3A_371 = arith.constant 48 : i32
        %add3A_372 = vector.broadcast %add3A_371 : i32 to vector<16xi32>
        %add3A_373 = arith.addi %add3A_372, %iota3A : vector<16xi32>
        tpu.vector_store_idx %arg9[%broadcast_in_dim3A_354, %add3A_373], %gather3A_370 : memref<16x64xf32, #tpu.memory_space<vmem>>[vector<16xi32>, vector<16xi32>], vector<16xf32>,
        %slice3A_374 = vector.extract_strided_slice %sub3A_349 {offsets = [1], sizes = [1], strides = [1]} : vector<16xi32> to vector<1xi32>
        %squeeze3A_375 = vector.extract %slice3A_374[0] : i32 from vector<1xi32>
        %broadcast_in_dim3A_376 = arith.constant 1 : i32
        %broadcast_in_dim3A_377 = vector.broadcast %broadcast_in_dim3A_376 : i32 to vector<16xi32>
        %broadcast_in_dim3A_378 = vector.broadcast %squeeze3A_375 : i32 to vector<16xi32>
        %gather3A_379 = tpu.vector_load_idx %arg10[%broadcast_in_dim3A, %add3A_17, %broadcast_in_dim3A_378] : memref<2x64x512xf32, #tpu.memory_space<vmem>>[vector<16xi32>, vector<16xi32>, vector<16xi32>], vector<16xf32>,
        %add3A_380 = arith.constant 0 : i32
        %add3A_381 = vector.broadcast %add3A_380 : i32 to vector<16xi32>
        %add3A_382 = arith.addi %add3A_381, %iota3A : vector<16xi32>
        tpu.vector_store_idx %arg9[%broadcast_in_dim3A_377, %add3A_382], %gather3A_379 : memref<16x64xf32, #tpu.memory_space<vmem>>[vector<16xi32>, vector<16xi32>], vector<16xf32>,
        %broadcast_in_dim3A_383 = vector.broadcast %squeeze3A_375 : i32 to vector<16xi32>
        %gather3A_384 = tpu.vector_load_idx %arg10[%broadcast_in_dim3A, %add3A_20, %broadcast_in_dim3A_383] : memref<2x64x512xf32, #tpu.memory_space<vmem>>[vector<16xi32>, vector<16xi32>, vector<16xi32>], vector<16xf32>,
        %add3A_385 = arith.constant 16 : i32
        %add3A_386 = vector.broadcast %add3A_385 : i32 to vector<16xi32>
        %add3A_387 = arith.addi %add3A_386, %iota3A : vector<16xi32>
        tpu.vector_store_idx %arg9[%broadcast_in_dim3A_377, %add3A_387], %gather3A_384 : memref<16x64xf32, #tpu.memory_space<vmem>>[vector<16xi32>, vector<16xi32>], vector<16xf32>,
        %broadcast_in_dim3A_388 = vector.broadcast %squeeze3A_375 : i32 to vector<16xi32>
        %gather3A_389 = tpu.vector_load_idx %arg10[%broadcast_in_dim3A, %add3A_23, %broadcast_in_dim3A_388] : memref<2x64x512xf32, #tpu.memory_space<vmem>>[vector<16xi32>, vector<16xi32>, vector<16xi32>], vector<16xf32>,
        %add3A_390 = arith.constant 32 : i32
        %add3A_391 = vector.broadcast %add3A_390 : i32 to vector<16xi32>
        %add3A_392 = arith.addi %add3A_391, %iota3A : vector<16xi32>
        tpu.vector_store_idx %arg9[%broadcast_in_dim3A_377, %add3A_392], %gather3A_389 : memref<16x64xf32, #tpu.memory_space<vmem>>[vector<16xi32>, vector<16xi32>], vector<16xf32>,
        %broadcast_in_dim3A_393 = vector.broadcast %squeeze3A_375 : i32 to vector<16xi32>
        %gather3A_394 = tpu.vector_load_idx %arg10[%broadcast_in_dim3A, %add3A_26, %broadcast_in_dim3A_393] : memref<2x64x512xf32, #tpu.memory_space<vmem>>[vector<16xi32>, vector<16xi32>, vector<16xi32>], vector<16xf32>,
        %add3A_395 = arith.constant 48 : i32
        %add3A_396 = vector.broadcast %add3A_395 : i32 to vector<16xi32>
        %add3A_397 = arith.addi %add3A_396, %iota3A : vector<16xi32>
        tpu.vector_store_idx %arg9[%broadcast_in_dim3A_377, %add3A_397], %gather3A_394 : memref<16x64xf32, #tpu.memory_space<vmem>>[vector<16xi32>, vector<16xi32>], vector<16xf32>,
        %slice3A_398 = vector.extract_strided_slice %sub3A_349 {offsets = [2], sizes = [1], strides = [1]} : vector<16xi32> to vector<1xi32>
        %squeeze3A_399 = vector.extract %slice3A_398[0] : i32 from vector<1xi32>
        %broadcast_in_dim3A_400 = arith.constant 2 : i32
        %broadcast_in_dim3A_401 = vector.broadcast %broadcast_in_dim3A_400 : i32 to vector<16xi32>
        %broadcast_in_dim3A_402 = vector.broadcast %squeeze3A_399 : i32 to vector<16xi32>
        %gather3A_403 = tpu.vector_load_idx %arg10[%broadcast_in_dim3A, %add3A_17, %broadcast_in_dim3A_402] : memref<2x64x512xf32, #tpu.memory_space<vmem>>[vector<16xi32>, vector<16xi32>, vector<16xi32>], vector<16xf32>,
        %add3A_404 = arith.constant 0 : i32
        %add3A_405 = vector.broadcast %add3A_404 : i32 to vector<16xi32>
        %add3A_406 = arith.addi %add3A_405, %iota3A : vector<16xi32>
        tpu.vector_store_idx %arg9[%broadcast_in_dim3A_401, %add3A_406], %gather3A_403 : memref<16x64xf32, #tpu.memory_space<vmem>>[vector<16xi32>, vector<16xi32>], vector<16xf32>,
        %broadcast_in_dim3A_407 = vector.broadcast %squeeze3A_399 : i32 to vector<16xi32>
        %gather3A_408 = tpu.vector_load_idx %arg10[%broadcast_in_dim3A, %add3A_20, %broadcast_in_dim3A_407] : memref<2x64x512xf32, #tpu.memory_space<vmem>>[vector<16xi32>, vector<16xi32>, vector<16xi32>], vector<16xf32>,
        %add3A_409 = arith.constant 16 : i32
        %add3A_410 = vector.broadcast %add3A_409 : i32 to vector<16xi32>
        %add3A_411 = arith.addi %add3A_410, %iota3A : vector<16xi32>
        tpu.vector_store_idx %arg9[%broadcast_in_dim3A_401, %add3A_411], %gather3A_408 : memref<16x64xf32, #tpu.memory_space<vmem>>[vector<16xi32>, vector<16xi32>], vector<16xf32>,
        %broadcast_in_dim3A_412 = vector.broadcast %squeeze3A_399 : i32 to vector<16xi32>
        %gather3A_413 = tpu.vector_load_idx %arg10[%broadcast_in_dim3A, %add3A_23, %broadcast_in_dim3A_412] : memref<2x64x512xf32, #tpu.memory_space<vmem>>[vector<16xi32>, vector<16xi32>, vector<16xi32>], vector<16xf32>,
        %add3A_414 = arith.constant 32 : i32
        %add3A_415 = vector.broadcast %add3A_414 : i32 to vector<16xi32>
        %add3A_416 = arith.addi %add3A_415, %iota3A : vector<16xi32>
        tpu.vector_store_idx %arg9[%broadcast_in_dim3A_401, %add3A_416], %gather3A_413 : memref<16x64xf32, #tpu.memory_space<vmem>>[vector<16xi32>, vector<16xi32>], vector<16xf32>,
        %broadcast_in_dim3A_417 = vector.broadcast %squeeze3A_399 : i32 to vector<16xi32>
        %gather3A_418 = tpu.vector_load_idx %arg10[%broadcast_in_dim3A, %add3A_26, %broadcast_in_dim3A_417] : memref<2x64x512xf32, #tpu.memory_space<vmem>>[vector<16xi32>, vector<16xi32>, vector<16xi32>], vector<16xf32>,
        %add3A_419 = arith.constant 48 : i32
        %add3A_420 = vector.broadcast %add3A_419 : i32 to vector<16xi32>
        %add3A_421 = arith.addi %add3A_420, %iota3A : vector<16xi32>
        tpu.vector_store_idx %arg9[%broadcast_in_dim3A_401, %add3A_421], %gather3A_418 : memref<16x64xf32, #tpu.memory_space<vmem>>[vector<16xi32>, vector<16xi32>], vector<16xf32>,
        %slice3A_422 = vector.extract_strided_slice %sub3A_349 {offsets = [3], sizes = [1], strides = [1]} : vector<16xi32> to vector<1xi32>
        %squeeze3A_423 = vector.extract %slice3A_422[0] : i32 from vector<1xi32>
        %broadcast_in_dim3A_424 = arith.constant 3 : i32
        %broadcast_in_dim3A_425 = vector.broadcast %broadcast_in_dim3A_424 : i32 to vector<16xi32>
        %broadcast_in_dim3A_426 = vector.broadcast %squeeze3A_423 : i32 to vector<16xi32>
        %gather3A_427 = tpu.vector_load_idx %arg10[%broadcast_in_dim3A, %add3A_17, %broadcast_in_dim3A_426] : memref<2x64x512xf32, #tpu.memory_space<vmem>>[vector<16xi32>, vector<16xi32>, vector<16xi32>], vector<16xf32>,
        %add3A_428 = arith.constant 0 : i32
        %add3A_429 = vector.broadcast %add3A_428 : i32 to vector<16xi32>
        %add3A_430 = arith.addi %add3A_429, %iota3A : vector<16xi32>
        tpu.vector_store_idx %arg9[%broadcast_in_dim3A_425, %add3A_430], %gather3A_427 : memref<16x64xf32, #tpu.memory_space<vmem>>[vector<16xi32>, vector<16xi32>], vector<16xf32>,
        %broadcast_in_dim3A_431 = vector.broadcast %squeeze3A_423 : i32 to vector<16xi32>
        %gather3A_432 = tpu.vector_load_idx %arg10[%broadcast_in_dim3A, %add3A_20, %broadcast_in_dim3A_431] : memref<2x64x512xf32, #tpu.memory_space<vmem>>[vector<16xi32>, vector<16xi32>, vector<16xi32>], vector<16xf32>,
        %add3A_433 = arith.constant 16 : i32
        %add3A_434 = vector.broadcast %add3A_433 : i32 to vector<16xi32>
        %add3A_435 = arith.addi %add3A_434, %iota3A : vector<16xi32>
        tpu.vector_store_idx %arg9[%broadcast_in_dim3A_425, %add3A_435], %gather3A_432 : memref<16x64xf32, #tpu.memory_space<vmem>>[vector<16xi32>, vector<16xi32>], vector<16xf32>,
        %broadcast_in_dim3A_436 = vector.broadcast %squeeze3A_423 : i32 to vector<16xi32>
        %gather3A_437 = tpu.vector_load_idx %arg10[%broadcast_in_dim3A, %add3A_23, %broadcast_in_dim3A_436] : memref<2x64x512xf32, #tpu.memory_space<vmem>>[vector<16xi32>, vector<16xi32>, vector<16xi32>], vector<16xf32>,
        %add3A_438 = arith.constant 32 : i32
        %add3A_439 = vector.broadcast %add3A_438 : i32 to vector<16xi32>
        %add3A_440 = arith.addi %add3A_439, %iota3A : vector<16xi32>
        tpu.vector_store_idx %arg9[%broadcast_in_dim3A_425, %add3A_440], %gather3A_437 : memref<16x64xf32, #tpu.memory_space<vmem>>[vector<16xi32>, vector<16xi32>], vector<16xf32>,
        %broadcast_in_dim3A_441 = vector.broadcast %squeeze3A_423 : i32 to vector<16xi32>
        %gather3A_442 = tpu.vector_load_idx %arg10[%broadcast_in_dim3A, %add3A_26, %broadcast_in_dim3A_441] : memref<2x64x512xf32, #tpu.memory_space<vmem>>[vector<16xi32>, vector<16xi32>, vector<16xi32>], vector<16xf32>,
        %add3A_443 = arith.constant 48 : i32
        %add3A_444 = vector.broadcast %add3A_443 : i32 to vector<16xi32>
        %add3A_445 = arith.addi %add3A_444, %iota3A : vector<16xi32>
        tpu.vector_store_idx %arg9[%broadcast_in_dim3A_425, %add3A_445], %gather3A_442 : memref<16x64xf32, #tpu.memory_space<vmem>>[vector<16xi32>, vector<16xi32>], vector<16xf32>,
        %slice3A_446 = vector.extract_strided_slice %sub3A_349 {offsets = [4], sizes = [1], strides = [1]} : vector<16xi32> to vector<1xi32>
        %squeeze3A_447 = vector.extract %slice3A_446[0] : i32 from vector<1xi32>
        %broadcast_in_dim3A_448 = arith.constant 4 : i32
        %broadcast_in_dim3A_449 = vector.broadcast %broadcast_in_dim3A_448 : i32 to vector<16xi32>
        %broadcast_in_dim3A_450 = vector.broadcast %squeeze3A_447 : i32 to vector<16xi32>
        %gather3A_451 = tpu.vector_load_idx %arg10[%broadcast_in_dim3A, %add3A_17, %broadcast_in_dim3A_450] : memref<2x64x512xf32, #tpu.memory_space<vmem>>[vector<16xi32>, vector<16xi32>, vector<16xi32>], vector<16xf32>,
        %add3A_452 = arith.constant 0 : i32
        %add3A_453 = vector.broadcast %add3A_452 : i32 to vector<16xi32>
        %add3A_454 = arith.addi %add3A_453, %iota3A : vector<16xi32>
        tpu.vector_store_idx %arg9[%broadcast_in_dim3A_449, %add3A_454], %gather3A_451 : memref<16x64xf32, #tpu.memory_space<vmem>>[vector<16xi32>, vector<16xi32>], vector<16xf32>,
        %broadcast_in_dim3A_455 = vector.broadcast %squeeze3A_447 : i32 to vector<16xi32>
        %gather3A_456 = tpu.vector_load_idx %arg10[%broadcast_in_dim3A, %add3A_20, %broadcast_in_dim3A_455] : memref<2x64x512xf32, #tpu.memory_space<vmem>>[vector<16xi32>, vector<16xi32>, vector<16xi32>], vector<16xf32>,
        %add3A_457 = arith.constant 16 : i32
        %add3A_458 = vector.broadcast %add3A_457 : i32 to vector<16xi32>
        %add3A_459 = arith.addi %add3A_458, %iota3A : vector<16xi32>
        tpu.vector_store_idx %arg9[%broadcast_in_dim3A_449, %add3A_459], %gather3A_456 : memref<16x64xf32, #tpu.memory_space<vmem>>[vector<16xi32>, vector<16xi32>], vector<16xf32>,
        %broadcast_in_dim3A_460 = vector.broadcast %squeeze3A_447 : i32 to vector<16xi32>
        %gather3A_461 = tpu.vector_load_idx %arg10[%broadcast_in_dim3A, %add3A_23, %broadcast_in_dim3A_460] : memref<2x64x512xf32, #tpu.memory_space<vmem>>[vector<16xi32>, vector<16xi32>, vector<16xi32>], vector<16xf32>,
        %add3A_462 = arith.constant 32 : i32
        %add3A_463 = vector.broadcast %add3A_462 : i32 to vector<16xi32>
        %add3A_464 = arith.addi %add3A_463, %iota3A : vector<16xi32>
        tpu.vector_store_idx %arg9[%broadcast_in_dim3A_449, %add3A_464], %gather3A_461 : memref<16x64xf32, #tpu.memory_space<vmem>>[vector<16xi32>, vector<16xi32>], vector<16xf32>,
        %broadcast_in_dim3A_465 = vector.broadcast %squeeze3A_447 : i32 to vector<16xi32>
        %gather3A_466 = tpu.vector_load_idx %arg10[%broadcast_in_dim3A, %add3A_26, %broadcast_in_dim3A_465] : memref<2x64x512xf32, #tpu.memory_space<vmem>>[vector<16xi32>, vector<16xi32>, vector<16xi32>], vector<16xf32>,
        %add3A_467 = arith.constant 48 : i32
        %add3A_468 = vector.broadcast %add3A_467 : i32 to vector<16xi32>
        %add3A_469 = arith.addi %add3A_468, %iota3A : vector<16xi32>
        tpu.vector_store_idx %arg9[%broadcast_in_dim3A_449, %add3A_469], %gather3A_466 : memref<16x64xf32, #tpu.memory_space<vmem>>[vector<16xi32>, vector<16xi32>], vector<16xf32>,
        %slice3A_470 = vector.extract_strided_slice %sub3A_349 {offsets = [5], sizes = [1], strides = [1]} : vector<16xi32> to vector<1xi32>
        %squeeze3A_471 = vector.extract %slice3A_470[0] : i32 from vector<1xi32>
        %broadcast_in_dim3A_472 = arith.constant 5 : i32
        %broadcast_in_dim3A_473 = vector.broadcast %broadcast_in_dim3A_472 : i32 to vector<16xi32>
        %broadcast_in_dim3A_474 = vector.broadcast %squeeze3A_471 : i32 to vector<16xi32>
        %gather3A_475 = tpu.vector_load_idx %arg10[%broadcast_in_dim3A, %add3A_17, %broadcast_in_dim3A_474] : memref<2x64x512xf32, #tpu.memory_space<vmem>>[vector<16xi32>, vector<16xi32>, vector<16xi32>], vector<16xf32>,
        %add3A_476 = arith.constant 0 : i32
        %add3A_477 = vector.broadcast %add3A_476 : i32 to vector<16xi32>
        %add3A_478 = arith.addi %add3A_477, %iota3A : vector<16xi32>
        tpu.vector_store_idx %arg9[%broadcast_in_dim3A_473, %add3A_478], %gather3A_475 : memref<16x64xf32, #tpu.memory_space<vmem>>[vector<16xi32>, vector<16xi32>], vector<16xf32>,
        %broadcast_in_dim3A_479 = vector.broadcast %squeeze3A_471 : i32 to vector<16xi32>
        %gather3A_480 = tpu.vector_load_idx %arg10[%broadcast_in_dim3A, %add3A_20, %broadcast_in_dim3A_479] : memref<2x64x512xf32, #tpu.memory_space<vmem>>[vector<16xi32>, vector<16xi32>, vector<16xi32>], vector<16xf32>,
        %add3A_481 = arith.constant 16 : i32
        %add3A_482 = vector.broadcast %add3A_481 : i32 to vector<16xi32>
        %add3A_483 = arith.addi %add3A_482, %iota3A : vector<16xi32>
        tpu.vector_store_idx %arg9[%broadcast_in_dim3A_473, %add3A_483], %gather3A_480 : memref<16x64xf32, #tpu.memory_space<vmem>>[vector<16xi32>, vector<16xi32>], vector<16xf32>,
        %broadcast_in_dim3A_484 = vector.broadcast %squeeze3A_471 : i32 to vector<16xi32>
        %gather3A_485 = tpu.vector_load_idx %arg10[%broadcast_in_dim3A, %add3A_23, %broadcast_in_dim3A_484] : memref<2x64x512xf32, #tpu.memory_space<vmem>>[vector<16xi32>, vector<16xi32>, vector<16xi32>], vector<16xf32>,
        %add3A_486 = arith.constant 32 : i32
        %add3A_487 = vector.broadcast %add3A_486 : i32 to vector<16xi32>
        %add3A_488 = arith.addi %add3A_487, %iota3A : vector<16xi32>
        tpu.vector_store_idx %arg9[%broadcast_in_dim3A_473, %add3A_488], %gather3A_485 : memref<16x64xf32, #tpu.memory_space<vmem>>[vector<16xi32>, vector<16xi32>], vector<16xf32>,
        %broadcast_in_dim3A_489 = vector.broadcast %squeeze3A_471 : i32 to vector<16xi32>
        %gather3A_490 = tpu.vector_load_idx %arg10[%broadcast_in_dim3A, %add3A_26, %broadcast_in_dim3A_489] : memref<2x64x512xf32, #tpu.memory_space<vmem>>[vector<16xi32>, vector<16xi32>, vector<16xi32>], vector<16xf32>,
        %add3A_491 = arith.constant 48 : i32
        %add3A_492 = vector.broadcast %add3A_491 : i32 to vector<16xi32>
        %add3A_493 = arith.addi %add3A_492, %iota3A : vector<16xi32>
        tpu.vector_store_idx %arg9[%broadcast_in_dim3A_473, %add3A_493], %gather3A_490 : memref<16x64xf32, #tpu.memory_space<vmem>>[vector<16xi32>, vector<16xi32>], vector<16xf32>,
        %slice3A_494 = vector.extract_strided_slice %sub3A_349 {offsets = [6], sizes = [1], strides = [1]} : vector<16xi32> to vector<1xi32>
        %squeeze3A_495 = vector.extract %slice3A_494[0] : i32 from vector<1xi32>
        %broadcast_in_dim3A_496 = arith.constant 6 : i32
        %broadcast_in_dim3A_497 = vector.broadcast %broadcast_in_dim3A_496 : i32 to vector<16xi32>
        %broadcast_in_dim3A_498 = vector.broadcast %squeeze3A_495 : i32 to vector<16xi32>
        %gather3A_499 = tpu.vector_load_idx %arg10[%broadcast_in_dim3A, %add3A_17, %broadcast_in_dim3A_498] : memref<2x64x512xf32, #tpu.memory_space<vmem>>[vector<16xi32>, vector<16xi32>, vector<16xi32>], vector<16xf32>,
        %add3A_500 = arith.constant 0 : i32
        %add3A_501 = vector.broadcast %add3A_500 : i32 to vector<16xi32>
        %add3A_502 = arith.addi %add3A_501, %iota3A : vector<16xi32>
        tpu.vector_store_idx %arg9[%broadcast_in_dim3A_497, %add3A_502], %gather3A_499 : memref<16x64xf32, #tpu.memory_space<vmem>>[vector<16xi32>, vector<16xi32>], vector<16xf32>,
        %broadcast_in_dim3A_503 = vector.broadcast %squeeze3A_495 : i32 to vector<16xi32>
        %gather3A_504 = tpu.vector_load_idx %arg10[%broadcast_in_dim3A, %add3A_20, %broadcast_in_dim3A_503] : memref<2x64x512xf32, #tpu.memory_space<vmem>>[vector<16xi32>, vector<16xi32>, vector<16xi32>], vector<16xf32>,
        %add3A_505 = arith.constant 16 : i32
        %add3A_506 = vector.broadcast %add3A_505 : i32 to vector<16xi32>
        %add3A_507 = arith.addi %add3A_506, %iota3A : vector<16xi32>
        tpu.vector_store_idx %arg9[%broadcast_in_dim3A_497, %add3A_507], %gather3A_504 : memref<16x64xf32, #tpu.memory_space<vmem>>[vector<16xi32>, vector<16xi32>], vector<16xf32>,
        %broadcast_in_dim3A_508 = vector.broadcast %squeeze3A_495 : i32 to vector<16xi32>
        %gather3A_509 = tpu.vector_load_idx %arg10[%broadcast_in_dim3A, %add3A_23, %broadcast_in_dim3A_508] : memref<2x64x512xf32, #tpu.memory_space<vmem>>[vector<16xi32>, vector<16xi32>, vector<16xi32>], vector<16xf32>,
        %add3A_510 = arith.constant 32 : i32
        %add3A_511 = vector.broadcast %add3A_510 : i32 to vector<16xi32>
        %add3A_512 = arith.addi %add3A_511, %iota3A : vector<16xi32>
        tpu.vector_store_idx %arg9[%broadcast_in_dim3A_497, %add3A_512], %gather3A_509 : memref<16x64xf32, #tpu.memory_space<vmem>>[vector<16xi32>, vector<16xi32>], vector<16xf32>,
        %broadcast_in_dim3A_513 = vector.broadcast %squeeze3A_495 : i32 to vector<16xi32>
        %gather3A_514 = tpu.vector_load_idx %arg10[%broadcast_in_dim3A, %add3A_26, %broadcast_in_dim3A_513] : memref<2x64x512xf32, #tpu.memory_space<vmem>>[vector<16xi32>, vector<16xi32>, vector<16xi32>], vector<16xf32>,
        %add3A_515 = arith.constant 48 : i32
        %add3A_516 = vector.broadcast %add3A_515 : i32 to vector<16xi32>
        %add3A_517 = arith.addi %add3A_516, %iota3A : vector<16xi32>
        tpu.vector_store_idx %arg9[%broadcast_in_dim3A_497, %add3A_517], %gather3A_514 : memref<16x64xf32, #tpu.memory_space<vmem>>[vector<16xi32>, vector<16xi32>], vector<16xf32>,
        %slice3A_518 = vector.extract_strided_slice %sub3A_349 {offsets = [7], sizes = [1], strides = [1]} : vector<16xi32> to vector<1xi32>
        %squeeze3A_519 = vector.extract %slice3A_518[0] : i32 from vector<1xi32>
        %broadcast_in_dim3A_520 = arith.constant 7 : i32
        %broadcast_in_dim3A_521 = vector.broadcast %broadcast_in_dim3A_520 : i32 to vector<16xi32>
        %broadcast_in_dim3A_522 = vector.broadcast %squeeze3A_519 : i32 to vector<16xi32>
        %gather3A_523 = tpu.vector_load_idx %arg10[%broadcast_in_dim3A, %add3A_17, %broadcast_in_dim3A_522] : memref<2x64x512xf32, #tpu.memory_space<vmem>>[vector<16xi32>, vector<16xi32>, vector<16xi32>], vector<16xf32>,
        %add3A_524 = arith.constant 0 : i32
        %add3A_525 = vector.broadcast %add3A_524 : i32 to vector<16xi32>
        %add3A_526 = arith.addi %add3A_525, %iota3A : vector<16xi32>
        tpu.vector_store_idx %arg9[%broadcast_in_dim3A_521, %add3A_526], %gather3A_523 : memref<16x64xf32, #tpu.memory_space<vmem>>[vector<16xi32>, vector<16xi32>], vector<16xf32>,
        %broadcast_in_dim3A_527 = vector.broadcast %squeeze3A_519 : i32 to vector<16xi32>
        %gather3A_528 = tpu.vector_load_idx %arg10[%broadcast_in_dim3A, %add3A_20, %broadcast_in_dim3A_527] : memref<2x64x512xf32, #tpu.memory_space<vmem>>[vector<16xi32>, vector<16xi32>, vector<16xi32>], vector<16xf32>,
        %add3A_529 = arith.constant 16 : i32
        %add3A_530 = vector.broadcast %add3A_529 : i32 to vector<16xi32>
        %add3A_531 = arith.addi %add3A_530, %iota3A : vector<16xi32>
        tpu.vector_store_idx %arg9[%broadcast_in_dim3A_521, %add3A_531], %gather3A_528 : memref<16x64xf32, #tpu.memory_space<vmem>>[vector<16xi32>, vector<16xi32>], vector<16xf32>,
        %broadcast_in_dim3A_532 = vector.broadcast %squeeze3A_519 : i32 to vector<16xi32>
        %gather3A_533 = tpu.vector_load_idx %arg10[%broadcast_in_dim3A, %add3A_23, %broadcast_in_dim3A_532] : memref<2x64x512xf32, #tpu.memory_space<vmem>>[vector<16xi32>, vector<16xi32>, vector<16xi32>], vector<16xf32>,
        %add3A_534 = arith.constant 32 : i32
        %add3A_535 = vector.broadcast %add3A_534 : i32 to vector<16xi32>
        %add3A_536 = arith.addi %add3A_535, %iota3A : vector<16xi32>
        tpu.vector_store_idx %arg9[%broadcast_in_dim3A_521, %add3A_536], %gather3A_533 : memref<16x64xf32, #tpu.memory_space<vmem>>[vector<16xi32>, vector<16xi32>], vector<16xf32>,
        %broadcast_in_dim3A_537 = vector.broadcast %squeeze3A_519 : i32 to vector<16xi32>
        %gather3A_538 = tpu.vector_load_idx %arg10[%broadcast_in_dim3A, %add3A_26, %broadcast_in_dim3A_537] : memref<2x64x512xf32, #tpu.memory_space<vmem>>[vector<16xi32>, vector<16xi32>, vector<16xi32>], vector<16xf32>,
        %add3A_539 = arith.constant 48 : i32
        %add3A_540 = vector.broadcast %add3A_539 : i32 to vector<16xi32>
        %add3A_541 = arith.addi %add3A_540, %iota3A : vector<16xi32>
        tpu.vector_store_idx %arg9[%broadcast_in_dim3A_521, %add3A_541], %gather3A_538 : memref<16x64xf32, #tpu.memory_space<vmem>>[vector<16xi32>, vector<16xi32>], vector<16xf32>,
        %slice3A_542 = vector.extract_strided_slice %sub3A_349 {offsets = [8], sizes = [1], strides = [1]} : vector<16xi32> to vector<1xi32>
        %squeeze3A_543 = vector.extract %slice3A_542[0] : i32 from vector<1xi32>
        %broadcast_in_dim3A_544 = arith.constant 8 : i32
        %broadcast_in_dim3A_545 = vector.broadcast %broadcast_in_dim3A_544 : i32 to vector<16xi32>
        %broadcast_in_dim3A_546 = vector.broadcast %squeeze3A_543 : i32 to vector<16xi32>
        %gather3A_547 = tpu.vector_load_idx %arg10[%broadcast_in_dim3A, %add3A_17, %broadcast_in_dim3A_546] : memref<2x64x512xf32, #tpu.memory_space<vmem>>[vector<16xi32>, vector<16xi32>, vector<16xi32>], vector<16xf32>,
        %add3A_548 = arith.constant 0 : i32
        %add3A_549 = vector.broadcast %add3A_548 : i32 to vector<16xi32>
        %add3A_550 = arith.addi %add3A_549, %iota3A : vector<16xi32>
        tpu.vector_store_idx %arg9[%broadcast_in_dim3A_545, %add3A_550], %gather3A_547 : memref<16x64xf32, #tpu.memory_space<vmem>>[vector<16xi32>, vector<16xi32>], vector<16xf32>,
        %broadcast_in_dim3A_551 = vector.broadcast %squeeze3A_543 : i32 to vector<16xi32>
        %gather3A_552 = tpu.vector_load_idx %arg10[%broadcast_in_dim3A, %add3A_20, %broadcast_in_dim3A_551] : memref<2x64x512xf32, #tpu.memory_space<vmem>>[vector<16xi32>, vector<16xi32>, vector<16xi32>], vector<16xf32>,
        %add3A_553 = arith.constant 16 : i32
        %add3A_554 = vector.broadcast %add3A_553 : i32 to vector<16xi32>
        %add3A_555 = arith.addi %add3A_554, %iota3A : vector<16xi32>
        tpu.vector_store_idx %arg9[%broadcast_in_dim3A_545, %add3A_555], %gather3A_552 : memref<16x64xf32, #tpu.memory_space<vmem>>[vector<16xi32>, vector<16xi32>], vector<16xf32>,
        %broadcast_in_dim3A_556 = vector.broadcast %squeeze3A_543 : i32 to vector<16xi32>
        %gather3A_557 = tpu.vector_load_idx %arg10[%broadcast_in_dim3A, %add3A_23, %broadcast_in_dim3A_556] : memref<2x64x512xf32, #tpu.memory_space<vmem>>[vector<16xi32>, vector<16xi32>, vector<16xi32>], vector<16xf32>,
        %add3A_558 = arith.constant 32 : i32
        %add3A_559 = vector.broadcast %add3A_558 : i32 to vector<16xi32>
        %add3A_560 = arith.addi %add3A_559, %iota3A : vector<16xi32>
        tpu.vector_store_idx %arg9[%broadcast_in_dim3A_545, %add3A_560], %gather3A_557 : memref<16x64xf32, #tpu.memory_space<vmem>>[vector<16xi32>, vector<16xi32>], vector<16xf32>,
        %broadcast_in_dim3A_561 = vector.broadcast %squeeze3A_543 : i32 to vector<16xi32>
        %gather3A_562 = tpu.vector_load_idx %arg10[%broadcast_in_dim3A, %add3A_26, %broadcast_in_dim3A_561] : memref<2x64x512xf32, #tpu.memory_space<vmem>>[vector<16xi32>, vector<16xi32>, vector<16xi32>], vector<16xf32>,
        %add3A_563 = arith.constant 48 : i32
        %add3A_564 = vector.broadcast %add3A_563 : i32 to vector<16xi32>
        %add3A_565 = arith.addi %add3A_564, %iota3A : vector<16xi32>
        tpu.vector_store_idx %arg9[%broadcast_in_dim3A_545, %add3A_565], %gather3A_562 : memref<16x64xf32, #tpu.memory_space<vmem>>[vector<16xi32>, vector<16xi32>], vector<16xf32>,
        %slice3A_566 = vector.extract_strided_slice %sub3A_349 {offsets = [9], sizes = [1], strides = [1]} : vector<16xi32> to vector<1xi32>
        %squeeze3A_567 = vector.extract %slice3A_566[0] : i32 from vector<1xi32>
        %broadcast_in_dim3A_568 = arith.constant 9 : i32
        %broadcast_in_dim3A_569 = vector.broadcast %broadcast_in_dim3A_568 : i32 to vector<16xi32>
        %broadcast_in_dim3A_570 = vector.broadcast %squeeze3A_567 : i32 to vector<16xi32>
        %gather3A_571 = tpu.vector_load_idx %arg10[%broadcast_in_dim3A, %add3A_17, %broadcast_in_dim3A_570] : memref<2x64x512xf32, #tpu.memory_space<vmem>>[vector<16xi32>, vector<16xi32>, vector<16xi32>], vector<16xf32>,
        %add3A_572 = arith.constant 0 : i32
        %add3A_573 = vector.broadcast %add3A_572 : i32 to vector<16xi32>
        %add3A_574 = arith.addi %add3A_573, %iota3A : vector<16xi32>
        tpu.vector_store_idx %arg9[%broadcast_in_dim3A_569, %add3A_574], %gather3A_571 : memref<16x64xf32, #tpu.memory_space<vmem>>[vector<16xi32>, vector<16xi32>], vector<16xf32>,
        %broadcast_in_dim3A_575 = vector.broadcast %squeeze3A_567 : i32 to vector<16xi32>
        %gather3A_576 = tpu.vector_load_idx %arg10[%broadcast_in_dim3A, %add3A_20, %broadcast_in_dim3A_575] : memref<2x64x512xf32, #tpu.memory_space<vmem>>[vector<16xi32>, vector<16xi32>, vector<16xi32>], vector<16xf32>,
        %add3A_577 = arith.constant 16 : i32
        %add3A_578 = vector.broadcast %add3A_577 : i32 to vector<16xi32>
        %add3A_579 = arith.addi %add3A_578, %iota3A : vector<16xi32>
        tpu.vector_store_idx %arg9[%broadcast_in_dim3A_569, %add3A_579], %gather3A_576 : memref<16x64xf32, #tpu.memory_space<vmem>>[vector<16xi32>, vector<16xi32>], vector<16xf32>,
        %broadcast_in_dim3A_580 = vector.broadcast %squeeze3A_567 : i32 to vector<16xi32>
        %gather3A_581 = tpu.vector_load_idx %arg10[%broadcast_in_dim3A, %add3A_23, %broadcast_in_dim3A_580] : memref<2x64x512xf32, #tpu.memory_space<vmem>>[vector<16xi32>, vector<16xi32>, vector<16xi32>], vector<16xf32>,
        %add3A_582 = arith.constant 32 : i32
        %add3A_583 = vector.broadcast %add3A_582 : i32 to vector<16xi32>
        %add3A_584 = arith.addi %add3A_583, %iota3A : vector<16xi32>
        tpu.vector_store_idx %arg9[%broadcast_in_dim3A_569, %add3A_584], %gather3A_581 : memref<16x64xf32, #tpu.memory_space<vmem>>[vector<16xi32>, vector<16xi32>], vector<16xf32>,
        %broadcast_in_dim3A_585 = vector.broadcast %squeeze3A_567 : i32 to vector<16xi32>
        %gather3A_586 = tpu.vector_load_idx %arg10[%broadcast_in_dim3A, %add3A_26, %broadcast_in_dim3A_585] : memref<2x64x512xf32, #tpu.memory_space<vmem>>[vector<16xi32>, vector<16xi32>, vector<16xi32>], vector<16xf32>,
        %add3A_587 = arith.constant 48 : i32
        %add3A_588 = vector.broadcast %add3A_587 : i32 to vector<16xi32>
        %add3A_589 = arith.addi %add3A_588, %iota3A : vector<16xi32>
        tpu.vector_store_idx %arg9[%broadcast_in_dim3A_569, %add3A_589], %gather3A_586 : memref<16x64xf32, #tpu.memory_space<vmem>>[vector<16xi32>, vector<16xi32>], vector<16xf32>,
        %slice3A_590 = vector.extract_strided_slice %sub3A_349 {offsets = [10], sizes = [1], strides = [1]} : vector<16xi32> to vector<1xi32>
        %squeeze3A_591 = vector.extract %slice3A_590[0] : i32 from vector<1xi32>
        %broadcast_in_dim3A_592 = arith.constant 10 : i32
        %broadcast_in_dim3A_593 = vector.broadcast %broadcast_in_dim3A_592 : i32 to vector<16xi32>
        %broadcast_in_dim3A_594 = vector.broadcast %squeeze3A_591 : i32 to vector<16xi32>
        %gather3A_595 = tpu.vector_load_idx %arg10[%broadcast_in_dim3A, %add3A_17, %broadcast_in_dim3A_594] : memref<2x64x512xf32, #tpu.memory_space<vmem>>[vector<16xi32>, vector<16xi32>, vector<16xi32>], vector<16xf32>,
        %add3A_596 = arith.constant 0 : i32
        %add3A_597 = vector.broadcast %add3A_596 : i32 to vector<16xi32>
        %add3A_598 = arith.addi %add3A_597, %iota3A : vector<16xi32>
        tpu.vector_store_idx %arg9[%broadcast_in_dim3A_593, %add3A_598], %gather3A_595 : memref<16x64xf32, #tpu.memory_space<vmem>>[vector<16xi32>, vector<16xi32>], vector<16xf32>,
        %broadcast_in_dim3A_599 = vector.broadcast %squeeze3A_591 : i32 to vector<16xi32>
        %gather3A_600 = tpu.vector_load_idx %arg10[%broadcast_in_dim3A, %add3A_20, %broadcast_in_dim3A_599] : memref<2x64x512xf32, #tpu.memory_space<vmem>>[vector<16xi32>, vector<16xi32>, vector<16xi32>], vector<16xf32>,
        %add3A_601 = arith.constant 16 : i32
        %add3A_602 = vector.broadcast %add3A_601 : i32 to vector<16xi32>
        %add3A_603 = arith.addi %add3A_602, %iota3A : vector<16xi32>
        tpu.vector_store_idx %arg9[%broadcast_in_dim3A_593, %add3A_603], %gather3A_600 : memref<16x64xf32, #tpu.memory_space<vmem>>[vector<16xi32>, vector<16xi32>], vector<16xf32>,
        %broadcast_in_dim3A_604 = vector.broadcast %squeeze3A_591 : i32 to vector<16xi32>
        %gather3A_605 = tpu.vector_load_idx %arg10[%broadcast_in_dim3A, %add3A_23, %broadcast_in_dim3A_604] : memref<2x64x512xf32, #tpu.memory_space<vmem>>[vector<16xi32>, vector<16xi32>, vector<16xi32>], vector<16xf32>,
        %add3A_606 = arith.constant 32 : i32
        %add3A_607 = vector.broadcast %add3A_606 : i32 to vector<16xi32>
        %add3A_608 = arith.addi %add3A_607, %iota3A : vector<16xi32>
        tpu.vector_store_idx %arg9[%broadcast_in_dim3A_593, %add3A_608], %gather3A_605 : memref<16x64xf32, #tpu.memory_space<vmem>>[vector<16xi32>, vector<16xi32>], vector<16xf32>,
        %broadcast_in_dim3A_609 = vector.broadcast %squeeze3A_591 : i32 to vector<16xi32>
        %gather3A_610 = tpu.vector_load_idx %arg10[%broadcast_in_dim3A, %add3A_26, %broadcast_in_dim3A_609] : memref<2x64x512xf32, #tpu.memory_space<vmem>>[vector<16xi32>, vector<16xi32>, vector<16xi32>], vector<16xf32>,
        %add3A_611 = arith.constant 48 : i32
        %add3A_612 = vector.broadcast %add3A_611 : i32 to vector<16xi32>
        %add3A_613 = arith.addi %add3A_612, %iota3A : vector<16xi32>
        tpu.vector_store_idx %arg9[%broadcast_in_dim3A_593, %add3A_613], %gather3A_610 : memref<16x64xf32, #tpu.memory_space<vmem>>[vector<16xi32>, vector<16xi32>], vector<16xf32>,
        %slice3A_614 = vector.extract_strided_slice %sub3A_349 {offsets = [11], sizes = [1], strides = [1]} : vector<16xi32> to vector<1xi32>
        %squeeze3A_615 = vector.extract %slice3A_614[0] : i32 from vector<1xi32>
        %broadcast_in_dim3A_616 = arith.constant 11 : i32
        %broadcast_in_dim3A_617 = vector.broadcast %broadcast_in_dim3A_616 : i32 to vector<16xi32>
        %broadcast_in_dim3A_618 = vector.broadcast %squeeze3A_615 : i32 to vector<16xi32>
        %gather3A_619 = tpu.vector_load_idx %arg10[%broadcast_in_dim3A, %add3A_17, %broadcast_in_dim3A_618] : memref<2x64x512xf32, #tpu.memory_space<vmem>>[vector<16xi32>, vector<16xi32>, vector<16xi32>], vector<16xf32>,
        %add3A_620 = arith.constant 0 : i32
        %add3A_621 = vector.broadcast %add3A_620 : i32 to vector<16xi32>
        %add3A_622 = arith.addi %add3A_621, %iota3A : vector<16xi32>
        tpu.vector_store_idx %arg9[%broadcast_in_dim3A_617, %add3A_622], %gather3A_619 : memref<16x64xf32, #tpu.memory_space<vmem>>[vector<16xi32>, vector<16xi32>], vector<16xf32>,
        %broadcast_in_dim3A_623 = vector.broadcast %squeeze3A_615 : i32 to vector<16xi32>
        %gather3A_624 = tpu.vector_load_idx %arg10[%broadcast_in_dim3A, %add3A_20, %broadcast_in_dim3A_623] : memref<2x64x512xf32, #tpu.memory_space<vmem>>[vector<16xi32>, vector<16xi32>, vector<16xi32>], vector<16xf32>,
        %add3A_625 = arith.constant 16 : i32
        %add3A_626 = vector.broadcast %add3A_625 : i32 to vector<16xi32>
        %add3A_627 = arith.addi %add3A_626, %iota3A : vector<16xi32>
        tpu.vector_store_idx %arg9[%broadcast_in_dim3A_617, %add3A_627], %gather3A_624 : memref<16x64xf32, #tpu.memory_space<vmem>>[vector<16xi32>, vector<16xi32>], vector<16xf32>,
        %broadcast_in_dim3A_628 = vector.broadcast %squeeze3A_615 : i32 to vector<16xi32>
        %gather3A_629 = tpu.vector_load_idx %arg10[%broadcast_in_dim3A, %add3A_23, %broadcast_in_dim3A_628] : memref<2x64x512xf32, #tpu.memory_space<vmem>>[vector<16xi32>, vector<16xi32>, vector<16xi32>], vector<16xf32>,
        %add3A_630 = arith.constant 32 : i32
        %add3A_631 = vector.broadcast %add3A_630 : i32 to vector<16xi32>
        %add3A_632 = arith.addi %add3A_631, %iota3A : vector<16xi32>
        tpu.vector_store_idx %arg9[%broadcast_in_dim3A_617, %add3A_632], %gather3A_629 : memref<16x64xf32, #tpu.memory_space<vmem>>[vector<16xi32>, vector<16xi32>], vector<16xf32>,
        %broadcast_in_dim3A_633 = vector.broadcast %squeeze3A_615 : i32 to vector<16xi32>
        %gather3A_634 = tpu.vector_load_idx %arg10[%broadcast_in_dim3A, %add3A_26, %broadcast_in_dim3A_633] : memref<2x64x512xf32, #tpu.memory_space<vmem>>[vector<16xi32>, vector<16xi32>, vector<16xi32>], vector<16xf32>,
        %add3A_635 = arith.constant 48 : i32
        %add3A_636 = vector.broadcast %add3A_635 : i32 to vector<16xi32>
        %add3A_637 = arith.addi %add3A_636, %iota3A : vector<16xi32>
        tpu.vector_store_idx %arg9[%broadcast_in_dim3A_617, %add3A_637], %gather3A_634 : memref<16x64xf32, #tpu.memory_space<vmem>>[vector<16xi32>, vector<16xi32>], vector<16xf32>,
        %slice3A_638 = vector.extract_strided_slice %sub3A_349 {offsets = [12], sizes = [1], strides = [1]} : vector<16xi32> to vector<1xi32>
        %squeeze3A_639 = vector.extract %slice3A_638[0] : i32 from vector<1xi32>
        %broadcast_in_dim3A_640 = arith.constant 12 : i32
        %broadcast_in_dim3A_641 = vector.broadcast %broadcast_in_dim3A_640 : i32 to vector<16xi32>
        %broadcast_in_dim3A_642 = vector.broadcast %squeeze3A_639 : i32 to vector<16xi32>
        %gather3A_643 = tpu.vector_load_idx %arg10[%broadcast_in_dim3A, %add3A_17, %broadcast_in_dim3A_642] : memref<2x64x512xf32, #tpu.memory_space<vmem>>[vector<16xi32>, vector<16xi32>, vector<16xi32>], vector<16xf32>,
        %add3A_644 = arith.constant 0 : i32
        %add3A_645 = vector.broadcast %add3A_644 : i32 to vector<16xi32>
        %add3A_646 = arith.addi %add3A_645, %iota3A : vector<16xi32>
        tpu.vector_store_idx %arg9[%broadcast_in_dim3A_641, %add3A_646], %gather3A_643 : memref<16x64xf32, #tpu.memory_space<vmem>>[vector<16xi32>, vector<16xi32>], vector<16xf32>,
        %broadcast_in_dim3A_647 = vector.broadcast %squeeze3A_639 : i32 to vector<16xi32>
        %gather3A_648 = tpu.vector_load_idx %arg10[%broadcast_in_dim3A, %add3A_20, %broadcast_in_dim3A_647] : memref<2x64x512xf32, #tpu.memory_space<vmem>>[vector<16xi32>, vector<16xi32>, vector<16xi32>], vector<16xf32>,
        %add3A_649 = arith.constant 16 : i32
        %add3A_650 = vector.broadcast %add3A_649 : i32 to vector<16xi32>
        %add3A_651 = arith.addi %add3A_650, %iota3A : vector<16xi32>
        tpu.vector_store_idx %arg9[%broadcast_in_dim3A_641, %add3A_651], %gather3A_648 : memref<16x64xf32, #tpu.memory_space<vmem>>[vector<16xi32>, vector<16xi32>], vector<16xf32>,
        %broadcast_in_dim3A_652 = vector.broadcast %squeeze3A_639 : i32 to vector<16xi32>
        %gather3A_653 = tpu.vector_load_idx %arg10[%broadcast_in_dim3A, %add3A_23, %broadcast_in_dim3A_652] : memref<2x64x512xf32, #tpu.memory_space<vmem>>[vector<16xi32>, vector<16xi32>, vector<16xi32>], vector<16xf32>,
        %add3A_654 = arith.constant 32 : i32
        %add3A_655 = vector.broadcast %add3A_654 : i32 to vector<16xi32>
        %add3A_656 = arith.addi %add3A_655, %iota3A : vector<16xi32>
        tpu.vector_store_idx %arg9[%broadcast_in_dim3A_641, %add3A_656], %gather3A_653 : memref<16x64xf32, #tpu.memory_space<vmem>>[vector<16xi32>, vector<16xi32>], vector<16xf32>,
        %broadcast_in_dim3A_657 = vector.broadcast %squeeze3A_639 : i32 to vector<16xi32>
        %gather3A_658 = tpu.vector_load_idx %arg10[%broadcast_in_dim3A, %add3A_26, %broadcast_in_dim3A_657] : memref<2x64x512xf32, #tpu.memory_space<vmem>>[vector<16xi32>, vector<16xi32>, vector<16xi32>], vector<16xf32>,
        %add3A_659 = arith.constant 48 : i32
        %add3A_660 = vector.broadcast %add3A_659 : i32 to vector<16xi32>
        %add3A_661 = arith.addi %add3A_660, %iota3A : vector<16xi32>
        tpu.vector_store_idx %arg9[%broadcast_in_dim3A_641, %add3A_661], %gather3A_658 : memref<16x64xf32, #tpu.memory_space<vmem>>[vector<16xi32>, vector<16xi32>], vector<16xf32>,
        %slice3A_662 = vector.extract_strided_slice %sub3A_349 {offsets = [13], sizes = [1], strides = [1]} : vector<16xi32> to vector<1xi32>
        %squeeze3A_663 = vector.extract %slice3A_662[0] : i32 from vector<1xi32>
        %broadcast_in_dim3A_664 = arith.constant 13 : i32
        %broadcast_in_dim3A_665 = vector.broadcast %broadcast_in_dim3A_664 : i32 to vector<16xi32>
        %broadcast_in_dim3A_666 = vector.broadcast %squeeze3A_663 : i32 to vector<16xi32>
        %gather3A_667 = tpu.vector_load_idx %arg10[%broadcast_in_dim3A, %add3A_17, %broadcast_in_dim3A_666] : memref<2x64x512xf32, #tpu.memory_space<vmem>>[vector<16xi32>, vector<16xi32>, vector<16xi32>], vector<16xf32>,
        %add3A_668 = arith.constant 0 : i32
        %add3A_669 = vector.broadcast %add3A_668 : i32 to vector<16xi32>
        %add3A_670 = arith.addi %add3A_669, %iota3A : vector<16xi32>
        tpu.vector_store_idx %arg9[%broadcast_in_dim3A_665, %add3A_670], %gather3A_667 : memref<16x64xf32, #tpu.memory_space<vmem>>[vector<16xi32>, vector<16xi32>], vector<16xf32>,
        %broadcast_in_dim3A_671 = vector.broadcast %squeeze3A_663 : i32 to vector<16xi32>
        %gather3A_672 = tpu.vector_load_idx %arg10[%broadcast_in_dim3A, %add3A_20, %broadcast_in_dim3A_671] : memref<2x64x512xf32, #tpu.memory_space<vmem>>[vector<16xi32>, vector<16xi32>, vector<16xi32>], vector<16xf32>,
        %add3A_673 = arith.constant 16 : i32
        %add3A_674 = vector.broadcast %add3A_673 : i32 to vector<16xi32>
        %add3A_675 = arith.addi %add3A_674, %iota3A : vector<16xi32>
        tpu.vector_store_idx %arg9[%broadcast_in_dim3A_665, %add3A_675], %gather3A_672 : memref<16x64xf32, #tpu.memory_space<vmem>>[vector<16xi32>, vector<16xi32>], vector<16xf32>,
        %broadcast_in_dim3A_676 = vector.broadcast %squeeze3A_663 : i32 to vector<16xi32>
        %gather3A_677 = tpu.vector_load_idx %arg10[%broadcast_in_dim3A, %add3A_23, %broadcast_in_dim3A_676] : memref<2x64x512xf32, #tpu.memory_space<vmem>>[vector<16xi32>, vector<16xi32>, vector<16xi32>], vector<16xf32>,
        %add3A_678 = arith.constant 32 : i32
        %add3A_679 = vector.broadcast %add3A_678 : i32 to vector<16xi32>
        %add3A_680 = arith.addi %add3A_679, %iota3A : vector<16xi32>
        tpu.vector_store_idx %arg9[%broadcast_in_dim3A_665, %add3A_680], %gather3A_677 : memref<16x64xf32, #tpu.memory_space<vmem>>[vector<16xi32>, vector<16xi32>], vector<16xf32>,
        %broadcast_in_dim3A_681 = vector.broadcast %squeeze3A_663 : i32 to vector<16xi32>
        %gather3A_682 = tpu.vector_load_idx %arg10[%broadcast_in_dim3A, %add3A_26, %broadcast_in_dim3A_681] : memref<2x64x512xf32, #tpu.memory_space<vmem>>[vector<16xi32>, vector<16xi32>, vector<16xi32>], vector<16xf32>,
        %add3A_683 = arith.constant 48 : i32
        %add3A_684 = vector.broadcast %add3A_683 : i32 to vector<16xi32>
        %add3A_685 = arith.addi %add3A_684, %iota3A : vector<16xi32>
        tpu.vector_store_idx %arg9[%broadcast_in_dim3A_665, %add3A_685], %gather3A_682 : memref<16x64xf32, #tpu.memory_space<vmem>>[vector<16xi32>, vector<16xi32>], vector<16xf32>,
        %slice3A_686 = vector.extract_strided_slice %sub3A_349 {offsets = [14], sizes = [1], strides = [1]} : vector<16xi32> to vector<1xi32>
        %squeeze3A_687 = vector.extract %slice3A_686[0] : i32 from vector<1xi32>
        %broadcast_in_dim3A_688 = arith.constant 14 : i32
        %broadcast_in_dim3A_689 = vector.broadcast %broadcast_in_dim3A_688 : i32 to vector<16xi32>
        %broadcast_in_dim3A_690 = vector.broadcast %squeeze3A_687 : i32 to vector<16xi32>
        %gather3A_691 = tpu.vector_load_idx %arg10[%broadcast_in_dim3A, %add3A_17, %broadcast_in_dim3A_690] : memref<2x64x512xf32, #tpu.memory_space<vmem>>[vector<16xi32>, vector<16xi32>, vector<16xi32>], vector<16xf32>,
        %add3A_692 = arith.constant 0 : i32
        %add3A_693 = vector.broadcast %add3A_692 : i32 to vector<16xi32>
        %add3A_694 = arith.addi %add3A_693, %iota3A : vector<16xi32>
        tpu.vector_store_idx %arg9[%broadcast_in_dim3A_689, %add3A_694], %gather3A_691 : memref<16x64xf32, #tpu.memory_space<vmem>>[vector<16xi32>, vector<16xi32>], vector<16xf32>,
        %broadcast_in_dim3A_695 = vector.broadcast %squeeze3A_687 : i32 to vector<16xi32>
        %gather3A_696 = tpu.vector_load_idx %arg10[%broadcast_in_dim3A, %add3A_20, %broadcast_in_dim3A_695] : memref<2x64x512xf32, #tpu.memory_space<vmem>>[vector<16xi32>, vector<16xi32>, vector<16xi32>], vector<16xf32>,
        %add3A_697 = arith.constant 16 : i32
        %add3A_698 = vector.broadcast %add3A_697 : i32 to vector<16xi32>
        %add3A_699 = arith.addi %add3A_698, %iota3A : vector<16xi32>
        tpu.vector_store_idx %arg9[%broadcast_in_dim3A_689, %add3A_699], %gather3A_696 : memref<16x64xf32, #tpu.memory_space<vmem>>[vector<16xi32>, vector<16xi32>], vector<16xf32>,
        %broadcast_in_dim3A_700 = vector.broadcast %squeeze3A_687 : i32 to vector<16xi32>
        %gather3A_701 = tpu.vector_load_idx %arg10[%broadcast_in_dim3A, %add3A_23, %broadcast_in_dim3A_700] : memref<2x64x512xf32, #tpu.memory_space<vmem>>[vector<16xi32>, vector<16xi32>, vector<16xi32>], vector<16xf32>,
        %add3A_702 = arith.constant 32 : i32
        %add3A_703 = vector.broadcast %add3A_702 : i32 to vector<16xi32>
        %add3A_704 = arith.addi %add3A_703, %iota3A : vector<16xi32>
        tpu.vector_store_idx %arg9[%broadcast_in_dim3A_689, %add3A_704], %gather3A_701 : memref<16x64xf32, #tpu.memory_space<vmem>>[vector<16xi32>, vector<16xi32>], vector<16xf32>,
        %broadcast_in_dim3A_705 = vector.broadcast %squeeze3A_687 : i32 to vector<16xi32>
        %gather3A_706 = tpu.vector_load_idx %arg10[%broadcast_in_dim3A, %add3A_26, %broadcast_in_dim3A_705] : memref<2x64x512xf32, #tpu.memory_space<vmem>>[vector<16xi32>, vector<16xi32>, vector<16xi32>], vector<16xf32>,
        %add3A_707 = arith.constant 48 : i32
        %add3A_708 = vector.broadcast %add3A_707 : i32 to vector<16xi32>
        %add3A_709 = arith.addi %add3A_708, %iota3A : vector<16xi32>
        tpu.vector_store_idx %arg9[%broadcast_in_dim3A_689, %add3A_709], %gather3A_706 : memref<16x64xf32, #tpu.memory_space<vmem>>[vector<16xi32>, vector<16xi32>], vector<16xf32>,
        %slice3A_710 = vector.extract_strided_slice %sub3A_349 {offsets = [15], sizes = [1], strides = [1]} : vector<16xi32> to vector<1xi32>
        %squeeze3A_711 = vector.extract %slice3A_710[0] : i32 from vector<1xi32>
        %broadcast_in_dim3A_712 = arith.constant 15 : i32
        %broadcast_in_dim3A_713 = vector.broadcast %broadcast_in_dim3A_712 : i32 to vector<16xi32>
        %broadcast_in_dim3A_714 = vector.broadcast %squeeze3A_711 : i32 to vector<16xi32>
        %gather3A_715 = tpu.vector_load_idx %arg10[%broadcast_in_dim3A, %add3A_17, %broadcast_in_dim3A_714] : memref<2x64x512xf32, #tpu.memory_space<vmem>>[vector<16xi32>, vector<16xi32>, vector<16xi32>], vector<16xf32>,
        %add3A_716 = arith.constant 0 : i32
        %add3A_717 = vector.broadcast %add3A_716 : i32 to vector<16xi32>
        %add3A_718 = arith.addi %add3A_717, %iota3A : vector<16xi32>
        tpu.vector_store_idx %arg9[%broadcast_in_dim3A_713, %add3A_718], %gather3A_715 : memref<16x64xf32, #tpu.memory_space<vmem>>[vector<16xi32>, vector<16xi32>], vector<16xf32>,
        %broadcast_in_dim3A_719 = vector.broadcast %squeeze3A_711 : i32 to vector<16xi32>
        %gather3A_720 = tpu.vector_load_idx %arg10[%broadcast_in_dim3A, %add3A_20, %broadcast_in_dim3A_719] : memref<2x64x512xf32, #tpu.memory_space<vmem>>[vector<16xi32>, vector<16xi32>, vector<16xi32>], vector<16xf32>,
        %add3A_721 = arith.constant 16 : i32
        %add3A_722 = vector.broadcast %add3A_721 : i32 to vector<16xi32>
        %add3A_723 = arith.addi %add3A_722, %iota3A : vector<16xi32>
        tpu.vector_store_idx %arg9[%broadcast_in_dim3A_713, %add3A_723], %gather3A_720 : memref<16x64xf32, #tpu.memory_space<vmem>>[vector<16xi32>, vector<16xi32>], vector<16xf32>,
        %broadcast_in_dim3A_724 = vector.broadcast %squeeze3A_711 : i32 to vector<16xi32>
        %gather3A_725 = tpu.vector_load_idx %arg10[%broadcast_in_dim3A, %add3A_23, %broadcast_in_dim3A_724] : memref<2x64x512xf32, #tpu.memory_space<vmem>>[vector<16xi32>, vector<16xi32>, vector<16xi32>], vector<16xf32>,
        %add3A_726 = arith.constant 32 : i32
        %add3A_727 = vector.broadcast %add3A_726 : i32 to vector<16xi32>
        %add3A_728 = arith.addi %add3A_727, %iota3A : vector<16xi32>
        tpu.vector_store_idx %arg9[%broadcast_in_dim3A_713, %add3A_728], %gather3A_725 : memref<16x64xf32, #tpu.memory_space<vmem>>[vector<16xi32>, vector<16xi32>], vector<16xf32>,
        %broadcast_in_dim3A_729 = vector.broadcast %squeeze3A_711 : i32 to vector<16xi32>
        %gather3A_730 = tpu.vector_load_idx %arg10[%broadcast_in_dim3A, %add3A_26, %broadcast_in_dim3A_729] : memref<2x64x512xf32, #tpu.memory_space<vmem>>[vector<16xi32>, vector<16xi32>, vector<16xi32>], vector<16xf32>,
        %add3A_731 = arith.constant 48 : i32
        %add3A_732 = vector.broadcast %add3A_731 : i32 to vector<16xi32>
        %add3A_733 = arith.addi %add3A_732, %iota3A : vector<16xi32>
        tpu.vector_store_idx %arg9[%broadcast_in_dim3A_713, %add3A_733], %gather3A_730 : memref<16x64xf32, #tpu.memory_space<vmem>>[vector<16xi32>, vector<16xi32>], vector<16xf32>,
        %slice3A_734 = vector.extract_strided_slice %and3A_352 {offsets = [0], sizes = [1], strides = [1]} : vector<16xi32> to vector<1xi32>
        %squeeze3A_735 = vector.extract %slice3A_734[0] : i32 from vector<1xi32>
        %dma_start3A_736 = arith.constant 0 : i32
        %dma_start3A_737 = arith.constant 0 : i32
        %dma_start3A_738 = tpu.memref_slice %arg9[%dma_start3A_736, %dma_start3A_737] : memref<16x64xf32, #tpu.memory_space<vmem>> -> memref<1x64xf32, #tpu.memory_space<vmem>>
        %dma_start3A_739 = arith.constant 0 : i32
        %dma_start3A_740 = tpu.memref_slice %arg5[%squeeze3A_735, %dma_start3A_739] : memref<16384x64xf32, #tpu.memory_space<hbm>> -> memref<1x64xf32, #tpu.memory_space<hbm>>
        %dma_start3A_741 = arith.constant 0 : i32
        %dma_start3A_742 = tpu.memref_slice %arg5[%squeeze3A_735, %dma_start3A_741] : memref<16384x64xf32, #tpu.memory_space<hbm>> -> memref<1x64xf32, #tpu.memory_space<hbm>>
        %dma_start3A_743 = arith.constant 0 : i32
        %dma_start3A_744 = arith.constant 0 : i32
        %dma_start3A_745 = tpu.memref_slice %arg9[%dma_start3A_743, %dma_start3A_744] : memref<16x64xf32, #tpu.memory_space<vmem>> -> memref<1x64xf32, #tpu.memory_space<vmem>>
        tpu.enqueue_dma source(%dma_start3A_745 : memref<1x64xf32, #tpu.memory_space<vmem>>) target(%dma_start3A_742 : memref<1x64xf32, #tpu.memory_space<hbm>>) target_semaphore(%arg12 : memref<!tpu.dma_semaphore, #tpu.memory_space<semaphore_mem>>)
        %slice3A_746 = vector.extract_strided_slice %and3A_352 {offsets = [1], sizes = [1], strides = [1]} : vector<16xi32> to vector<1xi32>
        %squeeze3A_747 = vector.extract %slice3A_746[0] : i32 from vector<1xi32>
        %dma_start3A_748 = arith.constant 1 : i32
        %dma_start3A_749 = arith.constant 0 : i32
        %dma_start3A_750 = tpu.memref_slice %arg9[%dma_start3A_748, %dma_start3A_749] : memref<16x64xf32, #tpu.memory_space<vmem>> -> memref<1x64xf32, #tpu.memory_space<vmem>>
        %dma_start3A_751 = arith.constant 0 : i32
        %dma_start3A_752 = tpu.memref_slice %arg5[%squeeze3A_747, %dma_start3A_751] : memref<16384x64xf32, #tpu.memory_space<hbm>> -> memref<1x64xf32, #tpu.memory_space<hbm>>
        %dma_start3A_753 = arith.constant 0 : i32
        %dma_start3A_754 = tpu.memref_slice %arg5[%squeeze3A_747, %dma_start3A_753] : memref<16384x64xf32, #tpu.memory_space<hbm>> -> memref<1x64xf32, #tpu.memory_space<hbm>>
        %dma_start3A_755 = arith.constant 1 : i32
        %dma_start3A_756 = arith.constant 0 : i32
        %dma_start3A_757 = tpu.memref_slice %arg9[%dma_start3A_755, %dma_start3A_756] : memref<16x64xf32, #tpu.memory_space<vmem>> -> memref<1x64xf32, #tpu.memory_space<vmem>>
        tpu.enqueue_dma source(%dma_start3A_757 : memref<1x64xf32, #tpu.memory_space<vmem>>) target(%dma_start3A_754 : memref<1x64xf32, #tpu.memory_space<hbm>>) target_semaphore(%arg12 : memref<!tpu.dma_semaphore, #tpu.memory_space<semaphore_mem>>)
        %slice3A_758 = vector.extract_strided_slice %and3A_352 {offsets = [2], sizes = [1], strides = [1]} : vector<16xi32> to vector<1xi32>
        %squeeze3A_759 = vector.extract %slice3A_758[0] : i32 from vector<1xi32>
        %dma_start3A_760 = arith.constant 2 : i32
        %dma_start3A_761 = arith.constant 0 : i32
        %dma_start3A_762 = tpu.memref_slice %arg9[%dma_start3A_760, %dma_start3A_761] : memref<16x64xf32, #tpu.memory_space<vmem>> -> memref<1x64xf32, #tpu.memory_space<vmem>>
        %dma_start3A_763 = arith.constant 0 : i32
        %dma_start3A_764 = tpu.memref_slice %arg5[%squeeze3A_759, %dma_start3A_763] : memref<16384x64xf32, #tpu.memory_space<hbm>> -> memref<1x64xf32, #tpu.memory_space<hbm>>
        %dma_start3A_765 = arith.constant 0 : i32
        %dma_start3A_766 = tpu.memref_slice %arg5[%squeeze3A_759, %dma_start3A_765] : memref<16384x64xf32, #tpu.memory_space<hbm>> -> memref<1x64xf32, #tpu.memory_space<hbm>>
        %dma_start3A_767 = arith.constant 2 : i32
        %dma_start3A_768 = arith.constant 0 : i32
        %dma_start3A_769 = tpu.memref_slice %arg9[%dma_start3A_767, %dma_start3A_768] : memref<16x64xf32, #tpu.memory_space<vmem>> -> memref<1x64xf32, #tpu.memory_space<vmem>>
        tpu.enqueue_dma source(%dma_start3A_769 : memref<1x64xf32, #tpu.memory_space<vmem>>) target(%dma_start3A_766 : memref<1x64xf32, #tpu.memory_space<hbm>>) target_semaphore(%arg12 : memref<!tpu.dma_semaphore, #tpu.memory_space<semaphore_mem>>)
        %slice3A_770 = vector.extract_strided_slice %and3A_352 {offsets = [3], sizes = [1], strides = [1]} : vector<16xi32> to vector<1xi32>
        %squeeze3A_771 = vector.extract %slice3A_770[0] : i32 from vector<1xi32>
        %dma_start3A_772 = arith.constant 3 : i32
        %dma_start3A_773 = arith.constant 0 : i32
        %dma_start3A_774 = tpu.memref_slice %arg9[%dma_start3A_772, %dma_start3A_773] : memref<16x64xf32, #tpu.memory_space<vmem>> -> memref<1x64xf32, #tpu.memory_space<vmem>>
        %dma_start3A_775 = arith.constant 0 : i32
        %dma_start3A_776 = tpu.memref_slice %arg5[%squeeze3A_771, %dma_start3A_775] : memref<16384x64xf32, #tpu.memory_space<hbm>> -> memref<1x64xf32, #tpu.memory_space<hbm>>
        %dma_start3A_777 = arith.constant 0 : i32
        %dma_start3A_778 = tpu.memref_slice %arg5[%squeeze3A_771, %dma_start3A_777] : memref<16384x64xf32, #tpu.memory_space<hbm>> -> memref<1x64xf32, #tpu.memory_space<hbm>>
        %dma_start3A_779 = arith.constant 3 : i32
        %dma_start3A_780 = arith.constant 0 : i32
        %dma_start3A_781 = tpu.memref_slice %arg9[%dma_start3A_779, %dma_start3A_780] : memref<16x64xf32, #tpu.memory_space<vmem>> -> memref<1x64xf32, #tpu.memory_space<vmem>>
        tpu.enqueue_dma source(%dma_start3A_781 : memref<1x64xf32, #tpu.memory_space<vmem>>) target(%dma_start3A_778 : memref<1x64xf32, #tpu.memory_space<hbm>>) target_semaphore(%arg12 : memref<!tpu.dma_semaphore, #tpu.memory_space<semaphore_mem>>)
        %slice3A_782 = vector.extract_strided_slice %and3A_352 {offsets = [4], sizes = [1], strides = [1]} : vector<16xi32> to vector<1xi32>
        %squeeze3A_783 = vector.extract %slice3A_782[0] : i32 from vector<1xi32>
        %dma_start3A_784 = arith.constant 4 : i32
        %dma_start3A_785 = arith.constant 0 : i32
        %dma_start3A_786 = tpu.memref_slice %arg9[%dma_start3A_784, %dma_start3A_785] : memref<16x64xf32, #tpu.memory_space<vmem>> -> memref<1x64xf32, #tpu.memory_space<vmem>>
        %dma_start3A_787 = arith.constant 0 : i32
        %dma_start3A_788 = tpu.memref_slice %arg5[%squeeze3A_783, %dma_start3A_787] : memref<16384x64xf32, #tpu.memory_space<hbm>> -> memref<1x64xf32, #tpu.memory_space<hbm>>
        %dma_start3A_789 = arith.constant 0 : i32
        %dma_start3A_790 = tpu.memref_slice %arg5[%squeeze3A_783, %dma_start3A_789] : memref<16384x64xf32, #tpu.memory_space<hbm>> -> memref<1x64xf32, #tpu.memory_space<hbm>>
        %dma_start3A_791 = arith.constant 4 : i32
        %dma_start3A_792 = arith.constant 0 : i32
        %dma_start3A_793 = tpu.memref_slice %arg9[%dma_start3A_791, %dma_start3A_792] : memref<16x64xf32, #tpu.memory_space<vmem>> -> memref<1x64xf32, #tpu.memory_space<vmem>>
        tpu.enqueue_dma source(%dma_start3A_793 : memref<1x64xf32, #tpu.memory_space<vmem>>) target(%dma_start3A_790 : memref<1x64xf32, #tpu.memory_space<hbm>>) target_semaphore(%arg12 : memref<!tpu.dma_semaphore, #tpu.memory_space<semaphore_mem>>)
        %slice3A_794 = vector.extract_strided_slice %and3A_352 {offsets = [5], sizes = [1], strides = [1]} : vector<16xi32> to vector<1xi32>
        %squeeze3A_795 = vector.extract %slice3A_794[0] : i32 from vector<1xi32>
        %dma_start3A_796 = arith.constant 5 : i32
        %dma_start3A_797 = arith.constant 0 : i32
        %dma_start3A_798 = tpu.memref_slice %arg9[%dma_start3A_796, %dma_start3A_797] : memref<16x64xf32, #tpu.memory_space<vmem>> -> memref<1x64xf32, #tpu.memory_space<vmem>>
        %dma_start3A_799 = arith.constant 0 : i32
        %dma_start3A_800 = tpu.memref_slice %arg5[%squeeze3A_795, %dma_start3A_799] : memref<16384x64xf32, #tpu.memory_space<hbm>> -> memref<1x64xf32, #tpu.memory_space<hbm>>
        %dma_start3A_801 = arith.constant 0 : i32
        %dma_start3A_802 = tpu.memref_slice %arg5[%squeeze3A_795, %dma_start3A_801] : memref<16384x64xf32, #tpu.memory_space<hbm>> -> memref<1x64xf32, #tpu.memory_space<hbm>>
        %dma_start3A_803 = arith.constant 5 : i32
        %dma_start3A_804 = arith.constant 0 : i32
        %dma_start3A_805 = tpu.memref_slice %arg9[%dma_start3A_803, %dma_start3A_804] : memref<16x64xf32, #tpu.memory_space<vmem>> -> memref<1x64xf32, #tpu.memory_space<vmem>>
        tpu.enqueue_dma source(%dma_start3A_805 : memref<1x64xf32, #tpu.memory_space<vmem>>) target(%dma_start3A_802 : memref<1x64xf32, #tpu.memory_space<hbm>>) target_semaphore(%arg12 : memref<!tpu.dma_semaphore, #tpu.memory_space<semaphore_mem>>)
        %slice3A_806 = vector.extract_strided_slice %and3A_352 {offsets = [6], sizes = [1], strides = [1]} : vector<16xi32> to vector<1xi32>
        %squeeze3A_807 = vector.extract %slice3A_806[0] : i32 from vector<1xi32>
        %dma_start3A_808 = arith.constant 6 : i32
        %dma_start3A_809 = arith.constant 0 : i32
        %dma_start3A_810 = tpu.memref_slice %arg9[%dma_start3A_808, %dma_start3A_809] : memref<16x64xf32, #tpu.memory_space<vmem>> -> memref<1x64xf32, #tpu.memory_space<vmem>>
        %dma_start3A_811 = arith.constant 0 : i32
        %dma_start3A_812 = tpu.memref_slice %arg5[%squeeze3A_807, %dma_start3A_811] : memref<16384x64xf32, #tpu.memory_space<hbm>> -> memref<1x64xf32, #tpu.memory_space<hbm>>
        %dma_start3A_813 = arith.constant 0 : i32
        %dma_start3A_814 = tpu.memref_slice %arg5[%squeeze3A_807, %dma_start3A_813] : memref<16384x64xf32, #tpu.memory_space<hbm>> -> memref<1x64xf32, #tpu.memory_space<hbm>>
        %dma_start3A_815 = arith.constant 6 : i32
        %dma_start3A_816 = arith.constant 0 : i32
        %dma_start3A_817 = tpu.memref_slice %arg9[%dma_start3A_815, %dma_start3A_816] : memref<16x64xf32, #tpu.memory_space<vmem>> -> memref<1x64xf32, #tpu.memory_space<vmem>>
        tpu.enqueue_dma source(%dma_start3A_817 : memref<1x64xf32, #tpu.memory_space<vmem>>) target(%dma_start3A_814 : memref<1x64xf32, #tpu.memory_space<hbm>>) target_semaphore(%arg12 : memref<!tpu.dma_semaphore, #tpu.memory_space<semaphore_mem>>)
        %slice3A_818 = vector.extract_strided_slice %and3A_352 {offsets = [7], sizes = [1], strides = [1]} : vector<16xi32> to vector<1xi32>
        %squeeze3A_819 = vector.extract %slice3A_818[0] : i32 from vector<1xi32>
        %dma_start3A_820 = arith.constant 7 : i32
        %dma_start3A_821 = arith.constant 0 : i32
        %dma_start3A_822 = tpu.memref_slice %arg9[%dma_start3A_820, %dma_start3A_821] : memref<16x64xf32, #tpu.memory_space<vmem>> -> memref<1x64xf32, #tpu.memory_space<vmem>>
        %dma_start3A_823 = arith.constant 0 : i32
        %dma_start3A_824 = tpu.memref_slice %arg5[%squeeze3A_819, %dma_start3A_823] : memref<16384x64xf32, #tpu.memory_space<hbm>> -> memref<1x64xf32, #tpu.memory_space<hbm>>
        %dma_start3A_825 = arith.constant 0 : i32
        %dma_start3A_826 = tpu.memref_slice %arg5[%squeeze3A_819, %dma_start3A_825] : memref<16384x64xf32, #tpu.memory_space<hbm>> -> memref<1x64xf32, #tpu.memory_space<hbm>>
        %dma_start3A_827 = arith.constant 7 : i32
        %dma_start3A_828 = arith.constant 0 : i32
        %dma_start3A_829 = tpu.memref_slice %arg9[%dma_start3A_827, %dma_start3A_828] : memref<16x64xf32, #tpu.memory_space<vmem>> -> memref<1x64xf32, #tpu.memory_space<vmem>>
        tpu.enqueue_dma source(%dma_start3A_829 : memref<1x64xf32, #tpu.memory_space<vmem>>) target(%dma_start3A_826 : memref<1x64xf32, #tpu.memory_space<hbm>>) target_semaphore(%arg12 : memref<!tpu.dma_semaphore, #tpu.memory_space<semaphore_mem>>)
        %slice3A_830 = vector.extract_strided_slice %and3A_352 {offsets = [8], sizes = [1], strides = [1]} : vector<16xi32> to vector<1xi32>
        %squeeze3A_831 = vector.extract %slice3A_830[0] : i32 from vector<1xi32>
        %dma_start3A_832 = arith.constant 8 : i32
        %dma_start3A_833 = arith.constant 0 : i32
        %dma_start3A_834 = tpu.memref_slice %arg9[%dma_start3A_832, %dma_start3A_833] : memref<16x64xf32, #tpu.memory_space<vmem>> -> memref<1x64xf32, #tpu.memory_space<vmem>>
        %dma_start3A_835 = arith.constant 0 : i32
        %dma_start3A_836 = tpu.memref_slice %arg5[%squeeze3A_831, %dma_start3A_835] : memref<16384x64xf32, #tpu.memory_space<hbm>> -> memref<1x64xf32, #tpu.memory_space<hbm>>
        %dma_start3A_837 = arith.constant 0 : i32
        %dma_start3A_838 = tpu.memref_slice %arg5[%squeeze3A_831, %dma_start3A_837] : memref<16384x64xf32, #tpu.memory_space<hbm>> -> memref<1x64xf32, #tpu.memory_space<hbm>>
        %dma_start3A_839 = arith.constant 8 : i32
        %dma_start3A_840 = arith.constant 0 : i32
        %dma_start3A_841 = tpu.memref_slice %arg9[%dma_start3A_839, %dma_start3A_840] : memref<16x64xf32, #tpu.memory_space<vmem>> -> memref<1x64xf32, #tpu.memory_space<vmem>>
        tpu.enqueue_dma source(%dma_start3A_841 : memref<1x64xf32, #tpu.memory_space<vmem>>) target(%dma_start3A_838 : memref<1x64xf32, #tpu.memory_space<hbm>>) target_semaphore(%arg12 : memref<!tpu.dma_semaphore, #tpu.memory_space<semaphore_mem>>)
        %slice3A_842 = vector.extract_strided_slice %and3A_352 {offsets = [9], sizes = [1], strides = [1]} : vector<16xi32> to vector<1xi32>
        %squeeze3A_843 = vector.extract %slice3A_842[0] : i32 from vector<1xi32>
        %dma_start3A_844 = arith.constant 9 : i32
        %dma_start3A_845 = arith.constant 0 : i32
        %dma_start3A_846 = tpu.memref_slice %arg9[%dma_start3A_844, %dma_start3A_845] : memref<16x64xf32, #tpu.memory_space<vmem>> -> memref<1x64xf32, #tpu.memory_space<vmem>>
        %dma_start3A_847 = arith.constant 0 : i32
        %dma_start3A_848 = tpu.memref_slice %arg5[%squeeze3A_843, %dma_start3A_847] : memref<16384x64xf32, #tpu.memory_space<hbm>> -> memref<1x64xf32, #tpu.memory_space<hbm>>
        %dma_start3A_849 = arith.constant 0 : i32
        %dma_start3A_850 = tpu.memref_slice %arg5[%squeeze3A_843, %dma_start3A_849] : memref<16384x64xf32, #tpu.memory_space<hbm>> -> memref<1x64xf32, #tpu.memory_space<hbm>>
        %dma_start3A_851 = arith.constant 9 : i32
        %dma_start3A_852 = arith.constant 0 : i32
        %dma_start3A_853 = tpu.memref_slice %arg9[%dma_start3A_851, %dma_start3A_852] : memref<16x64xf32, #tpu.memory_space<vmem>> -> memref<1x64xf32, #tpu.memory_space<vmem>>
        tpu.enqueue_dma source(%dma_start3A_853 : memref<1x64xf32, #tpu.memory_space<vmem>>) target(%dma_start3A_850 : memref<1x64xf32, #tpu.memory_space<hbm>>) target_semaphore(%arg12 : memref<!tpu.dma_semaphore, #tpu.memory_space<semaphore_mem>>)
        %slice3A_854 = vector.extract_strided_slice %and3A_352 {offsets = [10], sizes = [1], strides = [1]} : vector<16xi32> to vector<1xi32>
        %squeeze3A_855 = vector.extract %slice3A_854[0] : i32 from vector<1xi32>
        %dma_start3A_856 = arith.constant 10 : i32
        %dma_start3A_857 = arith.constant 0 : i32
        %dma_start3A_858 = tpu.memref_slice %arg9[%dma_start3A_856, %dma_start3A_857] : memref<16x64xf32, #tpu.memory_space<vmem>> -> memref<1x64xf32, #tpu.memory_space<vmem>>
        %dma_start3A_859 = arith.constant 0 : i32
        %dma_start3A_860 = tpu.memref_slice %arg5[%squeeze3A_855, %dma_start3A_859] : memref<16384x64xf32, #tpu.memory_space<hbm>> -> memref<1x64xf32, #tpu.memory_space<hbm>>
        %dma_start3A_861 = arith.constant 0 : i32
        %dma_start3A_862 = tpu.memref_slice %arg5[%squeeze3A_855, %dma_start3A_861] : memref<16384x64xf32, #tpu.memory_space<hbm>> -> memref<1x64xf32, #tpu.memory_space<hbm>>
        %dma_start3A_863 = arith.constant 10 : i32
        %dma_start3A_864 = arith.constant 0 : i32
        %dma_start3A_865 = tpu.memref_slice %arg9[%dma_start3A_863, %dma_start3A_864] : memref<16x64xf32, #tpu.memory_space<vmem>> -> memref<1x64xf32, #tpu.memory_space<vmem>>
        tpu.enqueue_dma source(%dma_start3A_865 : memref<1x64xf32, #tpu.memory_space<vmem>>) target(%dma_start3A_862 : memref<1x64xf32, #tpu.memory_space<hbm>>) target_semaphore(%arg12 : memref<!tpu.dma_semaphore, #tpu.memory_space<semaphore_mem>>)
        %slice3A_866 = vector.extract_strided_slice %and3A_352 {offsets = [11], sizes = [1], strides = [1]} : vector<16xi32> to vector<1xi32>
        %squeeze3A_867 = vector.extract %slice3A_866[0] : i32 from vector<1xi32>
        %dma_start3A_868 = arith.constant 11 : i32
        %dma_start3A_869 = arith.constant 0 : i32
        %dma_start3A_870 = tpu.memref_slice %arg9[%dma_start3A_868, %dma_start3A_869] : memref<16x64xf32, #tpu.memory_space<vmem>> -> memref<1x64xf32, #tpu.memory_space<vmem>>
        %dma_start3A_871 = arith.constant 0 : i32
        %dma_start3A_872 = tpu.memref_slice %arg5[%squeeze3A_867, %dma_start3A_871] : memref<16384x64xf32, #tpu.memory_space<hbm>> -> memref<1x64xf32, #tpu.memory_space<hbm>>
        %dma_start3A_873 = arith.constant 0 : i32
        %dma_start3A_874 = tpu.memref_slice %arg5[%squeeze3A_867, %dma_start3A_873] : memref<16384x64xf32, #tpu.memory_space<hbm>> -> memref<1x64xf32, #tpu.memory_space<hbm>>
        %dma_start3A_875 = arith.constant 11 : i32
        %dma_start3A_876 = arith.constant 0 : i32
        %dma_start3A_877 = tpu.memref_slice %arg9[%dma_start3A_875, %dma_start3A_876] : memref<16x64xf32, #tpu.memory_space<vmem>> -> memref<1x64xf32, #tpu.memory_space<vmem>>
        tpu.enqueue_dma source(%dma_start3A_877 : memref<1x64xf32, #tpu.memory_space<vmem>>) target(%dma_start3A_874 : memref<1x64xf32, #tpu.memory_space<hbm>>) target_semaphore(%arg12 : memref<!tpu.dma_semaphore, #tpu.memory_space<semaphore_mem>>)
        %slice3A_878 = vector.extract_strided_slice %and3A_352 {offsets = [12], sizes = [1], strides = [1]} : vector<16xi32> to vector<1xi32>
        %squeeze3A_879 = vector.extract %slice3A_878[0] : i32 from vector<1xi32>
        %dma_start3A_880 = arith.constant 12 : i32
        %dma_start3A_881 = arith.constant 0 : i32
        %dma_start3A_882 = tpu.memref_slice %arg9[%dma_start3A_880, %dma_start3A_881] : memref<16x64xf32, #tpu.memory_space<vmem>> -> memref<1x64xf32, #tpu.memory_space<vmem>>
        %dma_start3A_883 = arith.constant 0 : i32
        %dma_start3A_884 = tpu.memref_slice %arg5[%squeeze3A_879, %dma_start3A_883] : memref<16384x64xf32, #tpu.memory_space<hbm>> -> memref<1x64xf32, #tpu.memory_space<hbm>>
        %dma_start3A_885 = arith.constant 0 : i32
        %dma_start3A_886 = tpu.memref_slice %arg5[%squeeze3A_879, %dma_start3A_885] : memref<16384x64xf32, #tpu.memory_space<hbm>> -> memref<1x64xf32, #tpu.memory_space<hbm>>
        %dma_start3A_887 = arith.constant 12 : i32
        %dma_start3A_888 = arith.constant 0 : i32
        %dma_start3A_889 = tpu.memref_slice %arg9[%dma_start3A_887, %dma_start3A_888] : memref<16x64xf32, #tpu.memory_space<vmem>> -> memref<1x64xf32, #tpu.memory_space<vmem>>
        tpu.enqueue_dma source(%dma_start3A_889 : memref<1x64xf32, #tpu.memory_space<vmem>>) target(%dma_start3A_886 : memref<1x64xf32, #tpu.memory_space<hbm>>) target_semaphore(%arg12 : memref<!tpu.dma_semaphore, #tpu.memory_space<semaphore_mem>>)
        %slice3A_890 = vector.extract_strided_slice %and3A_352 {offsets = [13], sizes = [1], strides = [1]} : vector<16xi32> to vector<1xi32>
        %squeeze3A_891 = vector.extract %slice3A_890[0] : i32 from vector<1xi32>
        %dma_start3A_892 = arith.constant 13 : i32
        %dma_start3A_893 = arith.constant 0 : i32
        %dma_start3A_894 = tpu.memref_slice %arg9[%dma_start3A_892, %dma_start3A_893] : memref<16x64xf32, #tpu.memory_space<vmem>> -> memref<1x64xf32, #tpu.memory_space<vmem>>
        %dma_start3A_895 = arith.constant 0 : i32
        %dma_start3A_896 = tpu.memref_slice %arg5[%squeeze3A_891, %dma_start3A_895] : memref<16384x64xf32, #tpu.memory_space<hbm>> -> memref<1x64xf32, #tpu.memory_space<hbm>>
        %dma_start3A_897 = arith.constant 0 : i32
        %dma_start3A_898 = tpu.memref_slice %arg5[%squeeze3A_891, %dma_start3A_897] : memref<16384x64xf32, #tpu.memory_space<hbm>> -> memref<1x64xf32, #tpu.memory_space<hbm>>
        %dma_start3A_899 = arith.constant 13 : i32
        %dma_start3A_900 = arith.constant 0 : i32
        %dma_start3A_901 = tpu.memref_slice %arg9[%dma_start3A_899, %dma_start3A_900] : memref<16x64xf32, #tpu.memory_space<vmem>> -> memref<1x64xf32, #tpu.memory_space<vmem>>
        tpu.enqueue_dma source(%dma_start3A_901 : memref<1x64xf32, #tpu.memory_space<vmem>>) target(%dma_start3A_898 : memref<1x64xf32, #tpu.memory_space<hbm>>) target_semaphore(%arg12 : memref<!tpu.dma_semaphore, #tpu.memory_space<semaphore_mem>>)
        %slice3A_902 = vector.extract_strided_slice %and3A_352 {offsets = [14], sizes = [1], strides = [1]} : vector<16xi32> to vector<1xi32>
        %squeeze3A_903 = vector.extract %slice3A_902[0] : i32 from vector<1xi32>
        %dma_start3A_904 = arith.constant 14 : i32
        %dma_start3A_905 = arith.constant 0 : i32
        %dma_start3A_906 = tpu.memref_slice %arg9[%dma_start3A_904, %dma_start3A_905] : memref<16x64xf32, #tpu.memory_space<vmem>> -> memref<1x64xf32, #tpu.memory_space<vmem>>
        %dma_start3A_907 = arith.constant 0 : i32
        %dma_start3A_908 = tpu.memref_slice %arg5[%squeeze3A_903, %dma_start3A_907] : memref<16384x64xf32, #tpu.memory_space<hbm>> -> memref<1x64xf32, #tpu.memory_space<hbm>>
        %dma_start3A_909 = arith.constant 0 : i32
        %dma_start3A_910 = tpu.memref_slice %arg5[%squeeze3A_903, %dma_start3A_909] : memref<16384x64xf32, #tpu.memory_space<hbm>> -> memref<1x64xf32, #tpu.memory_space<hbm>>
        %dma_start3A_911 = arith.constant 14 : i32
        %dma_start3A_912 = arith.constant 0 : i32
        %dma_start3A_913 = tpu.memref_slice %arg9[%dma_start3A_911, %dma_start3A_912] : memref<16x64xf32, #tpu.memory_space<vmem>> -> memref<1x64xf32, #tpu.memory_space<vmem>>
        tpu.enqueue_dma source(%dma_start3A_913 : memref<1x64xf32, #tpu.memory_space<vmem>>) target(%dma_start3A_910 : memref<1x64xf32, #tpu.memory_space<hbm>>) target_semaphore(%arg12 : memref<!tpu.dma_semaphore, #tpu.memory_space<semaphore_mem>>)
        %slice3A_914 = vector.extract_strided_slice %and3A_352 {offsets = [15], sizes = [1], strides = [1]} : vector<16xi32> to vector<1xi32>
        %squeeze3A_915 = vector.extract %slice3A_914[0] : i32 from vector<1xi32>
        %dma_start3A_916 = arith.constant 15 : i32
        %dma_start3A_917 = arith.constant 0 : i32
        %dma_start3A_918 = tpu.memref_slice %arg9[%dma_start3A_916, %dma_start3A_917] : memref<16x64xf32, #tpu.memory_space<vmem>> -> memref<1x64xf32, #tpu.memory_space<vmem>>
        %dma_start3A_919 = arith.constant 0 : i32
        %dma_start3A_920 = tpu.memref_slice %arg5[%squeeze3A_915, %dma_start3A_919] : memref<16384x64xf32, #tpu.memory_space<hbm>> -> memref<1x64xf32, #tpu.memory_space<hbm>>
        %dma_start3A_921 = arith.constant 0 : i32
        %dma_start3A_922 = tpu.memref_slice %arg5[%squeeze3A_915, %dma_start3A_921] : memref<16384x64xf32, #tpu.memory_space<hbm>> -> memref<1x64xf32, #tpu.memory_space<hbm>>
        %dma_start3A_923 = arith.constant 15 : i32
        %dma_start3A_924 = arith.constant 0 : i32
        %dma_start3A_925 = tpu.memref_slice %arg9[%dma_start3A_923, %dma_start3A_924] : memref<16x64xf32, #tpu.memory_space<vmem>> -> memref<1x64xf32, #tpu.memory_space<vmem>>
        tpu.enqueue_dma source(%dma_start3A_925 : memref<1x64xf32, #tpu.memory_space<vmem>>) target(%dma_start3A_922 : memref<1x64xf32, #tpu.memory_space<hbm>>) target_semaphore(%arg12 : memref<!tpu.dma_semaphore, #tpu.memory_space<semaphore_mem>>)
        %dma_wait3A_926 = arith.constant 0 : i32
        %dma_wait3A_927 = arith.constant 0 : i32
        %dma_wait3A_928 = tpu.memref_slice %arg9[%dma_wait3A_926, %dma_wait3A_927] : memref<16x64xf32, #tpu.memory_space<vmem>> -> memref<1x64xf32, #tpu.memory_space<vmem>>
        %dma_wait3A_929 = arith.constant 0 : i32
        %dma_wait3A_930 = arith.constant 0 : i32
        %dma_wait3A_931 = tpu.memref_slice %arg5[%dma_wait3A_929, %dma_wait3A_930] : memref<16384x64xf32, #tpu.memory_space<hbm>> -> memref<1x64xf32, #tpu.memory_space<hbm>>
        %dma_wait3A_932 = arith.constant 0 : i32
        %dma_wait3A_933 = arith.constant 0 : i32
        %dma_wait3A_934 = tpu.memref_slice %arg5[%dma_wait3A_932, %dma_wait3A_933] : memref<16384x64xf32, #tpu.memory_space<hbm>> -> memref<1x64xf32, #tpu.memory_space<hbm>>
        %dma_wait3A_935 = arith.constant 0 : i32
        %dma_wait3A_936 = arith.constant 0 : i32
        %dma_wait3A_937 = tpu.memref_slice %arg9[%dma_wait3A_935, %dma_wait3A_936] : memref<16x64xf32, #tpu.memory_space<vmem>> -> memref<1x64xf32, #tpu.memory_space<vmem>>
        tpu.wait_dma2 semaphore(%arg12 : memref<!tpu.dma_semaphore, #tpu.memory_space<semaphore_mem>>) src(%dma_wait3A_937 : memref<1x64xf32, #tpu.memory_space<vmem>>) dst(%dma_wait3A_934 : memref<1x64xf32, #tpu.memory_space<hbm>>)
        %dma_wait3A_938 = arith.constant 0 : i32
        %dma_wait3A_939 = arith.constant 0 : i32
        %dma_wait3A_940 = tpu.memref_slice %arg9[%dma_wait3A_938, %dma_wait3A_939] : memref<16x64xf32, #tpu.memory_space<vmem>> -> memref<1x64xf32, #tpu.memory_space<vmem>>
        %dma_wait3A_941 = arith.constant 0 : i32
        %dma_wait3A_942 = arith.constant 0 : i32
        %dma_wait3A_943 = tpu.memref_slice %arg5[%dma_wait3A_941, %dma_wait3A_942] : memref<16384x64xf32, #tpu.memory_space<hbm>> -> memref<1x64xf32, #tpu.memory_space<hbm>>
        %dma_wait3A_944 = arith.constant 0 : i32
        %dma_wait3A_945 = arith.constant 0 : i32
        %dma_wait3A_946 = tpu.memref_slice %arg5[%dma_wait3A_944, %dma_wait3A_945] : memref<16384x64xf32, #tpu.memory_space<hbm>> -> memref<1x64xf32, #tpu.memory_space<hbm>>
        %dma_wait3A_947 = arith.constant 0 : i32
        %dma_wait3A_948 = arith.constant 0 : i32
        %dma_wait3A_949 = tpu.memref_slice %arg9[%dma_wait3A_947, %dma_wait3A_948] : memref<16x64xf32, #tpu.memory_space<vmem>> -> memref<1x64xf32, #tpu.memory_space<vmem>>
        tpu.wait_dma2 semaphore(%arg12 : memref<!tpu.dma_semaphore, #tpu.memory_space<semaphore_mem>>) src(%dma_wait3A_949 : memref<1x64xf32, #tpu.memory_space<vmem>>) dst(%dma_wait3A_946 : memref<1x64xf32, #tpu.memory_space<hbm>>)
        %dma_wait3A_950 = arith.constant 0 : i32
        %dma_wait3A_951 = arith.constant 0 : i32
        %dma_wait3A_952 = tpu.memref_slice %arg9[%dma_wait3A_950, %dma_wait3A_951] : memref<16x64xf32, #tpu.memory_space<vmem>> -> memref<1x64xf32, #tpu.memory_space<vmem>>
        %dma_wait3A_953 = arith.constant 0 : i32
        %dma_wait3A_954 = arith.constant 0 : i32
        %dma_wait3A_955 = tpu.memref_slice %arg5[%dma_wait3A_953, %dma_wait3A_954] : memref<16384x64xf32, #tpu.memory_space<hbm>> -> memref<1x64xf32, #tpu.memory_space<hbm>>
        %dma_wait3A_956 = arith.constant 0 : i32
        %dma_wait3A_957 = arith.constant 0 : i32
        %dma_wait3A_958 = tpu.memref_slice %arg5[%dma_wait3A_956, %dma_wait3A_957] : memref<16384x64xf32, #tpu.memory_space<hbm>> -> memref<1x64xf32, #tpu.memory_space<hbm>>
        %dma_wait3A_959 = arith.constant 0 : i32
        %dma_wait3A_960 = arith.constant 0 : i32
        %dma_wait3A_961 = tpu.memref_slice %arg9[%dma_wait3A_959, %dma_wait3A_960] : memref<16x64xf32, #tpu.memory_space<vmem>> -> memref<1x64xf32, #tpu.memory_space<vmem>>
        tpu.wait_dma2 semaphore(%arg12 : memref<!tpu.dma_semaphore, #tpu.memory_space<semaphore_mem>>) src(%dma_wait3A_961 : memref<1x64xf32, #tpu.memory_space<vmem>>) dst(%dma_wait3A_958 : memref<1x64xf32, #tpu.memory_space<hbm>>)
        %dma_wait3A_962 = arith.constant 0 : i32
        %dma_wait3A_963 = arith.constant 0 : i32
        %dma_wait3A_964 = tpu.memref_slice %arg9[%dma_wait3A_962, %dma_wait3A_963] : memref<16x64xf32, #tpu.memory_space<vmem>> -> memref<1x64xf32, #tpu.memory_space<vmem>>
        %dma_wait3A_965 = arith.constant 0 : i32
        %dma_wait3A_966 = arith.constant 0 : i32
        %dma_wait3A_967 = tpu.memref_slice %arg5[%dma_wait3A_965, %dma_wait3A_966] : memref<16384x64xf32, #tpu.memory_space<hbm>> -> memref<1x64xf32, #tpu.memory_space<hbm>>
        %dma_wait3A_968 = arith.constant 0 : i32
        %dma_wait3A_969 = arith.constant 0 : i32
        %dma_wait3A_970 = tpu.memref_slice %arg5[%dma_wait3A_968, %dma_wait3A_969] : memref<16384x64xf32, #tpu.memory_space<hbm>> -> memref<1x64xf32, #tpu.memory_space<hbm>>
        %dma_wait3A_971 = arith.constant 0 : i32
        %dma_wait3A_972 = arith.constant 0 : i32
        %dma_wait3A_973 = tpu.memref_slice %arg9[%dma_wait3A_971, %dma_wait3A_972] : memref<16x64xf32, #tpu.memory_space<vmem>> -> memref<1x64xf32, #tpu.memory_space<vmem>>
        tpu.wait_dma2 semaphore(%arg12 : memref<!tpu.dma_semaphore, #tpu.memory_space<semaphore_mem>>) src(%dma_wait3A_973 : memref<1x64xf32, #tpu.memory_space<vmem>>) dst(%dma_wait3A_970 : memref<1x64xf32, #tpu.memory_space<hbm>>)
        %dma_wait3A_974 = arith.constant 0 : i32
        %dma_wait3A_975 = arith.constant 0 : i32
        %dma_wait3A_976 = tpu.memref_slice %arg9[%dma_wait3A_974, %dma_wait3A_975] : memref<16x64xf32, #tpu.memory_space<vmem>> -> memref<1x64xf32, #tpu.memory_space<vmem>>
        %dma_wait3A_977 = arith.constant 0 : i32
        %dma_wait3A_978 = arith.constant 0 : i32
        %dma_wait3A_979 = tpu.memref_slice %arg5[%dma_wait3A_977, %dma_wait3A_978] : memref<16384x64xf32, #tpu.memory_space<hbm>> -> memref<1x64xf32, #tpu.memory_space<hbm>>
        %dma_wait3A_980 = arith.constant 0 : i32
        %dma_wait3A_981 = arith.constant 0 : i32
        %dma_wait3A_982 = tpu.memref_slice %arg5[%dma_wait3A_980, %dma_wait3A_981] : memref<16384x64xf32, #tpu.memory_space<hbm>> -> memref<1x64xf32, #tpu.memory_space<hbm>>
        %dma_wait3A_983 = arith.constant 0 : i32
        %dma_wait3A_984 = arith.constant 0 : i32
        %dma_wait3A_985 = tpu.memref_slice %arg9[%dma_wait3A_983, %dma_wait3A_984] : memref<16x64xf32, #tpu.memory_space<vmem>> -> memref<1x64xf32, #tpu.memory_space<vmem>>
        tpu.wait_dma2 semaphore(%arg12 : memref<!tpu.dma_semaphore, #tpu.memory_space<semaphore_mem>>) src(%dma_wait3A_985 : memref<1x64xf32, #tpu.memory_space<vmem>>) dst(%dma_wait3A_982 : memref<1x64xf32, #tpu.memory_space<hbm>>)
        %dma_wait3A_986 = arith.constant 0 : i32
        %dma_wait3A_987 = arith.constant 0 : i32
        %dma_wait3A_988 = tpu.memref_slice %arg9[%dma_wait3A_986, %dma_wait3A_987] : memref<16x64xf32, #tpu.memory_space<vmem>> -> memref<1x64xf32, #tpu.memory_space<vmem>>
        %dma_wait3A_989 = arith.constant 0 : i32
        %dma_wait3A_990 = arith.constant 0 : i32
        %dma_wait3A_991 = tpu.memref_slice %arg5[%dma_wait3A_989, %dma_wait3A_990] : memref<16384x64xf32, #tpu.memory_space<hbm>> -> memref<1x64xf32, #tpu.memory_space<hbm>>
        %dma_wait3A_992 = arith.constant 0 : i32
        %dma_wait3A_993 = arith.constant 0 : i32
        %dma_wait3A_994 = tpu.memref_slice %arg5[%dma_wait3A_992, %dma_wait3A_993] : memref<16384x64xf32, #tpu.memory_space<hbm>> -> memref<1x64xf32, #tpu.memory_space<hbm>>
        %dma_wait3A_995 = arith.constant 0 : i32
        %dma_wait3A_996 = arith.constant 0 : i32
        %dma_wait3A_997 = tpu.memref_slice %arg9[%dma_wait3A_995, %dma_wait3A_996] : memref<16x64xf32, #tpu.memory_space<vmem>> -> memref<1x64xf32, #tpu.memory_space<vmem>>
        tpu.wait_dma2 semaphore(%arg12 : memref<!tpu.dma_semaphore, #tpu.memory_space<semaphore_mem>>) src(%dma_wait3A_997 : memref<1x64xf32, #tpu.memory_space<vmem>>) dst(%dma_wait3A_994 : memref<1x64xf32, #tpu.memory_space<hbm>>)
        %dma_wait3A_998 = arith.constant 0 : i32
        %dma_wait3A_999 = arith.constant 0 : i32
        %dma_wait3A_1000 = tpu.memref_slice %arg9[%dma_wait3A_998, %dma_wait3A_999] : memref<16x64xf32, #tpu.memory_space<vmem>> -> memref<1x64xf32, #tpu.memory_space<vmem>>
        %dma_wait3A_1001 = arith.constant 0 : i32
        %dma_wait3A_1002 = arith.constant 0 : i32
        %dma_wait3A_1003 = tpu.memref_slice %arg5[%dma_wait3A_1001, %dma_wait3A_1002] : memref<16384x64xf32, #tpu.memory_space<hbm>> -> memref<1x64xf32, #tpu.memory_space<hbm>>
        %dma_wait3A_1004 = arith.constant 0 : i32
        %dma_wait3A_1005 = arith.constant 0 : i32
        %dma_wait3A_1006 = tpu.memref_slice %arg5[%dma_wait3A_1004, %dma_wait3A_1005] : memref<16384x64xf32, #tpu.memory_space<hbm>> -> memref<1x64xf32, #tpu.memory_space<hbm>>
        %dma_wait3A_1007 = arith.constant 0 : i32
        %dma_wait3A_1008 = arith.constant 0 : i32
        %dma_wait3A_1009 = tpu.memref_slice %arg9[%dma_wait3A_1007, %dma_wait3A_1008] : memref<16x64xf32, #tpu.memory_space<vmem>> -> memref<1x64xf32, #tpu.memory_space<vmem>>
        tpu.wait_dma2 semaphore(%arg12 : memref<!tpu.dma_semaphore, #tpu.memory_space<semaphore_mem>>) src(%dma_wait3A_1009 : memref<1x64xf32, #tpu.memory_space<vmem>>) dst(%dma_wait3A_1006 : memref<1x64xf32, #tpu.memory_space<hbm>>)
        %dma_wait3A_1010 = arith.constant 0 : i32
        %dma_wait3A_1011 = arith.constant 0 : i32
        %dma_wait3A_1012 = tpu.memref_slice %arg9[%dma_wait3A_1010, %dma_wait3A_1011] : memref<16x64xf32, #tpu.memory_space<vmem>> -> memref<1x64xf32, #tpu.memory_space<vmem>>
        %dma_wait3A_1013 = arith.constant 0 : i32
        %dma_wait3A_1014 = arith.constant 0 : i32
        %dma_wait3A_1015 = tpu.memref_slice %arg5[%dma_wait3A_1013, %dma_wait3A_1014] : memref<16384x64xf32, #tpu.memory_space<hbm>> -> memref<1x64xf32, #tpu.memory_space<hbm>>
        %dma_wait3A_1016 = arith.constant 0 : i32
        %dma_wait3A_1017 = arith.constant 0 : i32
        %dma_wait3A_1018 = tpu.memref_slice %arg5[%dma_wait3A_1016, %dma_wait3A_1017] : memref<16384x64xf32, #tpu.memory_space<hbm>> -> memref<1x64xf32, #tpu.memory_space<hbm>>
        %dma_wait3A_1019 = arith.constant 0 : i32
        %dma_wait3A_1020 = arith.constant 0 : i32
        %dma_wait3A_1021 = tpu.memref_slice %arg9[%dma_wait3A_1019, %dma_wait3A_1020] : memref<16x64xf32, #tpu.memory_space<vmem>> -> memref<1x64xf32, #tpu.memory_space<vmem>>
        tpu.wait_dma2 semaphore(%arg12 : memref<!tpu.dma_semaphore, #tpu.memory_space<semaphore_mem>>) src(%dma_wait3A_1021 : memref<1x64xf32, #tpu.memory_space<vmem>>) dst(%dma_wait3A_1018 : memref<1x64xf32, #tpu.memory_space<hbm>>)
        %dma_wait3A_1022 = arith.constant 0 : i32
        %dma_wait3A_1023 = arith.constant 0 : i32
        %dma_wait3A_1024 = tpu.memref_slice %arg9[%dma_wait3A_1022, %dma_wait3A_1023] : memref<16x64xf32, #tpu.memory_space<vmem>> -> memref<1x64xf32, #tpu.memory_space<vmem>>
        %dma_wait3A_1025 = arith.constant 0 : i32
        %dma_wait3A_1026 = arith.constant 0 : i32
        %dma_wait3A_1027 = tpu.memref_slice %arg5[%dma_wait3A_1025, %dma_wait3A_1026] : memref<16384x64xf32, #tpu.memory_space<hbm>> -> memref<1x64xf32, #tpu.memory_space<hbm>>
        %dma_wait3A_1028 = arith.constant 0 : i32
        %dma_wait3A_1029 = arith.constant 0 : i32
        %dma_wait3A_1030 = tpu.memref_slice %arg5[%dma_wait3A_1028, %dma_wait3A_1029] : memref<16384x64xf32, #tpu.memory_space<hbm>> -> memref<1x64xf32, #tpu.memory_space<hbm>>
        %dma_wait3A_1031 = arith.constant 0 : i32
        %dma_wait3A_1032 = arith.constant 0 : i32
        %dma_wait3A_1033 = tpu.memref_slice %arg9[%dma_wait3A_1031, %dma_wait3A_1032] : memref<16x64xf32, #tpu.memory_space<vmem>> -> memref<1x64xf32, #tpu.memory_space<vmem>>
        tpu.wait_dma2 semaphore(%arg12 : memref<!tpu.dma_semaphore, #tpu.memory_space<semaphore_mem>>) src(%dma_wait3A_1033 : memref<1x64xf32, #tpu.memory_space<vmem>>) dst(%dma_wait3A_1030 : memref<1x64xf32, #tpu.memory_space<hbm>>)
        %dma_wait3A_1034 = arith.constant 0 : i32
        %dma_wait3A_1035 = arith.constant 0 : i32
        %dma_wait3A_1036 = tpu.memref_slice %arg9[%dma_wait3A_1034, %dma_wait3A_1035] : memref<16x64xf32, #tpu.memory_space<vmem>> -> memref<1x64xf32, #tpu.memory_space<vmem>>
        %dma_wait3A_1037 = arith.constant 0 : i32
        %dma_wait3A_1038 = arith.constant 0 : i32
        %dma_wait3A_1039 = tpu.memref_slice %arg5[%dma_wait3A_1037, %dma_wait3A_1038] : memref<16384x64xf32, #tpu.memory_space<hbm>> -> memref<1x64xf32, #tpu.memory_space<hbm>>
        %dma_wait3A_1040 = arith.constant 0 : i32
        %dma_wait3A_1041 = arith.constant 0 : i32
        %dma_wait3A_1042 = tpu.memref_slice %arg5[%dma_wait3A_1040, %dma_wait3A_1041] : memref<16384x64xf32, #tpu.memory_space<hbm>> -> memref<1x64xf32, #tpu.memory_space<hbm>>
        %dma_wait3A_1043 = arith.constant 0 : i32
        %dma_wait3A_1044 = arith.constant 0 : i32
        %dma_wait3A_1045 = tpu.memref_slice %arg9[%dma_wait3A_1043, %dma_wait3A_1044] : memref<16x64xf32, #tpu.memory_space<vmem>> -> memref<1x64xf32, #tpu.memory_space<vmem>>
        tpu.wait_dma2 semaphore(%arg12 : memref<!tpu.dma_semaphore, #tpu.memory_space<semaphore_mem>>) src(%dma_wait3A_1045 : memref<1x64xf32, #tpu.memory_space<vmem>>) dst(%dma_wait3A_1042 : memref<1x64xf32, #tpu.memory_space<hbm>>)
        %dma_wait3A_1046 = arith.constant 0 : i32
        %dma_wait3A_1047 = arith.constant 0 : i32
        %dma_wait3A_1048 = tpu.memref_slice %arg9[%dma_wait3A_1046, %dma_wait3A_1047] : memref<16x64xf32, #tpu.memory_space<vmem>> -> memref<1x64xf32, #tpu.memory_space<vmem>>
        %dma_wait3A_1049 = arith.constant 0 : i32
        %dma_wait3A_1050 = arith.constant 0 : i32
        %dma_wait3A_1051 = tpu.memref_slice %arg5[%dma_wait3A_1049, %dma_wait3A_1050] : memref<16384x64xf32, #tpu.memory_space<hbm>> -> memref<1x64xf32, #tpu.memory_space<hbm>>
        %dma_wait3A_1052 = arith.constant 0 : i32
        %dma_wait3A_1053 = arith.constant 0 : i32
        %dma_wait3A_1054 = tpu.memref_slice %arg5[%dma_wait3A_1052, %dma_wait3A_1053] : memref<16384x64xf32, #tpu.memory_space<hbm>> -> memref<1x64xf32, #tpu.memory_space<hbm>>
        %dma_wait3A_1055 = arith.constant 0 : i32
        %dma_wait3A_1056 = arith.constant 0 : i32
        %dma_wait3A_1057 = tpu.memref_slice %arg9[%dma_wait3A_1055, %dma_wait3A_1056] : memref<16x64xf32, #tpu.memory_space<vmem>> -> memref<1x64xf32, #tpu.memory_space<vmem>>
        tpu.wait_dma2 semaphore(%arg12 : memref<!tpu.dma_semaphore, #tpu.memory_space<semaphore_mem>>) src(%dma_wait3A_1057 : memref<1x64xf32, #tpu.memory_space<vmem>>) dst(%dma_wait3A_1054 : memref<1x64xf32, #tpu.memory_space<hbm>>)
        %dma_wait3A_1058 = arith.constant 0 : i32
        %dma_wait3A_1059 = arith.constant 0 : i32
        %dma_wait3A_1060 = tpu.memref_slice %arg9[%dma_wait3A_1058, %dma_wait3A_1059] : memref<16x64xf32, #tpu.memory_space<vmem>> -> memref<1x64xf32, #tpu.memory_space<vmem>>
        %dma_wait3A_1061 = arith.constant 0 : i32
        %dma_wait3A_1062 = arith.constant 0 : i32
        %dma_wait3A_1063 = tpu.memref_slice %arg5[%dma_wait3A_1061, %dma_wait3A_1062] : memref<16384x64xf32, #tpu.memory_space<hbm>> -> memref<1x64xf32, #tpu.memory_space<hbm>>
        %dma_wait3A_1064 = arith.constant 0 : i32
        %dma_wait3A_1065 = arith.constant 0 : i32
        %dma_wait3A_1066 = tpu.memref_slice %arg5[%dma_wait3A_1064, %dma_wait3A_1065] : memref<16384x64xf32, #tpu.memory_space<hbm>> -> memref<1x64xf32, #tpu.memory_space<hbm>>
        %dma_wait3A_1067 = arith.constant 0 : i32
        %dma_wait3A_1068 = arith.constant 0 : i32
        %dma_wait3A_1069 = tpu.memref_slice %arg9[%dma_wait3A_1067, %dma_wait3A_1068] : memref<16x64xf32, #tpu.memory_space<vmem>> -> memref<1x64xf32, #tpu.memory_space<vmem>>
        tpu.wait_dma2 semaphore(%arg12 : memref<!tpu.dma_semaphore, #tpu.memory_space<semaphore_mem>>) src(%dma_wait3A_1069 : memref<1x64xf32, #tpu.memory_space<vmem>>) dst(%dma_wait3A_1066 : memref<1x64xf32, #tpu.memory_space<hbm>>)
        %dma_wait3A_1070 = arith.constant 0 : i32
        %dma_wait3A_1071 = arith.constant 0 : i32
        %dma_wait3A_1072 = tpu.memref_slice %arg9[%dma_wait3A_1070, %dma_wait3A_1071] : memref<16x64xf32, #tpu.memory_space<vmem>> -> memref<1x64xf32, #tpu.memory_space<vmem>>
        %dma_wait3A_1073 = arith.constant 0 : i32
        %dma_wait3A_1074 = arith.constant 0 : i32
        %dma_wait3A_1075 = tpu.memref_slice %arg5[%dma_wait3A_1073, %dma_wait3A_1074] : memref<16384x64xf32, #tpu.memory_space<hbm>> -> memref<1x64xf32, #tpu.memory_space<hbm>>
        %dma_wait3A_1076 = arith.constant 0 : i32
        %dma_wait3A_1077 = arith.constant 0 : i32
        %dma_wait3A_1078 = tpu.memref_slice %arg5[%dma_wait3A_1076, %dma_wait3A_1077] : memref<16384x64xf32, #tpu.memory_space<hbm>> -> memref<1x64xf32, #tpu.memory_space<hbm>>
        %dma_wait3A_1079 = arith.constant 0 : i32
        %dma_wait3A_1080 = arith.constant 0 : i32
        %dma_wait3A_1081 = tpu.memref_slice %arg9[%dma_wait3A_1079, %dma_wait3A_1080] : memref<16x64xf32, #tpu.memory_space<vmem>> -> memref<1x64xf32, #tpu.memory_space<vmem>>
        tpu.wait_dma2 semaphore(%arg12 : memref<!tpu.dma_semaphore, #tpu.memory_space<semaphore_mem>>) src(%dma_wait3A_1081 : memref<1x64xf32, #tpu.memory_space<vmem>>) dst(%dma_wait3A_1078 : memref<1x64xf32, #tpu.memory_space<hbm>>)
        %dma_wait3A_1082 = arith.constant 0 : i32
        %dma_wait3A_1083 = arith.constant 0 : i32
        %dma_wait3A_1084 = tpu.memref_slice %arg9[%dma_wait3A_1082, %dma_wait3A_1083] : memref<16x64xf32, #tpu.memory_space<vmem>> -> memref<1x64xf32, #tpu.memory_space<vmem>>
        %dma_wait3A_1085 = arith.constant 0 : i32
        %dma_wait3A_1086 = arith.constant 0 : i32
        %dma_wait3A_1087 = tpu.memref_slice %arg5[%dma_wait3A_1085, %dma_wait3A_1086] : memref<16384x64xf32, #tpu.memory_space<hbm>> -> memref<1x64xf32, #tpu.memory_space<hbm>>
        %dma_wait3A_1088 = arith.constant 0 : i32
        %dma_wait3A_1089 = arith.constant 0 : i32
        %dma_wait3A_1090 = tpu.memref_slice %arg5[%dma_wait3A_1088, %dma_wait3A_1089] : memref<16384x64xf32, #tpu.memory_space<hbm>> -> memref<1x64xf32, #tpu.memory_space<hbm>>
        %dma_wait3A_1091 = arith.constant 0 : i32
        %dma_wait3A_1092 = arith.constant 0 : i32
        %dma_wait3A_1093 = tpu.memref_slice %arg9[%dma_wait3A_1091, %dma_wait3A_1092] : memref<16x64xf32, #tpu.memory_space<vmem>> -> memref<1x64xf32, #tpu.memory_space<vmem>>
        tpu.wait_dma2 semaphore(%arg12 : memref<!tpu.dma_semaphore, #tpu.memory_space<semaphore_mem>>) src(%dma_wait3A_1093 : memref<1x64xf32, #tpu.memory_space<vmem>>) dst(%dma_wait3A_1090 : memref<1x64xf32, #tpu.memory_space<hbm>>)
        %dma_wait3A_1094 = arith.constant 0 : i32
        %dma_wait3A_1095 = arith.constant 0 : i32
        %dma_wait3A_1096 = tpu.memref_slice %arg9[%dma_wait3A_1094, %dma_wait3A_1095] : memref<16x64xf32, #tpu.memory_space<vmem>> -> memref<1x64xf32, #tpu.memory_space<vmem>>
        %dma_wait3A_1097 = arith.constant 0 : i32
        %dma_wait3A_1098 = arith.constant 0 : i32
        %dma_wait3A_1099 = tpu.memref_slice %arg5[%dma_wait3A_1097, %dma_wait3A_1098] : memref<16384x64xf32, #tpu.memory_space<hbm>> -> memref<1x64xf32, #tpu.memory_space<hbm>>
        %dma_wait3A_1100 = arith.constant 0 : i32
        %dma_wait3A_1101 = arith.constant 0 : i32
        %dma_wait3A_1102 = tpu.memref_slice %arg5[%dma_wait3A_1100, %dma_wait3A_1101] : memref<16384x64xf32, #tpu.memory_space<hbm>> -> memref<1x64xf32, #tpu.memory_space<hbm>>
        %dma_wait3A_1103 = arith.constant 0 : i32
        %dma_wait3A_1104 = arith.constant 0 : i32
        %dma_wait3A_1105 = tpu.memref_slice %arg9[%dma_wait3A_1103, %dma_wait3A_1104] : memref<16x64xf32, #tpu.memory_space<vmem>> -> memref<1x64xf32, #tpu.memory_space<vmem>>
        tpu.wait_dma2 semaphore(%arg12 : memref<!tpu.dma_semaphore, #tpu.memory_space<semaphore_mem>>) src(%dma_wait3A_1105 : memref<1x64xf32, #tpu.memory_space<vmem>>) dst(%dma_wait3A_1102 : memref<1x64xf32, #tpu.memory_space<hbm>>)
        %dma_wait3A_1106 = arith.constant 0 : i32
        %dma_wait3A_1107 = arith.constant 0 : i32
        %dma_wait3A_1108 = tpu.memref_slice %arg9[%dma_wait3A_1106, %dma_wait3A_1107] : memref<16x64xf32, #tpu.memory_space<vmem>> -> memref<1x64xf32, #tpu.memory_space<vmem>>
        %dma_wait3A_1109 = arith.constant 0 : i32
        %dma_wait3A_1110 = arith.constant 0 : i32
        %dma_wait3A_1111 = tpu.memref_slice %arg5[%dma_wait3A_1109, %dma_wait3A_1110] : memref<16384x64xf32, #tpu.memory_space<hbm>> -> memref<1x64xf32, #tpu.memory_space<hbm>>
        %dma_wait3A_1112 = arith.constant 0 : i32
        %dma_wait3A_1113 = arith.constant 0 : i32
        %dma_wait3A_1114 = tpu.memref_slice %arg5[%dma_wait3A_1112, %dma_wait3A_1113] : memref<16384x64xf32, #tpu.memory_space<hbm>> -> memref<1x64xf32, #tpu.memory_space<hbm>>
        %dma_wait3A_1115 = arith.constant 0 : i32
        %dma_wait3A_1116 = arith.constant 0 : i32
        %dma_wait3A_1117 = tpu.memref_slice %arg9[%dma_wait3A_1115, %dma_wait3A_1116] : memref<16x64xf32, #tpu.memory_space<vmem>> -> memref<1x64xf32, #tpu.memory_space<vmem>>
        tpu.wait_dma2 semaphore(%arg12 : memref<!tpu.dma_semaphore, #tpu.memory_space<semaphore_mem>>) src(%dma_wait3A_1117 : memref<1x64xf32, #tpu.memory_space<vmem>>) dst(%dma_wait3A_1114 : memref<1x64xf32, #tpu.memory_space<hbm>>)
        %while3A_1118 = arith.constant 0 : i32
        scf.yield %while3A_1118 : i32
      }
      %while3A_330 = arith.constant 1 : i32
      %while3A_331 = scf.for %while3A_340 = %while3A_327 to %while3A_323 step %while3A_330 iter_args(%while3A_341 = %while3A_329) -> (i32)  : i32 {
        %mul3A_342 = arith.constant 16 : i32
        %mul3A_343 = arith.muli %while3A_340, %mul3A_342 : i32
        %get3A = arith.index_cast %mul3A_343 : i32 to index
        %get3A_344 = tpu.vector_load %arg6[%get3A] {strides = array<i32>} : memref<16400xi32, #tpu.memory_space<vmem>>, vector<16xi32>,
        %shift_right_arithmetic3A_345 = arith.constant 14 : i32
        %shift_right_arithmetic3A_346 = vector.broadcast %shift_right_arithmetic3A_345 : i32 to vector<16xi32>
        %shift_right_arithmetic3A_347 = arith.shrsi %get3A_344, %shift_right_arithmetic3A_346 : vector<16xi32>
        %sub3A_348 = vector.broadcast %sub3A_319 : i32 to vector<16xi32>
        %sub3A_349 = arith.subi %shift_right_arithmetic3A_347, %sub3A_348 : vector<16xi32>
        %and3A_350 = arith.constant 16383 : i32
        %and3A_351 = vector.broadcast %and3A_350 : i32 to vector<16xi32>
        %and3A_352 = arith.andi %get3A_344, %and3A_351 : vector<16xi32>
        %slice3A = vector.extract_strided_slice %sub3A_349 {offsets = [0], sizes = [1], strides = [1]} : vector<16xi32> to vector<1xi32>
        %squeeze3A = vector.extract %slice3A[0] : i32 from vector<1xi32>
        %broadcast_in_dim3A_353 = arith.constant 0 : i32
        %broadcast_in_dim3A_354 = vector.broadcast %broadcast_in_dim3A_353 : i32 to vector<16xi32>
        %broadcast_in_dim3A_355 = vector.broadcast %squeeze3A : i32 to vector<16xi32>
        %gather3A = tpu.vector_load_idx %arg10[%broadcast_in_dim3A, %add3A_17, %broadcast_in_dim3A_355] : memref<2x64x512xf32, #tpu.memory_space<vmem>>[vector<16xi32>, vector<16xi32>, vector<16xi32>], vector<16xf32>,
        %add3A_356 = arith.constant 0 : i32
        %add3A_357 = vector.broadcast %add3A_356 : i32 to vector<16xi32>
        %add3A_358 = arith.addi %add3A_357, %iota3A : vector<16xi32>
        tpu.vector_store_idx %arg9[%broadcast_in_dim3A_354, %add3A_358], %gather3A : memref<16x64xf32, #tpu.memory_space<vmem>>[vector<16xi32>, vector<16xi32>], vector<16xf32>,
        %broadcast_in_dim3A_359 = vector.broadcast %squeeze3A : i32 to vector<16xi32>
        %gather3A_360 = tpu.vector_load_idx %arg10[%broadcast_in_dim3A, %add3A_20, %broadcast_in_dim3A_359] : memref<2x64x512xf32, #tpu.memory_space<vmem>>[vector<16xi32>, vector<16xi32>, vector<16xi32>], vector<16xf32>,
        %add3A_361 = arith.constant 16 : i32
        %add3A_362 = vector.broadcast %add3A_361 : i32 to vector<16xi32>
        %add3A_363 = arith.addi %add3A_362, %iota3A : vector<16xi32>
        tpu.vector_store_idx %arg9[%broadcast_in_dim3A_354, %add3A_363], %gather3A_360 : memref<16x64xf32, #tpu.memory_space<vmem>>[vector<16xi32>, vector<16xi32>], vector<16xf32>,
        %broadcast_in_dim3A_364 = vector.broadcast %squeeze3A : i32 to vector<16xi32>
        %gather3A_365 = tpu.vector_load_idx %arg10[%broadcast_in_dim3A, %add3A_23, %broadcast_in_dim3A_364] : memref<2x64x512xf32, #tpu.memory_space<vmem>>[vector<16xi32>, vector<16xi32>, vector<16xi32>], vector<16xf32>,
        %add3A_366 = arith.constant 32 : i32
        %add3A_367 = vector.broadcast %add3A_366 : i32 to vector<16xi32>
        %add3A_368 = arith.addi %add3A_367, %iota3A : vector<16xi32>
        tpu.vector_store_idx %arg9[%broadcast_in_dim3A_354, %add3A_368], %gather3A_365 : memref<16x64xf32, #tpu.memory_space<vmem>>[vector<16xi32>, vector<16xi32>], vector<16xf32>,
        %broadcast_in_dim3A_369 = vector.broadcast %squeeze3A : i32 to vector<16xi32>
        %gather3A_370 = tpu.vector_load_idx %arg10[%broadcast_in_dim3A, %add3A_26, %broadcast_in_dim3A_369] : memref<2x64x512xf32, #tpu.memory_space<vmem>>[vector<16xi32>, vector<16xi32>, vector<16xi32>], vector<16xf32>,
        %add3A_371 = arith.constant 48 : i32
        %add3A_372 = vector.broadcast %add3A_371 : i32 to vector<16xi32>
        %add3A_373 = arith.addi %add3A_372, %iota3A : vector<16xi32>
        tpu.vector_store_idx %arg9[%broadcast_in_dim3A_354, %add3A_373], %gather3A_370 : memref<16x64xf32, #tpu.memory_space<vmem>>[vector<16xi32>, vector<16xi32>], vector<16xf32>,
        %slice3A_374 = vector.extract_strided_slice %sub3A_349 {offsets = [1], sizes = [1], strides = [1]} : vector<16xi32> to vector<1xi32>
        %squeeze3A_375 = vector.extract %slice3A_374[0] : i32 from vector<1xi32>
        %broadcast_in_dim3A_376 = arith.constant 1 : i32
        %broadcast_in_dim3A_377 = vector.broadcast %broadcast_in_dim3A_376 : i32 to vector<16xi32>
        %broadcast_in_dim3A_378 = vector.broadcast %squeeze3A_375 : i32 to vector<16xi32>
        %gather3A_379 = tpu.vector_load_idx %arg10[%broadcast_in_dim3A, %add3A_17, %broadcast_in_dim3A_378] : memref<2x64x512xf32, #tpu.memory_space<vmem>>[vector<16xi32>, vector<16xi32>, vector<16xi32>], vector<16xf32>,
        %add3A_380 = arith.constant 0 : i32
        %add3A_381 = vector.broadcast %add3A_380 : i32 to vector<16xi32>
        %add3A_382 = arith.addi %add3A_381, %iota3A : vector<16xi32>
        tpu.vector_store_idx %arg9[%broadcast_in_dim3A_377, %add3A_382], %gather3A_379 : memref<16x64xf32, #tpu.memory_space<vmem>>[vector<16xi32>, vector<16xi32>], vector<16xf32>,
        %broadcast_in_dim3A_383 = vector.broadcast %squeeze3A_375 : i32 to vector<16xi32>
        %gather3A_384 = tpu.vector_load_idx %arg10[%broadcast_in_dim3A, %add3A_20, %broadcast_in_dim3A_383] : memref<2x64x512xf32, #tpu.memory_space<vmem>>[vector<16xi32>, vector<16xi32>, vector<16xi32>], vector<16xf32>,
        %add3A_385 = arith.constant 16 : i32
        %add3A_386 = vector.broadcast %add3A_385 : i32 to vector<16xi32>
        %add3A_387 = arith.addi %add3A_386, %iota3A : vector<16xi32>
        tpu.vector_store_idx %arg9[%broadcast_in_dim3A_377, %add3A_387], %gather3A_384 : memref<16x64xf32, #tpu.memory_space<vmem>>[vector<16xi32>, vector<16xi32>], vector<16xf32>,
        %broadcast_in_dim3A_388 = vector.broadcast %squeeze3A_375 : i32 to vector<16xi32>
        %gather3A_389 = tpu.vector_load_idx %arg10[%broadcast_in_dim3A, %add3A_23, %broadcast_in_dim3A_388] : memref<2x64x512xf32, #tpu.memory_space<vmem>>[vector<16xi32>, vector<16xi32>, vector<16xi32>], vector<16xf32>,
        %add3A_390 = arith.constant 32 : i32
        %add3A_391 = vector.broadcast %add3A_390 : i32 to vector<16xi32>
        %add3A_392 = arith.addi %add3A_391, %iota3A : vector<16xi32>
        tpu.vector_store_idx %arg9[%broadcast_in_dim3A_377, %add3A_392], %gather3A_389 : memref<16x64xf32, #tpu.memory_space<vmem>>[vector<16xi32>, vector<16xi32>], vector<16xf32>,
        %broadcast_in_dim3A_393 = vector.broadcast %squeeze3A_375 : i32 to vector<16xi32>
        %gather3A_394 = tpu.vector_load_idx %arg10[%broadcast_in_dim3A, %add3A_26, %broadcast_in_dim3A_393] : memref<2x64x512xf32, #tpu.memory_space<vmem>>[vector<16xi32>, vector<16xi32>, vector<16xi32>], vector<16xf32>,
        %add3A_395 = arith.constant 48 : i32
        %add3A_396 = vector.broadcast %add3A_395 : i32 to vector<16xi32>
        %add3A_397 = arith.addi %add3A_396, %iota3A : vector<16xi32>
        tpu.vector_store_idx %arg9[%broadcast_in_dim3A_377, %add3A_397], %gather3A_394 : memref<16x64xf32, #tpu.memory_space<vmem>>[vector<16xi32>, vector<16xi32>], vector<16xf32>,
        %slice3A_398 = vector.extract_strided_slice %sub3A_349 {offsets = [2], sizes = [1], strides = [1]} : vector<16xi32> to vector<1xi32>
        %squeeze3A_399 = vector.extract %slice3A_398[0] : i32 from vector<1xi32>
        %broadcast_in_dim3A_400 = arith.constant 2 : i32
        %broadcast_in_dim3A_401 = vector.broadcast %broadcast_in_dim3A_400 : i32 to vector<16xi32>
        %broadcast_in_dim3A_402 = vector.broadcast %squeeze3A_399 : i32 to vector<16xi32>
        %gather3A_403 = tpu.vector_load_idx %arg10[%broadcast_in_dim3A, %add3A_17, %broadcast_in_dim3A_402] : memref<2x64x512xf32, #tpu.memory_space<vmem>>[vector<16xi32>, vector<16xi32>, vector<16xi32>], vector<16xf32>,
        %add3A_404 = arith.constant 0 : i32
        %add3A_405 = vector.broadcast %add3A_404 : i32 to vector<16xi32>
        %add3A_406 = arith.addi %add3A_405, %iota3A : vector<16xi32>
        tpu.vector_store_idx %arg9[%broadcast_in_dim3A_401, %add3A_406], %gather3A_403 : memref<16x64xf32, #tpu.memory_space<vmem>>[vector<16xi32>, vector<16xi32>], vector<16xf32>,
        %broadcast_in_dim3A_407 = vector.broadcast %squeeze3A_399 : i32 to vector<16xi32>
        %gather3A_408 = tpu.vector_load_idx %arg10[%broadcast_in_dim3A, %add3A_20, %broadcast_in_dim3A_407] : memref<2x64x512xf32, #tpu.memory_space<vmem>>[vector<16xi32>, vector<16xi32>, vector<16xi32>], vector<16xf32>,
        %add3A_409 = arith.constant 16 : i32
        %add3A_410 = vector.broadcast %add3A_409 : i32 to vector<16xi32>
        %add3A_411 = arith.addi %add3A_410, %iota3A : vector<16xi32>
        tpu.vector_store_idx %arg9[%broadcast_in_dim3A_401, %add3A_411], %gather3A_408 : memref<16x64xf32, #tpu.memory_space<vmem>>[vector<16xi32>, vector<16xi32>], vector<16xf32>,
        %broadcast_in_dim3A_412 = vector.broadcast %squeeze3A_399 : i32 to vector<16xi32>
        %gather3A_413 = tpu.vector_load_idx %arg10[%broadcast_in_dim3A, %add3A_23, %broadcast_in_dim3A_412] : memref<2x64x512xf32, #tpu.memory_space<vmem>>[vector<16xi32>, vector<16xi32>, vector<16xi32>], vector<16xf32>,
        %add3A_414 = arith.constant 32 : i32
        %add3A_415 = vector.broadcast %add3A_414 : i32 to vector<16xi32>
        %add3A_416 = arith.addi %add3A_415, %iota3A : vector<16xi32>
        tpu.vector_store_idx %arg9[%broadcast_in_dim3A_401, %add3A_416], %gather3A_413 : memref<16x64xf32, #tpu.memory_space<vmem>>[vector<16xi32>, vector<16xi32>], vector<16xf32>,
        %broadcast_in_dim3A_417 = vector.broadcast %squeeze3A_399 : i32 to vector<16xi32>
        %gather3A_418 = tpu.vector_load_idx %arg10[%broadcast_in_dim3A, %add3A_26, %broadcast_in_dim3A_417] : memref<2x64x512xf32, #tpu.memory_space<vmem>>[vector<16xi32>, vector<16xi32>, vector<16xi32>], vector<16xf32>,
        %add3A_419 = arith.constant 48 : i32
        %add3A_420 = vector.broadcast %add3A_419 : i32 to vector<16xi32>
        %add3A_421 = arith.addi %add3A_420, %iota3A : vector<16xi32>
        tpu.vector_store_idx %arg9[%broadcast_in_dim3A_401, %add3A_421], %gather3A_418 : memref<16x64xf32, #tpu.memory_space<vmem>>[vector<16xi32>, vector<16xi32>], vector<16xf32>,
        %slice3A_422 = vector.extract_strided_slice %sub3A_349 {offsets = [3], sizes = [1], strides = [1]} : vector<16xi32> to vector<1xi32>
        %squeeze3A_423 = vector.extract %slice3A_422[0] : i32 from vector<1xi32>
        %broadcast_in_dim3A_424 = arith.constant 3 : i32
        %broadcast_in_dim3A_425 = vector.broadcast %broadcast_in_dim3A_424 : i32 to vector<16xi32>
        %broadcast_in_dim3A_426 = vector.broadcast %squeeze3A_423 : i32 to vector<16xi32>
        %gather3A_427 = tpu.vector_load_idx %arg10[%broadcast_in_dim3A, %add3A_17, %broadcast_in_dim3A_426] : memref<2x64x512xf32, #tpu.memory_space<vmem>>[vector<16xi32>, vector<16xi32>, vector<16xi32>], vector<16xf32>,
        %add3A_428 = arith.constant 0 : i32
        %add3A_429 = vector.broadcast %add3A_428 : i32 to vector<16xi32>
        %add3A_430 = arith.addi %add3A_429, %iota3A : vector<16xi32>
        tpu.vector_store_idx %arg9[%broadcast_in_dim3A_425, %add3A_430], %gather3A_427 : memref<16x64xf32, #tpu.memory_space<vmem>>[vector<16xi32>, vector<16xi32>], vector<16xf32>,
        %broadcast_in_dim3A_431 = vector.broadcast %squeeze3A_423 : i32 to vector<16xi32>
        %gather3A_432 = tpu.vector_load_idx %arg10[%broadcast_in_dim3A, %add3A_20, %broadcast_in_dim3A_431] : memref<2x64x512xf32, #tpu.memory_space<vmem>>[vector<16xi32>, vector<16xi32>, vector<16xi32>], vector<16xf32>,
        %add3A_433 = arith.constant 16 : i32
        %add3A_434 = vector.broadcast %add3A_433 : i32 to vector<16xi32>
        %add3A_435 = arith.addi %add3A_434, %iota3A : vector<16xi32>
        tpu.vector_store_idx %arg9[%broadcast_in_dim3A_425, %add3A_435], %gather3A_432 : memref<16x64xf32, #tpu.memory_space<vmem>>[vector<16xi32>, vector<16xi32>], vector<16xf32>,
        %broadcast_in_dim3A_436 = vector.broadcast %squeeze3A_423 : i32 to vector<16xi32>
        %gather3A_437 = tpu.vector_load_idx %arg10[%broadcast_in_dim3A, %add3A_23, %broadcast_in_dim3A_436] : memref<2x64x512xf32, #tpu.memory_space<vmem>>[vector<16xi32>, vector<16xi32>, vector<16xi32>], vector<16xf32>,
        %add3A_438 = arith.constant 32 : i32
        %add3A_439 = vector.broadcast %add3A_438 : i32 to vector<16xi32>
        %add3A_440 = arith.addi %add3A_439, %iota3A : vector<16xi32>
        tpu.vector_store_idx %arg9[%broadcast_in_dim3A_425, %add3A_440], %gather3A_437 : memref<16x64xf32, #tpu.memory_space<vmem>>[vector<16xi32>, vector<16xi32>], vector<16xf32>,
        %broadcast_in_dim3A_441 = vector.broadcast %squeeze3A_423 : i32 to vector<16xi32>
        %gather3A_442 = tpu.vector_load_idx %arg10[%broadcast_in_dim3A, %add3A_26, %broadcast_in_dim3A_441] : memref<2x64x512xf32, #tpu.memory_space<vmem>>[vector<16xi32>, vector<16xi32>, vector<16xi32>], vector<16xf32>,
        %add3A_443 = arith.constant 48 : i32
        %add3A_444 = vector.broadcast %add3A_443 : i32 to vector<16xi32>
        %add3A_445 = arith.addi %add3A_444, %iota3A : vector<16xi32>
        tpu.vector_store_idx %arg9[%broadcast_in_dim3A_425, %add3A_445], %gather3A_442 : memref<16x64xf32, #tpu.memory_space<vmem>>[vector<16xi32>, vector<16xi32>], vector<16xf32>,
        %slice3A_446 = vector.extract_strided_slice %sub3A_349 {offsets = [4], sizes = [1], strides = [1]} : vector<16xi32> to vector<1xi32>
        %squeeze3A_447 = vector.extract %slice3A_446[0] : i32 from vector<1xi32>
        %broadcast_in_dim3A_448 = arith.constant 4 : i32
        %broadcast_in_dim3A_449 = vector.broadcast %broadcast_in_dim3A_448 : i32 to vector<16xi32>
        %broadcast_in_dim3A_450 = vector.broadcast %squeeze3A_447 : i32 to vector<16xi32>
        %gather3A_451 = tpu.vector_load_idx %arg10[%broadcast_in_dim3A, %add3A_17, %broadcast_in_dim3A_450] : memref<2x64x512xf32, #tpu.memory_space<vmem>>[vector<16xi32>, vector<16xi32>, vector<16xi32>], vector<16xf32>,
        %add3A_452 = arith.constant 0 : i32
        %add3A_453 = vector.broadcast %add3A_452 : i32 to vector<16xi32>
        %add3A_454 = arith.addi %add3A_453, %iota3A : vector<16xi32>
        tpu.vector_store_idx %arg9[%broadcast_in_dim3A_449, %add3A_454], %gather3A_451 : memref<16x64xf32, #tpu.memory_space<vmem>>[vector<16xi32>, vector<16xi32>], vector<16xf32>,
        %broadcast_in_dim3A_455 = vector.broadcast %squeeze3A_447 : i32 to vector<16xi32>
        %gather3A_456 = tpu.vector_load_idx %arg10[%broadcast_in_dim3A, %add3A_20, %broadcast_in_dim3A_455] : memref<2x64x512xf32, #tpu.memory_space<vmem>>[vector<16xi32>, vector<16xi32>, vector<16xi32>], vector<16xf32>,
        %add3A_457 = arith.constant 16 : i32
        %add3A_458 = vector.broadcast %add3A_457 : i32 to vector<16xi32>
        %add3A_459 = arith.addi %add3A_458, %iota3A : vector<16xi32>
        tpu.vector_store_idx %arg9[%broadcast_in_dim3A_449, %add3A_459], %gather3A_456 : memref<16x64xf32, #tpu.memory_space<vmem>>[vector<16xi32>, vector<16xi32>], vector<16xf32>,
        %broadcast_in_dim3A_460 = vector.broadcast %squeeze3A_447 : i32 to vector<16xi32>
        %gather3A_461 = tpu.vector_load_idx %arg10[%broadcast_in_dim3A, %add3A_23, %broadcast_in_dim3A_460] : memref<2x64x512xf32, #tpu.memory_space<vmem>>[vector<16xi32>, vector<16xi32>, vector<16xi32>], vector<16xf32>,
        %add3A_462 = arith.constant 32 : i32
        %add3A_463 = vector.broadcast %add3A_462 : i32 to vector<16xi32>
        %add3A_464 = arith.addi %add3A_463, %iota3A : vector<16xi32>
        tpu.vector_store_idx %arg9[%broadcast_in_dim3A_449, %add3A_464], %gather3A_461 : memref<16x64xf32, #tpu.memory_space<vmem>>[vector<16xi32>, vector<16xi32>], vector<16xf32>,
        %broadcast_in_dim3A_465 = vector.broadcast %squeeze3A_447 : i32 to vector<16xi32>
        %gather3A_466 = tpu.vector_load_idx %arg10[%broadcast_in_dim3A, %add3A_26, %broadcast_in_dim3A_465] : memref<2x64x512xf32, #tpu.memory_space<vmem>>[vector<16xi32>, vector<16xi32>, vector<16xi32>], vector<16xf32>,
        %add3A_467 = arith.constant 48 : i32
        %add3A_468 = vector.broadcast %add3A_467 : i32 to vector<16xi32>
        %add3A_469 = arith.addi %add3A_468, %iota3A : vector<16xi32>
        tpu.vector_store_idx %arg9[%broadcast_in_dim3A_449, %add3A_469], %gather3A_466 : memref<16x64xf32, #tpu.memory_space<vmem>>[vector<16xi32>, vector<16xi32>], vector<16xf32>,
        %slice3A_470 = vector.extract_strided_slice %sub3A_349 {offsets = [5], sizes = [1], strides = [1]} : vector<16xi32> to vector<1xi32>
        %squeeze3A_471 = vector.extract %slice3A_470[0] : i32 from vector<1xi32>
        %broadcast_in_dim3A_472 = arith.constant 5 : i32
        %broadcast_in_dim3A_473 = vector.broadcast %broadcast_in_dim3A_472 : i32 to vector<16xi32>
        %broadcast_in_dim3A_474 = vector.broadcast %squeeze3A_471 : i32 to vector<16xi32>
        %gather3A_475 = tpu.vector_load_idx %arg10[%broadcast_in_dim3A, %add3A_17, %broadcast_in_dim3A_474] : memref<2x64x512xf32, #tpu.memory_space<vmem>>[vector<16xi32>, vector<16xi32>, vector<16xi32>], vector<16xf32>,
        %add3A_476 = arith.constant 0 : i32
        %add3A_477 = vector.broadcast %add3A_476 : i32 to vector<16xi32>
        %add3A_478 = arith.addi %add3A_477, %iota3A : vector<16xi32>
        tpu.vector_store_idx %arg9[%broadcast_in_dim3A_473, %add3A_478], %gather3A_475 : memref<16x64xf32, #tpu.memory_space<vmem>>[vector<16xi32>, vector<16xi32>], vector<16xf32>,
        %broadcast_in_dim3A_479 = vector.broadcast %squeeze3A_471 : i32 to vector<16xi32>
        %gather3A_480 = tpu.vector_load_idx %arg10[%broadcast_in_dim3A, %add3A_20, %broadcast_in_dim3A_479] : memref<2x64x512xf32, #tpu.memory_space<vmem>>[vector<16xi32>, vector<16xi32>, vector<16xi32>], vector<16xf32>,
        %add3A_481 = arith.constant 16 : i32
        %add3A_482 = vector.broadcast %add3A_481 : i32 to vector<16xi32>
        %add3A_483 = arith.addi %add3A_482, %iota3A : vector<16xi32>
        tpu.vector_store_idx %arg9[%broadcast_in_dim3A_473, %add3A_483], %gather3A_480 : memref<16x64xf32, #tpu.memory_space<vmem>>[vector<16xi32>, vector<16xi32>], vector<16xf32>,
        %broadcast_in_dim3A_484 = vector.broadcast %squeeze3A_471 : i32 to vector<16xi32>
        %gather3A_485 = tpu.vector_load_idx %arg10[%broadcast_in_dim3A, %add3A_23, %broadcast_in_dim3A_484] : memref<2x64x512xf32, #tpu.memory_space<vmem>>[vector<16xi32>, vector<16xi32>, vector<16xi32>], vector<16xf32>,
        %add3A_486 = arith.constant 32 : i32
        %add3A_487 = vector.broadcast %add3A_486 : i32 to vector<16xi32>
        %add3A_488 = arith.addi %add3A_487, %iota3A : vector<16xi32>
        tpu.vector_store_idx %arg9[%broadcast_in_dim3A_473, %add3A_488], %gather3A_485 : memref<16x64xf32, #tpu.memory_space<vmem>>[vector<16xi32>, vector<16xi32>], vector<16xf32>,
        %broadcast_in_dim3A_489 = vector.broadcast %squeeze3A_471 : i32 to vector<16xi32>
        %gather3A_490 = tpu.vector_load_idx %arg10[%broadcast_in_dim3A, %add3A_26, %broadcast_in_dim3A_489] : memref<2x64x512xf32, #tpu.memory_space<vmem>>[vector<16xi32>, vector<16xi32>, vector<16xi32>], vector<16xf32>,
        %add3A_491 = arith.constant 48 : i32
        %add3A_492 = vector.broadcast %add3A_491 : i32 to vector<16xi32>
        %add3A_493 = arith.addi %add3A_492, %iota3A : vector<16xi32>
        tpu.vector_store_idx %arg9[%broadcast_in_dim3A_473, %add3A_493], %gather3A_490 : memref<16x64xf32, #tpu.memory_space<vmem>>[vector<16xi32>, vector<16xi32>], vector<16xf32>,
        %slice3A_494 = vector.extract_strided_slice %sub3A_349 {offsets = [6], sizes = [1], strides = [1]} : vector<16xi32> to vector<1xi32>
        %squeeze3A_495 = vector.extract %slice3A_494[0] : i32 from vector<1xi32>
        %broadcast_in_dim3A_496 = arith.constant 6 : i32
        %broadcast_in_dim3A_497 = vector.broadcast %broadcast_in_dim3A_496 : i32 to vector<16xi32>
        %broadcast_in_dim3A_498 = vector.broadcast %squeeze3A_495 : i32 to vector<16xi32>
        %gather3A_499 = tpu.vector_load_idx %arg10[%broadcast_in_dim3A, %add3A_17, %broadcast_in_dim3A_498] : memref<2x64x512xf32, #tpu.memory_space<vmem>>[vector<16xi32>, vector<16xi32>, vector<16xi32>], vector<16xf32>,
        %add3A_500 = arith.constant 0 : i32
        %add3A_501 = vector.broadcast %add3A_500 : i32 to vector<16xi32>
        %add3A_502 = arith.addi %add3A_501, %iota3A : vector<16xi32>
        tpu.vector_store_idx %arg9[%broadcast_in_dim3A_497, %add3A_502], %gather3A_499 : memref<16x64xf32, #tpu.memory_space<vmem>>[vector<16xi32>, vector<16xi32>], vector<16xf32>,
        %broadcast_in_dim3A_503 = vector.broadcast %squeeze3A_495 : i32 to vector<16xi32>
        %gather3A_504 = tpu.vector_load_idx %arg10[%broadcast_in_dim3A, %add3A_20, %broadcast_in_dim3A_503] : memref<2x64x512xf32, #tpu.memory_space<vmem>>[vector<16xi32>, vector<16xi32>, vector<16xi32>], vector<16xf32>,
        %add3A_505 = arith.constant 16 : i32
        %add3A_506 = vector.broadcast %add3A_505 : i32 to vector<16xi32>
        %add3A_507 = arith.addi %add3A_506, %iota3A : vector<16xi32>
        tpu.vector_store_idx %arg9[%broadcast_in_dim3A_497, %add3A_507], %gather3A_504 : memref<16x64xf32, #tpu.memory_space<vmem>>[vector<16xi32>, vector<16xi32>], vector<16xf32>,
        %broadcast_in_dim3A_508 = vector.broadcast %squeeze3A_495 : i32 to vector<16xi32>
        %gather3A_509 = tpu.vector_load_idx %arg10[%broadcast_in_dim3A, %add3A_23, %broadcast_in_dim3A_508] : memref<2x64x512xf32, #tpu.memory_space<vmem>>[vector<16xi32>, vector<16xi32>, vector<16xi32>], vector<16xf32>,
        %add3A_510 = arith.constant 32 : i32
        %add3A_511 = vector.broadcast %add3A_510 : i32 to vector<16xi32>
        %add3A_512 = arith.addi %add3A_511, %iota3A : vector<16xi32>
        tpu.vector_store_idx %arg9[%broadcast_in_dim3A_497, %add3A_512], %gather3A_509 : memref<16x64xf32, #tpu.memory_space<vmem>>[vector<16xi32>, vector<16xi32>], vector<16xf32>,
        %broadcast_in_dim3A_513 = vector.broadcast %squeeze3A_495 : i32 to vector<16xi32>
        %gather3A_514 = tpu.vector_load_idx %arg10[%broadcast_in_dim3A, %add3A_26, %broadcast_in_dim3A_513] : memref<2x64x512xf32, #tpu.memory_space<vmem>>[vector<16xi32>, vector<16xi32>, vector<16xi32>], vector<16xf32>,
        %add3A_515 = arith.constant 48 : i32
        %add3A_516 = vector.broadcast %add3A_515 : i32 to vector<16xi32>
        %add3A_517 = arith.addi %add3A_516, %iota3A : vector<16xi32>
        tpu.vector_store_idx %arg9[%broadcast_in_dim3A_497, %add3A_517], %gather3A_514 : memref<16x64xf32, #tpu.memory_space<vmem>>[vector<16xi32>, vector<16xi32>], vector<16xf32>,
        %slice3A_518 = vector.extract_strided_slice %sub3A_349 {offsets = [7], sizes = [1], strides = [1]} : vector<16xi32> to vector<1xi32>
        %squeeze3A_519 = vector.extract %slice3A_518[0] : i32 from vector<1xi32>
        %broadcast_in_dim3A_520 = arith.constant 7 : i32
        %broadcast_in_dim3A_521 = vector.broadcast %broadcast_in_dim3A_520 : i32 to vector<16xi32>
        %broadcast_in_dim3A_522 = vector.broadcast %squeeze3A_519 : i32 to vector<16xi32>
        %gather3A_523 = tpu.vector_load_idx %arg10[%broadcast_in_dim3A, %add3A_17, %broadcast_in_dim3A_522] : memref<2x64x512xf32, #tpu.memory_space<vmem>>[vector<16xi32>, vector<16xi32>, vector<16xi32>], vector<16xf32>,
        %add3A_524 = arith.constant 0 : i32
        %add3A_525 = vector.broadcast %add3A_524 : i32 to vector<16xi32>
        %add3A_526 = arith.addi %add3A_525, %iota3A : vector<16xi32>
        tpu.vector_store_idx %arg9[%broadcast_in_dim3A_521, %add3A_526], %gather3A_523 : memref<16x64xf32, #tpu.memory_space<vmem>>[vector<16xi32>, vector<16xi32>], vector<16xf32>,
        %broadcast_in_dim3A_527 = vector.broadcast %squeeze3A_519 : i32 to vector<16xi32>
        %gather3A_528 = tpu.vector_load_idx %arg10[%broadcast_in_dim3A, %add3A_20, %broadcast_in_dim3A_527] : memref<2x64x512xf32, #tpu.memory_space<vmem>>[vector<16xi32>, vector<16xi32>, vector<16xi32>], vector<16xf32>,
        %add3A_529 = arith.constant 16 : i32
        %add3A_530 = vector.broadcast %add3A_529 : i32 to vector<16xi32>
        %add3A_531 = arith.addi %add3A_530, %iota3A : vector<16xi32>
        tpu.vector_store_idx %arg9[%broadcast_in_dim3A_521, %add3A_531], %gather3A_528 : memref<16x64xf32, #tpu.memory_space<vmem>>[vector<16xi32>, vector<16xi32>], vector<16xf32>,
        %broadcast_in_dim3A_532 = vector.broadcast %squeeze3A_519 : i32 to vector<16xi32>
        %gather3A_533 = tpu.vector_load_idx %arg10[%broadcast_in_dim3A, %add3A_23, %broadcast_in_dim3A_532] : memref<2x64x512xf32, #tpu.memory_space<vmem>>[vector<16xi32>, vector<16xi32>, vector<16xi32>], vector<16xf32>,
        %add3A_534 = arith.constant 32 : i32
        %add3A_535 = vector.broadcast %add3A_534 : i32 to vector<16xi32>
        %add3A_536 = arith.addi %add3A_535, %iota3A : vector<16xi32>
        tpu.vector_store_idx %arg9[%broadcast_in_dim3A_521, %add3A_536], %gather3A_533 : memref<16x64xf32, #tpu.memory_space<vmem>>[vector<16xi32>, vector<16xi32>], vector<16xf32>,
        %broadcast_in_dim3A_537 = vector.broadcast %squeeze3A_519 : i32 to vector<16xi32>
        %gather3A_538 = tpu.vector_load_idx %arg10[%broadcast_in_dim3A, %add3A_26, %broadcast_in_dim3A_537] : memref<2x64x512xf32, #tpu.memory_space<vmem>>[vector<16xi32>, vector<16xi32>, vector<16xi32>], vector<16xf32>,
        %add3A_539 = arith.constant 48 : i32
        %add3A_540 = vector.broadcast %add3A_539 : i32 to vector<16xi32>
        %add3A_541 = arith.addi %add3A_540, %iota3A : vector<16xi32>
        tpu.vector_store_idx %arg9[%broadcast_in_dim3A_521, %add3A_541], %gather3A_538 : memref<16x64xf32, #tpu.memory_space<vmem>>[vector<16xi32>, vector<16xi32>], vector<16xf32>,
        %slice3A_542 = vector.extract_strided_slice %sub3A_349 {offsets = [8], sizes = [1], strides = [1]} : vector<16xi32> to vector<1xi32>
        %squeeze3A_543 = vector.extract %slice3A_542[0] : i32 from vector<1xi32>
        %broadcast_in_dim3A_544 = arith.constant 8 : i32
        %broadcast_in_dim3A_545 = vector.broadcast %broadcast_in_dim3A_544 : i32 to vector<16xi32>
        %broadcast_in_dim3A_546 = vector.broadcast %squeeze3A_543 : i32 to vector<16xi32>
        %gather3A_547 = tpu.vector_load_idx %arg10[%broadcast_in_dim3A, %add3A_17, %broadcast_in_dim3A_546] : memref<2x64x512xf32, #tpu.memory_space<vmem>>[vector<16xi32>, vector<16xi32>, vector<16xi32>], vector<16xf32>,
        %add3A_548 = arith.constant 0 : i32
        %add3A_549 = vector.broadcast %add3A_548 : i32 to vector<16xi32>
        %add3A_550 = arith.addi %add3A_549, %iota3A : vector<16xi32>
        tpu.vector_store_idx %arg9[%broadcast_in_dim3A_545, %add3A_550], %gather3A_547 : memref<16x64xf32, #tpu.memory_space<vmem>>[vector<16xi32>, vector<16xi32>], vector<16xf32>,
        %broadcast_in_dim3A_551 = vector.broadcast %squeeze3A_543 : i32 to vector<16xi32>
        %gather3A_552 = tpu.vector_load_idx %arg10[%broadcast_in_dim3A, %add3A_20, %broadcast_in_dim3A_551] : memref<2x64x512xf32, #tpu.memory_space<vmem>>[vector<16xi32>, vector<16xi32>, vector<16xi32>], vector<16xf32>,
        %add3A_553 = arith.constant 16 : i32
        %add3A_554 = vector.broadcast %add3A_553 : i32 to vector<16xi32>
        %add3A_555 = arith.addi %add3A_554, %iota3A : vector<16xi32>
        tpu.vector_store_idx %arg9[%broadcast_in_dim3A_545, %add3A_555], %gather3A_552 : memref<16x64xf32, #tpu.memory_space<vmem>>[vector<16xi32>, vector<16xi32>], vector<16xf32>,
        %broadcast_in_dim3A_556 = vector.broadcast %squeeze3A_543 : i32 to vector<16xi32>
        %gather3A_557 = tpu.vector_load_idx %arg10[%broadcast_in_dim3A, %add3A_23, %broadcast_in_dim3A_556] : memref<2x64x512xf32, #tpu.memory_space<vmem>>[vector<16xi32>, vector<16xi32>, vector<16xi32>], vector<16xf32>,
        %add3A_558 = arith.constant 32 : i32
        %add3A_559 = vector.broadcast %add3A_558 : i32 to vector<16xi32>
        %add3A_560 = arith.addi %add3A_559, %iota3A : vector<16xi32>
        tpu.vector_store_idx %arg9[%broadcast_in_dim3A_545, %add3A_560], %gather3A_557 : memref<16x64xf32, #tpu.memory_space<vmem>>[vector<16xi32>, vector<16xi32>], vector<16xf32>,
        %broadcast_in_dim3A_561 = vector.broadcast %squeeze3A_543 : i32 to vector<16xi32>
        %gather3A_562 = tpu.vector_load_idx %arg10[%broadcast_in_dim3A, %add3A_26, %broadcast_in_dim3A_561] : memref<2x64x512xf32, #tpu.memory_space<vmem>>[vector<16xi32>, vector<16xi32>, vector<16xi32>], vector<16xf32>,
        %add3A_563 = arith.constant 48 : i32
        %add3A_564 = vector.broadcast %add3A_563 : i32 to vector<16xi32>
        %add3A_565 = arith.addi %add3A_564, %iota3A : vector<16xi32>
        tpu.vector_store_idx %arg9[%broadcast_in_dim3A_545, %add3A_565], %gather3A_562 : memref<16x64xf32, #tpu.memory_space<vmem>>[vector<16xi32>, vector<16xi32>], vector<16xf32>,
        %slice3A_566 = vector.extract_strided_slice %sub3A_349 {offsets = [9], sizes = [1], strides = [1]} : vector<16xi32> to vector<1xi32>
        %squeeze3A_567 = vector.extract %slice3A_566[0] : i32 from vector<1xi32>
        %broadcast_in_dim3A_568 = arith.constant 9 : i32
        %broadcast_in_dim3A_569 = vector.broadcast %broadcast_in_dim3A_568 : i32 to vector<16xi32>
        %broadcast_in_dim3A_570 = vector.broadcast %squeeze3A_567 : i32 to vector<16xi32>
        %gather3A_571 = tpu.vector_load_idx %arg10[%broadcast_in_dim3A, %add3A_17, %broadcast_in_dim3A_570] : memref<2x64x512xf32, #tpu.memory_space<vmem>>[vector<16xi32>, vector<16xi32>, vector<16xi32>], vector<16xf32>,
        %add3A_572 = arith.constant 0 : i32
        %add3A_573 = vector.broadcast %add3A_572 : i32 to vector<16xi32>
        %add3A_574 = arith.addi %add3A_573, %iota3A : vector<16xi32>
        tpu.vector_store_idx %arg9[%broadcast_in_dim3A_569, %add3A_574], %gather3A_571 : memref<16x64xf32, #tpu.memory_space<vmem>>[vector<16xi32>, vector<16xi32>], vector<16xf32>,
        %broadcast_in_dim3A_575 = vector.broadcast %squeeze3A_567 : i32 to vector<16xi32>
        %gather3A_576 = tpu.vector_load_idx %arg10[%broadcast_in_dim3A, %add3A_20, %broadcast_in_dim3A_575] : memref<2x64x512xf32, #tpu.memory_space<vmem>>[vector<16xi32>, vector<16xi32>, vector<16xi32>], vector<16xf32>,
        %add3A_577 = arith.constant 16 : i32
        %add3A_578 = vector.broadcast %add3A_577 : i32 to vector<16xi32>
        %add3A_579 = arith.addi %add3A_578, %iota3A : vector<16xi32>
        tpu.vector_store_idx %arg9[%broadcast_in_dim3A_569, %add3A_579], %gather3A_576 : memref<16x64xf32, #tpu.memory_space<vmem>>[vector<16xi32>, vector<16xi32>], vector<16xf32>,
        %broadcast_in_dim3A_580 = vector.broadcast %squeeze3A_567 : i32 to vector<16xi32>
        %gather3A_581 = tpu.vector_load_idx %arg10[%broadcast_in_dim3A, %add3A_23, %broadcast_in_dim3A_580] : memref<2x64x512xf32, #tpu.memory_space<vmem>>[vector<16xi32>, vector<16xi32>, vector<16xi32>], vector<16xf32>,
        %add3A_582 = arith.constant 32 : i32
        %add3A_583 = vector.broadcast %add3A_582 : i32 to vector<16xi32>
        %add3A_584 = arith.addi %add3A_583, %iota3A : vector<16xi32>
        tpu.vector_store_idx %arg9[%broadcast_in_dim3A_569, %add3A_584], %gather3A_581 : memref<16x64xf32, #tpu.memory_space<vmem>>[vector<16xi32>, vector<16xi32>], vector<16xf32>,
        %broadcast_in_dim3A_585 = vector.broadcast %squeeze3A_567 : i32 to vector<16xi32>
        %gather3A_586 = tpu.vector_load_idx %arg10[%broadcast_in_dim3A, %add3A_26, %broadcast_in_dim3A_585] : memref<2x64x512xf32, #tpu.memory_space<vmem>>[vector<16xi32>, vector<16xi32>, vector<16xi32>], vector<16xf32>,
        %add3A_587 = arith.constant 48 : i32
        %add3A_588 = vector.broadcast %add3A_587 : i32 to vector<16xi32>
        %add3A_589 = arith.addi %add3A_588, %iota3A : vector<16xi32>
        tpu.vector_store_idx %arg9[%broadcast_in_dim3A_569, %add3A_589], %gather3A_586 : memref<16x64xf32, #tpu.memory_space<vmem>>[vector<16xi32>, vector<16xi32>], vector<16xf32>,
        %slice3A_590 = vector.extract_strided_slice %sub3A_349 {offsets = [10], sizes = [1], strides = [1]} : vector<16xi32> to vector<1xi32>
        %squeeze3A_591 = vector.extract %slice3A_590[0] : i32 from vector<1xi32>
        %broadcast_in_dim3A_592 = arith.constant 10 : i32
        %broadcast_in_dim3A_593 = vector.broadcast %broadcast_in_dim3A_592 : i32 to vector<16xi32>
        %broadcast_in_dim3A_594 = vector.broadcast %squeeze3A_591 : i32 to vector<16xi32>
        %gather3A_595 = tpu.vector_load_idx %arg10[%broadcast_in_dim3A, %add3A_17, %broadcast_in_dim3A_594] : memref<2x64x512xf32, #tpu.memory_space<vmem>>[vector<16xi32>, vector<16xi32>, vector<16xi32>], vector<16xf32>,
        %add3A_596 = arith.constant 0 : i32
        %add3A_597 = vector.broadcast %add3A_596 : i32 to vector<16xi32>
        %add3A_598 = arith.addi %add3A_597, %iota3A : vector<16xi32>
        tpu.vector_store_idx %arg9[%broadcast_in_dim3A_593, %add3A_598], %gather3A_595 : memref<16x64xf32, #tpu.memory_space<vmem>>[vector<16xi32>, vector<16xi32>], vector<16xf32>,
        %broadcast_in_dim3A_599 = vector.broadcast %squeeze3A_591 : i32 to vector<16xi32>
        %gather3A_600 = tpu.vector_load_idx %arg10[%broadcast_in_dim3A, %add3A_20, %broadcast_in_dim3A_599] : memref<2x64x512xf32, #tpu.memory_space<vmem>>[vector<16xi32>, vector<16xi32>, vector<16xi32>], vector<16xf32>,
        %add3A_601 = arith.constant 16 : i32
        %add3A_602 = vector.broadcast %add3A_601 : i32 to vector<16xi32>
        %add3A_603 = arith.addi %add3A_602, %iota3A : vector<16xi32>
        tpu.vector_store_idx %arg9[%broadcast_in_dim3A_593, %add3A_603], %gather3A_600 : memref<16x64xf32, #tpu.memory_space<vmem>>[vector<16xi32>, vector<16xi32>], vector<16xf32>,
        %broadcast_in_dim3A_604 = vector.broadcast %squeeze3A_591 : i32 to vector<16xi32>
        %gather3A_605 = tpu.vector_load_idx %arg10[%broadcast_in_dim3A, %add3A_23, %broadcast_in_dim3A_604] : memref<2x64x512xf32, #tpu.memory_space<vmem>>[vector<16xi32>, vector<16xi32>, vector<16xi32>], vector<16xf32>,
        %add3A_606 = arith.constant 32 : i32
        %add3A_607 = vector.broadcast %add3A_606 : i32 to vector<16xi32>
        %add3A_608 = arith.addi %add3A_607, %iota3A : vector<16xi32>
        tpu.vector_store_idx %arg9[%broadcast_in_dim3A_593, %add3A_608], %gather3A_605 : memref<16x64xf32, #tpu.memory_space<vmem>>[vector<16xi32>, vector<16xi32>], vector<16xf32>,
        %broadcast_in_dim3A_609 = vector.broadcast %squeeze3A_591 : i32 to vector<16xi32>
        %gather3A_610 = tpu.vector_load_idx %arg10[%broadcast_in_dim3A, %add3A_26, %broadcast_in_dim3A_609] : memref<2x64x512xf32, #tpu.memory_space<vmem>>[vector<16xi32>, vector<16xi32>, vector<16xi32>], vector<16xf32>,
        %add3A_611 = arith.constant 48 : i32
        %add3A_612 = vector.broadcast %add3A_611 : i32 to vector<16xi32>
        %add3A_613 = arith.addi %add3A_612, %iota3A : vector<16xi32>
        tpu.vector_store_idx %arg9[%broadcast_in_dim3A_593, %add3A_613], %gather3A_610 : memref<16x64xf32, #tpu.memory_space<vmem>>[vector<16xi32>, vector<16xi32>], vector<16xf32>,
        %slice3A_614 = vector.extract_strided_slice %sub3A_349 {offsets = [11], sizes = [1], strides = [1]} : vector<16xi32> to vector<1xi32>
        %squeeze3A_615 = vector.extract %slice3A_614[0] : i32 from vector<1xi32>
        %broadcast_in_dim3A_616 = arith.constant 11 : i32
        %broadcast_in_dim3A_617 = vector.broadcast %broadcast_in_dim3A_616 : i32 to vector<16xi32>
        %broadcast_in_dim3A_618 = vector.broadcast %squeeze3A_615 : i32 to vector<16xi32>
        %gather3A_619 = tpu.vector_load_idx %arg10[%broadcast_in_dim3A, %add3A_17, %broadcast_in_dim3A_618] : memref<2x64x512xf32, #tpu.memory_space<vmem>>[vector<16xi32>, vector<16xi32>, vector<16xi32>], vector<16xf32>,
        %add3A_620 = arith.constant 0 : i32
        %add3A_621 = vector.broadcast %add3A_620 : i32 to vector<16xi32>
        %add3A_622 = arith.addi %add3A_621, %iota3A : vector<16xi32>
        tpu.vector_store_idx %arg9[%broadcast_in_dim3A_617, %add3A_622], %gather3A_619 : memref<16x64xf32, #tpu.memory_space<vmem>>[vector<16xi32>, vector<16xi32>], vector<16xf32>,
        %broadcast_in_dim3A_623 = vector.broadcast %squeeze3A_615 : i32 to vector<16xi32>
        %gather3A_624 = tpu.vector_load_idx %arg10[%broadcast_in_dim3A, %add3A_20, %broadcast_in_dim3A_623] : memref<2x64x512xf32, #tpu.memory_space<vmem>>[vector<16xi32>, vector<16xi32>, vector<16xi32>], vector<16xf32>,
        %add3A_625 = arith.constant 16 : i32
        %add3A_626 = vector.broadcast %add3A_625 : i32 to vector<16xi32>
        %add3A_627 = arith.addi %add3A_626, %iota3A : vector<16xi32>
        tpu.vector_store_idx %arg9[%broadcast_in_dim3A_617, %add3A_627], %gather3A_624 : memref<16x64xf32, #tpu.memory_space<vmem>>[vector<16xi32>, vector<16xi32>], vector<16xf32>,
        %broadcast_in_dim3A_628 = vector.broadcast %squeeze3A_615 : i32 to vector<16xi32>
        %gather3A_629 = tpu.vector_load_idx %arg10[%broadcast_in_dim3A, %add3A_23, %broadcast_in_dim3A_628] : memref<2x64x512xf32, #tpu.memory_space<vmem>>[vector<16xi32>, vector<16xi32>, vector<16xi32>], vector<16xf32>,
        %add3A_630 = arith.constant 32 : i32
        %add3A_631 = vector.broadcast %add3A_630 : i32 to vector<16xi32>
        %add3A_632 = arith.addi %add3A_631, %iota3A : vector<16xi32>
        tpu.vector_store_idx %arg9[%broadcast_in_dim3A_617, %add3A_632], %gather3A_629 : memref<16x64xf32, #tpu.memory_space<vmem>>[vector<16xi32>, vector<16xi32>], vector<16xf32>,
        %broadcast_in_dim3A_633 = vector.broadcast %squeeze3A_615 : i32 to vector<16xi32>
        %gather3A_634 = tpu.vector_load_idx %arg10[%broadcast_in_dim3A, %add3A_26, %broadcast_in_dim3A_633] : memref<2x64x512xf32, #tpu.memory_space<vmem>>[vector<16xi32>, vector<16xi32>, vector<16xi32>], vector<16xf32>,
        %add3A_635 = arith.constant 48 : i32
        %add3A_636 = vector.broadcast %add3A_635 : i32 to vector<16xi32>
        %add3A_637 = arith.addi %add3A_636, %iota3A : vector<16xi32>
        tpu.vector_store_idx %arg9[%broadcast_in_dim3A_617, %add3A_637], %gather3A_634 : memref<16x64xf32, #tpu.memory_space<vmem>>[vector<16xi32>, vector<16xi32>], vector<16xf32>,
        %slice3A_638 = vector.extract_strided_slice %sub3A_349 {offsets = [12], sizes = [1], strides = [1]} : vector<16xi32> to vector<1xi32>
        %squeeze3A_639 = vector.extract %slice3A_638[0] : i32 from vector<1xi32>
        %broadcast_in_dim3A_640 = arith.constant 12 : i32
        %broadcast_in_dim3A_641 = vector.broadcast %broadcast_in_dim3A_640 : i32 to vector<16xi32>
        %broadcast_in_dim3A_642 = vector.broadcast %squeeze3A_639 : i32 to vector<16xi32>
        %gather3A_643 = tpu.vector_load_idx %arg10[%broadcast_in_dim3A, %add3A_17, %broadcast_in_dim3A_642] : memref<2x64x512xf32, #tpu.memory_space<vmem>>[vector<16xi32>, vector<16xi32>, vector<16xi32>], vector<16xf32>,
        %add3A_644 = arith.constant 0 : i32
        %add3A_645 = vector.broadcast %add3A_644 : i32 to vector<16xi32>
        %add3A_646 = arith.addi %add3A_645, %iota3A : vector<16xi32>
        tpu.vector_store_idx %arg9[%broadcast_in_dim3A_641, %add3A_646], %gather3A_643 : memref<16x64xf32, #tpu.memory_space<vmem>>[vector<16xi32>, vector<16xi32>], vector<16xf32>,
        %broadcast_in_dim3A_647 = vector.broadcast %squeeze3A_639 : i32 to vector<16xi32>
        %gather3A_648 = tpu.vector_load_idx %arg10[%broadcast_in_dim3A, %add3A_20, %broadcast_in_dim3A_647] : memref<2x64x512xf32, #tpu.memory_space<vmem>>[vector<16xi32>, vector<16xi32>, vector<16xi32>], vector<16xf32>,
        %add3A_649 = arith.constant 16 : i32
        %add3A_650 = vector.broadcast %add3A_649 : i32 to vector<16xi32>
        %add3A_651 = arith.addi %add3A_650, %iota3A : vector<16xi32>
        tpu.vector_store_idx %arg9[%broadcast_in_dim3A_641, %add3A_651], %gather3A_648 : memref<16x64xf32, #tpu.memory_space<vmem>>[vector<16xi32>, vector<16xi32>], vector<16xf32>,
        %broadcast_in_dim3A_652 = vector.broadcast %squeeze3A_639 : i32 to vector<16xi32>
        %gather3A_653 = tpu.vector_load_idx %arg10[%broadcast_in_dim3A, %add3A_23, %broadcast_in_dim3A_652] : memref<2x64x512xf32, #tpu.memory_space<vmem>>[vector<16xi32>, vector<16xi32>, vector<16xi32>], vector<16xf32>,
        %add3A_654 = arith.constant 32 : i32
        %add3A_655 = vector.broadcast %add3A_654 : i32 to vector<16xi32>
        %add3A_656 = arith.addi %add3A_655, %iota3A : vector<16xi32>
        tpu.vector_store_idx %arg9[%broadcast_in_dim3A_641, %add3A_656], %gather3A_653 : memref<16x64xf32, #tpu.memory_space<vmem>>[vector<16xi32>, vector<16xi32>], vector<16xf32>,
        %broadcast_in_dim3A_657 = vector.broadcast %squeeze3A_639 : i32 to vector<16xi32>
        %gather3A_658 = tpu.vector_load_idx %arg10[%broadcast_in_dim3A, %add3A_26, %broadcast_in_dim3A_657] : memref<2x64x512xf32, #tpu.memory_space<vmem>>[vector<16xi32>, vector<16xi32>, vector<16xi32>], vector<16xf32>,
        %add3A_659 = arith.constant 48 : i32
        %add3A_660 = vector.broadcast %add3A_659 : i32 to vector<16xi32>
        %add3A_661 = arith.addi %add3A_660, %iota3A : vector<16xi32>
        tpu.vector_store_idx %arg9[%broadcast_in_dim3A_641, %add3A_661], %gather3A_658 : memref<16x64xf32, #tpu.memory_space<vmem>>[vector<16xi32>, vector<16xi32>], vector<16xf32>,
        %slice3A_662 = vector.extract_strided_slice %sub3A_349 {offsets = [13], sizes = [1], strides = [1]} : vector<16xi32> to vector<1xi32>
        %squeeze3A_663 = vector.extract %slice3A_662[0] : i32 from vector<1xi32>
        %broadcast_in_dim3A_664 = arith.constant 13 : i32
        %broadcast_in_dim3A_665 = vector.broadcast %broadcast_in_dim3A_664 : i32 to vector<16xi32>
        %broadcast_in_dim3A_666 = vector.broadcast %squeeze3A_663 : i32 to vector<16xi32>
        %gather3A_667 = tpu.vector_load_idx %arg10[%broadcast_in_dim3A, %add3A_17, %broadcast_in_dim3A_666] : memref<2x64x512xf32, #tpu.memory_space<vmem>>[vector<16xi32>, vector<16xi32>, vector<16xi32>], vector<16xf32>,
        %add3A_668 = arith.constant 0 : i32
        %add3A_669 = vector.broadcast %add3A_668 : i32 to vector<16xi32>
        %add3A_670 = arith.addi %add3A_669, %iota3A : vector<16xi32>
        tpu.vector_store_idx %arg9[%broadcast_in_dim3A_665, %add3A_670], %gather3A_667 : memref<16x64xf32, #tpu.memory_space<vmem>>[vector<16xi32>, vector<16xi32>], vector<16xf32>,
        %broadcast_in_dim3A_671 = vector.broadcast %squeeze3A_663 : i32 to vector<16xi32>
        %gather3A_672 = tpu.vector_load_idx %arg10[%broadcast_in_dim3A, %add3A_20, %broadcast_in_dim3A_671] : memref<2x64x512xf32, #tpu.memory_space<vmem>>[vector<16xi32>, vector<16xi32>, vector<16xi32>], vector<16xf32>,
        %add3A_673 = arith.constant 16 : i32
        %add3A_674 = vector.broadcast %add3A_673 : i32 to vector<16xi32>
        %add3A_675 = arith.addi %add3A_674, %iota3A : vector<16xi32>
        tpu.vector_store_idx %arg9[%broadcast_in_dim3A_665, %add3A_675], %gather3A_672 : memref<16x64xf32, #tpu.memory_space<vmem>>[vector<16xi32>, vector<16xi32>], vector<16xf32>,
        %broadcast_in_dim3A_676 = vector.broadcast %squeeze3A_663 : i32 to vector<16xi32>
        %gather3A_677 = tpu.vector_load_idx %arg10[%broadcast_in_dim3A, %add3A_23, %broadcast_in_dim3A_676] : memref<2x64x512xf32, #tpu.memory_space<vmem>>[vector<16xi32>, vector<16xi32>, vector<16xi32>], vector<16xf32>,
        %add3A_678 = arith.constant 32 : i32
        %add3A_679 = vector.broadcast %add3A_678 : i32 to vector<16xi32>
        %add3A_680 = arith.addi %add3A_679, %iota3A : vector<16xi32>
        tpu.vector_store_idx %arg9[%broadcast_in_dim3A_665, %add3A_680], %gather3A_677 : memref<16x64xf32, #tpu.memory_space<vmem>>[vector<16xi32>, vector<16xi32>], vector<16xf32>,
        %broadcast_in_dim3A_681 = vector.broadcast %squeeze3A_663 : i32 to vector<16xi32>
        %gather3A_682 = tpu.vector_load_idx %arg10[%broadcast_in_dim3A, %add3A_26, %broadcast_in_dim3A_681] : memref<2x64x512xf32, #tpu.memory_space<vmem>>[vector<16xi32>, vector<16xi32>, vector<16xi32>], vector<16xf32>,
        %add3A_683 = arith.constant 48 : i32
        %add3A_684 = vector.broadcast %add3A_683 : i32 to vector<16xi32>
        %add3A_685 = arith.addi %add3A_684, %iota3A : vector<16xi32>
        tpu.vector_store_idx %arg9[%broadcast_in_dim3A_665, %add3A_685], %gather3A_682 : memref<16x64xf32, #tpu.memory_space<vmem>>[vector<16xi32>, vector<16xi32>], vector<16xf32>,
        %slice3A_686 = vector.extract_strided_slice %sub3A_349 {offsets = [14], sizes = [1], strides = [1]} : vector<16xi32> to vector<1xi32>
        %squeeze3A_687 = vector.extract %slice3A_686[0] : i32 from vector<1xi32>
        %broadcast_in_dim3A_688 = arith.constant 14 : i32
        %broadcast_in_dim3A_689 = vector.broadcast %broadcast_in_dim3A_688 : i32 to vector<16xi32>
        %broadcast_in_dim3A_690 = vector.broadcast %squeeze3A_687 : i32 to vector<16xi32>
        %gather3A_691 = tpu.vector_load_idx %arg10[%broadcast_in_dim3A, %add3A_17, %broadcast_in_dim3A_690] : memref<2x64x512xf32, #tpu.memory_space<vmem>>[vector<16xi32>, vector<16xi32>, vector<16xi32>], vector<16xf32>,
        %add3A_692 = arith.constant 0 : i32
        %add3A_693 = vector.broadcast %add3A_692 : i32 to vector<16xi32>
        %add3A_694 = arith.addi %add3A_693, %iota3A : vector<16xi32>
        tpu.vector_store_idx %arg9[%broadcast_in_dim3A_689, %add3A_694], %gather3A_691 : memref<16x64xf32, #tpu.memory_space<vmem>>[vector<16xi32>, vector<16xi32>], vector<16xf32>,
        %broadcast_in_dim3A_695 = vector.broadcast %squeeze3A_687 : i32 to vector<16xi32>
        %gather3A_696 = tpu.vector_load_idx %arg10[%broadcast_in_dim3A, %add3A_20, %broadcast_in_dim3A_695] : memref<2x64x512xf32, #tpu.memory_space<vmem>>[vector<16xi32>, vector<16xi32>, vector<16xi32>], vector<16xf32>,
        %add3A_697 = arith.constant 16 : i32
        %add3A_698 = vector.broadcast %add3A_697 : i32 to vector<16xi32>
        %add3A_699 = arith.addi %add3A_698, %iota3A : vector<16xi32>
        tpu.vector_store_idx %arg9[%broadcast_in_dim3A_689, %add3A_699], %gather3A_696 : memref<16x64xf32, #tpu.memory_space<vmem>>[vector<16xi32>, vector<16xi32>], vector<16xf32>,
        %broadcast_in_dim3A_700 = vector.broadcast %squeeze3A_687 : i32 to vector<16xi32>
        %gather3A_701 = tpu.vector_load_idx %arg10[%broadcast_in_dim3A, %add3A_23, %broadcast_in_dim3A_700] : memref<2x64x512xf32, #tpu.memory_space<vmem>>[vector<16xi32>, vector<16xi32>, vector<16xi32>], vector<16xf32>,
        %add3A_702 = arith.constant 32 : i32
        %add3A_703 = vector.broadcast %add3A_702 : i32 to vector<16xi32>
        %add3A_704 = arith.addi %add3A_703, %iota3A : vector<16xi32>
        tpu.vector_store_idx %arg9[%broadcast_in_dim3A_689, %add3A_704], %gather3A_701 : memref<16x64xf32, #tpu.memory_space<vmem>>[vector<16xi32>, vector<16xi32>], vector<16xf32>,
        %broadcast_in_dim3A_705 = vector.broadcast %squeeze3A_687 : i32 to vector<16xi32>
        %gather3A_706 = tpu.vector_load_idx %arg10[%broadcast_in_dim3A, %add3A_26, %broadcast_in_dim3A_705] : memref<2x64x512xf32, #tpu.memory_space<vmem>>[vector<16xi32>, vector<16xi32>, vector<16xi32>], vector<16xf32>,
        %add3A_707 = arith.constant 48 : i32
        %add3A_708 = vector.broadcast %add3A_707 : i32 to vector<16xi32>
        %add3A_709 = arith.addi %add3A_708, %iota3A : vector<16xi32>
        tpu.vector_store_idx %arg9[%broadcast_in_dim3A_689, %add3A_709], %gather3A_706 : memref<16x64xf32, #tpu.memory_space<vmem>>[vector<16xi32>, vector<16xi32>], vector<16xf32>,
        %slice3A_710 = vector.extract_strided_slice %sub3A_349 {offsets = [15], sizes = [1], strides = [1]} : vector<16xi32> to vector<1xi32>
        %squeeze3A_711 = vector.extract %slice3A_710[0] : i32 from vector<1xi32>
        %broadcast_in_dim3A_712 = arith.constant 15 : i32
        %broadcast_in_dim3A_713 = vector.broadcast %broadcast_in_dim3A_712 : i32 to vector<16xi32>
        %broadcast_in_dim3A_714 = vector.broadcast %squeeze3A_711 : i32 to vector<16xi32>
        %gather3A_715 = tpu.vector_load_idx %arg10[%broadcast_in_dim3A, %add3A_17, %broadcast_in_dim3A_714] : memref<2x64x512xf32, #tpu.memory_space<vmem>>[vector<16xi32>, vector<16xi32>, vector<16xi32>], vector<16xf32>,
        %add3A_716 = arith.constant 0 : i32
        %add3A_717 = vector.broadcast %add3A_716 : i32 to vector<16xi32>
        %add3A_718 = arith.addi %add3A_717, %iota3A : vector<16xi32>
        tpu.vector_store_idx %arg9[%broadcast_in_dim3A_713, %add3A_718], %gather3A_715 : memref<16x64xf32, #tpu.memory_space<vmem>>[vector<16xi32>, vector<16xi32>], vector<16xf32>,
        %broadcast_in_dim3A_719 = vector.broadcast %squeeze3A_711 : i32 to vector<16xi32>
        %gather3A_720 = tpu.vector_load_idx %arg10[%broadcast_in_dim3A, %add3A_20, %broadcast_in_dim3A_719] : memref<2x64x512xf32, #tpu.memory_space<vmem>>[vector<16xi32>, vector<16xi32>, vector<16xi32>], vector<16xf32>,
        %add3A_721 = arith.constant 16 : i32
        %add3A_722 = vector.broadcast %add3A_721 : i32 to vector<16xi32>
        %add3A_723 = arith.addi %add3A_722, %iota3A : vector<16xi32>
        tpu.vector_store_idx %arg9[%broadcast_in_dim3A_713, %add3A_723], %gather3A_720 : memref<16x64xf32, #tpu.memory_space<vmem>>[vector<16xi32>, vector<16xi32>], vector<16xf32>,
        %broadcast_in_dim3A_724 = vector.broadcast %squeeze3A_711 : i32 to vector<16xi32>
        %gather3A_725 = tpu.vector_load_idx %arg10[%broadcast_in_dim3A, %add3A_23, %broadcast_in_dim3A_724] : memref<2x64x512xf32, #tpu.memory_space<vmem>>[vector<16xi32>, vector<16xi32>, vector<16xi32>], vector<16xf32>,
        %add3A_726 = arith.constant 32 : i32
        %add3A_727 = vector.broadcast %add3A_726 : i32 to vector<16xi32>
        %add3A_728 = arith.addi %add3A_727, %iota3A : vector<16xi32>
        tpu.vector_store_idx %arg9[%broadcast_in_dim3A_713, %add3A_728], %gather3A_725 : memref<16x64xf32, #tpu.memory_space<vmem>>[vector<16xi32>, vector<16xi32>], vector<16xf32>,
        %broadcast_in_dim3A_729 = vector.broadcast %squeeze3A_711 : i32 to vector<16xi32>
        %gather3A_730 = tpu.vector_load_idx %arg10[%broadcast_in_dim3A, %add3A_26, %broadcast_in_dim3A_729] : memref<2x64x512xf32, #tpu.memory_space<vmem>>[vector<16xi32>, vector<16xi32>, vector<16xi32>], vector<16xf32>,
        %add3A_731 = arith.constant 48 : i32
        %add3A_732 = vector.broadcast %add3A_731 : i32 to vector<16xi32>
        %add3A_733 = arith.addi %add3A_732, %iota3A : vector<16xi32>
        tpu.vector_store_idx %arg9[%broadcast_in_dim3A_713, %add3A_733], %gather3A_730 : memref<16x64xf32, #tpu.memory_space<vmem>>[vector<16xi32>, vector<16xi32>], vector<16xf32>,
        %slice3A_734 = vector.extract_strided_slice %and3A_352 {offsets = [0], sizes = [1], strides = [1]} : vector<16xi32> to vector<1xi32>
        %squeeze3A_735 = vector.extract %slice3A_734[0] : i32 from vector<1xi32>
        %dma_start3A_736 = arith.constant 0 : i32
        %dma_start3A_737 = arith.constant 0 : i32
        %dma_start3A_738 = tpu.memref_slice %arg9[%dma_start3A_736, %dma_start3A_737] : memref<16x64xf32, #tpu.memory_space<vmem>> -> memref<1x64xf32, #tpu.memory_space<vmem>>
        %dma_start3A_739 = arith.constant 0 : i32
        %dma_start3A_740 = tpu.memref_slice %arg5[%squeeze3A_735, %dma_start3A_739] : memref<16384x64xf32, #tpu.memory_space<hbm>> -> memref<1x64xf32, #tpu.memory_space<hbm>>
        %dma_start3A_741 = arith.constant 0 : i32
        %dma_start3A_742 = tpu.memref_slice %arg5[%squeeze3A_735, %dma_start3A_741] : memref<16384x64xf32, #tpu.memory_space<hbm>> -> memref<1x64xf32, #tpu.memory_space<hbm>>
        %dma_start3A_743 = arith.constant 0 : i32
        %dma_start3A_744 = arith.constant 0 : i32
        %dma_start3A_745 = tpu.memref_slice %arg9[%dma_start3A_743, %dma_start3A_744] : memref<16x64xf32, #tpu.memory_space<vmem>> -> memref<1x64xf32, #tpu.memory_space<vmem>>
        tpu.enqueue_dma source(%dma_start3A_745 : memref<1x64xf32, #tpu.memory_space<vmem>>) target(%dma_start3A_742 : memref<1x64xf32, #tpu.memory_space<hbm>>) target_semaphore(%arg12 : memref<!tpu.dma_semaphore, #tpu.memory_space<semaphore_mem>>)
        %slice3A_746 = vector.extract_strided_slice %and3A_352 {offsets = [1], sizes = [1], strides = [1]} : vector<16xi32> to vector<1xi32>
        %squeeze3A_747 = vector.extract %slice3A_746[0] : i32 from vector<1xi32>
        %dma_start3A_748 = arith.constant 1 : i32
        %dma_start3A_749 = arith.constant 0 : i32
        %dma_start3A_750 = tpu.memref_slice %arg9[%dma_start3A_748, %dma_start3A_749] : memref<16x64xf32, #tpu.memory_space<vmem>> -> memref<1x64xf32, #tpu.memory_space<vmem>>
        %dma_start3A_751 = arith.constant 0 : i32
        %dma_start3A_752 = tpu.memref_slice %arg5[%squeeze3A_747, %dma_start3A_751] : memref<16384x64xf32, #tpu.memory_space<hbm>> -> memref<1x64xf32, #tpu.memory_space<hbm>>
        %dma_start3A_753 = arith.constant 0 : i32
        %dma_start3A_754 = tpu.memref_slice %arg5[%squeeze3A_747, %dma_start3A_753] : memref<16384x64xf32, #tpu.memory_space<hbm>> -> memref<1x64xf32, #tpu.memory_space<hbm>>
        %dma_start3A_755 = arith.constant 1 : i32
        %dma_start3A_756 = arith.constant 0 : i32
        %dma_start3A_757 = tpu.memref_slice %arg9[%dma_start3A_755, %dma_start3A_756] : memref<16x64xf32, #tpu.memory_space<vmem>> -> memref<1x64xf32, #tpu.memory_space<vmem>>
        tpu.enqueue_dma source(%dma_start3A_757 : memref<1x64xf32, #tpu.memory_space<vmem>>) target(%dma_start3A_754 : memref<1x64xf32, #tpu.memory_space<hbm>>) target_semaphore(%arg12 : memref<!tpu.dma_semaphore, #tpu.memory_space<semaphore_mem>>)
        %slice3A_758 = vector.extract_strided_slice %and3A_352 {offsets = [2], sizes = [1], strides = [1]} : vector<16xi32> to vector<1xi32>
        %squeeze3A_759 = vector.extract %slice3A_758[0] : i32 from vector<1xi32>
        %dma_start3A_760 = arith.constant 2 : i32
        %dma_start3A_761 = arith.constant 0 : i32
        %dma_start3A_762 = tpu.memref_slice %arg9[%dma_start3A_760, %dma_start3A_761] : memref<16x64xf32, #tpu.memory_space<vmem>> -> memref<1x64xf32, #tpu.memory_space<vmem>>
        %dma_start3A_763 = arith.constant 0 : i32
        %dma_start3A_764 = tpu.memref_slice %arg5[%squeeze3A_759, %dma_start3A_763] : memref<16384x64xf32, #tpu.memory_space<hbm>> -> memref<1x64xf32, #tpu.memory_space<hbm>>
        %dma_start3A_765 = arith.constant 0 : i32
        %dma_start3A_766 = tpu.memref_slice %arg5[%squeeze3A_759, %dma_start3A_765] : memref<16384x64xf32, #tpu.memory_space<hbm>> -> memref<1x64xf32, #tpu.memory_space<hbm>>
        %dma_start3A_767 = arith.constant 2 : i32
        %dma_start3A_768 = arith.constant 0 : i32
        %dma_start3A_769 = tpu.memref_slice %arg9[%dma_start3A_767, %dma_start3A_768] : memref<16x64xf32, #tpu.memory_space<vmem>> -> memref<1x64xf32, #tpu.memory_space<vmem>>
        tpu.enqueue_dma source(%dma_start3A_769 : memref<1x64xf32, #tpu.memory_space<vmem>>) target(%dma_start3A_766 : memref<1x64xf32, #tpu.memory_space<hbm>>) target_semaphore(%arg12 : memref<!tpu.dma_semaphore, #tpu.memory_space<semaphore_mem>>)
        %slice3A_770 = vector.extract_strided_slice %and3A_352 {offsets = [3], sizes = [1], strides = [1]} : vector<16xi32> to vector<1xi32>
        %squeeze3A_771 = vector.extract %slice3A_770[0] : i32 from vector<1xi32>
        %dma_start3A_772 = arith.constant 3 : i32
        %dma_start3A_773 = arith.constant 0 : i32
        %dma_start3A_774 = tpu.memref_slice %arg9[%dma_start3A_772, %dma_start3A_773] : memref<16x64xf32, #tpu.memory_space<vmem>> -> memref<1x64xf32, #tpu.memory_space<vmem>>
        %dma_start3A_775 = arith.constant 0 : i32
        %dma_start3A_776 = tpu.memref_slice %arg5[%squeeze3A_771, %dma_start3A_775] : memref<16384x64xf32, #tpu.memory_space<hbm>> -> memref<1x64xf32, #tpu.memory_space<hbm>>
        %dma_start3A_777 = arith.constant 0 : i32
        %dma_start3A_778 = tpu.memref_slice %arg5[%squeeze3A_771, %dma_start3A_777] : memref<16384x64xf32, #tpu.memory_space<hbm>> -> memref<1x64xf32, #tpu.memory_space<hbm>>
        %dma_start3A_779 = arith.constant 3 : i32
        %dma_start3A_780 = arith.constant 0 : i32
        %dma_start3A_781 = tpu.memref_slice %arg9[%dma_start3A_779, %dma_start3A_780] : memref<16x64xf32, #tpu.memory_space<vmem>> -> memref<1x64xf32, #tpu.memory_space<vmem>>
        tpu.enqueue_dma source(%dma_start3A_781 : memref<1x64xf32, #tpu.memory_space<vmem>>) target(%dma_start3A_778 : memref<1x64xf32, #tpu.memory_space<hbm>>) target_semaphore(%arg12 : memref<!tpu.dma_semaphore, #tpu.memory_space<semaphore_mem>>)
        %slice3A_782 = vector.extract_strided_slice %and3A_352 {offsets = [4], sizes = [1], strides = [1]} : vector<16xi32> to vector<1xi32>
        %squeeze3A_783 = vector.extract %slice3A_782[0] : i32 from vector<1xi32>
        %dma_start3A_784 = arith.constant 4 : i32
        %dma_start3A_785 = arith.constant 0 : i32
        %dma_start3A_786 = tpu.memref_slice %arg9[%dma_start3A_784, %dma_start3A_785] : memref<16x64xf32, #tpu.memory_space<vmem>> -> memref<1x64xf32, #tpu.memory_space<vmem>>
        %dma_start3A_787 = arith.constant 0 : i32
        %dma_start3A_788 = tpu.memref_slice %arg5[%squeeze3A_783, %dma_start3A_787] : memref<16384x64xf32, #tpu.memory_space<hbm>> -> memref<1x64xf32, #tpu.memory_space<hbm>>
        %dma_start3A_789 = arith.constant 0 : i32
        %dma_start3A_790 = tpu.memref_slice %arg5[%squeeze3A_783, %dma_start3A_789] : memref<16384x64xf32, #tpu.memory_space<hbm>> -> memref<1x64xf32, #tpu.memory_space<hbm>>
        %dma_start3A_791 = arith.constant 4 : i32
        %dma_start3A_792 = arith.constant 0 : i32
        %dma_start3A_793 = tpu.memref_slice %arg9[%dma_start3A_791, %dma_start3A_792] : memref<16x64xf32, #tpu.memory_space<vmem>> -> memref<1x64xf32, #tpu.memory_space<vmem>>
        tpu.enqueue_dma source(%dma_start3A_793 : memref<1x64xf32, #tpu.memory_space<vmem>>) target(%dma_start3A_790 : memref<1x64xf32, #tpu.memory_space<hbm>>) target_semaphore(%arg12 : memref<!tpu.dma_semaphore, #tpu.memory_space<semaphore_mem>>)
        %slice3A_794 = vector.extract_strided_slice %and3A_352 {offsets = [5], sizes = [1], strides = [1]} : vector<16xi32> to vector<1xi32>
        %squeeze3A_795 = vector.extract %slice3A_794[0] : i32 from vector<1xi32>
        %dma_start3A_796 = arith.constant 5 : i32
        %dma_start3A_797 = arith.constant 0 : i32
        %dma_start3A_798 = tpu.memref_slice %arg9[%dma_start3A_796, %dma_start3A_797] : memref<16x64xf32, #tpu.memory_space<vmem>> -> memref<1x64xf32, #tpu.memory_space<vmem>>
        %dma_start3A_799 = arith.constant 0 : i32
        %dma_start3A_800 = tpu.memref_slice %arg5[%squeeze3A_795, %dma_start3A_799] : memref<16384x64xf32, #tpu.memory_space<hbm>> -> memref<1x64xf32, #tpu.memory_space<hbm>>
        %dma_start3A_801 = arith.constant 0 : i32
        %dma_start3A_802 = tpu.memref_slice %arg5[%squeeze3A_795, %dma_start3A_801] : memref<16384x64xf32, #tpu.memory_space<hbm>> -> memref<1x64xf32, #tpu.memory_space<hbm>>
        %dma_start3A_803 = arith.constant 5 : i32
        %dma_start3A_804 = arith.constant 0 : i32
        %dma_start3A_805 = tpu.memref_slice %arg9[%dma_start3A_803, %dma_start3A_804] : memref<16x64xf32, #tpu.memory_space<vmem>> -> memref<1x64xf32, #tpu.memory_space<vmem>>
        tpu.enqueue_dma source(%dma_start3A_805 : memref<1x64xf32, #tpu.memory_space<vmem>>) target(%dma_start3A_802 : memref<1x64xf32, #tpu.memory_space<hbm>>) target_semaphore(%arg12 : memref<!tpu.dma_semaphore, #tpu.memory_space<semaphore_mem>>)
        %slice3A_806 = vector.extract_strided_slice %and3A_352 {offsets = [6], sizes = [1], strides = [1]} : vector<16xi32> to vector<1xi32>
        %squeeze3A_807 = vector.extract %slice3A_806[0] : i32 from vector<1xi32>
        %dma_start3A_808 = arith.constant 6 : i32
        %dma_start3A_809 = arith.constant 0 : i32
        %dma_start3A_810 = tpu.memref_slice %arg9[%dma_start3A_808, %dma_start3A_809] : memref<16x64xf32, #tpu.memory_space<vmem>> -> memref<1x64xf32, #tpu.memory_space<vmem>>
        %dma_start3A_811 = arith.constant 0 : i32
        %dma_start3A_812 = tpu.memref_slice %arg5[%squeeze3A_807, %dma_start3A_811] : memref<16384x64xf32, #tpu.memory_space<hbm>> -> memref<1x64xf32, #tpu.memory_space<hbm>>
        %dma_start3A_813 = arith.constant 0 : i32
        %dma_start3A_814 = tpu.memref_slice %arg5[%squeeze3A_807, %dma_start3A_813] : memref<16384x64xf32, #tpu.memory_space<hbm>> -> memref<1x64xf32, #tpu.memory_space<hbm>>
        %dma_start3A_815 = arith.constant 6 : i32
        %dma_start3A_816 = arith.constant 0 : i32
        %dma_start3A_817 = tpu.memref_slice %arg9[%dma_start3A_815, %dma_start3A_816] : memref<16x64xf32, #tpu.memory_space<vmem>> -> memref<1x64xf32, #tpu.memory_space<vmem>>
        tpu.enqueue_dma source(%dma_start3A_817 : memref<1x64xf32, #tpu.memory_space<vmem>>) target(%dma_start3A_814 : memref<1x64xf32, #tpu.memory_space<hbm>>) target_semaphore(%arg12 : memref<!tpu.dma_semaphore, #tpu.memory_space<semaphore_mem>>)
        %slice3A_818 = vector.extract_strided_slice %and3A_352 {offsets = [7], sizes = [1], strides = [1]} : vector<16xi32> to vector<1xi32>
        %squeeze3A_819 = vector.extract %slice3A_818[0] : i32 from vector<1xi32>
        %dma_start3A_820 = arith.constant 7 : i32
        %dma_start3A_821 = arith.constant 0 : i32
        %dma_start3A_822 = tpu.memref_slice %arg9[%dma_start3A_820, %dma_start3A_821] : memref<16x64xf32, #tpu.memory_space<vmem>> -> memref<1x64xf32, #tpu.memory_space<vmem>>
        %dma_start3A_823 = arith.constant 0 : i32
        %dma_start3A_824 = tpu.memref_slice %arg5[%squeeze3A_819, %dma_start3A_823] : memref<16384x64xf32, #tpu.memory_space<hbm>> -> memref<1x64xf32, #tpu.memory_space<hbm>>
        %dma_start3A_825 = arith.constant 0 : i32
        %dma_start3A_826 = tpu.memref_slice %arg5[%squeeze3A_819, %dma_start3A_825] : memref<16384x64xf32, #tpu.memory_space<hbm>> -> memref<1x64xf32, #tpu.memory_space<hbm>>
        %dma_start3A_827 = arith.constant 7 : i32
        %dma_start3A_828 = arith.constant 0 : i32
        %dma_start3A_829 = tpu.memref_slice %arg9[%dma_start3A_827, %dma_start3A_828] : memref<16x64xf32, #tpu.memory_space<vmem>> -> memref<1x64xf32, #tpu.memory_space<vmem>>
        tpu.enqueue_dma source(%dma_start3A_829 : memref<1x64xf32, #tpu.memory_space<vmem>>) target(%dma_start3A_826 : memref<1x64xf32, #tpu.memory_space<hbm>>) target_semaphore(%arg12 : memref<!tpu.dma_semaphore, #tpu.memory_space<semaphore_mem>>)
        %slice3A_830 = vector.extract_strided_slice %and3A_352 {offsets = [8], sizes = [1], strides = [1]} : vector<16xi32> to vector<1xi32>
        %squeeze3A_831 = vector.extract %slice3A_830[0] : i32 from vector<1xi32>
        %dma_start3A_832 = arith.constant 8 : i32
        %dma_start3A_833 = arith.constant 0 : i32
        %dma_start3A_834 = tpu.memref_slice %arg9[%dma_start3A_832, %dma_start3A_833] : memref<16x64xf32, #tpu.memory_space<vmem>> -> memref<1x64xf32, #tpu.memory_space<vmem>>
        %dma_start3A_835 = arith.constant 0 : i32
        %dma_start3A_836 = tpu.memref_slice %arg5[%squeeze3A_831, %dma_start3A_835] : memref<16384x64xf32, #tpu.memory_space<hbm>> -> memref<1x64xf32, #tpu.memory_space<hbm>>
        %dma_start3A_837 = arith.constant 0 : i32
        %dma_start3A_838 = tpu.memref_slice %arg5[%squeeze3A_831, %dma_start3A_837] : memref<16384x64xf32, #tpu.memory_space<hbm>> -> memref<1x64xf32, #tpu.memory_space<hbm>>
        %dma_start3A_839 = arith.constant 8 : i32
        %dma_start3A_840 = arith.constant 0 : i32
        %dma_start3A_841 = tpu.memref_slice %arg9[%dma_start3A_839, %dma_start3A_840] : memref<16x64xf32, #tpu.memory_space<vmem>> -> memref<1x64xf32, #tpu.memory_space<vmem>>
        tpu.enqueue_dma source(%dma_start3A_841 : memref<1x64xf32, #tpu.memory_space<vmem>>) target(%dma_start3A_838 : memref<1x64xf32, #tpu.memory_space<hbm>>) target_semaphore(%arg12 : memref<!tpu.dma_semaphore, #tpu.memory_space<semaphore_mem>>)
        %slice3A_842 = vector.extract_strided_slice %and3A_352 {offsets = [9], sizes = [1], strides = [1]} : vector<16xi32> to vector<1xi32>
        %squeeze3A_843 = vector.extract %slice3A_842[0] : i32 from vector<1xi32>
        %dma_start3A_844 = arith.constant 9 : i32
        %dma_start3A_845 = arith.constant 0 : i32
        %dma_start3A_846 = tpu.memref_slice %arg9[%dma_start3A_844, %dma_start3A_845] : memref<16x64xf32, #tpu.memory_space<vmem>> -> memref<1x64xf32, #tpu.memory_space<vmem>>
        %dma_start3A_847 = arith.constant 0 : i32
        %dma_start3A_848 = tpu.memref_slice %arg5[%squeeze3A_843, %dma_start3A_847] : memref<16384x64xf32, #tpu.memory_space<hbm>> -> memref<1x64xf32, #tpu.memory_space<hbm>>
        %dma_start3A_849 = arith.constant 0 : i32
        %dma_start3A_850 = tpu.memref_slice %arg5[%squeeze3A_843, %dma_start3A_849] : memref<16384x64xf32, #tpu.memory_space<hbm>> -> memref<1x64xf32, #tpu.memory_space<hbm>>
        %dma_start3A_851 = arith.constant 9 : i32
        %dma_start3A_852 = arith.constant 0 : i32
        %dma_start3A_853 = tpu.memref_slice %arg9[%dma_start3A_851, %dma_start3A_852] : memref<16x64xf32, #tpu.memory_space<vmem>> -> memref<1x64xf32, #tpu.memory_space<vmem>>
        tpu.enqueue_dma source(%dma_start3A_853 : memref<1x64xf32, #tpu.memory_space<vmem>>) target(%dma_start3A_850 : memref<1x64xf32, #tpu.memory_space<hbm>>) target_semaphore(%arg12 : memref<!tpu.dma_semaphore, #tpu.memory_space<semaphore_mem>>)
        %slice3A_854 = vector.extract_strided_slice %and3A_352 {offsets = [10], sizes = [1], strides = [1]} : vector<16xi32> to vector<1xi32>
        %squeeze3A_855 = vector.extract %slice3A_854[0] : i32 from vector<1xi32>
        %dma_start3A_856 = arith.constant 10 : i32
        %dma_start3A_857 = arith.constant 0 : i32
        %dma_start3A_858 = tpu.memref_slice %arg9[%dma_start3A_856, %dma_start3A_857] : memref<16x64xf32, #tpu.memory_space<vmem>> -> memref<1x64xf32, #tpu.memory_space<vmem>>
        %dma_start3A_859 = arith.constant 0 : i32
        %dma_start3A_860 = tpu.memref_slice %arg5[%squeeze3A_855, %dma_start3A_859] : memref<16384x64xf32, #tpu.memory_space<hbm>> -> memref<1x64xf32, #tpu.memory_space<hbm>>
        %dma_start3A_861 = arith.constant 0 : i32
        %dma_start3A_862 = tpu.memref_slice %arg5[%squeeze3A_855, %dma_start3A_861] : memref<16384x64xf32, #tpu.memory_space<hbm>> -> memref<1x64xf32, #tpu.memory_space<hbm>>
        %dma_start3A_863 = arith.constant 10 : i32
        %dma_start3A_864 = arith.constant 0 : i32
        %dma_start3A_865 = tpu.memref_slice %arg9[%dma_start3A_863, %dma_start3A_864] : memref<16x64xf32, #tpu.memory_space<vmem>> -> memref<1x64xf32, #tpu.memory_space<vmem>>
        tpu.enqueue_dma source(%dma_start3A_865 : memref<1x64xf32, #tpu.memory_space<vmem>>) target(%dma_start3A_862 : memref<1x64xf32, #tpu.memory_space<hbm>>) target_semaphore(%arg12 : memref<!tpu.dma_semaphore, #tpu.memory_space<semaphore_mem>>)
        %slice3A_866 = vector.extract_strided_slice %and3A_352 {offsets = [11], sizes = [1], strides = [1]} : vector<16xi32> to vector<1xi32>
        %squeeze3A_867 = vector.extract %slice3A_866[0] : i32 from vector<1xi32>
        %dma_start3A_868 = arith.constant 11 : i32
        %dma_start3A_869 = arith.constant 0 : i32
        %dma_start3A_870 = tpu.memref_slice %arg9[%dma_start3A_868, %dma_start3A_869] : memref<16x64xf32, #tpu.memory_space<vmem>> -> memref<1x64xf32, #tpu.memory_space<vmem>>
        %dma_start3A_871 = arith.constant 0 : i32
        %dma_start3A_872 = tpu.memref_slice %arg5[%squeeze3A_867, %dma_start3A_871] : memref<16384x64xf32, #tpu.memory_space<hbm>> -> memref<1x64xf32, #tpu.memory_space<hbm>>
        %dma_start3A_873 = arith.constant 0 : i32
        %dma_start3A_874 = tpu.memref_slice %arg5[%squeeze3A_867, %dma_start3A_873] : memref<16384x64xf32, #tpu.memory_space<hbm>> -> memref<1x64xf32, #tpu.memory_space<hbm>>
        %dma_start3A_875 = arith.constant 11 : i32
        %dma_start3A_876 = arith.constant 0 : i32
        %dma_start3A_877 = tpu.memref_slice %arg9[%dma_start3A_875, %dma_start3A_876] : memref<16x64xf32, #tpu.memory_space<vmem>> -> memref<1x64xf32, #tpu.memory_space<vmem>>
        tpu.enqueue_dma source(%dma_start3A_877 : memref<1x64xf32, #tpu.memory_space<vmem>>) target(%dma_start3A_874 : memref<1x64xf32, #tpu.memory_space<hbm>>) target_semaphore(%arg12 : memref<!tpu.dma_semaphore, #tpu.memory_space<semaphore_mem>>)
        %slice3A_878 = vector.extract_strided_slice %and3A_352 {offsets = [12], sizes = [1], strides = [1]} : vector<16xi32> to vector<1xi32>
        %squeeze3A_879 = vector.extract %slice3A_878[0] : i32 from vector<1xi32>
        %dma_start3A_880 = arith.constant 12 : i32
        %dma_start3A_881 = arith.constant 0 : i32
        %dma_start3A_882 = tpu.memref_slice %arg9[%dma_start3A_880, %dma_start3A_881] : memref<16x64xf32, #tpu.memory_space<vmem>> -> memref<1x64xf32, #tpu.memory_space<vmem>>
        %dma_start3A_883 = arith.constant 0 : i32
        %dma_start3A_884 = tpu.memref_slice %arg5[%squeeze3A_879, %dma_start3A_883] : memref<16384x64xf32, #tpu.memory_space<hbm>> -> memref<1x64xf32, #tpu.memory_space<hbm>>
        %dma_start3A_885 = arith.constant 0 : i32
        %dma_start3A_886 = tpu.memref_slice %arg5[%squeeze3A_879, %dma_start3A_885] : memref<16384x64xf32, #tpu.memory_space<hbm>> -> memref<1x64xf32, #tpu.memory_space<hbm>>
        %dma_start3A_887 = arith.constant 12 : i32
        %dma_start3A_888 = arith.constant 0 : i32
        %dma_start3A_889 = tpu.memref_slice %arg9[%dma_start3A_887, %dma_start3A_888] : memref<16x64xf32, #tpu.memory_space<vmem>> -> memref<1x64xf32, #tpu.memory_space<vmem>>
        tpu.enqueue_dma source(%dma_start3A_889 : memref<1x64xf32, #tpu.memory_space<vmem>>) target(%dma_start3A_886 : memref<1x64xf32, #tpu.memory_space<hbm>>) target_semaphore(%arg12 : memref<!tpu.dma_semaphore, #tpu.memory_space<semaphore_mem>>)
        %slice3A_890 = vector.extract_strided_slice %and3A_352 {offsets = [13], sizes = [1], strides = [1]} : vector<16xi32> to vector<1xi32>
        %squeeze3A_891 = vector.extract %slice3A_890[0] : i32 from vector<1xi32>
        %dma_start3A_892 = arith.constant 13 : i32
        %dma_start3A_893 = arith.constant 0 : i32
        %dma_start3A_894 = tpu.memref_slice %arg9[%dma_start3A_892, %dma_start3A_893] : memref<16x64xf32, #tpu.memory_space<vmem>> -> memref<1x64xf32, #tpu.memory_space<vmem>>
        %dma_start3A_895 = arith.constant 0 : i32
        %dma_start3A_896 = tpu.memref_slice %arg5[%squeeze3A_891, %dma_start3A_895] : memref<16384x64xf32, #tpu.memory_space<hbm>> -> memref<1x64xf32, #tpu.memory_space<hbm>>
        %dma_start3A_897 = arith.constant 0 : i32
        %dma_start3A_898 = tpu.memref_slice %arg5[%squeeze3A_891, %dma_start3A_897] : memref<16384x64xf32, #tpu.memory_space<hbm>> -> memref<1x64xf32, #tpu.memory_space<hbm>>
        %dma_start3A_899 = arith.constant 13 : i32
        %dma_start3A_900 = arith.constant 0 : i32
        %dma_start3A_901 = tpu.memref_slice %arg9[%dma_start3A_899, %dma_start3A_900] : memref<16x64xf32, #tpu.memory_space<vmem>> -> memref<1x64xf32, #tpu.memory_space<vmem>>
        tpu.enqueue_dma source(%dma_start3A_901 : memref<1x64xf32, #tpu.memory_space<vmem>>) target(%dma_start3A_898 : memref<1x64xf32, #tpu.memory_space<hbm>>) target_semaphore(%arg12 : memref<!tpu.dma_semaphore, #tpu.memory_space<semaphore_mem>>)
        %slice3A_902 = vector.extract_strided_slice %and3A_352 {offsets = [14], sizes = [1], strides = [1]} : vector<16xi32> to vector<1xi32>
        %squeeze3A_903 = vector.extract %slice3A_902[0] : i32 from vector<1xi32>
        %dma_start3A_904 = arith.constant 14 : i32
        %dma_start3A_905 = arith.constant 0 : i32
        %dma_start3A_906 = tpu.memref_slice %arg9[%dma_start3A_904, %dma_start3A_905] : memref<16x64xf32, #tpu.memory_space<vmem>> -> memref<1x64xf32, #tpu.memory_space<vmem>>
        %dma_start3A_907 = arith.constant 0 : i32
        %dma_start3A_908 = tpu.memref_slice %arg5[%squeeze3A_903, %dma_start3A_907] : memref<16384x64xf32, #tpu.memory_space<hbm>> -> memref<1x64xf32, #tpu.memory_space<hbm>>
        %dma_start3A_909 = arith.constant 0 : i32
        %dma_start3A_910 = tpu.memref_slice %arg5[%squeeze3A_903, %dma_start3A_909] : memref<16384x64xf32, #tpu.memory_space<hbm>> -> memref<1x64xf32, #tpu.memory_space<hbm>>
        %dma_start3A_911 = arith.constant 14 : i32
        %dma_start3A_912 = arith.constant 0 : i32
        %dma_start3A_913 = tpu.memref_slice %arg9[%dma_start3A_911, %dma_start3A_912] : memref<16x64xf32, #tpu.memory_space<vmem>> -> memref<1x64xf32, #tpu.memory_space<vmem>>
        tpu.enqueue_dma source(%dma_start3A_913 : memref<1x64xf32, #tpu.memory_space<vmem>>) target(%dma_start3A_910 : memref<1x64xf32, #tpu.memory_space<hbm>>) target_semaphore(%arg12 : memref<!tpu.dma_semaphore, #tpu.memory_space<semaphore_mem>>)
        %slice3A_914 = vector.extract_strided_slice %and3A_352 {offsets = [15], sizes = [1], strides = [1]} : vector<16xi32> to vector<1xi32>
        %squeeze3A_915 = vector.extract %slice3A_914[0] : i32 from vector<1xi32>
        %dma_start3A_916 = arith.constant 15 : i32
        %dma_start3A_917 = arith.constant 0 : i32
        %dma_start3A_918 = tpu.memref_slice %arg9[%dma_start3A_916, %dma_start3A_917] : memref<16x64xf32, #tpu.memory_space<vmem>> -> memref<1x64xf32, #tpu.memory_space<vmem>>
        %dma_start3A_919 = arith.constant 0 : i32
        %dma_start3A_920 = tpu.memref_slice %arg5[%squeeze3A_915, %dma_start3A_919] : memref<16384x64xf32, #tpu.memory_space<hbm>> -> memref<1x64xf32, #tpu.memory_space<hbm>>
        %dma_start3A_921 = arith.constant 0 : i32
        %dma_start3A_922 = tpu.memref_slice %arg5[%squeeze3A_915, %dma_start3A_921] : memref<16384x64xf32, #tpu.memory_space<hbm>> -> memref<1x64xf32, #tpu.memory_space<hbm>>
        %dma_start3A_923 = arith.constant 15 : i32
        %dma_start3A_924 = arith.constant 0 : i32
        %dma_start3A_925 = tpu.memref_slice %arg9[%dma_start3A_923, %dma_start3A_924] : memref<16x64xf32, #tpu.memory_space<vmem>> -> memref<1x64xf32, #tpu.memory_space<vmem>>
        tpu.enqueue_dma source(%dma_start3A_925 : memref<1x64xf32, #tpu.memory_space<vmem>>) target(%dma_start3A_922 : memref<1x64xf32, #tpu.memory_space<hbm>>) target_semaphore(%arg12 : memref<!tpu.dma_semaphore, #tpu.memory_space<semaphore_mem>>)
        %dma_wait3A_926 = arith.constant 0 : i32
        %dma_wait3A_927 = arith.constant 0 : i32
        %dma_wait3A_928 = tpu.memref_slice %arg9[%dma_wait3A_926, %dma_wait3A_927] : memref<16x64xf32, #tpu.memory_space<vmem>> -> memref<1x64xf32, #tpu.memory_space<vmem>>
        %dma_wait3A_929 = arith.constant 0 : i32
        %dma_wait3A_930 = arith.constant 0 : i32
        %dma_wait3A_931 = tpu.memref_slice %arg5[%dma_wait3A_929, %dma_wait3A_930] : memref<16384x64xf32, #tpu.memory_space<hbm>> -> memref<1x64xf32, #tpu.memory_space<hbm>>
        %dma_wait3A_932 = arith.constant 0 : i32
        %dma_wait3A_933 = arith.constant 0 : i32
        %dma_wait3A_934 = tpu.memref_slice %arg5[%dma_wait3A_932, %dma_wait3A_933] : memref<16384x64xf32, #tpu.memory_space<hbm>> -> memref<1x64xf32, #tpu.memory_space<hbm>>
        %dma_wait3A_935 = arith.constant 0 : i32
        %dma_wait3A_936 = arith.constant 0 : i32
        %dma_wait3A_937 = tpu.memref_slice %arg9[%dma_wait3A_935, %dma_wait3A_936] : memref<16x64xf32, #tpu.memory_space<vmem>> -> memref<1x64xf32, #tpu.memory_space<vmem>>
        tpu.wait_dma2 semaphore(%arg12 : memref<!tpu.dma_semaphore, #tpu.memory_space<semaphore_mem>>) src(%dma_wait3A_937 : memref<1x64xf32, #tpu.memory_space<vmem>>) dst(%dma_wait3A_934 : memref<1x64xf32, #tpu.memory_space<hbm>>)
        %dma_wait3A_938 = arith.constant 0 : i32
        %dma_wait3A_939 = arith.constant 0 : i32
        %dma_wait3A_940 = tpu.memref_slice %arg9[%dma_wait3A_938, %dma_wait3A_939] : memref<16x64xf32, #tpu.memory_space<vmem>> -> memref<1x64xf32, #tpu.memory_space<vmem>>
        %dma_wait3A_941 = arith.constant 0 : i32
        %dma_wait3A_942 = arith.constant 0 : i32
        %dma_wait3A_943 = tpu.memref_slice %arg5[%dma_wait3A_941, %dma_wait3A_942] : memref<16384x64xf32, #tpu.memory_space<hbm>> -> memref<1x64xf32, #tpu.memory_space<hbm>>
        %dma_wait3A_944 = arith.constant 0 : i32
        %dma_wait3A_945 = arith.constant 0 : i32
        %dma_wait3A_946 = tpu.memref_slice %arg5[%dma_wait3A_944, %dma_wait3A_945] : memref<16384x64xf32, #tpu.memory_space<hbm>> -> memref<1x64xf32, #tpu.memory_space<hbm>>
        %dma_wait3A_947 = arith.constant 0 : i32
        %dma_wait3A_948 = arith.constant 0 : i32
        %dma_wait3A_949 = tpu.memref_slice %arg9[%dma_wait3A_947, %dma_wait3A_948] : memref<16x64xf32, #tpu.memory_space<vmem>> -> memref<1x64xf32, #tpu.memory_space<vmem>>
        tpu.wait_dma2 semaphore(%arg12 : memref<!tpu.dma_semaphore, #tpu.memory_space<semaphore_mem>>) src(%dma_wait3A_949 : memref<1x64xf32, #tpu.memory_space<vmem>>) dst(%dma_wait3A_946 : memref<1x64xf32, #tpu.memory_space<hbm>>)
        %dma_wait3A_950 = arith.constant 0 : i32
        %dma_wait3A_951 = arith.constant 0 : i32
        %dma_wait3A_952 = tpu.memref_slice %arg9[%dma_wait3A_950, %dma_wait3A_951] : memref<16x64xf32, #tpu.memory_space<vmem>> -> memref<1x64xf32, #tpu.memory_space<vmem>>
        %dma_wait3A_953 = arith.constant 0 : i32
        %dma_wait3A_954 = arith.constant 0 : i32
        %dma_wait3A_955 = tpu.memref_slice %arg5[%dma_wait3A_953, %dma_wait3A_954] : memref<16384x64xf32, #tpu.memory_space<hbm>> -> memref<1x64xf32, #tpu.memory_space<hbm>>
        %dma_wait3A_956 = arith.constant 0 : i32
        %dma_wait3A_957 = arith.constant 0 : i32
        %dma_wait3A_958 = tpu.memref_slice %arg5[%dma_wait3A_956, %dma_wait3A_957] : memref<16384x64xf32, #tpu.memory_space<hbm>> -> memref<1x64xf32, #tpu.memory_space<hbm>>
        %dma_wait3A_959 = arith.constant 0 : i32
        %dma_wait3A_960 = arith.constant 0 : i32
        %dma_wait3A_961 = tpu.memref_slice %arg9[%dma_wait3A_959, %dma_wait3A_960] : memref<16x64xf32, #tpu.memory_space<vmem>> -> memref<1x64xf32, #tpu.memory_space<vmem>>
        tpu.wait_dma2 semaphore(%arg12 : memref<!tpu.dma_semaphore, #tpu.memory_space<semaphore_mem>>) src(%dma_wait3A_961 : memref<1x64xf32, #tpu.memory_space<vmem>>) dst(%dma_wait3A_958 : memref<1x64xf32, #tpu.memory_space<hbm>>)
        %dma_wait3A_962 = arith.constant 0 : i32
        %dma_wait3A_963 = arith.constant 0 : i32
        %dma_wait3A_964 = tpu.memref_slice %arg9[%dma_wait3A_962, %dma_wait3A_963] : memref<16x64xf32, #tpu.memory_space<vmem>> -> memref<1x64xf32, #tpu.memory_space<vmem>>
        %dma_wait3A_965 = arith.constant 0 : i32
        %dma_wait3A_966 = arith.constant 0 : i32
        %dma_wait3A_967 = tpu.memref_slice %arg5[%dma_wait3A_965, %dma_wait3A_966] : memref<16384x64xf32, #tpu.memory_space<hbm>> -> memref<1x64xf32, #tpu.memory_space<hbm>>
        %dma_wait3A_968 = arith.constant 0 : i32
        %dma_wait3A_969 = arith.constant 0 : i32
        %dma_wait3A_970 = tpu.memref_slice %arg5[%dma_wait3A_968, %dma_wait3A_969] : memref<16384x64xf32, #tpu.memory_space<hbm>> -> memref<1x64xf32, #tpu.memory_space<hbm>>
        %dma_wait3A_971 = arith.constant 0 : i32
        %dma_wait3A_972 = arith.constant 0 : i32
        %dma_wait3A_973 = tpu.memref_slice %arg9[%dma_wait3A_971, %dma_wait3A_972] : memref<16x64xf32, #tpu.memory_space<vmem>> -> memref<1x64xf32, #tpu.memory_space<vmem>>
        tpu.wait_dma2 semaphore(%arg12 : memref<!tpu.dma_semaphore, #tpu.memory_space<semaphore_mem>>) src(%dma_wait3A_973 : memref<1x64xf32, #tpu.memory_space<vmem>>) dst(%dma_wait3A_970 : memref<1x64xf32, #tpu.memory_space<hbm>>)
        %dma_wait3A_974 = arith.constant 0 : i32
        %dma_wait3A_975 = arith.constant 0 : i32
        %dma_wait3A_976 = tpu.memref_slice %arg9[%dma_wait3A_974, %dma_wait3A_975] : memref<16x64xf32, #tpu.memory_space<vmem>> -> memref<1x64xf32, #tpu.memory_space<vmem>>
        %dma_wait3A_977 = arith.constant 0 : i32
        %dma_wait3A_978 = arith.constant 0 : i32
        %dma_wait3A_979 = tpu.memref_slice %arg5[%dma_wait3A_977, %dma_wait3A_978] : memref<16384x64xf32, #tpu.memory_space<hbm>> -> memref<1x64xf32, #tpu.memory_space<hbm>>
        %dma_wait3A_980 = arith.constant 0 : i32
        %dma_wait3A_981 = arith.constant 0 : i32
        %dma_wait3A_982 = tpu.memref_slice %arg5[%dma_wait3A_980, %dma_wait3A_981] : memref<16384x64xf32, #tpu.memory_space<hbm>> -> memref<1x64xf32, #tpu.memory_space<hbm>>
        %dma_wait3A_983 = arith.constant 0 : i32
        %dma_wait3A_984 = arith.constant 0 : i32
        %dma_wait3A_985 = tpu.memref_slice %arg9[%dma_wait3A_983, %dma_wait3A_984] : memref<16x64xf32, #tpu.memory_space<vmem>> -> memref<1x64xf32, #tpu.memory_space<vmem>>
        tpu.wait_dma2 semaphore(%arg12 : memref<!tpu.dma_semaphore, #tpu.memory_space<semaphore_mem>>) src(%dma_wait3A_985 : memref<1x64xf32, #tpu.memory_space<vmem>>) dst(%dma_wait3A_982 : memref<1x64xf32, #tpu.memory_space<hbm>>)
        %dma_wait3A_986 = arith.constant 0 : i32
        %dma_wait3A_987 = arith.constant 0 : i32
        %dma_wait3A_988 = tpu.memref_slice %arg9[%dma_wait3A_986, %dma_wait3A_987] : memref<16x64xf32, #tpu.memory_space<vmem>> -> memref<1x64xf32, #tpu.memory_space<vmem>>
        %dma_wait3A_989 = arith.constant 0 : i32
        %dma_wait3A_990 = arith.constant 0 : i32
        %dma_wait3A_991 = tpu.memref_slice %arg5[%dma_wait3A_989, %dma_wait3A_990] : memref<16384x64xf32, #tpu.memory_space<hbm>> -> memref<1x64xf32, #tpu.memory_space<hbm>>
        %dma_wait3A_992 = arith.constant 0 : i32
        %dma_wait3A_993 = arith.constant 0 : i32
        %dma_wait3A_994 = tpu.memref_slice %arg5[%dma_wait3A_992, %dma_wait3A_993] : memref<16384x64xf32, #tpu.memory_space<hbm>> -> memref<1x64xf32, #tpu.memory_space<hbm>>
        %dma_wait3A_995 = arith.constant 0 : i32
        %dma_wait3A_996 = arith.constant 0 : i32
        %dma_wait3A_997 = tpu.memref_slice %arg9[%dma_wait3A_995, %dma_wait3A_996] : memref<16x64xf32, #tpu.memory_space<vmem>> -> memref<1x64xf32, #tpu.memory_space<vmem>>
        tpu.wait_dma2 semaphore(%arg12 : memref<!tpu.dma_semaphore, #tpu.memory_space<semaphore_mem>>) src(%dma_wait3A_997 : memref<1x64xf32, #tpu.memory_space<vmem>>) dst(%dma_wait3A_994 : memref<1x64xf32, #tpu.memory_space<hbm>>)
        %dma_wait3A_998 = arith.constant 0 : i32
        %dma_wait3A_999 = arith.constant 0 : i32
        %dma_wait3A_1000 = tpu.memref_slice %arg9[%dma_wait3A_998, %dma_wait3A_999] : memref<16x64xf32, #tpu.memory_space<vmem>> -> memref<1x64xf32, #tpu.memory_space<vmem>>
        %dma_wait3A_1001 = arith.constant 0 : i32
        %dma_wait3A_1002 = arith.constant 0 : i32
        %dma_wait3A_1003 = tpu.memref_slice %arg5[%dma_wait3A_1001, %dma_wait3A_1002] : memref<16384x64xf32, #tpu.memory_space<hbm>> -> memref<1x64xf32, #tpu.memory_space<hbm>>
        %dma_wait3A_1004 = arith.constant 0 : i32
        %dma_wait3A_1005 = arith.constant 0 : i32
        %dma_wait3A_1006 = tpu.memref_slice %arg5[%dma_wait3A_1004, %dma_wait3A_1005] : memref<16384x64xf32, #tpu.memory_space<hbm>> -> memref<1x64xf32, #tpu.memory_space<hbm>>
        %dma_wait3A_1007 = arith.constant 0 : i32
        %dma_wait3A_1008 = arith.constant 0 : i32
        %dma_wait3A_1009 = tpu.memref_slice %arg9[%dma_wait3A_1007, %dma_wait3A_1008] : memref<16x64xf32, #tpu.memory_space<vmem>> -> memref<1x64xf32, #tpu.memory_space<vmem>>
        tpu.wait_dma2 semaphore(%arg12 : memref<!tpu.dma_semaphore, #tpu.memory_space<semaphore_mem>>) src(%dma_wait3A_1009 : memref<1x64xf32, #tpu.memory_space<vmem>>) dst(%dma_wait3A_1006 : memref<1x64xf32, #tpu.memory_space<hbm>>)
        %dma_wait3A_1010 = arith.constant 0 : i32
        %dma_wait3A_1011 = arith.constant 0 : i32
        %dma_wait3A_1012 = tpu.memref_slice %arg9[%dma_wait3A_1010, %dma_wait3A_1011] : memref<16x64xf32, #tpu.memory_space<vmem>> -> memref<1x64xf32, #tpu.memory_space<vmem>>
        %dma_wait3A_1013 = arith.constant 0 : i32
        %dma_wait3A_1014 = arith.constant 0 : i32
        %dma_wait3A_1015 = tpu.memref_slice %arg5[%dma_wait3A_1013, %dma_wait3A_1014] : memref<16384x64xf32, #tpu.memory_space<hbm>> -> memref<1x64xf32, #tpu.memory_space<hbm>>
        %dma_wait3A_1016 = arith.constant 0 : i32
        %dma_wait3A_1017 = arith.constant 0 : i32
        %dma_wait3A_1018 = tpu.memref_slice %arg5[%dma_wait3A_1016, %dma_wait3A_1017] : memref<16384x64xf32, #tpu.memory_space<hbm>> -> memref<1x64xf32, #tpu.memory_space<hbm>>
        %dma_wait3A_1019 = arith.constant 0 : i32
        %dma_wait3A_1020 = arith.constant 0 : i32
        %dma_wait3A_1021 = tpu.memref_slice %arg9[%dma_wait3A_1019, %dma_wait3A_1020] : memref<16x64xf32, #tpu.memory_space<vmem>> -> memref<1x64xf32, #tpu.memory_space<vmem>>
        tpu.wait_dma2 semaphore(%arg12 : memref<!tpu.dma_semaphore, #tpu.memory_space<semaphore_mem>>) src(%dma_wait3A_1021 : memref<1x64xf32, #tpu.memory_space<vmem>>) dst(%dma_wait3A_1018 : memref<1x64xf32, #tpu.memory_space<hbm>>)
        %dma_wait3A_1022 = arith.constant 0 : i32
        %dma_wait3A_1023 = arith.constant 0 : i32
        %dma_wait3A_1024 = tpu.memref_slice %arg9[%dma_wait3A_1022, %dma_wait3A_1023] : memref<16x64xf32, #tpu.memory_space<vmem>> -> memref<1x64xf32, #tpu.memory_space<vmem>>
        %dma_wait3A_1025 = arith.constant 0 : i32
        %dma_wait3A_1026 = arith.constant 0 : i32
        %dma_wait3A_1027 = tpu.memref_slice %arg5[%dma_wait3A_1025, %dma_wait3A_1026] : memref<16384x64xf32, #tpu.memory_space<hbm>> -> memref<1x64xf32, #tpu.memory_space<hbm>>
        %dma_wait3A_1028 = arith.constant 0 : i32
        %dma_wait3A_1029 = arith.constant 0 : i32
        %dma_wait3A_1030 = tpu.memref_slice %arg5[%dma_wait3A_1028, %dma_wait3A_1029] : memref<16384x64xf32, #tpu.memory_space<hbm>> -> memref<1x64xf32, #tpu.memory_space<hbm>>
        %dma_wait3A_1031 = arith.constant 0 : i32
        %dma_wait3A_1032 = arith.constant 0 : i32
        %dma_wait3A_1033 = tpu.memref_slice %arg9[%dma_wait3A_1031, %dma_wait3A_1032] : memref<16x64xf32, #tpu.memory_space<vmem>> -> memref<1x64xf32, #tpu.memory_space<vmem>>
        tpu.wait_dma2 semaphore(%arg12 : memref<!tpu.dma_semaphore, #tpu.memory_space<semaphore_mem>>) src(%dma_wait3A_1033 : memref<1x64xf32, #tpu.memory_space<vmem>>) dst(%dma_wait3A_1030 : memref<1x64xf32, #tpu.memory_space<hbm>>)
        %dma_wait3A_1034 = arith.constant 0 : i32
        %dma_wait3A_1035 = arith.constant 0 : i32
        %dma_wait3A_1036 = tpu.memref_slice %arg9[%dma_wait3A_1034, %dma_wait3A_1035] : memref<16x64xf32, #tpu.memory_space<vmem>> -> memref<1x64xf32, #tpu.memory_space<vmem>>
        %dma_wait3A_1037 = arith.constant 0 : i32
        %dma_wait3A_1038 = arith.constant 0 : i32
        %dma_wait3A_1039 = tpu.memref_slice %arg5[%dma_wait3A_1037, %dma_wait3A_1038] : memref<16384x64xf32, #tpu.memory_space<hbm>> -> memref<1x64xf32, #tpu.memory_space<hbm>>
        %dma_wait3A_1040 = arith.constant 0 : i32
        %dma_wait3A_1041 = arith.constant 0 : i32
        %dma_wait3A_1042 = tpu.memref_slice %arg5[%dma_wait3A_1040, %dma_wait3A_1041] : memref<16384x64xf32, #tpu.memory_space<hbm>> -> memref<1x64xf32, #tpu.memory_space<hbm>>
        %dma_wait3A_1043 = arith.constant 0 : i32
        %dma_wait3A_1044 = arith.constant 0 : i32
        %dma_wait3A_1045 = tpu.memref_slice %arg9[%dma_wait3A_1043, %dma_wait3A_1044] : memref<16x64xf32, #tpu.memory_space<vmem>> -> memref<1x64xf32, #tpu.memory_space<vmem>>
        tpu.wait_dma2 semaphore(%arg12 : memref<!tpu.dma_semaphore, #tpu.memory_space<semaphore_mem>>) src(%dma_wait3A_1045 : memref<1x64xf32, #tpu.memory_space<vmem>>) dst(%dma_wait3A_1042 : memref<1x64xf32, #tpu.memory_space<hbm>>)
        %dma_wait3A_1046 = arith.constant 0 : i32
        %dma_wait3A_1047 = arith.constant 0 : i32
        %dma_wait3A_1048 = tpu.memref_slice %arg9[%dma_wait3A_1046, %dma_wait3A_1047] : memref<16x64xf32, #tpu.memory_space<vmem>> -> memref<1x64xf32, #tpu.memory_space<vmem>>
        %dma_wait3A_1049 = arith.constant 0 : i32
        %dma_wait3A_1050 = arith.constant 0 : i32
        %dma_wait3A_1051 = tpu.memref_slice %arg5[%dma_wait3A_1049, %dma_wait3A_1050] : memref<16384x64xf32, #tpu.memory_space<hbm>> -> memref<1x64xf32, #tpu.memory_space<hbm>>
        %dma_wait3A_1052 = arith.constant 0 : i32
        %dma_wait3A_1053 = arith.constant 0 : i32
        %dma_wait3A_1054 = tpu.memref_slice %arg5[%dma_wait3A_1052, %dma_wait3A_1053] : memref<16384x64xf32, #tpu.memory_space<hbm>> -> memref<1x64xf32, #tpu.memory_space<hbm>>
        %dma_wait3A_1055 = arith.constant 0 : i32
        %dma_wait3A_1056 = arith.constant 0 : i32
        %dma_wait3A_1057 = tpu.memref_slice %arg9[%dma_wait3A_1055, %dma_wait3A_1056] : memref<16x64xf32, #tpu.memory_space<vmem>> -> memref<1x64xf32, #tpu.memory_space<vmem>>
        tpu.wait_dma2 semaphore(%arg12 : memref<!tpu.dma_semaphore, #tpu.memory_space<semaphore_mem>>) src(%dma_wait3A_1057 : memref<1x64xf32, #tpu.memory_space<vmem>>) dst(%dma_wait3A_1054 : memref<1x64xf32, #tpu.memory_space<hbm>>)
        %dma_wait3A_1058 = arith.constant 0 : i32
        %dma_wait3A_1059 = arith.constant 0 : i32
        %dma_wait3A_1060 = tpu.memref_slice %arg9[%dma_wait3A_1058, %dma_wait3A_1059] : memref<16x64xf32, #tpu.memory_space<vmem>> -> memref<1x64xf32, #tpu.memory_space<vmem>>
        %dma_wait3A_1061 = arith.constant 0 : i32
        %dma_wait3A_1062 = arith.constant 0 : i32
        %dma_wait3A_1063 = tpu.memref_slice %arg5[%dma_wait3A_1061, %dma_wait3A_1062] : memref<16384x64xf32, #tpu.memory_space<hbm>> -> memref<1x64xf32, #tpu.memory_space<hbm>>
        %dma_wait3A_1064 = arith.constant 0 : i32
        %dma_wait3A_1065 = arith.constant 0 : i32
        %dma_wait3A_1066 = tpu.memref_slice %arg5[%dma_wait3A_1064, %dma_wait3A_1065] : memref<16384x64xf32, #tpu.memory_space<hbm>> -> memref<1x64xf32, #tpu.memory_space<hbm>>
        %dma_wait3A_1067 = arith.constant 0 : i32
        %dma_wait3A_1068 = arith.constant 0 : i32
        %dma_wait3A_1069 = tpu.memref_slice %arg9[%dma_wait3A_1067, %dma_wait3A_1068] : memref<16x64xf32, #tpu.memory_space<vmem>> -> memref<1x64xf32, #tpu.memory_space<vmem>>
        tpu.wait_dma2 semaphore(%arg12 : memref<!tpu.dma_semaphore, #tpu.memory_space<semaphore_mem>>) src(%dma_wait3A_1069 : memref<1x64xf32, #tpu.memory_space<vmem>>) dst(%dma_wait3A_1066 : memref<1x64xf32, #tpu.memory_space<hbm>>)
        %dma_wait3A_1070 = arith.constant 0 : i32
        %dma_wait3A_1071 = arith.constant 0 : i32
        %dma_wait3A_1072 = tpu.memref_slice %arg9[%dma_wait3A_1070, %dma_wait3A_1071] : memref<16x64xf32, #tpu.memory_space<vmem>> -> memref<1x64xf32, #tpu.memory_space<vmem>>
        %dma_wait3A_1073 = arith.constant 0 : i32
        %dma_wait3A_1074 = arith.constant 0 : i32
        %dma_wait3A_1075 = tpu.memref_slice %arg5[%dma_wait3A_1073, %dma_wait3A_1074] : memref<16384x64xf32, #tpu.memory_space<hbm>> -> memref<1x64xf32, #tpu.memory_space<hbm>>
        %dma_wait3A_1076 = arith.constant 0 : i32
        %dma_wait3A_1077 = arith.constant 0 : i32
        %dma_wait3A_1078 = tpu.memref_slice %arg5[%dma_wait3A_1076, %dma_wait3A_1077] : memref<16384x64xf32, #tpu.memory_space<hbm>> -> memref<1x64xf32, #tpu.memory_space<hbm>>
        %dma_wait3A_1079 = arith.constant 0 : i32
        %dma_wait3A_1080 = arith.constant 0 : i32
        %dma_wait3A_1081 = tpu.memref_slice %arg9[%dma_wait3A_1079, %dma_wait3A_1080] : memref<16x64xf32, #tpu.memory_space<vmem>> -> memref<1x64xf32, #tpu.memory_space<vmem>>
        tpu.wait_dma2 semaphore(%arg12 : memref<!tpu.dma_semaphore, #tpu.memory_space<semaphore_mem>>) src(%dma_wait3A_1081 : memref<1x64xf32, #tpu.memory_space<vmem>>) dst(%dma_wait3A_1078 : memref<1x64xf32, #tpu.memory_space<hbm>>)
        %dma_wait3A_1082 = arith.constant 0 : i32
        %dma_wait3A_1083 = arith.constant 0 : i32
        %dma_wait3A_1084 = tpu.memref_slice %arg9[%dma_wait3A_1082, %dma_wait3A_1083] : memref<16x64xf32, #tpu.memory_space<vmem>> -> memref<1x64xf32, #tpu.memory_space<vmem>>
        %dma_wait3A_1085 = arith.constant 0 : i32
        %dma_wait3A_1086 = arith.constant 0 : i32
        %dma_wait3A_1087 = tpu.memref_slice %arg5[%dma_wait3A_1085, %dma_wait3A_1086] : memref<16384x64xf32, #tpu.memory_space<hbm>> -> memref<1x64xf32, #tpu.memory_space<hbm>>
        %dma_wait3A_1088 = arith.constant 0 : i32
        %dma_wait3A_1089 = arith.constant 0 : i32
        %dma_wait3A_1090 = tpu.memref_slice %arg5[%dma_wait3A_1088, %dma_wait3A_1089] : memref<16384x64xf32, #tpu.memory_space<hbm>> -> memref<1x64xf32, #tpu.memory_space<hbm>>
        %dma_wait3A_1091 = arith.constant 0 : i32
        %dma_wait3A_1092 = arith.constant 0 : i32
        %dma_wait3A_1093 = tpu.memref_slice %arg9[%dma_wait3A_1091, %dma_wait3A_1092] : memref<16x64xf32, #tpu.memory_space<vmem>> -> memref<1x64xf32, #tpu.memory_space<vmem>>
        tpu.wait_dma2 semaphore(%arg12 : memref<!tpu.dma_semaphore, #tpu.memory_space<semaphore_mem>>) src(%dma_wait3A_1093 : memref<1x64xf32, #tpu.memory_space<vmem>>) dst(%dma_wait3A_1090 : memref<1x64xf32, #tpu.memory_space<hbm>>)
        %dma_wait3A_1094 = arith.constant 0 : i32
        %dma_wait3A_1095 = arith.constant 0 : i32
        %dma_wait3A_1096 = tpu.memref_slice %arg9[%dma_wait3A_1094, %dma_wait3A_1095] : memref<16x64xf32, #tpu.memory_space<vmem>> -> memref<1x64xf32, #tpu.memory_space<vmem>>
        %dma_wait3A_1097 = arith.constant 0 : i32
        %dma_wait3A_1098 = arith.constant 0 : i32
        %dma_wait3A_1099 = tpu.memref_slice %arg5[%dma_wait3A_1097, %dma_wait3A_1098] : memref<16384x64xf32, #tpu.memory_space<hbm>> -> memref<1x64xf32, #tpu.memory_space<hbm>>
        %dma_wait3A_1100 = arith.constant 0 : i32
        %dma_wait3A_1101 = arith.constant 0 : i32
        %dma_wait3A_1102 = tpu.memref_slice %arg5[%dma_wait3A_1100, %dma_wait3A_1101] : memref<16384x64xf32, #tpu.memory_space<hbm>> -> memref<1x64xf32, #tpu.memory_space<hbm>>
        %dma_wait3A_1103 = arith.constant 0 : i32
        %dma_wait3A_1104 = arith.constant 0 : i32
        %dma_wait3A_1105 = tpu.memref_slice %arg9[%dma_wait3A_1103, %dma_wait3A_1104] : memref<16x64xf32, #tpu.memory_space<vmem>> -> memref<1x64xf32, #tpu.memory_space<vmem>>
        tpu.wait_dma2 semaphore(%arg12 : memref<!tpu.dma_semaphore, #tpu.memory_space<semaphore_mem>>) src(%dma_wait3A_1105 : memref<1x64xf32, #tpu.memory_space<vmem>>) dst(%dma_wait3A_1102 : memref<1x64xf32, #tpu.memory_space<hbm>>)
        %dma_wait3A_1106 = arith.constant 0 : i32
        %dma_wait3A_1107 = arith.constant 0 : i32
        %dma_wait3A_1108 = tpu.memref_slice %arg9[%dma_wait3A_1106, %dma_wait3A_1107] : memref<16x64xf32, #tpu.memory_space<vmem>> -> memref<1x64xf32, #tpu.memory_space<vmem>>
        %dma_wait3A_1109 = arith.constant 0 : i32
        %dma_wait3A_1110 = arith.constant 0 : i32
        %dma_wait3A_1111 = tpu.memref_slice %arg5[%dma_wait3A_1109, %dma_wait3A_1110] : memref<16384x64xf32, #tpu.memory_space<hbm>> -> memref<1x64xf32, #tpu.memory_space<hbm>>
        %dma_wait3A_1112 = arith.constant 0 : i32
        %dma_wait3A_1113 = arith.constant 0 : i32
        %dma_wait3A_1114 = tpu.memref_slice %arg5[%dma_wait3A_1112, %dma_wait3A_1113] : memref<16384x64xf32, #tpu.memory_space<hbm>> -> memref<1x64xf32, #tpu.memory_space<hbm>>
        %dma_wait3A_1115 = arith.constant 0 : i32
        %dma_wait3A_1116 = arith.constant 0 : i32
        %dma_wait3A_1117 = tpu.memref_slice %arg9[%dma_wait3A_1115, %dma_wait3A_1116] : memref<16x64xf32, #tpu.memory_space<vmem>> -> memref<1x64xf32, #tpu.memory_space<vmem>>
        tpu.wait_dma2 semaphore(%arg12 : memref<!tpu.dma_semaphore, #tpu.memory_space<semaphore_mem>>) src(%dma_wait3A_1117 : memref<1x64xf32, #tpu.memory_space<vmem>>) dst(%dma_wait3A_1114 : memref<1x64xf32, #tpu.memory_space<hbm>>)
        %while3A_1118 = arith.constant 0 : i32
        scf.yield %while3A_1118 : i32
      }
      %add3A_332 = arith.constant 1 : i32
      %add3A_333 = arith.addi %scan3A_275, %add3A_332 : i32
      %lt3A_334 = arith.constant 62 : i32
      %lt3A_335 = arith.cmpi slt, %add3A_333, %lt3A_334 : i32
      %convert_element_type3A_336 = arith.extui %lt3A_335 : i1 to i32
      %cond3A_337 = arith.constant 0 : i32
      %cond3A_338 = arith.cmpi ne, %convert_element_type3A_336, %cond3A_337 : i32
      scf.if %cond3A_338 {
        %dma_wait3A_340 = arith.constant 0 : i32
        %dma_wait3A_341 = arith.constant 0 : i32
        %dma_wait3A_342 = arith.constant 0 : i32
        %dma_wait3A_343 = tpu.memref_slice %arg10[%dma_wait3A_340, %dma_wait3A_341, %dma_wait3A_342] : memref<2x64x512xf32, #tpu.memory_space<vmem>> -> memref<1x8x512xf32, #tpu.memory_space<vmem>>
        %dma_wait3A_344 = tpu.memref_squeeze %dma_wait3A_343 : memref<1x8x512xf32, #tpu.memory_space<vmem>> -> memref<8x512xf32, #tpu.memory_space<vmem>>
        %dma_wait3A_345 = arith.constant 0 : i32
        %dma_wait3A_346 = arith.constant 0 : i32
        %dma_wait3A_347 = tpu.memref_slice %arg3[%dma_wait3A_345, %dma_wait3A_346] : memref<64x1000000xf32, #tpu.memory_space<hbm>> -> memref<8x512xf32, #tpu.memory_space<hbm>>
        %dma_wait3A_348 = arith.constant 0 : i32
        %dma_wait3A_349 = arith.constant 0 : i32
        %dma_wait3A_350 = tpu.memref_slice %arg10[%dma_wait3A_340, %dma_wait3A_348, %dma_wait3A_349] : memref<2x64x512xf32, #tpu.memory_space<vmem>> -> memref<1x8x512xf32, #tpu.memory_space<vmem>>
        %dma_wait3A_351 = tpu.memref_squeeze %dma_wait3A_350 : memref<1x8x512xf32, #tpu.memory_space<vmem>> -> memref<8x512xf32, #tpu.memory_space<vmem>>
        %dma_wait3A_352 = arith.constant 0 : i32
        %dma_wait3A_353 = arith.constant 0 : i32
        %dma_wait3A_354 = tpu.memref_slice %arg3[%dma_wait3A_352, %dma_wait3A_353] : memref<64x1000000xf32, #tpu.memory_space<hbm>> -> memref<8x512xf32, #tpu.memory_space<hbm>>
        tpu.wait_dma2 semaphore(%arg11 : memref<!tpu.dma_semaphore, #tpu.memory_space<semaphore_mem>>) src(%dma_wait3A_354 : memref<8x512xf32, #tpu.memory_space<hbm>>) dst(%dma_wait3A_351 : memref<8x512xf32, #tpu.memory_space<vmem>>)
        %dma_wait3A_355 = arith.constant 0 : i32
        %dma_wait3A_356 = arith.constant 0 : i32
        %dma_wait3A_357 = arith.constant 0 : i32
        %dma_wait3A_358 = tpu.memref_slice %arg10[%dma_wait3A_355, %dma_wait3A_356, %dma_wait3A_357] : memref<2x64x512xf32, #tpu.memory_space<vmem>> -> memref<1x8x512xf32, #tpu.memory_space<vmem>>
        %dma_wait3A_359 = tpu.memref_squeeze %dma_wait3A_358 : memref<1x8x512xf32, #tpu.memory_space<vmem>> -> memref<8x512xf32, #tpu.memory_space<vmem>>
        %dma_wait3A_360 = arith.constant 0 : i32
        %dma_wait3A_361 = arith.constant 0 : i32
        %dma_wait3A_362 = tpu.memref_slice %arg3[%dma_wait3A_360, %dma_wait3A_361] : memref<64x1000000xf32, #tpu.memory_space<hbm>> -> memref<8x512xf32, #tpu.memory_space<hbm>>
        %dma_wait3A_363 = arith.constant 0 : i32
        %dma_wait3A_364 = arith.constant 0 : i32
        %dma_wait3A_365 = tpu.memref_slice %arg10[%dma_wait3A_355, %dma_wait3A_363, %dma_wait3A_364] : memref<2x64x512xf32, #tpu.memory_space<vmem>> -> memref<1x8x512xf32, #tpu.memory_space<vmem>>
        %dma_wait3A_366 = tpu.memref_squeeze %dma_wait3A_365 : memref<1x8x512xf32, #tpu.memory_space<vmem>> -> memref<8x512xf32, #tpu.memory_space<vmem>>
        %dma_wait3A_367 = arith.constant 0 : i32
        %dma_wait3A_368 = arith.constant 0 : i32
        %dma_wait3A_369 = tpu.memref_slice %arg3[%dma_wait3A_367, %dma_wait3A_368] : memref<64x1000000xf32, #tpu.memory_space<hbm>> -> memref<8x512xf32, #tpu.memory_space<hbm>>
        tpu.wait_dma2 semaphore(%arg11 : memref<!tpu.dma_semaphore, #tpu.memory_space<semaphore_mem>>) src(%dma_wait3A_369 : memref<8x512xf32, #tpu.memory_space<hbm>>) dst(%dma_wait3A_366 : memref<8x512xf32, #tpu.memory_space<vmem>>)
        %dma_wait3A_370 = arith.constant 0 : i32
        %dma_wait3A_371 = arith.constant 0 : i32
        %dma_wait3A_372 = arith.constant 0 : i32
        %dma_wait3A_373 = tpu.memref_slice %arg10[%dma_wait3A_370, %dma_wait3A_371, %dma_wait3A_372] : memref<2x64x512xf32, #tpu.memory_space<vmem>> -> memref<1x8x512xf32, #tpu.memory_space<vmem>>
        %dma_wait3A_374 = tpu.memref_squeeze %dma_wait3A_373 : memref<1x8x512xf32, #tpu.memory_space<vmem>> -> memref<8x512xf32, #tpu.memory_space<vmem>>
        %dma_wait3A_375 = arith.constant 0 : i32
        %dma_wait3A_376 = arith.constant 0 : i32
        %dma_wait3A_377 = tpu.memref_slice %arg3[%dma_wait3A_375, %dma_wait3A_376] : memref<64x1000000xf32, #tpu.memory_space<hbm>> -> memref<8x512xf32, #tpu.memory_space<hbm>>
        %dma_wait3A_378 = arith.constant 0 : i32
        %dma_wait3A_379 = arith.constant 0 : i32
        %dma_wait3A_380 = tpu.memref_slice %arg10[%dma_wait3A_370, %dma_wait3A_378, %dma_wait3A_379] : memref<2x64x512xf32, #tpu.memory_space<vmem>> -> memref<1x8x512xf32, #tpu.memory_space<vmem>>
        %dma_wait3A_381 = tpu.memref_squeeze %dma_wait3A_380 : memref<1x8x512xf32, #tpu.memory_space<vmem>> -> memref<8x512xf32, #tpu.memory_space<vmem>>
        %dma_wait3A_382 = arith.constant 0 : i32
        %dma_wait3A_383 = arith.constant 0 : i32
        %dma_wait3A_384 = tpu.memref_slice %arg3[%dma_wait3A_382, %dma_wait3A_383] : memref<64x1000000xf32, #tpu.memory_space<hbm>> -> memref<8x512xf32, #tpu.memory_space<hbm>>
        tpu.wait_dma2 semaphore(%arg11 : memref<!tpu.dma_semaphore, #tpu.memory_space<semaphore_mem>>) src(%dma_wait3A_384 : memref<8x512xf32, #tpu.memory_space<hbm>>) dst(%dma_wait3A_381 : memref<8x512xf32, #tpu.memory_space<vmem>>)
        %dma_wait3A_385 = arith.constant 0 : i32
        %dma_wait3A_386 = arith.constant 0 : i32
        %dma_wait3A_387 = arith.constant 0 : i32
        %dma_wait3A_388 = tpu.memref_slice %arg10[%dma_wait3A_385, %dma_wait3A_386, %dma_wait3A_387] : memref<2x64x512xf32, #tpu.memory_space<vmem>> -> memref<1x8x512xf32, #tpu.memory_space<vmem>>
        %dma_wait3A_389 = tpu.memref_squeeze %dma_wait3A_388 : memref<1x8x512xf32, #tpu.memory_space<vmem>> -> memref<8x512xf32, #tpu.memory_space<vmem>>
        %dma_wait3A_390 = arith.constant 0 : i32
        %dma_wait3A_391 = arith.constant 0 : i32
        %dma_wait3A_392 = tpu.memref_slice %arg3[%dma_wait3A_390, %dma_wait3A_391] : memref<64x1000000xf32, #tpu.memory_space<hbm>> -> memref<8x512xf32, #tpu.memory_space<hbm>>
        %dma_wait3A_393 = arith.constant 0 : i32
        %dma_wait3A_394 = arith.constant 0 : i32
        %dma_wait3A_395 = tpu.memref_slice %arg10[%dma_wait3A_385, %dma_wait3A_393, %dma_wait3A_394] : memref<2x64x512xf32, #tpu.memory_space<vmem>> -> memref<1x8x512xf32, #tpu.memory_space<vmem>>
        %dma_wait3A_396 = tpu.memref_squeeze %dma_wait3A_395 : memref<1x8x512xf32, #tpu.memory_space<vmem>> -> memref<8x512xf32, #tpu.memory_space<vmem>>
        %dma_wait3A_397 = arith.constant 0 : i32
        %dma_wait3A_398 = arith.constant 0 : i32
        %dma_wait3A_399 = tpu.memref_slice %arg3[%dma_wait3A_397, %dma_wait3A_398] : memref<64x1000000xf32, #tpu.memory_space<hbm>> -> memref<8x512xf32, #tpu.memory_space<hbm>>
        tpu.wait_dma2 semaphore(%arg11 : memref<!tpu.dma_semaphore, #tpu.memory_space<semaphore_mem>>) src(%dma_wait3A_399 : memref<8x512xf32, #tpu.memory_space<hbm>>) dst(%dma_wait3A_396 : memref<8x512xf32, #tpu.memory_space<vmem>>)
        %dma_wait3A_400 = arith.constant 0 : i32
        %dma_wait3A_401 = arith.constant 0 : i32
        %dma_wait3A_402 = arith.constant 0 : i32
        %dma_wait3A_403 = tpu.memref_slice %arg10[%dma_wait3A_400, %dma_wait3A_401, %dma_wait3A_402] : memref<2x64x512xf32, #tpu.memory_space<vmem>> -> memref<1x8x512xf32, #tpu.memory_space<vmem>>
        %dma_wait3A_404 = tpu.memref_squeeze %dma_wait3A_403 : memref<1x8x512xf32, #tpu.memory_space<vmem>> -> memref<8x512xf32, #tpu.memory_space<vmem>>
        %dma_wait3A_405 = arith.constant 0 : i32
        %dma_wait3A_406 = arith.constant 0 : i32
        %dma_wait3A_407 = tpu.memref_slice %arg3[%dma_wait3A_405, %dma_wait3A_406] : memref<64x1000000xf32, #tpu.memory_space<hbm>> -> memref<8x512xf32, #tpu.memory_space<hbm>>
        %dma_wait3A_408 = arith.constant 0 : i32
        %dma_wait3A_409 = arith.constant 0 : i32
        %dma_wait3A_410 = tpu.memref_slice %arg10[%dma_wait3A_400, %dma_wait3A_408, %dma_wait3A_409] : memref<2x64x512xf32, #tpu.memory_space<vmem>> -> memref<1x8x512xf32, #tpu.memory_space<vmem>>
        %dma_wait3A_411 = tpu.memref_squeeze %dma_wait3A_410 : memref<1x8x512xf32, #tpu.memory_space<vmem>> -> memref<8x512xf32, #tpu.memory_space<vmem>>
        %dma_wait3A_412 = arith.constant 0 : i32
        %dma_wait3A_413 = arith.constant 0 : i32
        %dma_wait3A_414 = tpu.memref_slice %arg3[%dma_wait3A_412, %dma_wait3A_413] : memref<64x1000000xf32, #tpu.memory_space<hbm>> -> memref<8x512xf32, #tpu.memory_space<hbm>>
        tpu.wait_dma2 semaphore(%arg11 : memref<!tpu.dma_semaphore, #tpu.memory_space<semaphore_mem>>) src(%dma_wait3A_414 : memref<8x512xf32, #tpu.memory_space<hbm>>) dst(%dma_wait3A_411 : memref<8x512xf32, #tpu.memory_space<vmem>>)
        %dma_wait3A_415 = arith.constant 0 : i32
        %dma_wait3A_416 = arith.constant 0 : i32
        %dma_wait3A_417 = arith.constant 0 : i32
        %dma_wait3A_418 = tpu.memref_slice %arg10[%dma_wait3A_415, %dma_wait3A_416, %dma_wait3A_417] : memref<2x64x512xf32, #tpu.memory_space<vmem>> -> memref<1x8x512xf32, #tpu.memory_space<vmem>>
        %dma_wait3A_419 = tpu.memref_squeeze %dma_wait3A_418 : memref<1x8x512xf32, #tpu.memory_space<vmem>> -> memref<8x512xf32, #tpu.memory_space<vmem>>
        %dma_wait3A_420 = arith.constant 0 : i32
        %dma_wait3A_421 = arith.constant 0 : i32
        %dma_wait3A_422 = tpu.memref_slice %arg3[%dma_wait3A_420, %dma_wait3A_421] : memref<64x1000000xf32, #tpu.memory_space<hbm>> -> memref<8x512xf32, #tpu.memory_space<hbm>>
        %dma_wait3A_423 = arith.constant 0 : i32
        %dma_wait3A_424 = arith.constant 0 : i32
        %dma_wait3A_425 = tpu.memref_slice %arg10[%dma_wait3A_415, %dma_wait3A_423, %dma_wait3A_424] : memref<2x64x512xf32, #tpu.memory_space<vmem>> -> memref<1x8x512xf32, #tpu.memory_space<vmem>>
        %dma_wait3A_426 = tpu.memref_squeeze %dma_wait3A_425 : memref<1x8x512xf32, #tpu.memory_space<vmem>> -> memref<8x512xf32, #tpu.memory_space<vmem>>
        %dma_wait3A_427 = arith.constant 0 : i32
        %dma_wait3A_428 = arith.constant 0 : i32
        %dma_wait3A_429 = tpu.memref_slice %arg3[%dma_wait3A_427, %dma_wait3A_428] : memref<64x1000000xf32, #tpu.memory_space<hbm>> -> memref<8x512xf32, #tpu.memory_space<hbm>>
        tpu.wait_dma2 semaphore(%arg11 : memref<!tpu.dma_semaphore, #tpu.memory_space<semaphore_mem>>) src(%dma_wait3A_429 : memref<8x512xf32, #tpu.memory_space<hbm>>) dst(%dma_wait3A_426 : memref<8x512xf32, #tpu.memory_space<vmem>>)
        %dma_wait3A_430 = arith.constant 0 : i32
        %dma_wait3A_431 = arith.constant 0 : i32
        %dma_wait3A_432 = arith.constant 0 : i32
        %dma_wait3A_433 = tpu.memref_slice %arg10[%dma_wait3A_430, %dma_wait3A_431, %dma_wait3A_432] : memref<2x64x512xf32, #tpu.memory_space<vmem>> -> memref<1x8x512xf32, #tpu.memory_space<vmem>>
        %dma_wait3A_434 = tpu.memref_squeeze %dma_wait3A_433 : memref<1x8x512xf32, #tpu.memory_space<vmem>> -> memref<8x512xf32, #tpu.memory_space<vmem>>
        %dma_wait3A_435 = arith.constant 0 : i32
        %dma_wait3A_436 = arith.constant 0 : i32
        %dma_wait3A_437 = tpu.memref_slice %arg3[%dma_wait3A_435, %dma_wait3A_436] : memref<64x1000000xf32, #tpu.memory_space<hbm>> -> memref<8x512xf32, #tpu.memory_space<hbm>>
        %dma_wait3A_438 = arith.constant 0 : i32
        %dma_wait3A_439 = arith.constant 0 : i32
        %dma_wait3A_440 = tpu.memref_slice %arg10[%dma_wait3A_430, %dma_wait3A_438, %dma_wait3A_439] : memref<2x64x512xf32, #tpu.memory_space<vmem>> -> memref<1x8x512xf32, #tpu.memory_space<vmem>>
        %dma_wait3A_441 = tpu.memref_squeeze %dma_wait3A_440 : memref<1x8x512xf32, #tpu.memory_space<vmem>> -> memref<8x512xf32, #tpu.memory_space<vmem>>
        %dma_wait3A_442 = arith.constant 0 : i32
        %dma_wait3A_443 = arith.constant 0 : i32
        %dma_wait3A_444 = tpu.memref_slice %arg3[%dma_wait3A_442, %dma_wait3A_443] : memref<64x1000000xf32, #tpu.memory_space<hbm>> -> memref<8x512xf32, #tpu.memory_space<hbm>>
        tpu.wait_dma2 semaphore(%arg11 : memref<!tpu.dma_semaphore, #tpu.memory_space<semaphore_mem>>) src(%dma_wait3A_444 : memref<8x512xf32, #tpu.memory_space<hbm>>) dst(%dma_wait3A_441 : memref<8x512xf32, #tpu.memory_space<vmem>>)
        %dma_wait3A_445 = arith.constant 0 : i32
        %dma_wait3A_446 = arith.constant 0 : i32
        %dma_wait3A_447 = arith.constant 0 : i32
        %dma_wait3A_448 = tpu.memref_slice %arg10[%dma_wait3A_445, %dma_wait3A_446, %dma_wait3A_447] : memref<2x64x512xf32, #tpu.memory_space<vmem>> -> memref<1x8x512xf32, #tpu.memory_space<vmem>>
        %dma_wait3A_449 = tpu.memref_squeeze %dma_wait3A_448 : memref<1x8x512xf32, #tpu.memory_space<vmem>> -> memref<8x512xf32, #tpu.memory_space<vmem>>
        %dma_wait3A_450 = arith.constant 0 : i32
        %dma_wait3A_451 = arith.constant 0 : i32
        %dma_wait3A_452 = tpu.memref_slice %arg3[%dma_wait3A_450, %dma_wait3A_451] : memref<64x1000000xf32, #tpu.memory_space<hbm>> -> memref<8x512xf32, #tpu.memory_space<hbm>>
        %dma_wait3A_453 = arith.constant 0 : i32
        %dma_wait3A_454 = arith.constant 0 : i32
        %dma_wait3A_455 = tpu.memref_slice %arg10[%dma_wait3A_445, %dma_wait3A_453, %dma_wait3A_454] : memref<2x64x512xf32, #tpu.memory_space<vmem>> -> memref<1x8x512xf32, #tpu.memory_space<vmem>>
        %dma_wait3A_456 = tpu.memref_squeeze %dma_wait3A_455 : memref<1x8x512xf32, #tpu.memory_space<vmem>> -> memref<8x512xf32, #tpu.memory_space<vmem>>
        %dma_wait3A_457 = arith.constant 0 : i32
        %dma_wait3A_458 = arith.constant 0 : i32
        %dma_wait3A_459 = tpu.memref_slice %arg3[%dma_wait3A_457, %dma_wait3A_458] : memref<64x1000000xf32, #tpu.memory_space<hbm>> -> memref<8x512xf32, #tpu.memory_space<hbm>>
        tpu.wait_dma2 semaphore(%arg11 : memref<!tpu.dma_semaphore, #tpu.memory_space<semaphore_mem>>) src(%dma_wait3A_459 : memref<8x512xf32, #tpu.memory_space<hbm>>) dst(%dma_wait3A_456 : memref<8x512xf32, #tpu.memory_space<vmem>>)
      } else {
      }
      %scan3A_339 = arith.constant 0 : i32
      scf.yield %scan3A_339 : i32
    }
    %scan3A_271 = arith.constant 62 : i32
    %convert_element_type3A_272 = arith.extui %eq3A_13 : i1 to i32
    %cond3A_273 = arith.constant 0 : i32
    %cond3A_274 = arith.cmpi ne, %convert_element_type3A_272, %cond3A_273 : i32
    scf.if %cond3A_274 {
      %sub3A_275 = arith.constant 999936 : i32
      %sub3A_276 = arith.subi %sub3A_275, %mul3A_9 : i32
      %sub3A_277 = arith.constant 1000000 : i32
      %sub3A_278 = arith.subi %sub3A_277, %mul3A_9 : i32
      %while3A = arith.constant 0 : i32
      %while3A_279 = arith.constant 0 : i32
      %while3A_280 = arith.subi %shift_right_arithmetic3A_37, %while3A : i32
      %while3A_281 = arith.addi %while3A, %while3A_280 : i32
      %while3A_282 = arith.constant 1 : i32
      %while3A_283 = arith.divsi %while3A_280, %while3A_282 : i32
      %while3A_284 = arith.muli %while3A_283, %while3A_282 : i32
      %while3A_285 = arith.addi %while3A, %while3A_284 : i32
      %while3A_286 = arith.constant 1 : i32
      %while3A_287 = scf.for %while3A_318 = %while3A to %while3A_285 step %while3A_286 iter_args(%while3A_319 = %while3A_279) -> (i32)  : i32 {
        %mul3A_320 = arith.constant 16 : i32
        %mul3A_321 = arith.muli %while3A_318, %mul3A_320 : i32
        %get3A = arith.index_cast %mul3A_321 : i32 to index
        %get3A_322 = tpu.vector_load %arg7[%get3A] {strides = array<i32>} : memref<16400xi32, #tpu.memory_space<vmem>>, vector<16xi32>,
        %shift_right_arithmetic3A_323 = arith.constant 14 : i32
        %shift_right_arithmetic3A_324 = vector.broadcast %shift_right_arithmetic3A_323 : i32 to vector<16xi32>
        %shift_right_arithmetic3A_325 = arith.shrsi %get3A_322, %shift_right_arithmetic3A_324 : vector<16xi32>
        %mul3A_326 = arith.constant 16 : i32
        %mul3A_327 = arith.muli %while3A_318, %mul3A_326 : i32
        %add3A_328 = vector.broadcast %mul3A_327 : i32 to vector<16xi32>
        %add3A_329 = arith.addi %add3A_328, %iota3A : vector<16xi32>
        %lt3A_330 = vector.broadcast %scan3A_31 : i32 to vector<16xi32>
        %lt3A_331 = arith.cmpi slt, %add3A_329, %lt3A_330 : vector<16xi32>
        %ge3A = vector.broadcast %sub3A_276 : i32 to vector<16xi32>
        %ge3A_332 = arith.cmpi sge, %shift_right_arithmetic3A_325, %ge3A : vector<16xi32>
        %lt3A_333 = vector.broadcast %sub3A_278 : i32 to vector<16xi32>
        %lt3A_334 = arith.cmpi slt, %shift_right_arithmetic3A_325, %lt3A_333 : vector<16xi32>
        %and3A = arith.andi %ge3A_332, %lt3A_334 : vector<16xi1>
        %and3A_335 = arith.andi %and3A, %lt3A_331 : vector<16xi1>
        %swap3A = arith.index_cast %while3A_319 : i32 to index
        %swap3A_336 = tpu.vector_load %arg6[%swap3A] masked %and3A_335 {strides = array<i32>} : memref<16400xi32, #tpu.memory_space<vmem>>, vector<16xi32>, vector<16xi1>
        tpu.vector_store %arg6[%swap3A], %get3A_322 masked %and3A_335 {strides = array<i32>} : memref<16400xi32, #tpu.memory_space<vmem>>, vector<16xi32>, vector<16xi1>
        %all_reduce_population_count3A = tpu.all_reduce %and3A_335 {dim = 0 : i64, kind = #tpu.reduction_kind<sum>} : vector<16xi1> -> vector<16xi32>
        %slice3A = vector.extract_strided_slice %all_reduce_population_count3A {offsets = [0], sizes = [1], strides = [1]} : vector<16xi32> to vector<1xi32>
        %squeeze3A = vector.extract %slice3A[0] : i32 from vector<1xi32>
        %add3A_337 = arith.addi %while3A_319, %squeeze3A : i32
        scf.yield %add3A_337 : i32
      }
      %while3A_288 = arith.constant 1 : i32
      %while3A_289 = scf.for %while3A_318 = %while3A_285 to %while3A_281 step %while3A_288 iter_args(%while3A_319 = %while3A_287) -> (i32)  : i32 {
        %mul3A_320 = arith.constant 16 : i32
        %mul3A_321 = arith.muli %while3A_318, %mul3A_320 : i32
        %get3A = arith.index_cast %mul3A_321 : i32 to index
        %get3A_322 = tpu.vector_load %arg7[%get3A] {strides = array<i32>} : memref<16400xi32, #tpu.memory_space<vmem>>, vector<16xi32>,
        %shift_right_arithmetic3A_323 = arith.constant 14 : i32
        %shift_right_arithmetic3A_324 = vector.broadcast %shift_right_arithmetic3A_323 : i32 to vector<16xi32>
        %shift_right_arithmetic3A_325 = arith.shrsi %get3A_322, %shift_right_arithmetic3A_324 : vector<16xi32>
        %mul3A_326 = arith.constant 16 : i32
        %mul3A_327 = arith.muli %while3A_318, %mul3A_326 : i32
        %add3A_328 = vector.broadcast %mul3A_327 : i32 to vector<16xi32>
        %add3A_329 = arith.addi %add3A_328, %iota3A : vector<16xi32>
        %lt3A_330 = vector.broadcast %scan3A_31 : i32 to vector<16xi32>
        %lt3A_331 = arith.cmpi slt, %add3A_329, %lt3A_330 : vector<16xi32>
        %ge3A = vector.broadcast %sub3A_276 : i32 to vector<16xi32>
        %ge3A_332 = arith.cmpi sge, %shift_right_arithmetic3A_325, %ge3A : vector<16xi32>
        %lt3A_333 = vector.broadcast %sub3A_278 : i32 to vector<16xi32>
        %lt3A_334 = arith.cmpi slt, %shift_right_arithmetic3A_325, %lt3A_333 : vector<16xi32>
        %and3A = arith.andi %ge3A_332, %lt3A_334 : vector<16xi1>
        %and3A_335 = arith.andi %and3A, %lt3A_331 : vector<16xi1>
        %swap3A = arith.index_cast %while3A_319 : i32 to index
        %swap3A_336 = tpu.vector_load %arg6[%swap3A] masked %and3A_335 {strides = array<i32>} : memref<16400xi32, #tpu.memory_space<vmem>>, vector<16xi32>, vector<16xi1>
        tpu.vector_store %arg6[%swap3A], %get3A_322 masked %and3A_335 {strides = array<i32>} : memref<16400xi32, #tpu.memory_space<vmem>>, vector<16xi32>, vector<16xi1>
        %all_reduce_population_count3A = tpu.all_reduce %and3A_335 {dim = 0 : i64, kind = #tpu.reduction_kind<sum>} : vector<16xi1> -> vector<16xi32>
        %slice3A = vector.extract_strided_slice %all_reduce_population_count3A {offsets = [0], sizes = [1], strides = [1]} : vector<16xi32> to vector<1xi32>
        %squeeze3A = vector.extract %slice3A[0] : i32 from vector<1xi32>
        %add3A_337 = arith.addi %while3A_319, %squeeze3A : i32
        scf.yield %add3A_337 : i32
      }
      %gt3A = arith.constant 0 : i32
      %gt3A_290 = arith.cmpi sgt, %while3A_289, %gt3A : i32
      %convert_element_type3A_291 = arith.extui %gt3A_290 : i1 to i32
      %cond3A_292 = arith.constant 0 : i32
      %cond3A_293 = arith.cmpi ne, %convert_element_type3A_291, %cond3A_292 : i32
      scf.if %cond3A_293 {
        %get3A = arith.constant 0 : index
        %get3A_318 = tpu.vector_load %arg6[%get3A] {strides = array<i32>} : memref<16400xi32, #tpu.memory_space<vmem>>, vector<16xi32>,
        %slice3A = vector.extract_strided_slice %get3A_318 {offsets = [0], sizes = [1], strides = [1]} : vector<16xi32> to vector<1xi32>
        %squeeze3A = vector.extract %slice3A[0] : i32 from vector<1xi32>
        %broadcast_in_dim3A = vector.broadcast %squeeze3A : i32 to vector<16xi32>
        %swap3A = arith.index_cast %while3A_289 : i32 to index
        %swap3A_319 = tpu.vector_load %arg6[%swap3A] {strides = array<i32>} : memref<16400xi32, #tpu.memory_space<vmem>>, vector<16xi32>,
        tpu.vector_store %arg6[%swap3A], %broadcast_in_dim3A {strides = array<i32>} : memref<16400xi32, #tpu.memory_space<vmem>>, vector<16xi32>,
      } else {
      }
      %gt3A_294 = arith.constant 0 : i32
      %gt3A_295 = arith.cmpi sgt, %while3A_289, %gt3A_294 : i32
      %add3A_296 = arith.constant 16 : i32
      %add3A_297 = arith.addi %while3A_289, %add3A_296 : i32
      %sub3A_298 = arith.constant 1 : i32
      %sub3A_299 = arith.subi %add3A_297, %sub3A_298 : i32
      %shift_right_arithmetic3A_300 = arith.constant 4 : i32
      %shift_right_arithmetic3A_301 = arith.shrsi %sub3A_299, %shift_right_arithmetic3A_300 : i32
      %jit3A_302 = arith.constant 0 : i32
      %select_n3A_303 = arith.select %gt3A_295, %shift_right_arithmetic3A_301, %jit3A_302 : i32
      %sub3A_304 = arith.constant 999936 : i32
      %sub3A_305 = arith.subi %sub3A_304, %mul3A_9 : i32
      %while3A_306 = arith.constant 0 : i32
      %while3A_307 = arith.constant 0 : i32
      %while3A_308 = arith.subi %select_n3A_303, %while3A_306 : i32
      %while3A_309 = arith.addi %while3A_306, %while3A_308 : i32
      %while3A_310 = arith.constant 1 : i32
      %while3A_311 = arith.divsi %while3A_308, %while3A_310 : i32
      %while3A_312 = arith.muli %while3A_311, %while3A_310 : i32
      %while3A_313 = arith.addi %while3A_306, %while3A_312 : i32
      %while3A_314 = arith.constant 1 : i32
      %while3A_315 = scf.for %while3A_318 = %while3A_306 to %while3A_313 step %while3A_314 iter_args(%while3A_319 = %while3A_307) -> (i32)  : i32 {
        %mul3A_320 = arith.constant 16 : i32
        %mul3A_321 = arith.muli %while3A_318, %mul3A_320 : i32
        %get3A = arith.index_cast %mul3A_321 : i32 to index
        %get3A_322 = tpu.vector_load %arg6[%get3A] {strides = array<i32>} : memref<16400xi32, #tpu.memory_space<vmem>>, vector<16xi32>,
        %shift_right_arithmetic3A_323 = arith.constant 14 : i32
        %shift_right_arithmetic3A_324 = vector.broadcast %shift_right_arithmetic3A_323 : i32 to vector<16xi32>
        %shift_right_arithmetic3A_325 = arith.shrsi %get3A_322, %shift_right_arithmetic3A_324 : vector<16xi32>
        %sub3A_326 = vector.broadcast %sub3A_305 : i32 to vector<16xi32>
        %sub3A_327 = arith.subi %shift_right_arithmetic3A_325, %sub3A_326 : vector<16xi32>
        %and3A = arith.constant 16383 : i32
        %and3A_328 = vector.broadcast %and3A : i32 to vector<16xi32>
        %and3A_329 = arith.andi %get3A_322, %and3A_328 : vector<16xi32>
        %slice3A = vector.extract_strided_slice %sub3A_327 {offsets = [0], sizes = [1], strides = [1]} : vector<16xi32> to vector<1xi32>
        %squeeze3A = vector.extract %slice3A[0] : i32 from vector<1xi32>
        %broadcast_in_dim3A = arith.constant 0 : i32
        %broadcast_in_dim3A_330 = vector.broadcast %broadcast_in_dim3A : i32 to vector<16xi32>
        %broadcast_in_dim3A_331 = vector.broadcast %squeeze3A : i32 to vector<16xi32>
        %gather3A = tpu.vector_load_idx %arg8[%add3A_17, %broadcast_in_dim3A_331] : memref<64x128xf32, #tpu.memory_space<vmem>>[vector<16xi32>, vector<16xi32>], vector<16xf32>,
        %add3A_332 = arith.constant 0 : i32
        %add3A_333 = vector.broadcast %add3A_332 : i32 to vector<16xi32>
        %add3A_334 = arith.addi %add3A_333, %iota3A : vector<16xi32>
        tpu.vector_store_idx %arg9[%broadcast_in_dim3A_330, %add3A_334], %gather3A : memref<16x64xf32, #tpu.memory_space<vmem>>[vector<16xi32>, vector<16xi32>], vector<16xf32>,
        %broadcast_in_dim3A_335 = vector.broadcast %squeeze3A : i32 to vector<16xi32>
        %gather3A_336 = tpu.vector_load_idx %arg8[%add3A_20, %broadcast_in_dim3A_335] : memref<64x128xf32, #tpu.memory_space<vmem>>[vector<16xi32>, vector<16xi32>], vector<16xf32>,
        %add3A_337 = arith.constant 16 : i32
        %add3A_338 = vector.broadcast %add3A_337 : i32 to vector<16xi32>
        %add3A_339 = arith.addi %add3A_338, %iota3A : vector<16xi32>
        tpu.vector_store_idx %arg9[%broadcast_in_dim3A_330, %add3A_339], %gather3A_336 : memref<16x64xf32, #tpu.memory_space<vmem>>[vector<16xi32>, vector<16xi32>], vector<16xf32>,
        %broadcast_in_dim3A_340 = vector.broadcast %squeeze3A : i32 to vector<16xi32>
        %gather3A_341 = tpu.vector_load_idx %arg8[%add3A_23, %broadcast_in_dim3A_340] : memref<64x128xf32, #tpu.memory_space<vmem>>[vector<16xi32>, vector<16xi32>], vector<16xf32>,
        %add3A_342 = arith.constant 32 : i32
        %add3A_343 = vector.broadcast %add3A_342 : i32 to vector<16xi32>
        %add3A_344 = arith.addi %add3A_343, %iota3A : vector<16xi32>
        tpu.vector_store_idx %arg9[%broadcast_in_dim3A_330, %add3A_344], %gather3A_341 : memref<16x64xf32, #tpu.memory_space<vmem>>[vector<16xi32>, vector<16xi32>], vector<16xf32>,
        %broadcast_in_dim3A_345 = vector.broadcast %squeeze3A : i32 to vector<16xi32>
        %gather3A_346 = tpu.vector_load_idx %arg8[%add3A_26, %broadcast_in_dim3A_345] : memref<64x128xf32, #tpu.memory_space<vmem>>[vector<16xi32>, vector<16xi32>], vector<16xf32>,
        %add3A_347 = arith.constant 48 : i32
        %add3A_348 = vector.broadcast %add3A_347 : i32 to vector<16xi32>
        %add3A_349 = arith.addi %add3A_348, %iota3A : vector<16xi32>
        tpu.vector_store_idx %arg9[%broadcast_in_dim3A_330, %add3A_349], %gather3A_346 : memref<16x64xf32, #tpu.memory_space<vmem>>[vector<16xi32>, vector<16xi32>], vector<16xf32>,
        %slice3A_350 = vector.extract_strided_slice %sub3A_327 {offsets = [1], sizes = [1], strides = [1]} : vector<16xi32> to vector<1xi32>
        %squeeze3A_351 = vector.extract %slice3A_350[0] : i32 from vector<1xi32>
        %broadcast_in_dim3A_352 = arith.constant 1 : i32
        %broadcast_in_dim3A_353 = vector.broadcast %broadcast_in_dim3A_352 : i32 to vector<16xi32>
        %broadcast_in_dim3A_354 = vector.broadcast %squeeze3A_351 : i32 to vector<16xi32>
        %gather3A_355 = tpu.vector_load_idx %arg8[%add3A_17, %broadcast_in_dim3A_354] : memref<64x128xf32, #tpu.memory_space<vmem>>[vector<16xi32>, vector<16xi32>], vector<16xf32>,
        %add3A_356 = arith.constant 0 : i32
        %add3A_357 = vector.broadcast %add3A_356 : i32 to vector<16xi32>
        %add3A_358 = arith.addi %add3A_357, %iota3A : vector<16xi32>
        tpu.vector_store_idx %arg9[%broadcast_in_dim3A_353, %add3A_358], %gather3A_355 : memref<16x64xf32, #tpu.memory_space<vmem>>[vector<16xi32>, vector<16xi32>], vector<16xf32>,
        %broadcast_in_dim3A_359 = vector.broadcast %squeeze3A_351 : i32 to vector<16xi32>
        %gather3A_360 = tpu.vector_load_idx %arg8[%add3A_20, %broadcast_in_dim3A_359] : memref<64x128xf32, #tpu.memory_space<vmem>>[vector<16xi32>, vector<16xi32>], vector<16xf32>,
        %add3A_361 = arith.constant 16 : i32
        %add3A_362 = vector.broadcast %add3A_361 : i32 to vector<16xi32>
        %add3A_363 = arith.addi %add3A_362, %iota3A : vector<16xi32>
        tpu.vector_store_idx %arg9[%broadcast_in_dim3A_353, %add3A_363], %gather3A_360 : memref<16x64xf32, #tpu.memory_space<vmem>>[vector<16xi32>, vector<16xi32>], vector<16xf32>,
        %broadcast_in_dim3A_364 = vector.broadcast %squeeze3A_351 : i32 to vector<16xi32>
        %gather3A_365 = tpu.vector_load_idx %arg8[%add3A_23, %broadcast_in_dim3A_364] : memref<64x128xf32, #tpu.memory_space<vmem>>[vector<16xi32>, vector<16xi32>], vector<16xf32>,
        %add3A_366 = arith.constant 32 : i32
        %add3A_367 = vector.broadcast %add3A_366 : i32 to vector<16xi32>
        %add3A_368 = arith.addi %add3A_367, %iota3A : vector<16xi32>
        tpu.vector_store_idx %arg9[%broadcast_in_dim3A_353, %add3A_368], %gather3A_365 : memref<16x64xf32, #tpu.memory_space<vmem>>[vector<16xi32>, vector<16xi32>], vector<16xf32>,
        %broadcast_in_dim3A_369 = vector.broadcast %squeeze3A_351 : i32 to vector<16xi32>
        %gather3A_370 = tpu.vector_load_idx %arg8[%add3A_26, %broadcast_in_dim3A_369] : memref<64x128xf32, #tpu.memory_space<vmem>>[vector<16xi32>, vector<16xi32>], vector<16xf32>,
        %add3A_371 = arith.constant 48 : i32
        %add3A_372 = vector.broadcast %add3A_371 : i32 to vector<16xi32>
        %add3A_373 = arith.addi %add3A_372, %iota3A : vector<16xi32>
        tpu.vector_store_idx %arg9[%broadcast_in_dim3A_353, %add3A_373], %gather3A_370 : memref<16x64xf32, #tpu.memory_space<vmem>>[vector<16xi32>, vector<16xi32>], vector<16xf32>,
        %slice3A_374 = vector.extract_strided_slice %sub3A_327 {offsets = [2], sizes = [1], strides = [1]} : vector<16xi32> to vector<1xi32>
        %squeeze3A_375 = vector.extract %slice3A_374[0] : i32 from vector<1xi32>
        %broadcast_in_dim3A_376 = arith.constant 2 : i32
        %broadcast_in_dim3A_377 = vector.broadcast %broadcast_in_dim3A_376 : i32 to vector<16xi32>
        %broadcast_in_dim3A_378 = vector.broadcast %squeeze3A_375 : i32 to vector<16xi32>
        %gather3A_379 = tpu.vector_load_idx %arg8[%add3A_17, %broadcast_in_dim3A_378] : memref<64x128xf32, #tpu.memory_space<vmem>>[vector<16xi32>, vector<16xi32>], vector<16xf32>,
        %add3A_380 = arith.constant 0 : i32
        %add3A_381 = vector.broadcast %add3A_380 : i32 to vector<16xi32>
        %add3A_382 = arith.addi %add3A_381, %iota3A : vector<16xi32>
        tpu.vector_store_idx %arg9[%broadcast_in_dim3A_377, %add3A_382], %gather3A_379 : memref<16x64xf32, #tpu.memory_space<vmem>>[vector<16xi32>, vector<16xi32>], vector<16xf32>,
        %broadcast_in_dim3A_383 = vector.broadcast %squeeze3A_375 : i32 to vector<16xi32>
        %gather3A_384 = tpu.vector_load_idx %arg8[%add3A_20, %broadcast_in_dim3A_383] : memref<64x128xf32, #tpu.memory_space<vmem>>[vector<16xi32>, vector<16xi32>], vector<16xf32>,
        %add3A_385 = arith.constant 16 : i32
        %add3A_386 = vector.broadcast %add3A_385 : i32 to vector<16xi32>
        %add3A_387 = arith.addi %add3A_386, %iota3A : vector<16xi32>
        tpu.vector_store_idx %arg9[%broadcast_in_dim3A_377, %add3A_387], %gather3A_384 : memref<16x64xf32, #tpu.memory_space<vmem>>[vector<16xi32>, vector<16xi32>], vector<16xf32>,
        %broadcast_in_dim3A_388 = vector.broadcast %squeeze3A_375 : i32 to vector<16xi32>
        %gather3A_389 = tpu.vector_load_idx %arg8[%add3A_23, %broadcast_in_dim3A_388] : memref<64x128xf32, #tpu.memory_space<vmem>>[vector<16xi32>, vector<16xi32>], vector<16xf32>,
        %add3A_390 = arith.constant 32 : i32
        %add3A_391 = vector.broadcast %add3A_390 : i32 to vector<16xi32>
        %add3A_392 = arith.addi %add3A_391, %iota3A : vector<16xi32>
        tpu.vector_store_idx %arg9[%broadcast_in_dim3A_377, %add3A_392], %gather3A_389 : memref<16x64xf32, #tpu.memory_space<vmem>>[vector<16xi32>, vector<16xi32>], vector<16xf32>,
        %broadcast_in_dim3A_393 = vector.broadcast %squeeze3A_375 : i32 to vector<16xi32>
        %gather3A_394 = tpu.vector_load_idx %arg8[%add3A_26, %broadcast_in_dim3A_393] : memref<64x128xf32, #tpu.memory_space<vmem>>[vector<16xi32>, vector<16xi32>], vector<16xf32>,
        %add3A_395 = arith.constant 48 : i32
        %add3A_396 = vector.broadcast %add3A_395 : i32 to vector<16xi32>
        %add3A_397 = arith.addi %add3A_396, %iota3A : vector<16xi32>
        tpu.vector_store_idx %arg9[%broadcast_in_dim3A_377, %add3A_397], %gather3A_394 : memref<16x64xf32, #tpu.memory_space<vmem>>[vector<16xi32>, vector<16xi32>], vector<16xf32>,
        %slice3A_398 = vector.extract_strided_slice %sub3A_327 {offsets = [3], sizes = [1], strides = [1]} : vector<16xi32> to vector<1xi32>
        %squeeze3A_399 = vector.extract %slice3A_398[0] : i32 from vector<1xi32>
        %broadcast_in_dim3A_400 = arith.constant 3 : i32
        %broadcast_in_dim3A_401 = vector.broadcast %broadcast_in_dim3A_400 : i32 to vector<16xi32>
        %broadcast_in_dim3A_402 = vector.broadcast %squeeze3A_399 : i32 to vector<16xi32>
        %gather3A_403 = tpu.vector_load_idx %arg8[%add3A_17, %broadcast_in_dim3A_402] : memref<64x128xf32, #tpu.memory_space<vmem>>[vector<16xi32>, vector<16xi32>], vector<16xf32>,
        %add3A_404 = arith.constant 0 : i32
        %add3A_405 = vector.broadcast %add3A_404 : i32 to vector<16xi32>
        %add3A_406 = arith.addi %add3A_405, %iota3A : vector<16xi32>
        tpu.vector_store_idx %arg9[%broadcast_in_dim3A_401, %add3A_406], %gather3A_403 : memref<16x64xf32, #tpu.memory_space<vmem>>[vector<16xi32>, vector<16xi32>], vector<16xf32>,
        %broadcast_in_dim3A_407 = vector.broadcast %squeeze3A_399 : i32 to vector<16xi32>
        %gather3A_408 = tpu.vector_load_idx %arg8[%add3A_20, %broadcast_in_dim3A_407] : memref<64x128xf32, #tpu.memory_space<vmem>>[vector<16xi32>, vector<16xi32>], vector<16xf32>,
        %add3A_409 = arith.constant 16 : i32
        %add3A_410 = vector.broadcast %add3A_409 : i32 to vector<16xi32>
        %add3A_411 = arith.addi %add3A_410, %iota3A : vector<16xi32>
        tpu.vector_store_idx %arg9[%broadcast_in_dim3A_401, %add3A_411], %gather3A_408 : memref<16x64xf32, #tpu.memory_space<vmem>>[vector<16xi32>, vector<16xi32>], vector<16xf32>,
        %broadcast_in_dim3A_412 = vector.broadcast %squeeze3A_399 : i32 to vector<16xi32>
        %gather3A_413 = tpu.vector_load_idx %arg8[%add3A_23, %broadcast_in_dim3A_412] : memref<64x128xf32, #tpu.memory_space<vmem>>[vector<16xi32>, vector<16xi32>], vector<16xf32>,
        %add3A_414 = arith.constant 32 : i32
        %add3A_415 = vector.broadcast %add3A_414 : i32 to vector<16xi32>
        %add3A_416 = arith.addi %add3A_415, %iota3A : vector<16xi32>
        tpu.vector_store_idx %arg9[%broadcast_in_dim3A_401, %add3A_416], %gather3A_413 : memref<16x64xf32, #tpu.memory_space<vmem>>[vector<16xi32>, vector<16xi32>], vector<16xf32>,
        %broadcast_in_dim3A_417 = vector.broadcast %squeeze3A_399 : i32 to vector<16xi32>
        %gather3A_418 = tpu.vector_load_idx %arg8[%add3A_26, %broadcast_in_dim3A_417] : memref<64x128xf32, #tpu.memory_space<vmem>>[vector<16xi32>, vector<16xi32>], vector<16xf32>,
        %add3A_419 = arith.constant 48 : i32
        %add3A_420 = vector.broadcast %add3A_419 : i32 to vector<16xi32>
        %add3A_421 = arith.addi %add3A_420, %iota3A : vector<16xi32>
        tpu.vector_store_idx %arg9[%broadcast_in_dim3A_401, %add3A_421], %gather3A_418 : memref<16x64xf32, #tpu.memory_space<vmem>>[vector<16xi32>, vector<16xi32>], vector<16xf32>,
        %slice3A_422 = vector.extract_strided_slice %sub3A_327 {offsets = [4], sizes = [1], strides = [1]} : vector<16xi32> to vector<1xi32>
        %squeeze3A_423 = vector.extract %slice3A_422[0] : i32 from vector<1xi32>
        %broadcast_in_dim3A_424 = arith.constant 4 : i32
        %broadcast_in_dim3A_425 = vector.broadcast %broadcast_in_dim3A_424 : i32 to vector<16xi32>
        %broadcast_in_dim3A_426 = vector.broadcast %squeeze3A_423 : i32 to vector<16xi32>
        %gather3A_427 = tpu.vector_load_idx %arg8[%add3A_17, %broadcast_in_dim3A_426] : memref<64x128xf32, #tpu.memory_space<vmem>>[vector<16xi32>, vector<16xi32>], vector<16xf32>,
        %add3A_428 = arith.constant 0 : i32
        %add3A_429 = vector.broadcast %add3A_428 : i32 to vector<16xi32>
        %add3A_430 = arith.addi %add3A_429, %iota3A : vector<16xi32>
        tpu.vector_store_idx %arg9[%broadcast_in_dim3A_425, %add3A_430], %gather3A_427 : memref<16x64xf32, #tpu.memory_space<vmem>>[vector<16xi32>, vector<16xi32>], vector<16xf32>,
        %broadcast_in_dim3A_431 = vector.broadcast %squeeze3A_423 : i32 to vector<16xi32>
        %gather3A_432 = tpu.vector_load_idx %arg8[%add3A_20, %broadcast_in_dim3A_431] : memref<64x128xf32, #tpu.memory_space<vmem>>[vector<16xi32>, vector<16xi32>], vector<16xf32>,
        %add3A_433 = arith.constant 16 : i32
        %add3A_434 = vector.broadcast %add3A_433 : i32 to vector<16xi32>
        %add3A_435 = arith.addi %add3A_434, %iota3A : vector<16xi32>
        tpu.vector_store_idx %arg9[%broadcast_in_dim3A_425, %add3A_435], %gather3A_432 : memref<16x64xf32, #tpu.memory_space<vmem>>[vector<16xi32>, vector<16xi32>], vector<16xf32>,
        %broadcast_in_dim3A_436 = vector.broadcast %squeeze3A_423 : i32 to vector<16xi32>
        %gather3A_437 = tpu.vector_load_idx %arg8[%add3A_23, %broadcast_in_dim3A_436] : memref<64x128xf32, #tpu.memory_space<vmem>>[vector<16xi32>, vector<16xi32>], vector<16xf32>,
        %add3A_438 = arith.constant 32 : i32
        %add3A_439 = vector.broadcast %add3A_438 : i32 to vector<16xi32>
        %add3A_440 = arith.addi %add3A_439, %iota3A : vector<16xi32>
        tpu.vector_store_idx %arg9[%broadcast_in_dim3A_425, %add3A_440], %gather3A_437 : memref<16x64xf32, #tpu.memory_space<vmem>>[vector<16xi32>, vector<16xi32>], vector<16xf32>,
        %broadcast_in_dim3A_441 = vector.broadcast %squeeze3A_423 : i32 to vector<16xi32>
        %gather3A_442 = tpu.vector_load_idx %arg8[%add3A_26, %broadcast_in_dim3A_441] : memref<64x128xf32, #tpu.memory_space<vmem>>[vector<16xi32>, vector<16xi32>], vector<16xf32>,
        %add3A_443 = arith.constant 48 : i32
        %add3A_444 = vector.broadcast %add3A_443 : i32 to vector<16xi32>
        %add3A_445 = arith.addi %add3A_444, %iota3A : vector<16xi32>
        tpu.vector_store_idx %arg9[%broadcast_in_dim3A_425, %add3A_445], %gather3A_442 : memref<16x64xf32, #tpu.memory_space<vmem>>[vector<16xi32>, vector<16xi32>], vector<16xf32>,
        %slice3A_446 = vector.extract_strided_slice %sub3A_327 {offsets = [5], sizes = [1], strides = [1]} : vector<16xi32> to vector<1xi32>
        %squeeze3A_447 = vector.extract %slice3A_446[0] : i32 from vector<1xi32>
        %broadcast_in_dim3A_448 = arith.constant 5 : i32
        %broadcast_in_dim3A_449 = vector.broadcast %broadcast_in_dim3A_448 : i32 to vector<16xi32>
        %broadcast_in_dim3A_450 = vector.broadcast %squeeze3A_447 : i32 to vector<16xi32>
        %gather3A_451 = tpu.vector_load_idx %arg8[%add3A_17, %broadcast_in_dim3A_450] : memref<64x128xf32, #tpu.memory_space<vmem>>[vector<16xi32>, vector<16xi32>], vector<16xf32>,
        %add3A_452 = arith.constant 0 : i32
        %add3A_453 = vector.broadcast %add3A_452 : i32 to vector<16xi32>
        %add3A_454 = arith.addi %add3A_453, %iota3A : vector<16xi32>
        tpu.vector_store_idx %arg9[%broadcast_in_dim3A_449, %add3A_454], %gather3A_451 : memref<16x64xf32, #tpu.memory_space<vmem>>[vector<16xi32>, vector<16xi32>], vector<16xf32>,
        %broadcast_in_dim3A_455 = vector.broadcast %squeeze3A_447 : i32 to vector<16xi32>
        %gather3A_456 = tpu.vector_load_idx %arg8[%add3A_20, %broadcast_in_dim3A_455] : memref<64x128xf32, #tpu.memory_space<vmem>>[vector<16xi32>, vector<16xi32>], vector<16xf32>,
        %add3A_457 = arith.constant 16 : i32
        %add3A_458 = vector.broadcast %add3A_457 : i32 to vector<16xi32>
        %add3A_459 = arith.addi %add3A_458, %iota3A : vector<16xi32>
        tpu.vector_store_idx %arg9[%broadcast_in_dim3A_449, %add3A_459], %gather3A_456 : memref<16x64xf32, #tpu.memory_space<vmem>>[vector<16xi32>, vector<16xi32>], vector<16xf32>,
        %broadcast_in_dim3A_460 = vector.broadcast %squeeze3A_447 : i32 to vector<16xi32>
        %gather3A_461 = tpu.vector_load_idx %arg8[%add3A_23, %broadcast_in_dim3A_460] : memref<64x128xf32, #tpu.memory_space<vmem>>[vector<16xi32>, vector<16xi32>], vector<16xf32>,
        %add3A_462 = arith.constant 32 : i32
        %add3A_463 = vector.broadcast %add3A_462 : i32 to vector<16xi32>
        %add3A_464 = arith.addi %add3A_463, %iota3A : vector<16xi32>
        tpu.vector_store_idx %arg9[%broadcast_in_dim3A_449, %add3A_464], %gather3A_461 : memref<16x64xf32, #tpu.memory_space<vmem>>[vector<16xi32>, vector<16xi32>], vector<16xf32>,
        %broadcast_in_dim3A_465 = vector.broadcast %squeeze3A_447 : i32 to vector<16xi32>
        %gather3A_466 = tpu.vector_load_idx %arg8[%add3A_26, %broadcast_in_dim3A_465] : memref<64x128xf32, #tpu.memory_space<vmem>>[vector<16xi32>, vector<16xi32>], vector<16xf32>,
        %add3A_467 = arith.constant 48 : i32
        %add3A_468 = vector.broadcast %add3A_467 : i32 to vector<16xi32>
        %add3A_469 = arith.addi %add3A_468, %iota3A : vector<16xi32>
        tpu.vector_store_idx %arg9[%broadcast_in_dim3A_449, %add3A_469], %gather3A_466 : memref<16x64xf32, #tpu.memory_space<vmem>>[vector<16xi32>, vector<16xi32>], vector<16xf32>,
        %slice3A_470 = vector.extract_strided_slice %sub3A_327 {offsets = [6], sizes = [1], strides = [1]} : vector<16xi32> to vector<1xi32>
        %squeeze3A_471 = vector.extract %slice3A_470[0] : i32 from vector<1xi32>
        %broadcast_in_dim3A_472 = arith.constant 6 : i32
        %broadcast_in_dim3A_473 = vector.broadcast %broadcast_in_dim3A_472 : i32 to vector<16xi32>
        %broadcast_in_dim3A_474 = vector.broadcast %squeeze3A_471 : i32 to vector<16xi32>
        %gather3A_475 = tpu.vector_load_idx %arg8[%add3A_17, %broadcast_in_dim3A_474] : memref<64x128xf32, #tpu.memory_space<vmem>>[vector<16xi32>, vector<16xi32>], vector<16xf32>,
        %add3A_476 = arith.constant 0 : i32
        %add3A_477 = vector.broadcast %add3A_476 : i32 to vector<16xi32>
        %add3A_478 = arith.addi %add3A_477, %iota3A : vector<16xi32>
        tpu.vector_store_idx %arg9[%broadcast_in_dim3A_473, %add3A_478], %gather3A_475 : memref<16x64xf32, #tpu.memory_space<vmem>>[vector<16xi32>, vector<16xi32>], vector<16xf32>,
        %broadcast_in_dim3A_479 = vector.broadcast %squeeze3A_471 : i32 to vector<16xi32>
        %gather3A_480 = tpu.vector_load_idx %arg8[%add3A_20, %broadcast_in_dim3A_479] : memref<64x128xf32, #tpu.memory_space<vmem>>[vector<16xi32>, vector<16xi32>], vector<16xf32>,
        %add3A_481 = arith.constant 16 : i32
        %add3A_482 = vector.broadcast %add3A_481 : i32 to vector<16xi32>
        %add3A_483 = arith.addi %add3A_482, %iota3A : vector<16xi32>
        tpu.vector_store_idx %arg9[%broadcast_in_dim3A_473, %add3A_483], %gather3A_480 : memref<16x64xf32, #tpu.memory_space<vmem>>[vector<16xi32>, vector<16xi32>], vector<16xf32>,
        %broadcast_in_dim3A_484 = vector.broadcast %squeeze3A_471 : i32 to vector<16xi32>
        %gather3A_485 = tpu.vector_load_idx %arg8[%add3A_23, %broadcast_in_dim3A_484] : memref<64x128xf32, #tpu.memory_space<vmem>>[vector<16xi32>, vector<16xi32>], vector<16xf32>,
        %add3A_486 = arith.constant 32 : i32
        %add3A_487 = vector.broadcast %add3A_486 : i32 to vector<16xi32>
        %add3A_488 = arith.addi %add3A_487, %iota3A : vector<16xi32>
        tpu.vector_store_idx %arg9[%broadcast_in_dim3A_473, %add3A_488], %gather3A_485 : memref<16x64xf32, #tpu.memory_space<vmem>>[vector<16xi32>, vector<16xi32>], vector<16xf32>,
        %broadcast_in_dim3A_489 = vector.broadcast %squeeze3A_471 : i32 to vector<16xi32>
        %gather3A_490 = tpu.vector_load_idx %arg8[%add3A_26, %broadcast_in_dim3A_489] : memref<64x128xf32, #tpu.memory_space<vmem>>[vector<16xi32>, vector<16xi32>], vector<16xf32>,
        %add3A_491 = arith.constant 48 : i32
        %add3A_492 = vector.broadcast %add3A_491 : i32 to vector<16xi32>
        %add3A_493 = arith.addi %add3A_492, %iota3A : vector<16xi32>
        tpu.vector_store_idx %arg9[%broadcast_in_dim3A_473, %add3A_493], %gather3A_490 : memref<16x64xf32, #tpu.memory_space<vmem>>[vector<16xi32>, vector<16xi32>], vector<16xf32>,
        %slice3A_494 = vector.extract_strided_slice %sub3A_327 {offsets = [7], sizes = [1], strides = [1]} : vector<16xi32> to vector<1xi32>
        %squeeze3A_495 = vector.extract %slice3A_494[0] : i32 from vector<1xi32>
        %broadcast_in_dim3A_496 = arith.constant 7 : i32
        %broadcast_in_dim3A_497 = vector.broadcast %broadcast_in_dim3A_496 : i32 to vector<16xi32>
        %broadcast_in_dim3A_498 = vector.broadcast %squeeze3A_495 : i32 to vector<16xi32>
        %gather3A_499 = tpu.vector_load_idx %arg8[%add3A_17, %broadcast_in_dim3A_498] : memref<64x128xf32, #tpu.memory_space<vmem>>[vector<16xi32>, vector<16xi32>], vector<16xf32>,
        %add3A_500 = arith.constant 0 : i32
        %add3A_501 = vector.broadcast %add3A_500 : i32 to vector<16xi32>
        %add3A_502 = arith.addi %add3A_501, %iota3A : vector<16xi32>
        tpu.vector_store_idx %arg9[%broadcast_in_dim3A_497, %add3A_502], %gather3A_499 : memref<16x64xf32, #tpu.memory_space<vmem>>[vector<16xi32>, vector<16xi32>], vector<16xf32>,
        %broadcast_in_dim3A_503 = vector.broadcast %squeeze3A_495 : i32 to vector<16xi32>
        %gather3A_504 = tpu.vector_load_idx %arg8[%add3A_20, %broadcast_in_dim3A_503] : memref<64x128xf32, #tpu.memory_space<vmem>>[vector<16xi32>, vector<16xi32>], vector<16xf32>,
        %add3A_505 = arith.constant 16 : i32
        %add3A_506 = vector.broadcast %add3A_505 : i32 to vector<16xi32>
        %add3A_507 = arith.addi %add3A_506, %iota3A : vector<16xi32>
        tpu.vector_store_idx %arg9[%broadcast_in_dim3A_497, %add3A_507], %gather3A_504 : memref<16x64xf32, #tpu.memory_space<vmem>>[vector<16xi32>, vector<16xi32>], vector<16xf32>,
        %broadcast_in_dim3A_508 = vector.broadcast %squeeze3A_495 : i32 to vector<16xi32>
        %gather3A_509 = tpu.vector_load_idx %arg8[%add3A_23, %broadcast_in_dim3A_508] : memref<64x128xf32, #tpu.memory_space<vmem>>[vector<16xi32>, vector<16xi32>], vector<16xf32>,
        %add3A_510 = arith.constant 32 : i32
        %add3A_511 = vector.broadcast %add3A_510 : i32 to vector<16xi32>
        %add3A_512 = arith.addi %add3A_511, %iota3A : vector<16xi32>
        tpu.vector_store_idx %arg9[%broadcast_in_dim3A_497, %add3A_512], %gather3A_509 : memref<16x64xf32, #tpu.memory_space<vmem>>[vector<16xi32>, vector<16xi32>], vector<16xf32>,
        %broadcast_in_dim3A_513 = vector.broadcast %squeeze3A_495 : i32 to vector<16xi32>
        %gather3A_514 = tpu.vector_load_idx %arg8[%add3A_26, %broadcast_in_dim3A_513] : memref<64x128xf32, #tpu.memory_space<vmem>>[vector<16xi32>, vector<16xi32>], vector<16xf32>,
        %add3A_515 = arith.constant 48 : i32
        %add3A_516 = vector.broadcast %add3A_515 : i32 to vector<16xi32>
        %add3A_517 = arith.addi %add3A_516, %iota3A : vector<16xi32>
        tpu.vector_store_idx %arg9[%broadcast_in_dim3A_497, %add3A_517], %gather3A_514 : memref<16x64xf32, #tpu.memory_space<vmem>>[vector<16xi32>, vector<16xi32>], vector<16xf32>,
        %slice3A_518 = vector.extract_strided_slice %sub3A_327 {offsets = [8], sizes = [1], strides = [1]} : vector<16xi32> to vector<1xi32>
        %squeeze3A_519 = vector.extract %slice3A_518[0] : i32 from vector<1xi32>
        %broadcast_in_dim3A_520 = arith.constant 8 : i32
        %broadcast_in_dim3A_521 = vector.broadcast %broadcast_in_dim3A_520 : i32 to vector<16xi32>
        %broadcast_in_dim3A_522 = vector.broadcast %squeeze3A_519 : i32 to vector<16xi32>
        %gather3A_523 = tpu.vector_load_idx %arg8[%add3A_17, %broadcast_in_dim3A_522] : memref<64x128xf32, #tpu.memory_space<vmem>>[vector<16xi32>, vector<16xi32>], vector<16xf32>,
        %add3A_524 = arith.constant 0 : i32
        %add3A_525 = vector.broadcast %add3A_524 : i32 to vector<16xi32>
        %add3A_526 = arith.addi %add3A_525, %iota3A : vector<16xi32>
        tpu.vector_store_idx %arg9[%broadcast_in_dim3A_521, %add3A_526], %gather3A_523 : memref<16x64xf32, #tpu.memory_space<vmem>>[vector<16xi32>, vector<16xi32>], vector<16xf32>,
        %broadcast_in_dim3A_527 = vector.broadcast %squeeze3A_519 : i32 to vector<16xi32>
        %gather3A_528 = tpu.vector_load_idx %arg8[%add3A_20, %broadcast_in_dim3A_527] : memref<64x128xf32, #tpu.memory_space<vmem>>[vector<16xi32>, vector<16xi32>], vector<16xf32>,
        %add3A_529 = arith.constant 16 : i32
        %add3A_530 = vector.broadcast %add3A_529 : i32 to vector<16xi32>
        %add3A_531 = arith.addi %add3A_530, %iota3A : vector<16xi32>
        tpu.vector_store_idx %arg9[%broadcast_in_dim3A_521, %add3A_531], %gather3A_528 : memref<16x64xf32, #tpu.memory_space<vmem>>[vector<16xi32>, vector<16xi32>], vector<16xf32>,
        %broadcast_in_dim3A_532 = vector.broadcast %squeeze3A_519 : i32 to vector<16xi32>
        %gather3A_533 = tpu.vector_load_idx %arg8[%add3A_23, %broadcast_in_dim3A_532] : memref<64x128xf32, #tpu.memory_space<vmem>>[vector<16xi32>, vector<16xi32>], vector<16xf32>,
        %add3A_534 = arith.constant 32 : i32
        %add3A_535 = vector.broadcast %add3A_534 : i32 to vector<16xi32>
        %add3A_536 = arith.addi %add3A_535, %iota3A : vector<16xi32>
        tpu.vector_store_idx %arg9[%broadcast_in_dim3A_521, %add3A_536], %gather3A_533 : memref<16x64xf32, #tpu.memory_space<vmem>>[vector<16xi32>, vector<16xi32>], vector<16xf32>,
        %broadcast_in_dim3A_537 = vector.broadcast %squeeze3A_519 : i32 to vector<16xi32>
        %gather3A_538 = tpu.vector_load_idx %arg8[%add3A_26, %broadcast_in_dim3A_537] : memref<64x128xf32, #tpu.memory_space<vmem>>[vector<16xi32>, vector<16xi32>], vector<16xf32>,
        %add3A_539 = arith.constant 48 : i32
        %add3A_540 = vector.broadcast %add3A_539 : i32 to vector<16xi32>
        %add3A_541 = arith.addi %add3A_540, %iota3A : vector<16xi32>
        tpu.vector_store_idx %arg9[%broadcast_in_dim3A_521, %add3A_541], %gather3A_538 : memref<16x64xf32, #tpu.memory_space<vmem>>[vector<16xi32>, vector<16xi32>], vector<16xf32>,
        %slice3A_542 = vector.extract_strided_slice %sub3A_327 {offsets = [9], sizes = [1], strides = [1]} : vector<16xi32> to vector<1xi32>
        %squeeze3A_543 = vector.extract %slice3A_542[0] : i32 from vector<1xi32>
        %broadcast_in_dim3A_544 = arith.constant 9 : i32
        %broadcast_in_dim3A_545 = vector.broadcast %broadcast_in_dim3A_544 : i32 to vector<16xi32>
        %broadcast_in_dim3A_546 = vector.broadcast %squeeze3A_543 : i32 to vector<16xi32>
        %gather3A_547 = tpu.vector_load_idx %arg8[%add3A_17, %broadcast_in_dim3A_546] : memref<64x128xf32, #tpu.memory_space<vmem>>[vector<16xi32>, vector<16xi32>], vector<16xf32>,
        %add3A_548 = arith.constant 0 : i32
        %add3A_549 = vector.broadcast %add3A_548 : i32 to vector<16xi32>
        %add3A_550 = arith.addi %add3A_549, %iota3A : vector<16xi32>
        tpu.vector_store_idx %arg9[%broadcast_in_dim3A_545, %add3A_550], %gather3A_547 : memref<16x64xf32, #tpu.memory_space<vmem>>[vector<16xi32>, vector<16xi32>], vector<16xf32>,
        %broadcast_in_dim3A_551 = vector.broadcast %squeeze3A_543 : i32 to vector<16xi32>
        %gather3A_552 = tpu.vector_load_idx %arg8[%add3A_20, %broadcast_in_dim3A_551] : memref<64x128xf32, #tpu.memory_space<vmem>>[vector<16xi32>, vector<16xi32>], vector<16xf32>,
        %add3A_553 = arith.constant 16 : i32
        %add3A_554 = vector.broadcast %add3A_553 : i32 to vector<16xi32>
        %add3A_555 = arith.addi %add3A_554, %iota3A : vector<16xi32>
        tpu.vector_store_idx %arg9[%broadcast_in_dim3A_545, %add3A_555], %gather3A_552 : memref<16x64xf32, #tpu.memory_space<vmem>>[vector<16xi32>, vector<16xi32>], vector<16xf32>,
        %broadcast_in_dim3A_556 = vector.broadcast %squeeze3A_543 : i32 to vector<16xi32>
        %gather3A_557 = tpu.vector_load_idx %arg8[%add3A_23, %broadcast_in_dim3A_556] : memref<64x128xf32, #tpu.memory_space<vmem>>[vector<16xi32>, vector<16xi32>], vector<16xf32>,
        %add3A_558 = arith.constant 32 : i32
        %add3A_559 = vector.broadcast %add3A_558 : i32 to vector<16xi32>
        %add3A_560 = arith.addi %add3A_559, %iota3A : vector<16xi32>
        tpu.vector_store_idx %arg9[%broadcast_in_dim3A_545, %add3A_560], %gather3A_557 : memref<16x64xf32, #tpu.memory_space<vmem>>[vector<16xi32>, vector<16xi32>], vector<16xf32>,
        %broadcast_in_dim3A_561 = vector.broadcast %squeeze3A_543 : i32 to vector<16xi32>
        %gather3A_562 = tpu.vector_load_idx %arg8[%add3A_26, %broadcast_in_dim3A_561] : memref<64x128xf32, #tpu.memory_space<vmem>>[vector<16xi32>, vector<16xi32>], vector<16xf32>,
        %add3A_563 = arith.constant 48 : i32
        %add3A_564 = vector.broadcast %add3A_563 : i32 to vector<16xi32>
        %add3A_565 = arith.addi %add3A_564, %iota3A : vector<16xi32>
        tpu.vector_store_idx %arg9[%broadcast_in_dim3A_545, %add3A_565], %gather3A_562 : memref<16x64xf32, #tpu.memory_space<vmem>>[vector<16xi32>, vector<16xi32>], vector<16xf32>,
        %slice3A_566 = vector.extract_strided_slice %sub3A_327 {offsets = [10], sizes = [1], strides = [1]} : vector<16xi32> to vector<1xi32>
        %squeeze3A_567 = vector.extract %slice3A_566[0] : i32 from vector<1xi32>
        %broadcast_in_dim3A_568 = arith.constant 10 : i32
        %broadcast_in_dim3A_569 = vector.broadcast %broadcast_in_dim3A_568 : i32 to vector<16xi32>
        %broadcast_in_dim3A_570 = vector.broadcast %squeeze3A_567 : i32 to vector<16xi32>
        %gather3A_571 = tpu.vector_load_idx %arg8[%add3A_17, %broadcast_in_dim3A_570] : memref<64x128xf32, #tpu.memory_space<vmem>>[vector<16xi32>, vector<16xi32>], vector<16xf32>,
        %add3A_572 = arith.constant 0 : i32
        %add3A_573 = vector.broadcast %add3A_572 : i32 to vector<16xi32>
        %add3A_574 = arith.addi %add3A_573, %iota3A : vector<16xi32>
        tpu.vector_store_idx %arg9[%broadcast_in_dim3A_569, %add3A_574], %gather3A_571 : memref<16x64xf32, #tpu.memory_space<vmem>>[vector<16xi32>, vector<16xi32>], vector<16xf32>,
        %broadcast_in_dim3A_575 = vector.broadcast %squeeze3A_567 : i32 to vector<16xi32>
        %gather3A_576 = tpu.vector_load_idx %arg8[%add3A_20, %broadcast_in_dim3A_575] : memref<64x128xf32, #tpu.memory_space<vmem>>[vector<16xi32>, vector<16xi32>], vector<16xf32>,
        %add3A_577 = arith.constant 16 : i32
        %add3A_578 = vector.broadcast %add3A_577 : i32 to vector<16xi32>
        %add3A_579 = arith.addi %add3A_578, %iota3A : vector<16xi32>
        tpu.vector_store_idx %arg9[%broadcast_in_dim3A_569, %add3A_579], %gather3A_576 : memref<16x64xf32, #tpu.memory_space<vmem>>[vector<16xi32>, vector<16xi32>], vector<16xf32>,
        %broadcast_in_dim3A_580 = vector.broadcast %squeeze3A_567 : i32 to vector<16xi32>
        %gather3A_581 = tpu.vector_load_idx %arg8[%add3A_23, %broadcast_in_dim3A_580] : memref<64x128xf32, #tpu.memory_space<vmem>>[vector<16xi32>, vector<16xi32>], vector<16xf32>,
        %add3A_582 = arith.constant 32 : i32
        %add3A_583 = vector.broadcast %add3A_582 : i32 to vector<16xi32>
        %add3A_584 = arith.addi %add3A_583, %iota3A : vector<16xi32>
        tpu.vector_store_idx %arg9[%broadcast_in_dim3A_569, %add3A_584], %gather3A_581 : memref<16x64xf32, #tpu.memory_space<vmem>>[vector<16xi32>, vector<16xi32>], vector<16xf32>,
        %broadcast_in_dim3A_585 = vector.broadcast %squeeze3A_567 : i32 to vector<16xi32>
        %gather3A_586 = tpu.vector_load_idx %arg8[%add3A_26, %broadcast_in_dim3A_585] : memref<64x128xf32, #tpu.memory_space<vmem>>[vector<16xi32>, vector<16xi32>], vector<16xf32>,
        %add3A_587 = arith.constant 48 : i32
        %add3A_588 = vector.broadcast %add3A_587 : i32 to vector<16xi32>
        %add3A_589 = arith.addi %add3A_588, %iota3A : vector<16xi32>
        tpu.vector_store_idx %arg9[%broadcast_in_dim3A_569, %add3A_589], %gather3A_586 : memref<16x64xf32, #tpu.memory_space<vmem>>[vector<16xi32>, vector<16xi32>], vector<16xf32>,
        %slice3A_590 = vector.extract_strided_slice %sub3A_327 {offsets = [11], sizes = [1], strides = [1]} : vector<16xi32> to vector<1xi32>
        %squeeze3A_591 = vector.extract %slice3A_590[0] : i32 from vector<1xi32>
        %broadcast_in_dim3A_592 = arith.constant 11 : i32
        %broadcast_in_dim3A_593 = vector.broadcast %broadcast_in_dim3A_592 : i32 to vector<16xi32>
        %broadcast_in_dim3A_594 = vector.broadcast %squeeze3A_591 : i32 to vector<16xi32>
        %gather3A_595 = tpu.vector_load_idx %arg8[%add3A_17, %broadcast_in_dim3A_594] : memref<64x128xf32, #tpu.memory_space<vmem>>[vector<16xi32>, vector<16xi32>], vector<16xf32>,
        %add3A_596 = arith.constant 0 : i32
        %add3A_597 = vector.broadcast %add3A_596 : i32 to vector<16xi32>
        %add3A_598 = arith.addi %add3A_597, %iota3A : vector<16xi32>
        tpu.vector_store_idx %arg9[%broadcast_in_dim3A_593, %add3A_598], %gather3A_595 : memref<16x64xf32, #tpu.memory_space<vmem>>[vector<16xi32>, vector<16xi32>], vector<16xf32>,
        %broadcast_in_dim3A_599 = vector.broadcast %squeeze3A_591 : i32 to vector<16xi32>
        %gather3A_600 = tpu.vector_load_idx %arg8[%add3A_20, %broadcast_in_dim3A_599] : memref<64x128xf32, #tpu.memory_space<vmem>>[vector<16xi32>, vector<16xi32>], vector<16xf32>,
        %add3A_601 = arith.constant 16 : i32
        %add3A_602 = vector.broadcast %add3A_601 : i32 to vector<16xi32>
        %add3A_603 = arith.addi %add3A_602, %iota3A : vector<16xi32>
        tpu.vector_store_idx %arg9[%broadcast_in_dim3A_593, %add3A_603], %gather3A_600 : memref<16x64xf32, #tpu.memory_space<vmem>>[vector<16xi32>, vector<16xi32>], vector<16xf32>,
        %broadcast_in_dim3A_604 = vector.broadcast %squeeze3A_591 : i32 to vector<16xi32>
        %gather3A_605 = tpu.vector_load_idx %arg8[%add3A_23, %broadcast_in_dim3A_604] : memref<64x128xf32, #tpu.memory_space<vmem>>[vector<16xi32>, vector<16xi32>], vector<16xf32>,
        %add3A_606 = arith.constant 32 : i32
        %add3A_607 = vector.broadcast %add3A_606 : i32 to vector<16xi32>
        %add3A_608 = arith.addi %add3A_607, %iota3A : vector<16xi32>
        tpu.vector_store_idx %arg9[%broadcast_in_dim3A_593, %add3A_608], %gather3A_605 : memref<16x64xf32, #tpu.memory_space<vmem>>[vector<16xi32>, vector<16xi32>], vector<16xf32>,
        %broadcast_in_dim3A_609 = vector.broadcast %squeeze3A_591 : i32 to vector<16xi32>
        %gather3A_610 = tpu.vector_load_idx %arg8[%add3A_26, %broadcast_in_dim3A_609] : memref<64x128xf32, #tpu.memory_space<vmem>>[vector<16xi32>, vector<16xi32>], vector<16xf32>,
        %add3A_611 = arith.constant 48 : i32
        %add3A_612 = vector.broadcast %add3A_611 : i32 to vector<16xi32>
        %add3A_613 = arith.addi %add3A_612, %iota3A : vector<16xi32>
        tpu.vector_store_idx %arg9[%broadcast_in_dim3A_593, %add3A_613], %gather3A_610 : memref<16x64xf32, #tpu.memory_space<vmem>>[vector<16xi32>, vector<16xi32>], vector<16xf32>,
        %slice3A_614 = vector.extract_strided_slice %sub3A_327 {offsets = [12], sizes = [1], strides = [1]} : vector<16xi32> to vector<1xi32>
        %squeeze3A_615 = vector.extract %slice3A_614[0] : i32 from vector<1xi32>
        %broadcast_in_dim3A_616 = arith.constant 12 : i32
        %broadcast_in_dim3A_617 = vector.broadcast %broadcast_in_dim3A_616 : i32 to vector<16xi32>
        %broadcast_in_dim3A_618 = vector.broadcast %squeeze3A_615 : i32 to vector<16xi32>
        %gather3A_619 = tpu.vector_load_idx %arg8[%add3A_17, %broadcast_in_dim3A_618] : memref<64x128xf32, #tpu.memory_space<vmem>>[vector<16xi32>, vector<16xi32>], vector<16xf32>,
        %add3A_620 = arith.constant 0 : i32
        %add3A_621 = vector.broadcast %add3A_620 : i32 to vector<16xi32>
        %add3A_622 = arith.addi %add3A_621, %iota3A : vector<16xi32>
        tpu.vector_store_idx %arg9[%broadcast_in_dim3A_617, %add3A_622], %gather3A_619 : memref<16x64xf32, #tpu.memory_space<vmem>>[vector<16xi32>, vector<16xi32>], vector<16xf32>,
        %broadcast_in_dim3A_623 = vector.broadcast %squeeze3A_615 : i32 to vector<16xi32>
        %gather3A_624 = tpu.vector_load_idx %arg8[%add3A_20, %broadcast_in_dim3A_623] : memref<64x128xf32, #tpu.memory_space<vmem>>[vector<16xi32>, vector<16xi32>], vector<16xf32>,
        %add3A_625 = arith.constant 16 : i32
        %add3A_626 = vector.broadcast %add3A_625 : i32 to vector<16xi32>
        %add3A_627 = arith.addi %add3A_626, %iota3A : vector<16xi32>
        tpu.vector_store_idx %arg9[%broadcast_in_dim3A_617, %add3A_627], %gather3A_624 : memref<16x64xf32, #tpu.memory_space<vmem>>[vector<16xi32>, vector<16xi32>], vector<16xf32>,
        %broadcast_in_dim3A_628 = vector.broadcast %squeeze3A_615 : i32 to vector<16xi32>
        %gather3A_629 = tpu.vector_load_idx %arg8[%add3A_23, %broadcast_in_dim3A_628] : memref<64x128xf32, #tpu.memory_space<vmem>>[vector<16xi32>, vector<16xi32>], vector<16xf32>,
        %add3A_630 = arith.constant 32 : i32
        %add3A_631 = vector.broadcast %add3A_630 : i32 to vector<16xi32>
        %add3A_632 = arith.addi %add3A_631, %iota3A : vector<16xi32>
        tpu.vector_store_idx %arg9[%broadcast_in_dim3A_617, %add3A_632], %gather3A_629 : memref<16x64xf32, #tpu.memory_space<vmem>>[vector<16xi32>, vector<16xi32>], vector<16xf32>,
        %broadcast_in_dim3A_633 = vector.broadcast %squeeze3A_615 : i32 to vector<16xi32>
        %gather3A_634 = tpu.vector_load_idx %arg8[%add3A_26, %broadcast_in_dim3A_633] : memref<64x128xf32, #tpu.memory_space<vmem>>[vector<16xi32>, vector<16xi32>], vector<16xf32>,
        %add3A_635 = arith.constant 48 : i32
        %add3A_636 = vector.broadcast %add3A_635 : i32 to vector<16xi32>
        %add3A_637 = arith.addi %add3A_636, %iota3A : vector<16xi32>
        tpu.vector_store_idx %arg9[%broadcast_in_dim3A_617, %add3A_637], %gather3A_634 : memref<16x64xf32, #tpu.memory_space<vmem>>[vector<16xi32>, vector<16xi32>], vector<16xf32>,
        %slice3A_638 = vector.extract_strided_slice %sub3A_327 {offsets = [13], sizes = [1], strides = [1]} : vector<16xi32> to vector<1xi32>
        %squeeze3A_639 = vector.extract %slice3A_638[0] : i32 from vector<1xi32>
        %broadcast_in_dim3A_640 = arith.constant 13 : i32
        %broadcast_in_dim3A_641 = vector.broadcast %broadcast_in_dim3A_640 : i32 to vector<16xi32>
        %broadcast_in_dim3A_642 = vector.broadcast %squeeze3A_639 : i32 to vector<16xi32>
        %gather3A_643 = tpu.vector_load_idx %arg8[%add3A_17, %broadcast_in_dim3A_642] : memref<64x128xf32, #tpu.memory_space<vmem>>[vector<16xi32>, vector<16xi32>], vector<16xf32>,
        %add3A_644 = arith.constant 0 : i32
        %add3A_645 = vector.broadcast %add3A_644 : i32 to vector<16xi32>
        %add3A_646 = arith.addi %add3A_645, %iota3A : vector<16xi32>
        tpu.vector_store_idx %arg9[%broadcast_in_dim3A_641, %add3A_646], %gather3A_643 : memref<16x64xf32, #tpu.memory_space<vmem>>[vector<16xi32>, vector<16xi32>], vector<16xf32>,
        %broadcast_in_dim3A_647 = vector.broadcast %squeeze3A_639 : i32 to vector<16xi32>
        %gather3A_648 = tpu.vector_load_idx %arg8[%add3A_20, %broadcast_in_dim3A_647] : memref<64x128xf32, #tpu.memory_space<vmem>>[vector<16xi32>, vector<16xi32>], vector<16xf32>,
        %add3A_649 = arith.constant 16 : i32
        %add3A_650 = vector.broadcast %add3A_649 : i32 to vector<16xi32>
        %add3A_651 = arith.addi %add3A_650, %iota3A : vector<16xi32>
        tpu.vector_store_idx %arg9[%broadcast_in_dim3A_641, %add3A_651], %gather3A_648 : memref<16x64xf32, #tpu.memory_space<vmem>>[vector<16xi32>, vector<16xi32>], vector<16xf32>,
        %broadcast_in_dim3A_652 = vector.broadcast %squeeze3A_639 : i32 to vector<16xi32>
        %gather3A_653 = tpu.vector_load_idx %arg8[%add3A_23, %broadcast_in_dim3A_652] : memref<64x128xf32, #tpu.memory_space<vmem>>[vector<16xi32>, vector<16xi32>], vector<16xf32>,
        %add3A_654 = arith.constant 32 : i32
        %add3A_655 = vector.broadcast %add3A_654 : i32 to vector<16xi32>
        %add3A_656 = arith.addi %add3A_655, %iota3A : vector<16xi32>
        tpu.vector_store_idx %arg9[%broadcast_in_dim3A_641, %add3A_656], %gather3A_653 : memref<16x64xf32, #tpu.memory_space<vmem>>[vector<16xi32>, vector<16xi32>], vector<16xf32>,
        %broadcast_in_dim3A_657 = vector.broadcast %squeeze3A_639 : i32 to vector<16xi32>
        %gather3A_658 = tpu.vector_load_idx %arg8[%add3A_26, %broadcast_in_dim3A_657] : memref<64x128xf32, #tpu.memory_space<vmem>>[vector<16xi32>, vector<16xi32>], vector<16xf32>,
        %add3A_659 = arith.constant 48 : i32
        %add3A_660 = vector.broadcast %add3A_659 : i32 to vector<16xi32>
        %add3A_661 = arith.addi %add3A_660, %iota3A : vector<16xi32>
        tpu.vector_store_idx %arg9[%broadcast_in_dim3A_641, %add3A_661], %gather3A_658 : memref<16x64xf32, #tpu.memory_space<vmem>>[vector<16xi32>, vector<16xi32>], vector<16xf32>,
        %slice3A_662 = vector.extract_strided_slice %sub3A_327 {offsets = [14], sizes = [1], strides = [1]} : vector<16xi32> to vector<1xi32>
        %squeeze3A_663 = vector.extract %slice3A_662[0] : i32 from vector<1xi32>
        %broadcast_in_dim3A_664 = arith.constant 14 : i32
        %broadcast_in_dim3A_665 = vector.broadcast %broadcast_in_dim3A_664 : i32 to vector<16xi32>
        %broadcast_in_dim3A_666 = vector.broadcast %squeeze3A_663 : i32 to vector<16xi32>
        %gather3A_667 = tpu.vector_load_idx %arg8[%add3A_17, %broadcast_in_dim3A_666] : memref<64x128xf32, #tpu.memory_space<vmem>>[vector<16xi32>, vector<16xi32>], vector<16xf32>,
        %add3A_668 = arith.constant 0 : i32
        %add3A_669 = vector.broadcast %add3A_668 : i32 to vector<16xi32>
        %add3A_670 = arith.addi %add3A_669, %iota3A : vector<16xi32>
        tpu.vector_store_idx %arg9[%broadcast_in_dim3A_665, %add3A_670], %gather3A_667 : memref<16x64xf32, #tpu.memory_space<vmem>>[vector<16xi32>, vector<16xi32>], vector<16xf32>,
        %broadcast_in_dim3A_671 = vector.broadcast %squeeze3A_663 : i32 to vector<16xi32>
        %gather3A_672 = tpu.vector_load_idx %arg8[%add3A_20, %broadcast_in_dim3A_671] : memref<64x128xf32, #tpu.memory_space<vmem>>[vector<16xi32>, vector<16xi32>], vector<16xf32>,
        %add3A_673 = arith.constant 16 : i32
        %add3A_674 = vector.broadcast %add3A_673 : i32 to vector<16xi32>
        %add3A_675 = arith.addi %add3A_674, %iota3A : vector<16xi32>
        tpu.vector_store_idx %arg9[%broadcast_in_dim3A_665, %add3A_675], %gather3A_672 : memref<16x64xf32, #tpu.memory_space<vmem>>[vector<16xi32>, vector<16xi32>], vector<16xf32>,
        %broadcast_in_dim3A_676 = vector.broadcast %squeeze3A_663 : i32 to vector<16xi32>
        %gather3A_677 = tpu.vector_load_idx %arg8[%add3A_23, %broadcast_in_dim3A_676] : memref<64x128xf32, #tpu.memory_space<vmem>>[vector<16xi32>, vector<16xi32>], vector<16xf32>,
        %add3A_678 = arith.constant 32 : i32
        %add3A_679 = vector.broadcast %add3A_678 : i32 to vector<16xi32>
        %add3A_680 = arith.addi %add3A_679, %iota3A : vector<16xi32>
        tpu.vector_store_idx %arg9[%broadcast_in_dim3A_665, %add3A_680], %gather3A_677 : memref<16x64xf32, #tpu.memory_space<vmem>>[vector<16xi32>, vector<16xi32>], vector<16xf32>,
        %broadcast_in_dim3A_681 = vector.broadcast %squeeze3A_663 : i32 to vector<16xi32>
        %gather3A_682 = tpu.vector_load_idx %arg8[%add3A_26, %broadcast_in_dim3A_681] : memref<64x128xf32, #tpu.memory_space<vmem>>[vector<16xi32>, vector<16xi32>], vector<16xf32>,
        %add3A_683 = arith.constant 48 : i32
        %add3A_684 = vector.broadcast %add3A_683 : i32 to vector<16xi32>
        %add3A_685 = arith.addi %add3A_684, %iota3A : vector<16xi32>
        tpu.vector_store_idx %arg9[%broadcast_in_dim3A_665, %add3A_685], %gather3A_682 : memref<16x64xf32, #tpu.memory_space<vmem>>[vector<16xi32>, vector<16xi32>], vector<16xf32>,
        %slice3A_686 = vector.extract_strided_slice %sub3A_327 {offsets = [15], sizes = [1], strides = [1]} : vector<16xi32> to vector<1xi32>
        %squeeze3A_687 = vector.extract %slice3A_686[0] : i32 from vector<1xi32>
        %broadcast_in_dim3A_688 = arith.constant 15 : i32
        %broadcast_in_dim3A_689 = vector.broadcast %broadcast_in_dim3A_688 : i32 to vector<16xi32>
        %broadcast_in_dim3A_690 = vector.broadcast %squeeze3A_687 : i32 to vector<16xi32>
        %gather3A_691 = tpu.vector_load_idx %arg8[%add3A_17, %broadcast_in_dim3A_690] : memref<64x128xf32, #tpu.memory_space<vmem>>[vector<16xi32>, vector<16xi32>], vector<16xf32>,
        %add3A_692 = arith.constant 0 : i32
        %add3A_693 = vector.broadcast %add3A_692 : i32 to vector<16xi32>
        %add3A_694 = arith.addi %add3A_693, %iota3A : vector<16xi32>
        tpu.vector_store_idx %arg9[%broadcast_in_dim3A_689, %add3A_694], %gather3A_691 : memref<16x64xf32, #tpu.memory_space<vmem>>[vector<16xi32>, vector<16xi32>], vector<16xf32>,
        %broadcast_in_dim3A_695 = vector.broadcast %squeeze3A_687 : i32 to vector<16xi32>
        %gather3A_696 = tpu.vector_load_idx %arg8[%add3A_20, %broadcast_in_dim3A_695] : memref<64x128xf32, #tpu.memory_space<vmem>>[vector<16xi32>, vector<16xi32>], vector<16xf32>,
        %add3A_697 = arith.constant 16 : i32
        %add3A_698 = vector.broadcast %add3A_697 : i32 to vector<16xi32>
        %add3A_699 = arith.addi %add3A_698, %iota3A : vector<16xi32>
        tpu.vector_store_idx %arg9[%broadcast_in_dim3A_689, %add3A_699], %gather3A_696 : memref<16x64xf32, #tpu.memory_space<vmem>>[vector<16xi32>, vector<16xi32>], vector<16xf32>,
        %broadcast_in_dim3A_700 = vector.broadcast %squeeze3A_687 : i32 to vector<16xi32>
        %gather3A_701 = tpu.vector_load_idx %arg8[%add3A_23, %broadcast_in_dim3A_700] : memref<64x128xf32, #tpu.memory_space<vmem>>[vector<16xi32>, vector<16xi32>], vector<16xf32>,
        %add3A_702 = arith.constant 32 : i32
        %add3A_703 = vector.broadcast %add3A_702 : i32 to vector<16xi32>
        %add3A_704 = arith.addi %add3A_703, %iota3A : vector<16xi32>
        tpu.vector_store_idx %arg9[%broadcast_in_dim3A_689, %add3A_704], %gather3A_701 : memref<16x64xf32, #tpu.memory_space<vmem>>[vector<16xi32>, vector<16xi32>], vector<16xf32>,
        %broadcast_in_dim3A_705 = vector.broadcast %squeeze3A_687 : i32 to vector<16xi32>
        %gather3A_706 = tpu.vector_load_idx %arg8[%add3A_26, %broadcast_in_dim3A_705] : memref<64x128xf32, #tpu.memory_space<vmem>>[vector<16xi32>, vector<16xi32>], vector<16xf32>,
        %add3A_707 = arith.constant 48 : i32
        %add3A_708 = vector.broadcast %add3A_707 : i32 to vector<16xi32>
        %add3A_709 = arith.addi %add3A_708, %iota3A : vector<16xi32>
        tpu.vector_store_idx %arg9[%broadcast_in_dim3A_689, %add3A_709], %gather3A_706 : memref<16x64xf32, #tpu.memory_space<vmem>>[vector<16xi32>, vector<16xi32>], vector<16xf32>,
        %slice3A_710 = vector.extract_strided_slice %and3A_329 {offsets = [0], sizes = [1], strides = [1]} : vector<16xi32> to vector<1xi32>
        %squeeze3A_711 = vector.extract %slice3A_710[0] : i32 from vector<1xi32>
        %dma_start3A_712 = arith.constant 0 : i32
        %dma_start3A_713 = arith.constant 0 : i32
        %dma_start3A_714 = tpu.memref_slice %arg9[%dma_start3A_712, %dma_start3A_713] : memref<16x64xf32, #tpu.memory_space<vmem>> -> memref<1x64xf32, #tpu.memory_space<vmem>>
        %dma_start3A_715 = arith.constant 0 : i32
        %dma_start3A_716 = tpu.memref_slice %arg5[%squeeze3A_711, %dma_start3A_715] : memref<16384x64xf32, #tpu.memory_space<hbm>> -> memref<1x64xf32, #tpu.memory_space<hbm>>
        %dma_start3A_717 = arith.constant 0 : i32
        %dma_start3A_718 = tpu.memref_slice %arg5[%squeeze3A_711, %dma_start3A_717] : memref<16384x64xf32, #tpu.memory_space<hbm>> -> memref<1x64xf32, #tpu.memory_space<hbm>>
        %dma_start3A_719 = arith.constant 0 : i32
        %dma_start3A_720 = arith.constant 0 : i32
        %dma_start3A_721 = tpu.memref_slice %arg9[%dma_start3A_719, %dma_start3A_720] : memref<16x64xf32, #tpu.memory_space<vmem>> -> memref<1x64xf32, #tpu.memory_space<vmem>>
        tpu.enqueue_dma source(%dma_start3A_721 : memref<1x64xf32, #tpu.memory_space<vmem>>) target(%dma_start3A_718 : memref<1x64xf32, #tpu.memory_space<hbm>>) target_semaphore(%arg12 : memref<!tpu.dma_semaphore, #tpu.memory_space<semaphore_mem>>)
        %slice3A_722 = vector.extract_strided_slice %and3A_329 {offsets = [1], sizes = [1], strides = [1]} : vector<16xi32> to vector<1xi32>
        %squeeze3A_723 = vector.extract %slice3A_722[0] : i32 from vector<1xi32>
        %dma_start3A_724 = arith.constant 1 : i32
        %dma_start3A_725 = arith.constant 0 : i32
        %dma_start3A_726 = tpu.memref_slice %arg9[%dma_start3A_724, %dma_start3A_725] : memref<16x64xf32, #tpu.memory_space<vmem>> -> memref<1x64xf32, #tpu.memory_space<vmem>>
        %dma_start3A_727 = arith.constant 0 : i32
        %dma_start3A_728 = tpu.memref_slice %arg5[%squeeze3A_723, %dma_start3A_727] : memref<16384x64xf32, #tpu.memory_space<hbm>> -> memref<1x64xf32, #tpu.memory_space<hbm>>
        %dma_start3A_729 = arith.constant 0 : i32
        %dma_start3A_730 = tpu.memref_slice %arg5[%squeeze3A_723, %dma_start3A_729] : memref<16384x64xf32, #tpu.memory_space<hbm>> -> memref<1x64xf32, #tpu.memory_space<hbm>>
        %dma_start3A_731 = arith.constant 1 : i32
        %dma_start3A_732 = arith.constant 0 : i32
        %dma_start3A_733 = tpu.memref_slice %arg9[%dma_start3A_731, %dma_start3A_732] : memref<16x64xf32, #tpu.memory_space<vmem>> -> memref<1x64xf32, #tpu.memory_space<vmem>>
        tpu.enqueue_dma source(%dma_start3A_733 : memref<1x64xf32, #tpu.memory_space<vmem>>) target(%dma_start3A_730 : memref<1x64xf32, #tpu.memory_space<hbm>>) target_semaphore(%arg12 : memref<!tpu.dma_semaphore, #tpu.memory_space<semaphore_mem>>)
        %slice3A_734 = vector.extract_strided_slice %and3A_329 {offsets = [2], sizes = [1], strides = [1]} : vector<16xi32> to vector<1xi32>
        %squeeze3A_735 = vector.extract %slice3A_734[0] : i32 from vector<1xi32>
        %dma_start3A_736 = arith.constant 2 : i32
        %dma_start3A_737 = arith.constant 0 : i32
        %dma_start3A_738 = tpu.memref_slice %arg9[%dma_start3A_736, %dma_start3A_737] : memref<16x64xf32, #tpu.memory_space<vmem>> -> memref<1x64xf32, #tpu.memory_space<vmem>>
        %dma_start3A_739 = arith.constant 0 : i32
        %dma_start3A_740 = tpu.memref_slice %arg5[%squeeze3A_735, %dma_start3A_739] : memref<16384x64xf32, #tpu.memory_space<hbm>> -> memref<1x64xf32, #tpu.memory_space<hbm>>
        %dma_start3A_741 = arith.constant 0 : i32
        %dma_start3A_742 = tpu.memref_slice %arg5[%squeeze3A_735, %dma_start3A_741] : memref<16384x64xf32, #tpu.memory_space<hbm>> -> memref<1x64xf32, #tpu.memory_space<hbm>>
        %dma_start3A_743 = arith.constant 2 : i32
        %dma_start3A_744 = arith.constant 0 : i32
        %dma_start3A_745 = tpu.memref_slice %arg9[%dma_start3A_743, %dma_start3A_744] : memref<16x64xf32, #tpu.memory_space<vmem>> -> memref<1x64xf32, #tpu.memory_space<vmem>>
        tpu.enqueue_dma source(%dma_start3A_745 : memref<1x64xf32, #tpu.memory_space<vmem>>) target(%dma_start3A_742 : memref<1x64xf32, #tpu.memory_space<hbm>>) target_semaphore(%arg12 : memref<!tpu.dma_semaphore, #tpu.memory_space<semaphore_mem>>)
        %slice3A_746 = vector.extract_strided_slice %and3A_329 {offsets = [3], sizes = [1], strides = [1]} : vector<16xi32> to vector<1xi32>
        %squeeze3A_747 = vector.extract %slice3A_746[0] : i32 from vector<1xi32>
        %dma_start3A_748 = arith.constant 3 : i32
        %dma_start3A_749 = arith.constant 0 : i32
        %dma_start3A_750 = tpu.memref_slice %arg9[%dma_start3A_748, %dma_start3A_749] : memref<16x64xf32, #tpu.memory_space<vmem>> -> memref<1x64xf32, #tpu.memory_space<vmem>>
        %dma_start3A_751 = arith.constant 0 : i32
        %dma_start3A_752 = tpu.memref_slice %arg5[%squeeze3A_747, %dma_start3A_751] : memref<16384x64xf32, #tpu.memory_space<hbm>> -> memref<1x64xf32, #tpu.memory_space<hbm>>
        %dma_start3A_753 = arith.constant 0 : i32
        %dma_start3A_754 = tpu.memref_slice %arg5[%squeeze3A_747, %dma_start3A_753] : memref<16384x64xf32, #tpu.memory_space<hbm>> -> memref<1x64xf32, #tpu.memory_space<hbm>>
        %dma_start3A_755 = arith.constant 3 : i32
        %dma_start3A_756 = arith.constant 0 : i32
        %dma_start3A_757 = tpu.memref_slice %arg9[%dma_start3A_755, %dma_start3A_756] : memref<16x64xf32, #tpu.memory_space<vmem>> -> memref<1x64xf32, #tpu.memory_space<vmem>>
        tpu.enqueue_dma source(%dma_start3A_757 : memref<1x64xf32, #tpu.memory_space<vmem>>) target(%dma_start3A_754 : memref<1x64xf32, #tpu.memory_space<hbm>>) target_semaphore(%arg12 : memref<!tpu.dma_semaphore, #tpu.memory_space<semaphore_mem>>)
        %slice3A_758 = vector.extract_strided_slice %and3A_329 {offsets = [4], sizes = [1], strides = [1]} : vector<16xi32> to vector<1xi32>
        %squeeze3A_759 = vector.extract %slice3A_758[0] : i32 from vector<1xi32>
        %dma_start3A_760 = arith.constant 4 : i32
        %dma_start3A_761 = arith.constant 0 : i32
        %dma_start3A_762 = tpu.memref_slice %arg9[%dma_start3A_760, %dma_start3A_761] : memref<16x64xf32, #tpu.memory_space<vmem>> -> memref<1x64xf32, #tpu.memory_space<vmem>>
        %dma_start3A_763 = arith.constant 0 : i32
        %dma_start3A_764 = tpu.memref_slice %arg5[%squeeze3A_759, %dma_start3A_763] : memref<16384x64xf32, #tpu.memory_space<hbm>> -> memref<1x64xf32, #tpu.memory_space<hbm>>
        %dma_start3A_765 = arith.constant 0 : i32
        %dma_start3A_766 = tpu.memref_slice %arg5[%squeeze3A_759, %dma_start3A_765] : memref<16384x64xf32, #tpu.memory_space<hbm>> -> memref<1x64xf32, #tpu.memory_space<hbm>>
        %dma_start3A_767 = arith.constant 4 : i32
        %dma_start3A_768 = arith.constant 0 : i32
        %dma_start3A_769 = tpu.memref_slice %arg9[%dma_start3A_767, %dma_start3A_768] : memref<16x64xf32, #tpu.memory_space<vmem>> -> memref<1x64xf32, #tpu.memory_space<vmem>>
        tpu.enqueue_dma source(%dma_start3A_769 : memref<1x64xf32, #tpu.memory_space<vmem>>) target(%dma_start3A_766 : memref<1x64xf32, #tpu.memory_space<hbm>>) target_semaphore(%arg12 : memref<!tpu.dma_semaphore, #tpu.memory_space<semaphore_mem>>)
        %slice3A_770 = vector.extract_strided_slice %and3A_329 {offsets = [5], sizes = [1], strides = [1]} : vector<16xi32> to vector<1xi32>
        %squeeze3A_771 = vector.extract %slice3A_770[0] : i32 from vector<1xi32>
        %dma_start3A_772 = arith.constant 5 : i32
        %dma_start3A_773 = arith.constant 0 : i32
        %dma_start3A_774 = tpu.memref_slice %arg9[%dma_start3A_772, %dma_start3A_773] : memref<16x64xf32, #tpu.memory_space<vmem>> -> memref<1x64xf32, #tpu.memory_space<vmem>>
        %dma_start3A_775 = arith.constant 0 : i32
        %dma_start3A_776 = tpu.memref_slice %arg5[%squeeze3A_771, %dma_start3A_775] : memref<16384x64xf32, #tpu.memory_space<hbm>> -> memref<1x64xf32, #tpu.memory_space<hbm>>
        %dma_start3A_777 = arith.constant 0 : i32
        %dma_start3A_778 = tpu.memref_slice %arg5[%squeeze3A_771, %dma_start3A_777] : memref<16384x64xf32, #tpu.memory_space<hbm>> -> memref<1x64xf32, #tpu.memory_space<hbm>>
        %dma_start3A_779 = arith.constant 5 : i32
        %dma_start3A_780 = arith.constant 0 : i32
        %dma_start3A_781 = tpu.memref_slice %arg9[%dma_start3A_779, %dma_start3A_780] : memref<16x64xf32, #tpu.memory_space<vmem>> -> memref<1x64xf32, #tpu.memory_space<vmem>>
        tpu.enqueue_dma source(%dma_start3A_781 : memref<1x64xf32, #tpu.memory_space<vmem>>) target(%dma_start3A_778 : memref<1x64xf32, #tpu.memory_space<hbm>>) target_semaphore(%arg12 : memref<!tpu.dma_semaphore, #tpu.memory_space<semaphore_mem>>)
        %slice3A_782 = vector.extract_strided_slice %and3A_329 {offsets = [6], sizes = [1], strides = [1]} : vector<16xi32> to vector<1xi32>
        %squeeze3A_783 = vector.extract %slice3A_782[0] : i32 from vector<1xi32>
        %dma_start3A_784 = arith.constant 6 : i32
        %dma_start3A_785 = arith.constant 0 : i32
        %dma_start3A_786 = tpu.memref_slice %arg9[%dma_start3A_784, %dma_start3A_785] : memref<16x64xf32, #tpu.memory_space<vmem>> -> memref<1x64xf32, #tpu.memory_space<vmem>>
        %dma_start3A_787 = arith.constant 0 : i32
        %dma_start3A_788 = tpu.memref_slice %arg5[%squeeze3A_783, %dma_start3A_787] : memref<16384x64xf32, #tpu.memory_space<hbm>> -> memref<1x64xf32, #tpu.memory_space<hbm>>
        %dma_start3A_789 = arith.constant 0 : i32
        %dma_start3A_790 = tpu.memref_slice %arg5[%squeeze3A_783, %dma_start3A_789] : memref<16384x64xf32, #tpu.memory_space<hbm>> -> memref<1x64xf32, #tpu.memory_space<hbm>>
        %dma_start3A_791 = arith.constant 6 : i32
        %dma_start3A_792 = arith.constant 0 : i32
        %dma_start3A_793 = tpu.memref_slice %arg9[%dma_start3A_791, %dma_start3A_792] : memref<16x64xf32, #tpu.memory_space<vmem>> -> memref<1x64xf32, #tpu.memory_space<vmem>>
        tpu.enqueue_dma source(%dma_start3A_793 : memref<1x64xf32, #tpu.memory_space<vmem>>) target(%dma_start3A_790 : memref<1x64xf32, #tpu.memory_space<hbm>>) target_semaphore(%arg12 : memref<!tpu.dma_semaphore, #tpu.memory_space<semaphore_mem>>)
        %slice3A_794 = vector.extract_strided_slice %and3A_329 {offsets = [7], sizes = [1], strides = [1]} : vector<16xi32> to vector<1xi32>
        %squeeze3A_795 = vector.extract %slice3A_794[0] : i32 from vector<1xi32>
        %dma_start3A_796 = arith.constant 7 : i32
        %dma_start3A_797 = arith.constant 0 : i32
        %dma_start3A_798 = tpu.memref_slice %arg9[%dma_start3A_796, %dma_start3A_797] : memref<16x64xf32, #tpu.memory_space<vmem>> -> memref<1x64xf32, #tpu.memory_space<vmem>>
        %dma_start3A_799 = arith.constant 0 : i32
        %dma_start3A_800 = tpu.memref_slice %arg5[%squeeze3A_795, %dma_start3A_799] : memref<16384x64xf32, #tpu.memory_space<hbm>> -> memref<1x64xf32, #tpu.memory_space<hbm>>
        %dma_start3A_801 = arith.constant 0 : i32
        %dma_start3A_802 = tpu.memref_slice %arg5[%squeeze3A_795, %dma_start3A_801] : memref<16384x64xf32, #tpu.memory_space<hbm>> -> memref<1x64xf32, #tpu.memory_space<hbm>>
        %dma_start3A_803 = arith.constant 7 : i32
        %dma_start3A_804 = arith.constant 0 : i32
        %dma_start3A_805 = tpu.memref_slice %arg9[%dma_start3A_803, %dma_start3A_804] : memref<16x64xf32, #tpu.memory_space<vmem>> -> memref<1x64xf32, #tpu.memory_space<vmem>>
        tpu.enqueue_dma source(%dma_start3A_805 : memref<1x64xf32, #tpu.memory_space<vmem>>) target(%dma_start3A_802 : memref<1x64xf32, #tpu.memory_space<hbm>>) target_semaphore(%arg12 : memref<!tpu.dma_semaphore, #tpu.memory_space<semaphore_mem>>)
        %slice3A_806 = vector.extract_strided_slice %and3A_329 {offsets = [8], sizes = [1], strides = [1]} : vector<16xi32> to vector<1xi32>
        %squeeze3A_807 = vector.extract %slice3A_806[0] : i32 from vector<1xi32>
        %dma_start3A_808 = arith.constant 8 : i32
        %dma_start3A_809 = arith.constant 0 : i32
        %dma_start3A_810 = tpu.memref_slice %arg9[%dma_start3A_808, %dma_start3A_809] : memref<16x64xf32, #tpu.memory_space<vmem>> -> memref<1x64xf32, #tpu.memory_space<vmem>>
        %dma_start3A_811 = arith.constant 0 : i32
        %dma_start3A_812 = tpu.memref_slice %arg5[%squeeze3A_807, %dma_start3A_811] : memref<16384x64xf32, #tpu.memory_space<hbm>> -> memref<1x64xf32, #tpu.memory_space<hbm>>
        %dma_start3A_813 = arith.constant 0 : i32
        %dma_start3A_814 = tpu.memref_slice %arg5[%squeeze3A_807, %dma_start3A_813] : memref<16384x64xf32, #tpu.memory_space<hbm>> -> memref<1x64xf32, #tpu.memory_space<hbm>>
        %dma_start3A_815 = arith.constant 8 : i32
        %dma_start3A_816 = arith.constant 0 : i32
        %dma_start3A_817 = tpu.memref_slice %arg9[%dma_start3A_815, %dma_start3A_816] : memref<16x64xf32, #tpu.memory_space<vmem>> -> memref<1x64xf32, #tpu.memory_space<vmem>>
        tpu.enqueue_dma source(%dma_start3A_817 : memref<1x64xf32, #tpu.memory_space<vmem>>) target(%dma_start3A_814 : memref<1x64xf32, #tpu.memory_space<hbm>>) target_semaphore(%arg12 : memref<!tpu.dma_semaphore, #tpu.memory_space<semaphore_mem>>)
        %slice3A_818 = vector.extract_strided_slice %and3A_329 {offsets = [9], sizes = [1], strides = [1]} : vector<16xi32> to vector<1xi32>
        %squeeze3A_819 = vector.extract %slice3A_818[0] : i32 from vector<1xi32>
        %dma_start3A_820 = arith.constant 9 : i32
        %dma_start3A_821 = arith.constant 0 : i32
        %dma_start3A_822 = tpu.memref_slice %arg9[%dma_start3A_820, %dma_start3A_821] : memref<16x64xf32, #tpu.memory_space<vmem>> -> memref<1x64xf32, #tpu.memory_space<vmem>>
        %dma_start3A_823 = arith.constant 0 : i32
        %dma_start3A_824 = tpu.memref_slice %arg5[%squeeze3A_819, %dma_start3A_823] : memref<16384x64xf32, #tpu.memory_space<hbm>> -> memref<1x64xf32, #tpu.memory_space<hbm>>
        %dma_start3A_825 = arith.constant 0 : i32
        %dma_start3A_826 = tpu.memref_slice %arg5[%squeeze3A_819, %dma_start3A_825] : memref<16384x64xf32, #tpu.memory_space<hbm>> -> memref<1x64xf32, #tpu.memory_space<hbm>>
        %dma_start3A_827 = arith.constant 9 : i32
        %dma_start3A_828 = arith.constant 0 : i32
        %dma_start3A_829 = tpu.memref_slice %arg9[%dma_start3A_827, %dma_start3A_828] : memref<16x64xf32, #tpu.memory_space<vmem>> -> memref<1x64xf32, #tpu.memory_space<vmem>>
        tpu.enqueue_dma source(%dma_start3A_829 : memref<1x64xf32, #tpu.memory_space<vmem>>) target(%dma_start3A_826 : memref<1x64xf32, #tpu.memory_space<hbm>>) target_semaphore(%arg12 : memref<!tpu.dma_semaphore, #tpu.memory_space<semaphore_mem>>)
        %slice3A_830 = vector.extract_strided_slice %and3A_329 {offsets = [10], sizes = [1], strides = [1]} : vector<16xi32> to vector<1xi32>
        %squeeze3A_831 = vector.extract %slice3A_830[0] : i32 from vector<1xi32>
        %dma_start3A_832 = arith.constant 10 : i32
        %dma_start3A_833 = arith.constant 0 : i32
        %dma_start3A_834 = tpu.memref_slice %arg9[%dma_start3A_832, %dma_start3A_833] : memref<16x64xf32, #tpu.memory_space<vmem>> -> memref<1x64xf32, #tpu.memory_space<vmem>>
        %dma_start3A_835 = arith.constant 0 : i32
        %dma_start3A_836 = tpu.memref_slice %arg5[%squeeze3A_831, %dma_start3A_835] : memref<16384x64xf32, #tpu.memory_space<hbm>> -> memref<1x64xf32, #tpu.memory_space<hbm>>
        %dma_start3A_837 = arith.constant 0 : i32
        %dma_start3A_838 = tpu.memref_slice %arg5[%squeeze3A_831, %dma_start3A_837] : memref<16384x64xf32, #tpu.memory_space<hbm>> -> memref<1x64xf32, #tpu.memory_space<hbm>>
        %dma_start3A_839 = arith.constant 10 : i32
        %dma_start3A_840 = arith.constant 0 : i32
        %dma_start3A_841 = tpu.memref_slice %arg9[%dma_start3A_839, %dma_start3A_840] : memref<16x64xf32, #tpu.memory_space<vmem>> -> memref<1x64xf32, #tpu.memory_space<vmem>>
        tpu.enqueue_dma source(%dma_start3A_841 : memref<1x64xf32, #tpu.memory_space<vmem>>) target(%dma_start3A_838 : memref<1x64xf32, #tpu.memory_space<hbm>>) target_semaphore(%arg12 : memref<!tpu.dma_semaphore, #tpu.memory_space<semaphore_mem>>)
        %slice3A_842 = vector.extract_strided_slice %and3A_329 {offsets = [11], sizes = [1], strides = [1]} : vector<16xi32> to vector<1xi32>
        %squeeze3A_843 = vector.extract %slice3A_842[0] : i32 from vector<1xi32>
        %dma_start3A_844 = arith.constant 11 : i32
        %dma_start3A_845 = arith.constant 0 : i32
        %dma_start3A_846 = tpu.memref_slice %arg9[%dma_start3A_844, %dma_start3A_845] : memref<16x64xf32, #tpu.memory_space<vmem>> -> memref<1x64xf32, #tpu.memory_space<vmem>>
        %dma_start3A_847 = arith.constant 0 : i32
        %dma_start3A_848 = tpu.memref_slice %arg5[%squeeze3A_843, %dma_start3A_847] : memref<16384x64xf32, #tpu.memory_space<hbm>> -> memref<1x64xf32, #tpu.memory_space<hbm>>
        %dma_start3A_849 = arith.constant 0 : i32
        %dma_start3A_850 = tpu.memref_slice %arg5[%squeeze3A_843, %dma_start3A_849] : memref<16384x64xf32, #tpu.memory_space<hbm>> -> memref<1x64xf32, #tpu.memory_space<hbm>>
        %dma_start3A_851 = arith.constant 11 : i32
        %dma_start3A_852 = arith.constant 0 : i32
        %dma_start3A_853 = tpu.memref_slice %arg9[%dma_start3A_851, %dma_start3A_852] : memref<16x64xf32, #tpu.memory_space<vmem>> -> memref<1x64xf32, #tpu.memory_space<vmem>>
        tpu.enqueue_dma source(%dma_start3A_853 : memref<1x64xf32, #tpu.memory_space<vmem>>) target(%dma_start3A_850 : memref<1x64xf32, #tpu.memory_space<hbm>>) target_semaphore(%arg12 : memref<!tpu.dma_semaphore, #tpu.memory_space<semaphore_mem>>)
        %slice3A_854 = vector.extract_strided_slice %and3A_329 {offsets = [12], sizes = [1], strides = [1]} : vector<16xi32> to vector<1xi32>
        %squeeze3A_855 = vector.extract %slice3A_854[0] : i32 from vector<1xi32>
        %dma_start3A_856 = arith.constant 12 : i32
        %dma_start3A_857 = arith.constant 0 : i32
        %dma_start3A_858 = tpu.memref_slice %arg9[%dma_start3A_856, %dma_start3A_857] : memref<16x64xf32, #tpu.memory_space<vmem>> -> memref<1x64xf32, #tpu.memory_space<vmem>>
        %dma_start3A_859 = arith.constant 0 : i32
        %dma_start3A_860 = tpu.memref_slice %arg5[%squeeze3A_855, %dma_start3A_859] : memref<16384x64xf32, #tpu.memory_space<hbm>> -> memref<1x64xf32, #tpu.memory_space<hbm>>
        %dma_start3A_861 = arith.constant 0 : i32
        %dma_start3A_862 = tpu.memref_slice %arg5[%squeeze3A_855, %dma_start3A_861] : memref<16384x64xf32, #tpu.memory_space<hbm>> -> memref<1x64xf32, #tpu.memory_space<hbm>>
        %dma_start3A_863 = arith.constant 12 : i32
        %dma_start3A_864 = arith.constant 0 : i32
        %dma_start3A_865 = tpu.memref_slice %arg9[%dma_start3A_863, %dma_start3A_864] : memref<16x64xf32, #tpu.memory_space<vmem>> -> memref<1x64xf32, #tpu.memory_space<vmem>>
        tpu.enqueue_dma source(%dma_start3A_865 : memref<1x64xf32, #tpu.memory_space<vmem>>) target(%dma_start3A_862 : memref<1x64xf32, #tpu.memory_space<hbm>>) target_semaphore(%arg12 : memref<!tpu.dma_semaphore, #tpu.memory_space<semaphore_mem>>)
        %slice3A_866 = vector.extract_strided_slice %and3A_329 {offsets = [13], sizes = [1], strides = [1]} : vector<16xi32> to vector<1xi32>
        %squeeze3A_867 = vector.extract %slice3A_866[0] : i32 from vector<1xi32>
        %dma_start3A_868 = arith.constant 13 : i32
        %dma_start3A_869 = arith.constant 0 : i32
        %dma_start3A_870 = tpu.memref_slice %arg9[%dma_start3A_868, %dma_start3A_869] : memref<16x64xf32, #tpu.memory_space<vmem>> -> memref<1x64xf32, #tpu.memory_space<vmem>>
        %dma_start3A_871 = arith.constant 0 : i32
        %dma_start3A_872 = tpu.memref_slice %arg5[%squeeze3A_867, %dma_start3A_871] : memref<16384x64xf32, #tpu.memory_space<hbm>> -> memref<1x64xf32, #tpu.memory_space<hbm>>
        %dma_start3A_873 = arith.constant 0 : i32
        %dma_start3A_874 = tpu.memref_slice %arg5[%squeeze3A_867, %dma_start3A_873] : memref<16384x64xf32, #tpu.memory_space<hbm>> -> memref<1x64xf32, #tpu.memory_space<hbm>>
        %dma_start3A_875 = arith.constant 13 : i32
        %dma_start3A_876 = arith.constant 0 : i32
        %dma_start3A_877 = tpu.memref_slice %arg9[%dma_start3A_875, %dma_start3A_876] : memref<16x64xf32, #tpu.memory_space<vmem>> -> memref<1x64xf32, #tpu.memory_space<vmem>>
        tpu.enqueue_dma source(%dma_start3A_877 : memref<1x64xf32, #tpu.memory_space<vmem>>) target(%dma_start3A_874 : memref<1x64xf32, #tpu.memory_space<hbm>>) target_semaphore(%arg12 : memref<!tpu.dma_semaphore, #tpu.memory_space<semaphore_mem>>)
        %slice3A_878 = vector.extract_strided_slice %and3A_329 {offsets = [14], sizes = [1], strides = [1]} : vector<16xi32> to vector<1xi32>
        %squeeze3A_879 = vector.extract %slice3A_878[0] : i32 from vector<1xi32>
        %dma_start3A_880 = arith.constant 14 : i32
        %dma_start3A_881 = arith.constant 0 : i32
        %dma_start3A_882 = tpu.memref_slice %arg9[%dma_start3A_880, %dma_start3A_881] : memref<16x64xf32, #tpu.memory_space<vmem>> -> memref<1x64xf32, #tpu.memory_space<vmem>>
        %dma_start3A_883 = arith.constant 0 : i32
        %dma_start3A_884 = tpu.memref_slice %arg5[%squeeze3A_879, %dma_start3A_883] : memref<16384x64xf32, #tpu.memory_space<hbm>> -> memref<1x64xf32, #tpu.memory_space<hbm>>
        %dma_start3A_885 = arith.constant 0 : i32
        %dma_start3A_886 = tpu.memref_slice %arg5[%squeeze3A_879, %dma_start3A_885] : memref<16384x64xf32, #tpu.memory_space<hbm>> -> memref<1x64xf32, #tpu.memory_space<hbm>>
        %dma_start3A_887 = arith.constant 14 : i32
        %dma_start3A_888 = arith.constant 0 : i32
        %dma_start3A_889 = tpu.memref_slice %arg9[%dma_start3A_887, %dma_start3A_888] : memref<16x64xf32, #tpu.memory_space<vmem>> -> memref<1x64xf32, #tpu.memory_space<vmem>>
        tpu.enqueue_dma source(%dma_start3A_889 : memref<1x64xf32, #tpu.memory_space<vmem>>) target(%dma_start3A_886 : memref<1x64xf32, #tpu.memory_space<hbm>>) target_semaphore(%arg12 : memref<!tpu.dma_semaphore, #tpu.memory_space<semaphore_mem>>)
        %slice3A_890 = vector.extract_strided_slice %and3A_329 {offsets = [15], sizes = [1], strides = [1]} : vector<16xi32> to vector<1xi32>
        %squeeze3A_891 = vector.extract %slice3A_890[0] : i32 from vector<1xi32>
        %dma_start3A_892 = arith.constant 15 : i32
        %dma_start3A_893 = arith.constant 0 : i32
        %dma_start3A_894 = tpu.memref_slice %arg9[%dma_start3A_892, %dma_start3A_893] : memref<16x64xf32, #tpu.memory_space<vmem>> -> memref<1x64xf32, #tpu.memory_space<vmem>>
        %dma_start3A_895 = arith.constant 0 : i32
        %dma_start3A_896 = tpu.memref_slice %arg5[%squeeze3A_891, %dma_start3A_895] : memref<16384x64xf32, #tpu.memory_space<hbm>> -> memref<1x64xf32, #tpu.memory_space<hbm>>
        %dma_start3A_897 = arith.constant 0 : i32
        %dma_start3A_898 = tpu.memref_slice %arg5[%squeeze3A_891, %dma_start3A_897] : memref<16384x64xf32, #tpu.memory_space<hbm>> -> memref<1x64xf32, #tpu.memory_space<hbm>>
        %dma_start3A_899 = arith.constant 15 : i32
        %dma_start3A_900 = arith.constant 0 : i32
        %dma_start3A_901 = tpu.memref_slice %arg9[%dma_start3A_899, %dma_start3A_900] : memref<16x64xf32, #tpu.memory_space<vmem>> -> memref<1x64xf32, #tpu.memory_space<vmem>>
        tpu.enqueue_dma source(%dma_start3A_901 : memref<1x64xf32, #tpu.memory_space<vmem>>) target(%dma_start3A_898 : memref<1x64xf32, #tpu.memory_space<hbm>>) target_semaphore(%arg12 : memref<!tpu.dma_semaphore, #tpu.memory_space<semaphore_mem>>)
        %dma_wait3A_902 = arith.constant 0 : i32
        %dma_wait3A_903 = arith.constant 0 : i32
        %dma_wait3A_904 = tpu.memref_slice %arg9[%dma_wait3A_902, %dma_wait3A_903] : memref<16x64xf32, #tpu.memory_space<vmem>> -> memref<1x64xf32, #tpu.memory_space<vmem>>
        %dma_wait3A_905 = arith.constant 0 : i32
        %dma_wait3A_906 = arith.constant 0 : i32
        %dma_wait3A_907 = tpu.memref_slice %arg5[%dma_wait3A_905, %dma_wait3A_906] : memref<16384x64xf32, #tpu.memory_space<hbm>> -> memref<1x64xf32, #tpu.memory_space<hbm>>
        %dma_wait3A_908 = arith.constant 0 : i32
        %dma_wait3A_909 = arith.constant 0 : i32
        %dma_wait3A_910 = tpu.memref_slice %arg5[%dma_wait3A_908, %dma_wait3A_909] : memref<16384x64xf32, #tpu.memory_space<hbm>> -> memref<1x64xf32, #tpu.memory_space<hbm>>
        %dma_wait3A_911 = arith.constant 0 : i32
        %dma_wait3A_912 = arith.constant 0 : i32
        %dma_wait3A_913 = tpu.memref_slice %arg9[%dma_wait3A_911, %dma_wait3A_912] : memref<16x64xf32, #tpu.memory_space<vmem>> -> memref<1x64xf32, #tpu.memory_space<vmem>>
        tpu.wait_dma2 semaphore(%arg12 : memref<!tpu.dma_semaphore, #tpu.memory_space<semaphore_mem>>) src(%dma_wait3A_913 : memref<1x64xf32, #tpu.memory_space<vmem>>) dst(%dma_wait3A_910 : memref<1x64xf32, #tpu.memory_space<hbm>>)
        %dma_wait3A_914 = arith.constant 0 : i32
        %dma_wait3A_915 = arith.constant 0 : i32
        %dma_wait3A_916 = tpu.memref_slice %arg9[%dma_wait3A_914, %dma_wait3A_915] : memref<16x64xf32, #tpu.memory_space<vmem>> -> memref<1x64xf32, #tpu.memory_space<vmem>>
        %dma_wait3A_917 = arith.constant 0 : i32
        %dma_wait3A_918 = arith.constant 0 : i32
        %dma_wait3A_919 = tpu.memref_slice %arg5[%dma_wait3A_917, %dma_wait3A_918] : memref<16384x64xf32, #tpu.memory_space<hbm>> -> memref<1x64xf32, #tpu.memory_space<hbm>>
        %dma_wait3A_920 = arith.constant 0 : i32
        %dma_wait3A_921 = arith.constant 0 : i32
        %dma_wait3A_922 = tpu.memref_slice %arg5[%dma_wait3A_920, %dma_wait3A_921] : memref<16384x64xf32, #tpu.memory_space<hbm>> -> memref<1x64xf32, #tpu.memory_space<hbm>>
        %dma_wait3A_923 = arith.constant 0 : i32
        %dma_wait3A_924 = arith.constant 0 : i32
        %dma_wait3A_925 = tpu.memref_slice %arg9[%dma_wait3A_923, %dma_wait3A_924] : memref<16x64xf32, #tpu.memory_space<vmem>> -> memref<1x64xf32, #tpu.memory_space<vmem>>
        tpu.wait_dma2 semaphore(%arg12 : memref<!tpu.dma_semaphore, #tpu.memory_space<semaphore_mem>>) src(%dma_wait3A_925 : memref<1x64xf32, #tpu.memory_space<vmem>>) dst(%dma_wait3A_922 : memref<1x64xf32, #tpu.memory_space<hbm>>)
        %dma_wait3A_926 = arith.constant 0 : i32
        %dma_wait3A_927 = arith.constant 0 : i32
        %dma_wait3A_928 = tpu.memref_slice %arg9[%dma_wait3A_926, %dma_wait3A_927] : memref<16x64xf32, #tpu.memory_space<vmem>> -> memref<1x64xf32, #tpu.memory_space<vmem>>
        %dma_wait3A_929 = arith.constant 0 : i32
        %dma_wait3A_930 = arith.constant 0 : i32
        %dma_wait3A_931 = tpu.memref_slice %arg5[%dma_wait3A_929, %dma_wait3A_930] : memref<16384x64xf32, #tpu.memory_space<hbm>> -> memref<1x64xf32, #tpu.memory_space<hbm>>
        %dma_wait3A_932 = arith.constant 0 : i32
        %dma_wait3A_933 = arith.constant 0 : i32
        %dma_wait3A_934 = tpu.memref_slice %arg5[%dma_wait3A_932, %dma_wait3A_933] : memref<16384x64xf32, #tpu.memory_space<hbm>> -> memref<1x64xf32, #tpu.memory_space<hbm>>
        %dma_wait3A_935 = arith.constant 0 : i32
        %dma_wait3A_936 = arith.constant 0 : i32
        %dma_wait3A_937 = tpu.memref_slice %arg9[%dma_wait3A_935, %dma_wait3A_936] : memref<16x64xf32, #tpu.memory_space<vmem>> -> memref<1x64xf32, #tpu.memory_space<vmem>>
        tpu.wait_dma2 semaphore(%arg12 : memref<!tpu.dma_semaphore, #tpu.memory_space<semaphore_mem>>) src(%dma_wait3A_937 : memref<1x64xf32, #tpu.memory_space<vmem>>) dst(%dma_wait3A_934 : memref<1x64xf32, #tpu.memory_space<hbm>>)
        %dma_wait3A_938 = arith.constant 0 : i32
        %dma_wait3A_939 = arith.constant 0 : i32
        %dma_wait3A_940 = tpu.memref_slice %arg9[%dma_wait3A_938, %dma_wait3A_939] : memref<16x64xf32, #tpu.memory_space<vmem>> -> memref<1x64xf32, #tpu.memory_space<vmem>>
        %dma_wait3A_941 = arith.constant 0 : i32
        %dma_wait3A_942 = arith.constant 0 : i32
        %dma_wait3A_943 = tpu.memref_slice %arg5[%dma_wait3A_941, %dma_wait3A_942] : memref<16384x64xf32, #tpu.memory_space<hbm>> -> memref<1x64xf32, #tpu.memory_space<hbm>>
        %dma_wait3A_944 = arith.constant 0 : i32
        %dma_wait3A_945 = arith.constant 0 : i32
        %dma_wait3A_946 = tpu.memref_slice %arg5[%dma_wait3A_944, %dma_wait3A_945] : memref<16384x64xf32, #tpu.memory_space<hbm>> -> memref<1x64xf32, #tpu.memory_space<hbm>>
        %dma_wait3A_947 = arith.constant 0 : i32
        %dma_wait3A_948 = arith.constant 0 : i32
        %dma_wait3A_949 = tpu.memref_slice %arg9[%dma_wait3A_947, %dma_wait3A_948] : memref<16x64xf32, #tpu.memory_space<vmem>> -> memref<1x64xf32, #tpu.memory_space<vmem>>
        tpu.wait_dma2 semaphore(%arg12 : memref<!tpu.dma_semaphore, #tpu.memory_space<semaphore_mem>>) src(%dma_wait3A_949 : memref<1x64xf32, #tpu.memory_space<vmem>>) dst(%dma_wait3A_946 : memref<1x64xf32, #tpu.memory_space<hbm>>)
        %dma_wait3A_950 = arith.constant 0 : i32
        %dma_wait3A_951 = arith.constant 0 : i32
        %dma_wait3A_952 = tpu.memref_slice %arg9[%dma_wait3A_950, %dma_wait3A_951] : memref<16x64xf32, #tpu.memory_space<vmem>> -> memref<1x64xf32, #tpu.memory_space<vmem>>
        %dma_wait3A_953 = arith.constant 0 : i32
        %dma_wait3A_954 = arith.constant 0 : i32
        %dma_wait3A_955 = tpu.memref_slice %arg5[%dma_wait3A_953, %dma_wait3A_954] : memref<16384x64xf32, #tpu.memory_space<hbm>> -> memref<1x64xf32, #tpu.memory_space<hbm>>
        %dma_wait3A_956 = arith.constant 0 : i32
        %dma_wait3A_957 = arith.constant 0 : i32
        %dma_wait3A_958 = tpu.memref_slice %arg5[%dma_wait3A_956, %dma_wait3A_957] : memref<16384x64xf32, #tpu.memory_space<hbm>> -> memref<1x64xf32, #tpu.memory_space<hbm>>
        %dma_wait3A_959 = arith.constant 0 : i32
        %dma_wait3A_960 = arith.constant 0 : i32
        %dma_wait3A_961 = tpu.memref_slice %arg9[%dma_wait3A_959, %dma_wait3A_960] : memref<16x64xf32, #tpu.memory_space<vmem>> -> memref<1x64xf32, #tpu.memory_space<vmem>>
        tpu.wait_dma2 semaphore(%arg12 : memref<!tpu.dma_semaphore, #tpu.memory_space<semaphore_mem>>) src(%dma_wait3A_961 : memref<1x64xf32, #tpu.memory_space<vmem>>) dst(%dma_wait3A_958 : memref<1x64xf32, #tpu.memory_space<hbm>>)
        %dma_wait3A_962 = arith.constant 0 : i32
        %dma_wait3A_963 = arith.constant 0 : i32
        %dma_wait3A_964 = tpu.memref_slice %arg9[%dma_wait3A_962, %dma_wait3A_963] : memref<16x64xf32, #tpu.memory_space<vmem>> -> memref<1x64xf32, #tpu.memory_space<vmem>>
        %dma_wait3A_965 = arith.constant 0 : i32
        %dma_wait3A_966 = arith.constant 0 : i32
        %dma_wait3A_967 = tpu.memref_slice %arg5[%dma_wait3A_965, %dma_wait3A_966] : memref<16384x64xf32, #tpu.memory_space<hbm>> -> memref<1x64xf32, #tpu.memory_space<hbm>>
        %dma_wait3A_968 = arith.constant 0 : i32
        %dma_wait3A_969 = arith.constant 0 : i32
        %dma_wait3A_970 = tpu.memref_slice %arg5[%dma_wait3A_968, %dma_wait3A_969] : memref<16384x64xf32, #tpu.memory_space<hbm>> -> memref<1x64xf32, #tpu.memory_space<hbm>>
        %dma_wait3A_971 = arith.constant 0 : i32
        %dma_wait3A_972 = arith.constant 0 : i32
        %dma_wait3A_973 = tpu.memref_slice %arg9[%dma_wait3A_971, %dma_wait3A_972] : memref<16x64xf32, #tpu.memory_space<vmem>> -> memref<1x64xf32, #tpu.memory_space<vmem>>
        tpu.wait_dma2 semaphore(%arg12 : memref<!tpu.dma_semaphore, #tpu.memory_space<semaphore_mem>>) src(%dma_wait3A_973 : memref<1x64xf32, #tpu.memory_space<vmem>>) dst(%dma_wait3A_970 : memref<1x64xf32, #tpu.memory_space<hbm>>)
        %dma_wait3A_974 = arith.constant 0 : i32
        %dma_wait3A_975 = arith.constant 0 : i32
        %dma_wait3A_976 = tpu.memref_slice %arg9[%dma_wait3A_974, %dma_wait3A_975] : memref<16x64xf32, #tpu.memory_space<vmem>> -> memref<1x64xf32, #tpu.memory_space<vmem>>
        %dma_wait3A_977 = arith.constant 0 : i32
        %dma_wait3A_978 = arith.constant 0 : i32
        %dma_wait3A_979 = tpu.memref_slice %arg5[%dma_wait3A_977, %dma_wait3A_978] : memref<16384x64xf32, #tpu.memory_space<hbm>> -> memref<1x64xf32, #tpu.memory_space<hbm>>
        %dma_wait3A_980 = arith.constant 0 : i32
        %dma_wait3A_981 = arith.constant 0 : i32
        %dma_wait3A_982 = tpu.memref_slice %arg5[%dma_wait3A_980, %dma_wait3A_981] : memref<16384x64xf32, #tpu.memory_space<hbm>> -> memref<1x64xf32, #tpu.memory_space<hbm>>
        %dma_wait3A_983 = arith.constant 0 : i32
        %dma_wait3A_984 = arith.constant 0 : i32
        %dma_wait3A_985 = tpu.memref_slice %arg9[%dma_wait3A_983, %dma_wait3A_984] : memref<16x64xf32, #tpu.memory_space<vmem>> -> memref<1x64xf32, #tpu.memory_space<vmem>>
        tpu.wait_dma2 semaphore(%arg12 : memref<!tpu.dma_semaphore, #tpu.memory_space<semaphore_mem>>) src(%dma_wait3A_985 : memref<1x64xf32, #tpu.memory_space<vmem>>) dst(%dma_wait3A_982 : memref<1x64xf32, #tpu.memory_space<hbm>>)
        %dma_wait3A_986 = arith.constant 0 : i32
        %dma_wait3A_987 = arith.constant 0 : i32
        %dma_wait3A_988 = tpu.memref_slice %arg9[%dma_wait3A_986, %dma_wait3A_987] : memref<16x64xf32, #tpu.memory_space<vmem>> -> memref<1x64xf32, #tpu.memory_space<vmem>>
        %dma_wait3A_989 = arith.constant 0 : i32
        %dma_wait3A_990 = arith.constant 0 : i32
        %dma_wait3A_991 = tpu.memref_slice %arg5[%dma_wait3A_989, %dma_wait3A_990] : memref<16384x64xf32, #tpu.memory_space<hbm>> -> memref<1x64xf32, #tpu.memory_space<hbm>>
        %dma_wait3A_992 = arith.constant 0 : i32
        %dma_wait3A_993 = arith.constant 0 : i32
        %dma_wait3A_994 = tpu.memref_slice %arg5[%dma_wait3A_992, %dma_wait3A_993] : memref<16384x64xf32, #tpu.memory_space<hbm>> -> memref<1x64xf32, #tpu.memory_space<hbm>>
        %dma_wait3A_995 = arith.constant 0 : i32
        %dma_wait3A_996 = arith.constant 0 : i32
        %dma_wait3A_997 = tpu.memref_slice %arg9[%dma_wait3A_995, %dma_wait3A_996] : memref<16x64xf32, #tpu.memory_space<vmem>> -> memref<1x64xf32, #tpu.memory_space<vmem>>
        tpu.wait_dma2 semaphore(%arg12 : memref<!tpu.dma_semaphore, #tpu.memory_space<semaphore_mem>>) src(%dma_wait3A_997 : memref<1x64xf32, #tpu.memory_space<vmem>>) dst(%dma_wait3A_994 : memref<1x64xf32, #tpu.memory_space<hbm>>)
        %dma_wait3A_998 = arith.constant 0 : i32
        %dma_wait3A_999 = arith.constant 0 : i32
        %dma_wait3A_1000 = tpu.memref_slice %arg9[%dma_wait3A_998, %dma_wait3A_999] : memref<16x64xf32, #tpu.memory_space<vmem>> -> memref<1x64xf32, #tpu.memory_space<vmem>>
        %dma_wait3A_1001 = arith.constant 0 : i32
        %dma_wait3A_1002 = arith.constant 0 : i32
        %dma_wait3A_1003 = tpu.memref_slice %arg5[%dma_wait3A_1001, %dma_wait3A_1002] : memref<16384x64xf32, #tpu.memory_space<hbm>> -> memref<1x64xf32, #tpu.memory_space<hbm>>
        %dma_wait3A_1004 = arith.constant 0 : i32
        %dma_wait3A_1005 = arith.constant 0 : i32
        %dma_wait3A_1006 = tpu.memref_slice %arg5[%dma_wait3A_1004, %dma_wait3A_1005] : memref<16384x64xf32, #tpu.memory_space<hbm>> -> memref<1x64xf32, #tpu.memory_space<hbm>>
        %dma_wait3A_1007 = arith.constant 0 : i32
        %dma_wait3A_1008 = arith.constant 0 : i32
        %dma_wait3A_1009 = tpu.memref_slice %arg9[%dma_wait3A_1007, %dma_wait3A_1008] : memref<16x64xf32, #tpu.memory_space<vmem>> -> memref<1x64xf32, #tpu.memory_space<vmem>>
        tpu.wait_dma2 semaphore(%arg12 : memref<!tpu.dma_semaphore, #tpu.memory_space<semaphore_mem>>) src(%dma_wait3A_1009 : memref<1x64xf32, #tpu.memory_space<vmem>>) dst(%dma_wait3A_1006 : memref<1x64xf32, #tpu.memory_space<hbm>>)
        %dma_wait3A_1010 = arith.constant 0 : i32
        %dma_wait3A_1011 = arith.constant 0 : i32
        %dma_wait3A_1012 = tpu.memref_slice %arg9[%dma_wait3A_1010, %dma_wait3A_1011] : memref<16x64xf32, #tpu.memory_space<vmem>> -> memref<1x64xf32, #tpu.memory_space<vmem>>
        %dma_wait3A_1013 = arith.constant 0 : i32
        %dma_wait3A_1014 = arith.constant 0 : i32
        %dma_wait3A_1015 = tpu.memref_slice %arg5[%dma_wait3A_1013, %dma_wait3A_1014] : memref<16384x64xf32, #tpu.memory_space<hbm>> -> memref<1x64xf32, #tpu.memory_space<hbm>>
        %dma_wait3A_1016 = arith.constant 0 : i32
        %dma_wait3A_1017 = arith.constant 0 : i32
        %dma_wait3A_1018 = tpu.memref_slice %arg5[%dma_wait3A_1016, %dma_wait3A_1017] : memref<16384x64xf32, #tpu.memory_space<hbm>> -> memref<1x64xf32, #tpu.memory_space<hbm>>
        %dma_wait3A_1019 = arith.constant 0 : i32
        %dma_wait3A_1020 = arith.constant 0 : i32
        %dma_wait3A_1021 = tpu.memref_slice %arg9[%dma_wait3A_1019, %dma_wait3A_1020] : memref<16x64xf32, #tpu.memory_space<vmem>> -> memref<1x64xf32, #tpu.memory_space<vmem>>
        tpu.wait_dma2 semaphore(%arg12 : memref<!tpu.dma_semaphore, #tpu.memory_space<semaphore_mem>>) src(%dma_wait3A_1021 : memref<1x64xf32, #tpu.memory_space<vmem>>) dst(%dma_wait3A_1018 : memref<1x64xf32, #tpu.memory_space<hbm>>)
        %dma_wait3A_1022 = arith.constant 0 : i32
        %dma_wait3A_1023 = arith.constant 0 : i32
        %dma_wait3A_1024 = tpu.memref_slice %arg9[%dma_wait3A_1022, %dma_wait3A_1023] : memref<16x64xf32, #tpu.memory_space<vmem>> -> memref<1x64xf32, #tpu.memory_space<vmem>>
        %dma_wait3A_1025 = arith.constant 0 : i32
        %dma_wait3A_1026 = arith.constant 0 : i32
        %dma_wait3A_1027 = tpu.memref_slice %arg5[%dma_wait3A_1025, %dma_wait3A_1026] : memref<16384x64xf32, #tpu.memory_space<hbm>> -> memref<1x64xf32, #tpu.memory_space<hbm>>
        %dma_wait3A_1028 = arith.constant 0 : i32
        %dma_wait3A_1029 = arith.constant 0 : i32
        %dma_wait3A_1030 = tpu.memref_slice %arg5[%dma_wait3A_1028, %dma_wait3A_1029] : memref<16384x64xf32, #tpu.memory_space<hbm>> -> memref<1x64xf32, #tpu.memory_space<hbm>>
        %dma_wait3A_1031 = arith.constant 0 : i32
        %dma_wait3A_1032 = arith.constant 0 : i32
        %dma_wait3A_1033 = tpu.memref_slice %arg9[%dma_wait3A_1031, %dma_wait3A_1032] : memref<16x64xf32, #tpu.memory_space<vmem>> -> memref<1x64xf32, #tpu.memory_space<vmem>>
        tpu.wait_dma2 semaphore(%arg12 : memref<!tpu.dma_semaphore, #tpu.memory_space<semaphore_mem>>) src(%dma_wait3A_1033 : memref<1x64xf32, #tpu.memory_space<vmem>>) dst(%dma_wait3A_1030 : memref<1x64xf32, #tpu.memory_space<hbm>>)
        %dma_wait3A_1034 = arith.constant 0 : i32
        %dma_wait3A_1035 = arith.constant 0 : i32
        %dma_wait3A_1036 = tpu.memref_slice %arg9[%dma_wait3A_1034, %dma_wait3A_1035] : memref<16x64xf32, #tpu.memory_space<vmem>> -> memref<1x64xf32, #tpu.memory_space<vmem>>
        %dma_wait3A_1037 = arith.constant 0 : i32
        %dma_wait3A_1038 = arith.constant 0 : i32
        %dma_wait3A_1039 = tpu.memref_slice %arg5[%dma_wait3A_1037, %dma_wait3A_1038] : memref<16384x64xf32, #tpu.memory_space<hbm>> -> memref<1x64xf32, #tpu.memory_space<hbm>>
        %dma_wait3A_1040 = arith.constant 0 : i32
        %dma_wait3A_1041 = arith.constant 0 : i32
        %dma_wait3A_1042 = tpu.memref_slice %arg5[%dma_wait3A_1040, %dma_wait3A_1041] : memref<16384x64xf32, #tpu.memory_space<hbm>> -> memref<1x64xf32, #tpu.memory_space<hbm>>
        %dma_wait3A_1043 = arith.constant 0 : i32
        %dma_wait3A_1044 = arith.constant 0 : i32
        %dma_wait3A_1045 = tpu.memref_slice %arg9[%dma_wait3A_1043, %dma_wait3A_1044] : memref<16x64xf32, #tpu.memory_space<vmem>> -> memref<1x64xf32, #tpu.memory_space<vmem>>
        tpu.wait_dma2 semaphore(%arg12 : memref<!tpu.dma_semaphore, #tpu.memory_space<semaphore_mem>>) src(%dma_wait3A_1045 : memref<1x64xf32, #tpu.memory_space<vmem>>) dst(%dma_wait3A_1042 : memref<1x64xf32, #tpu.memory_space<hbm>>)
        %dma_wait3A_1046 = arith.constant 0 : i32
        %dma_wait3A_1047 = arith.constant 0 : i32
        %dma_wait3A_1048 = tpu.memref_slice %arg9[%dma_wait3A_1046, %dma_wait3A_1047] : memref<16x64xf32, #tpu.memory_space<vmem>> -> memref<1x64xf32, #tpu.memory_space<vmem>>
        %dma_wait3A_1049 = arith.constant 0 : i32
        %dma_wait3A_1050 = arith.constant 0 : i32
        %dma_wait3A_1051 = tpu.memref_slice %arg5[%dma_wait3A_1049, %dma_wait3A_1050] : memref<16384x64xf32, #tpu.memory_space<hbm>> -> memref<1x64xf32, #tpu.memory_space<hbm>>
        %dma_wait3A_1052 = arith.constant 0 : i32
        %dma_wait3A_1053 = arith.constant 0 : i32
        %dma_wait3A_1054 = tpu.memref_slice %arg5[%dma_wait3A_1052, %dma_wait3A_1053] : memref<16384x64xf32, #tpu.memory_space<hbm>> -> memref<1x64xf32, #tpu.memory_space<hbm>>
        %dma_wait3A_1055 = arith.constant 0 : i32
        %dma_wait3A_1056 = arith.constant 0 : i32
        %dma_wait3A_1057 = tpu.memref_slice %arg9[%dma_wait3A_1055, %dma_wait3A_1056] : memref<16x64xf32, #tpu.memory_space<vmem>> -> memref<1x64xf32, #tpu.memory_space<vmem>>
        tpu.wait_dma2 semaphore(%arg12 : memref<!tpu.dma_semaphore, #tpu.memory_space<semaphore_mem>>) src(%dma_wait3A_1057 : memref<1x64xf32, #tpu.memory_space<vmem>>) dst(%dma_wait3A_1054 : memref<1x64xf32, #tpu.memory_space<hbm>>)
        %dma_wait3A_1058 = arith.constant 0 : i32
        %dma_wait3A_1059 = arith.constant 0 : i32
        %dma_wait3A_1060 = tpu.memref_slice %arg9[%dma_wait3A_1058, %dma_wait3A_1059] : memref<16x64xf32, #tpu.memory_space<vmem>> -> memref<1x64xf32, #tpu.memory_space<vmem>>
        %dma_wait3A_1061 = arith.constant 0 : i32
        %dma_wait3A_1062 = arith.constant 0 : i32
        %dma_wait3A_1063 = tpu.memref_slice %arg5[%dma_wait3A_1061, %dma_wait3A_1062] : memref<16384x64xf32, #tpu.memory_space<hbm>> -> memref<1x64xf32, #tpu.memory_space<hbm>>
        %dma_wait3A_1064 = arith.constant 0 : i32
        %dma_wait3A_1065 = arith.constant 0 : i32
        %dma_wait3A_1066 = tpu.memref_slice %arg5[%dma_wait3A_1064, %dma_wait3A_1065] : memref<16384x64xf32, #tpu.memory_space<hbm>> -> memref<1x64xf32, #tpu.memory_space<hbm>>
        %dma_wait3A_1067 = arith.constant 0 : i32
        %dma_wait3A_1068 = arith.constant 0 : i32
        %dma_wait3A_1069 = tpu.memref_slice %arg9[%dma_wait3A_1067, %dma_wait3A_1068] : memref<16x64xf32, #tpu.memory_space<vmem>> -> memref<1x64xf32, #tpu.memory_space<vmem>>
        tpu.wait_dma2 semaphore(%arg12 : memref<!tpu.dma_semaphore, #tpu.memory_space<semaphore_mem>>) src(%dma_wait3A_1069 : memref<1x64xf32, #tpu.memory_space<vmem>>) dst(%dma_wait3A_1066 : memref<1x64xf32, #tpu.memory_space<hbm>>)
        %dma_wait3A_1070 = arith.constant 0 : i32
        %dma_wait3A_1071 = arith.constant 0 : i32
        %dma_wait3A_1072 = tpu.memref_slice %arg9[%dma_wait3A_1070, %dma_wait3A_1071] : memref<16x64xf32, #tpu.memory_space<vmem>> -> memref<1x64xf32, #tpu.memory_space<vmem>>
        %dma_wait3A_1073 = arith.constant 0 : i32
        %dma_wait3A_1074 = arith.constant 0 : i32
        %dma_wait3A_1075 = tpu.memref_slice %arg5[%dma_wait3A_1073, %dma_wait3A_1074] : memref<16384x64xf32, #tpu.memory_space<hbm>> -> memref<1x64xf32, #tpu.memory_space<hbm>>
        %dma_wait3A_1076 = arith.constant 0 : i32
        %dma_wait3A_1077 = arith.constant 0 : i32
        %dma_wait3A_1078 = tpu.memref_slice %arg5[%dma_wait3A_1076, %dma_wait3A_1077] : memref<16384x64xf32, #tpu.memory_space<hbm>> -> memref<1x64xf32, #tpu.memory_space<hbm>>
        %dma_wait3A_1079 = arith.constant 0 : i32
        %dma_wait3A_1080 = arith.constant 0 : i32
        %dma_wait3A_1081 = tpu.memref_slice %arg9[%dma_wait3A_1079, %dma_wait3A_1080] : memref<16x64xf32, #tpu.memory_space<vmem>> -> memref<1x64xf32, #tpu.memory_space<vmem>>
        tpu.wait_dma2 semaphore(%arg12 : memref<!tpu.dma_semaphore, #tpu.memory_space<semaphore_mem>>) src(%dma_wait3A_1081 : memref<1x64xf32, #tpu.memory_space<vmem>>) dst(%dma_wait3A_1078 : memref<1x64xf32, #tpu.memory_space<hbm>>)
        %dma_wait3A_1082 = arith.constant 0 : i32
        %dma_wait3A_1083 = arith.constant 0 : i32
        %dma_wait3A_1084 = tpu.memref_slice %arg9[%dma_wait3A_1082, %dma_wait3A_1083] : memref<16x64xf32, #tpu.memory_space<vmem>> -> memref<1x64xf32, #tpu.memory_space<vmem>>
        %dma_wait3A_1085 = arith.constant 0 : i32
        %dma_wait3A_1086 = arith.constant 0 : i32
        %dma_wait3A_1087 = tpu.memref_slice %arg5[%dma_wait3A_1085, %dma_wait3A_1086] : memref<16384x64xf32, #tpu.memory_space<hbm>> -> memref<1x64xf32, #tpu.memory_space<hbm>>
        %dma_wait3A_1088 = arith.constant 0 : i32
        %dma_wait3A_1089 = arith.constant 0 : i32
        %dma_wait3A_1090 = tpu.memref_slice %arg5[%dma_wait3A_1088, %dma_wait3A_1089] : memref<16384x64xf32, #tpu.memory_space<hbm>> -> memref<1x64xf32, #tpu.memory_space<hbm>>
        %dma_wait3A_1091 = arith.constant 0 : i32
        %dma_wait3A_1092 = arith.constant 0 : i32
        %dma_wait3A_1093 = tpu.memref_slice %arg9[%dma_wait3A_1091, %dma_wait3A_1092] : memref<16x64xf32, #tpu.memory_space<vmem>> -> memref<1x64xf32, #tpu.memory_space<vmem>>
        tpu.wait_dma2 semaphore(%arg12 : memref<!tpu.dma_semaphore, #tpu.memory_space<semaphore_mem>>) src(%dma_wait3A_1093 : memref<1x64xf32, #tpu.memory_space<vmem>>) dst(%dma_wait3A_1090 : memref<1x64xf32, #tpu.memory_space<hbm>>)
        %while3A_1094 = arith.constant 0 : i32
        scf.yield %while3A_1094 : i32
      }
      %while3A_316 = arith.constant 1 : i32
      %while3A_317 = scf.for %while3A_318 = %while3A_313 to %while3A_309 step %while3A_316 iter_args(%while3A_319 = %while3A_315) -> (i32)  : i32 {
        %mul3A_320 = arith.constant 16 : i32
        %mul3A_321 = arith.muli %while3A_318, %mul3A_320 : i32
        %get3A = arith.index_cast %mul3A_321 : i32 to index
        %get3A_322 = tpu.vector_load %arg6[%get3A] {strides = array<i32>} : memref<16400xi32, #tpu.memory_space<vmem>>, vector<16xi32>,
        %shift_right_arithmetic3A_323 = arith.constant 14 : i32
        %shift_right_arithmetic3A_324 = vector.broadcast %shift_right_arithmetic3A_323 : i32 to vector<16xi32>
        %shift_right_arithmetic3A_325 = arith.shrsi %get3A_322, %shift_right_arithmetic3A_324 : vector<16xi32>
        %sub3A_326 = vector.broadcast %sub3A_305 : i32 to vector<16xi32>
        %sub3A_327 = arith.subi %shift_right_arithmetic3A_325, %sub3A_326 : vector<16xi32>
        %and3A = arith.constant 16383 : i32
        %and3A_328 = vector.broadcast %and3A : i32 to vector<16xi32>
        %and3A_329 = arith.andi %get3A_322, %and3A_328 : vector<16xi32>
        %slice3A = vector.extract_strided_slice %sub3A_327 {offsets = [0], sizes = [1], strides = [1]} : vector<16xi32> to vector<1xi32>
        %squeeze3A = vector.extract %slice3A[0] : i32 from vector<1xi32>
        %broadcast_in_dim3A = arith.constant 0 : i32
        %broadcast_in_dim3A_330 = vector.broadcast %broadcast_in_dim3A : i32 to vector<16xi32>
        %broadcast_in_dim3A_331 = vector.broadcast %squeeze3A : i32 to vector<16xi32>
        %gather3A = tpu.vector_load_idx %arg8[%add3A_17, %broadcast_in_dim3A_331] : memref<64x128xf32, #tpu.memory_space<vmem>>[vector<16xi32>, vector<16xi32>], vector<16xf32>,
        %add3A_332 = arith.constant 0 : i32
        %add3A_333 = vector.broadcast %add3A_332 : i32 to vector<16xi32>
        %add3A_334 = arith.addi %add3A_333, %iota3A : vector<16xi32>
        tpu.vector_store_idx %arg9[%broadcast_in_dim3A_330, %add3A_334], %gather3A : memref<16x64xf32, #tpu.memory_space<vmem>>[vector<16xi32>, vector<16xi32>], vector<16xf32>,
        %broadcast_in_dim3A_335 = vector.broadcast %squeeze3A : i32 to vector<16xi32>
        %gather3A_336 = tpu.vector_load_idx %arg8[%add3A_20, %broadcast_in_dim3A_335] : memref<64x128xf32, #tpu.memory_space<vmem>>[vector<16xi32>, vector<16xi32>], vector<16xf32>,
        %add3A_337 = arith.constant 16 : i32
        %add3A_338 = vector.broadcast %add3A_337 : i32 to vector<16xi32>
        %add3A_339 = arith.addi %add3A_338, %iota3A : vector<16xi32>
        tpu.vector_store_idx %arg9[%broadcast_in_dim3A_330, %add3A_339], %gather3A_336 : memref<16x64xf32, #tpu.memory_space<vmem>>[vector<16xi32>, vector<16xi32>], vector<16xf32>,
        %broadcast_in_dim3A_340 = vector.broadcast %squeeze3A : i32 to vector<16xi32>
        %gather3A_341 = tpu.vector_load_idx %arg8[%add3A_23, %broadcast_in_dim3A_340] : memref<64x128xf32, #tpu.memory_space<vmem>>[vector<16xi32>, vector<16xi32>], vector<16xf32>,
        %add3A_342 = arith.constant 32 : i32
        %add3A_343 = vector.broadcast %add3A_342 : i32 to vector<16xi32>
        %add3A_344 = arith.addi %add3A_343, %iota3A : vector<16xi32>
        tpu.vector_store_idx %arg9[%broadcast_in_dim3A_330, %add3A_344], %gather3A_341 : memref<16x64xf32, #tpu.memory_space<vmem>>[vector<16xi32>, vector<16xi32>], vector<16xf32>,
        %broadcast_in_dim3A_345 = vector.broadcast %squeeze3A : i32 to vector<16xi32>
        %gather3A_346 = tpu.vector_load_idx %arg8[%add3A_26, %broadcast_in_dim3A_345] : memref<64x128xf32, #tpu.memory_space<vmem>>[vector<16xi32>, vector<16xi32>], vector<16xf32>,
        %add3A_347 = arith.constant 48 : i32
        %add3A_348 = vector.broadcast %add3A_347 : i32 to vector<16xi32>
        %add3A_349 = arith.addi %add3A_348, %iota3A : vector<16xi32>
        tpu.vector_store_idx %arg9[%broadcast_in_dim3A_330, %add3A_349], %gather3A_346 : memref<16x64xf32, #tpu.memory_space<vmem>>[vector<16xi32>, vector<16xi32>], vector<16xf32>,
        %slice3A_350 = vector.extract_strided_slice %sub3A_327 {offsets = [1], sizes = [1], strides = [1]} : vector<16xi32> to vector<1xi32>
        %squeeze3A_351 = vector.extract %slice3A_350[0] : i32 from vector<1xi32>
        %broadcast_in_dim3A_352 = arith.constant 1 : i32
        %broadcast_in_dim3A_353 = vector.broadcast %broadcast_in_dim3A_352 : i32 to vector<16xi32>
        %broadcast_in_dim3A_354 = vector.broadcast %squeeze3A_351 : i32 to vector<16xi32>
        %gather3A_355 = tpu.vector_load_idx %arg8[%add3A_17, %broadcast_in_dim3A_354] : memref<64x128xf32, #tpu.memory_space<vmem>>[vector<16xi32>, vector<16xi32>], vector<16xf32>,
        %add3A_356 = arith.constant 0 : i32
        %add3A_357 = vector.broadcast %add3A_356 : i32 to vector<16xi32>
        %add3A_358 = arith.addi %add3A_357, %iota3A : vector<16xi32>
        tpu.vector_store_idx %arg9[%broadcast_in_dim3A_353, %add3A_358], %gather3A_355 : memref<16x64xf32, #tpu.memory_space<vmem>>[vector<16xi32>, vector<16xi32>], vector<16xf32>,
        %broadcast_in_dim3A_359 = vector.broadcast %squeeze3A_351 : i32 to vector<16xi32>
        %gather3A_360 = tpu.vector_load_idx %arg8[%add3A_20, %broadcast_in_dim3A_359] : memref<64x128xf32, #tpu.memory_space<vmem>>[vector<16xi32>, vector<16xi32>], vector<16xf32>,
        %add3A_361 = arith.constant 16 : i32
        %add3A_362 = vector.broadcast %add3A_361 : i32 to vector<16xi32>
        %add3A_363 = arith.addi %add3A_362, %iota3A : vector<16xi32>
        tpu.vector_store_idx %arg9[%broadcast_in_dim3A_353, %add3A_363], %gather3A_360 : memref<16x64xf32, #tpu.memory_space<vmem>>[vector<16xi32>, vector<16xi32>], vector<16xf32>,
        %broadcast_in_dim3A_364 = vector.broadcast %squeeze3A_351 : i32 to vector<16xi32>
        %gather3A_365 = tpu.vector_load_idx %arg8[%add3A_23, %broadcast_in_dim3A_364] : memref<64x128xf32, #tpu.memory_space<vmem>>[vector<16xi32>, vector<16xi32>], vector<16xf32>,
        %add3A_366 = arith.constant 32 : i32
        %add3A_367 = vector.broadcast %add3A_366 : i32 to vector<16xi32>
        %add3A_368 = arith.addi %add3A_367, %iota3A : vector<16xi32>
        tpu.vector_store_idx %arg9[%broadcast_in_dim3A_353, %add3A_368], %gather3A_365 : memref<16x64xf32, #tpu.memory_space<vmem>>[vector<16xi32>, vector<16xi32>], vector<16xf32>,
        %broadcast_in_dim3A_369 = vector.broadcast %squeeze3A_351 : i32 to vector<16xi32>
        %gather3A_370 = tpu.vector_load_idx %arg8[%add3A_26, %broadcast_in_dim3A_369] : memref<64x128xf32, #tpu.memory_space<vmem>>[vector<16xi32>, vector<16xi32>], vector<16xf32>,
        %add3A_371 = arith.constant 48 : i32
        %add3A_372 = vector.broadcast %add3A_371 : i32 to vector<16xi32>
        %add3A_373 = arith.addi %add3A_372, %iota3A : vector<16xi32>
        tpu.vector_store_idx %arg9[%broadcast_in_dim3A_353, %add3A_373], %gather3A_370 : memref<16x64xf32, #tpu.memory_space<vmem>>[vector<16xi32>, vector<16xi32>], vector<16xf32>,
        %slice3A_374 = vector.extract_strided_slice %sub3A_327 {offsets = [2], sizes = [1], strides = [1]} : vector<16xi32> to vector<1xi32>
        %squeeze3A_375 = vector.extract %slice3A_374[0] : i32 from vector<1xi32>
        %broadcast_in_dim3A_376 = arith.constant 2 : i32
        %broadcast_in_dim3A_377 = vector.broadcast %broadcast_in_dim3A_376 : i32 to vector<16xi32>
        %broadcast_in_dim3A_378 = vector.broadcast %squeeze3A_375 : i32 to vector<16xi32>
        %gather3A_379 = tpu.vector_load_idx %arg8[%add3A_17, %broadcast_in_dim3A_378] : memref<64x128xf32, #tpu.memory_space<vmem>>[vector<16xi32>, vector<16xi32>], vector<16xf32>,
        %add3A_380 = arith.constant 0 : i32
        %add3A_381 = vector.broadcast %add3A_380 : i32 to vector<16xi32>
        %add3A_382 = arith.addi %add3A_381, %iota3A : vector<16xi32>
        tpu.vector_store_idx %arg9[%broadcast_in_dim3A_377, %add3A_382], %gather3A_379 : memref<16x64xf32, #tpu.memory_space<vmem>>[vector<16xi32>, vector<16xi32>], vector<16xf32>,
        %broadcast_in_dim3A_383 = vector.broadcast %squeeze3A_375 : i32 to vector<16xi32>
        %gather3A_384 = tpu.vector_load_idx %arg8[%add3A_20, %broadcast_in_dim3A_383] : memref<64x128xf32, #tpu.memory_space<vmem>>[vector<16xi32>, vector<16xi32>], vector<16xf32>,
        %add3A_385 = arith.constant 16 : i32
        %add3A_386 = vector.broadcast %add3A_385 : i32 to vector<16xi32>
        %add3A_387 = arith.addi %add3A_386, %iota3A : vector<16xi32>
        tpu.vector_store_idx %arg9[%broadcast_in_dim3A_377, %add3A_387], %gather3A_384 : memref<16x64xf32, #tpu.memory_space<vmem>>[vector<16xi32>, vector<16xi32>], vector<16xf32>,
        %broadcast_in_dim3A_388 = vector.broadcast %squeeze3A_375 : i32 to vector<16xi32>
        %gather3A_389 = tpu.vector_load_idx %arg8[%add3A_23, %broadcast_in_dim3A_388] : memref<64x128xf32, #tpu.memory_space<vmem>>[vector<16xi32>, vector<16xi32>], vector<16xf32>,
        %add3A_390 = arith.constant 32 : i32
        %add3A_391 = vector.broadcast %add3A_390 : i32 to vector<16xi32>
        %add3A_392 = arith.addi %add3A_391, %iota3A : vector<16xi32>
        tpu.vector_store_idx %arg9[%broadcast_in_dim3A_377, %add3A_392], %gather3A_389 : memref<16x64xf32, #tpu.memory_space<vmem>>[vector<16xi32>, vector<16xi32>], vector<16xf32>,
        %broadcast_in_dim3A_393 = vector.broadcast %squeeze3A_375 : i32 to vector<16xi32>
        %gather3A_394 = tpu.vector_load_idx %arg8[%add3A_26, %broadcast_in_dim3A_393] : memref<64x128xf32, #tpu.memory_space<vmem>>[vector<16xi32>, vector<16xi32>], vector<16xf32>,
        %add3A_395 = arith.constant 48 : i32
        %add3A_396 = vector.broadcast %add3A_395 : i32 to vector<16xi32>
        %add3A_397 = arith.addi %add3A_396, %iota3A : vector<16xi32>
        tpu.vector_store_idx %arg9[%broadcast_in_dim3A_377, %add3A_397], %gather3A_394 : memref<16x64xf32, #tpu.memory_space<vmem>>[vector<16xi32>, vector<16xi32>], vector<16xf32>,
        %slice3A_398 = vector.extract_strided_slice %sub3A_327 {offsets = [3], sizes = [1], strides = [1]} : vector<16xi32> to vector<1xi32>
        %squeeze3A_399 = vector.extract %slice3A_398[0] : i32 from vector<1xi32>
        %broadcast_in_dim3A_400 = arith.constant 3 : i32
        %broadcast_in_dim3A_401 = vector.broadcast %broadcast_in_dim3A_400 : i32 to vector<16xi32>
        %broadcast_in_dim3A_402 = vector.broadcast %squeeze3A_399 : i32 to vector<16xi32>
        %gather3A_403 = tpu.vector_load_idx %arg8[%add3A_17, %broadcast_in_dim3A_402] : memref<64x128xf32, #tpu.memory_space<vmem>>[vector<16xi32>, vector<16xi32>], vector<16xf32>,
        %add3A_404 = arith.constant 0 : i32
        %add3A_405 = vector.broadcast %add3A_404 : i32 to vector<16xi32>
        %add3A_406 = arith.addi %add3A_405, %iota3A : vector<16xi32>
        tpu.vector_store_idx %arg9[%broadcast_in_dim3A_401, %add3A_406], %gather3A_403 : memref<16x64xf32, #tpu.memory_space<vmem>>[vector<16xi32>, vector<16xi32>], vector<16xf32>,
        %broadcast_in_dim3A_407 = vector.broadcast %squeeze3A_399 : i32 to vector<16xi32>
        %gather3A_408 = tpu.vector_load_idx %arg8[%add3A_20, %broadcast_in_dim3A_407] : memref<64x128xf32, #tpu.memory_space<vmem>>[vector<16xi32>, vector<16xi32>], vector<16xf32>,
        %add3A_409 = arith.constant 16 : i32
        %add3A_410 = vector.broadcast %add3A_409 : i32 to vector<16xi32>
        %add3A_411 = arith.addi %add3A_410, %iota3A : vector<16xi32>
        tpu.vector_store_idx %arg9[%broadcast_in_dim3A_401, %add3A_411], %gather3A_408 : memref<16x64xf32, #tpu.memory_space<vmem>>[vector<16xi32>, vector<16xi32>], vector<16xf32>,
        %broadcast_in_dim3A_412 = vector.broadcast %squeeze3A_399 : i32 to vector<16xi32>
        %gather3A_413 = tpu.vector_load_idx %arg8[%add3A_23, %broadcast_in_dim3A_412] : memref<64x128xf32, #tpu.memory_space<vmem>>[vector<16xi32>, vector<16xi32>], vector<16xf32>,
        %add3A_414 = arith.constant 32 : i32
        %add3A_415 = vector.broadcast %add3A_414 : i32 to vector<16xi32>
        %add3A_416 = arith.addi %add3A_415, %iota3A : vector<16xi32>
        tpu.vector_store_idx %arg9[%broadcast_in_dim3A_401, %add3A_416], %gather3A_413 : memref<16x64xf32, #tpu.memory_space<vmem>>[vector<16xi32>, vector<16xi32>], vector<16xf32>,
        %broadcast_in_dim3A_417 = vector.broadcast %squeeze3A_399 : i32 to vector<16xi32>
        %gather3A_418 = tpu.vector_load_idx %arg8[%add3A_26, %broadcast_in_dim3A_417] : memref<64x128xf32, #tpu.memory_space<vmem>>[vector<16xi32>, vector<16xi32>], vector<16xf32>,
        %add3A_419 = arith.constant 48 : i32
        %add3A_420 = vector.broadcast %add3A_419 : i32 to vector<16xi32>
        %add3A_421 = arith.addi %add3A_420, %iota3A : vector<16xi32>
        tpu.vector_store_idx %arg9[%broadcast_in_dim3A_401, %add3A_421], %gather3A_418 : memref<16x64xf32, #tpu.memory_space<vmem>>[vector<16xi32>, vector<16xi32>], vector<16xf32>,
        %slice3A_422 = vector.extract_strided_slice %sub3A_327 {offsets = [4], sizes = [1], strides = [1]} : vector<16xi32> to vector<1xi32>
        %squeeze3A_423 = vector.extract %slice3A_422[0] : i32 from vector<1xi32>
        %broadcast_in_dim3A_424 = arith.constant 4 : i32
        %broadcast_in_dim3A_425 = vector.broadcast %broadcast_in_dim3A_424 : i32 to vector<16xi32>
        %broadcast_in_dim3A_426 = vector.broadcast %squeeze3A_423 : i32 to vector<16xi32>
        %gather3A_427 = tpu.vector_load_idx %arg8[%add3A_17, %broadcast_in_dim3A_426] : memref<64x128xf32, #tpu.memory_space<vmem>>[vector<16xi32>, vector<16xi32>], vector<16xf32>,
        %add3A_428 = arith.constant 0 : i32
        %add3A_429 = vector.broadcast %add3A_428 : i32 to vector<16xi32>
        %add3A_430 = arith.addi %add3A_429, %iota3A : vector<16xi32>
        tpu.vector_store_idx %arg9[%broadcast_in_dim3A_425, %add3A_430], %gather3A_427 : memref<16x64xf32, #tpu.memory_space<vmem>>[vector<16xi32>, vector<16xi32>], vector<16xf32>,
        %broadcast_in_dim3A_431 = vector.broadcast %squeeze3A_423 : i32 to vector<16xi32>
        %gather3A_432 = tpu.vector_load_idx %arg8[%add3A_20, %broadcast_in_dim3A_431] : memref<64x128xf32, #tpu.memory_space<vmem>>[vector<16xi32>, vector<16xi32>], vector<16xf32>,
        %add3A_433 = arith.constant 16 : i32
        %add3A_434 = vector.broadcast %add3A_433 : i32 to vector<16xi32>
        %add3A_435 = arith.addi %add3A_434, %iota3A : vector<16xi32>
        tpu.vector_store_idx %arg9[%broadcast_in_dim3A_425, %add3A_435], %gather3A_432 : memref<16x64xf32, #tpu.memory_space<vmem>>[vector<16xi32>, vector<16xi32>], vector<16xf32>,
        %broadcast_in_dim3A_436 = vector.broadcast %squeeze3A_423 : i32 to vector<16xi32>
        %gather3A_437 = tpu.vector_load_idx %arg8[%add3A_23, %broadcast_in_dim3A_436] : memref<64x128xf32, #tpu.memory_space<vmem>>[vector<16xi32>, vector<16xi32>], vector<16xf32>,
        %add3A_438 = arith.constant 32 : i32
        %add3A_439 = vector.broadcast %add3A_438 : i32 to vector<16xi32>
        %add3A_440 = arith.addi %add3A_439, %iota3A : vector<16xi32>
        tpu.vector_store_idx %arg9[%broadcast_in_dim3A_425, %add3A_440], %gather3A_437 : memref<16x64xf32, #tpu.memory_space<vmem>>[vector<16xi32>, vector<16xi32>], vector<16xf32>,
        %broadcast_in_dim3A_441 = vector.broadcast %squeeze3A_423 : i32 to vector<16xi32>
        %gather3A_442 = tpu.vector_load_idx %arg8[%add3A_26, %broadcast_in_dim3A_441] : memref<64x128xf32, #tpu.memory_space<vmem>>[vector<16xi32>, vector<16xi32>], vector<16xf32>,
        %add3A_443 = arith.constant 48 : i32
        %add3A_444 = vector.broadcast %add3A_443 : i32 to vector<16xi32>
        %add3A_445 = arith.addi %add3A_444, %iota3A : vector<16xi32>
        tpu.vector_store_idx %arg9[%broadcast_in_dim3A_425, %add3A_445], %gather3A_442 : memref<16x64xf32, #tpu.memory_space<vmem>>[vector<16xi32>, vector<16xi32>], vector<16xf32>,
        %slice3A_446 = vector.extract_strided_slice %sub3A_327 {offsets = [5], sizes = [1], strides = [1]} : vector<16xi32> to vector<1xi32>
        %squeeze3A_447 = vector.extract %slice3A_446[0] : i32 from vector<1xi32>
        %broadcast_in_dim3A_448 = arith.constant 5 : i32
        %broadcast_in_dim3A_449 = vector.broadcast %broadcast_in_dim3A_448 : i32 to vector<16xi32>
        %broadcast_in_dim3A_450 = vector.broadcast %squeeze3A_447 : i32 to vector<16xi32>
        %gather3A_451 = tpu.vector_load_idx %arg8[%add3A_17, %broadcast_in_dim3A_450] : memref<64x128xf32, #tpu.memory_space<vmem>>[vector<16xi32>, vector<16xi32>], vector<16xf32>,
        %add3A_452 = arith.constant 0 : i32
        %add3A_453 = vector.broadcast %add3A_452 : i32 to vector<16xi32>
        %add3A_454 = arith.addi %add3A_453, %iota3A : vector<16xi32>
        tpu.vector_store_idx %arg9[%broadcast_in_dim3A_449, %add3A_454], %gather3A_451 : memref<16x64xf32, #tpu.memory_space<vmem>>[vector<16xi32>, vector<16xi32>], vector<16xf32>,
        %broadcast_in_dim3A_455 = vector.broadcast %squeeze3A_447 : i32 to vector<16xi32>
        %gather3A_456 = tpu.vector_load_idx %arg8[%add3A_20, %broadcast_in_dim3A_455] : memref<64x128xf32, #tpu.memory_space<vmem>>[vector<16xi32>, vector<16xi32>], vector<16xf32>,
        %add3A_457 = arith.constant 16 : i32
        %add3A_458 = vector.broadcast %add3A_457 : i32 to vector<16xi32>
        %add3A_459 = arith.addi %add3A_458, %iota3A : vector<16xi32>
        tpu.vector_store_idx %arg9[%broadcast_in_dim3A_449, %add3A_459], %gather3A_456 : memref<16x64xf32, #tpu.memory_space<vmem>>[vector<16xi32>, vector<16xi32>], vector<16xf32>,
        %broadcast_in_dim3A_460 = vector.broadcast %squeeze3A_447 : i32 to vector<16xi32>
        %gather3A_461 = tpu.vector_load_idx %arg8[%add3A_23, %broadcast_in_dim3A_460] : memref<64x128xf32, #tpu.memory_space<vmem>>[vector<16xi32>, vector<16xi32>], vector<16xf32>,
        %add3A_462 = arith.constant 32 : i32
        %add3A_463 = vector.broadcast %add3A_462 : i32 to vector<16xi32>
        %add3A_464 = arith.addi %add3A_463, %iota3A : vector<16xi32>
        tpu.vector_store_idx %arg9[%broadcast_in_dim3A_449, %add3A_464], %gather3A_461 : memref<16x64xf32, #tpu.memory_space<vmem>>[vector<16xi32>, vector<16xi32>], vector<16xf32>,
        %broadcast_in_dim3A_465 = vector.broadcast %squeeze3A_447 : i32 to vector<16xi32>
        %gather3A_466 = tpu.vector_load_idx %arg8[%add3A_26, %broadcast_in_dim3A_465] : memref<64x128xf32, #tpu.memory_space<vmem>>[vector<16xi32>, vector<16xi32>], vector<16xf32>,
        %add3A_467 = arith.constant 48 : i32
        %add3A_468 = vector.broadcast %add3A_467 : i32 to vector<16xi32>
        %add3A_469 = arith.addi %add3A_468, %iota3A : vector<16xi32>
        tpu.vector_store_idx %arg9[%broadcast_in_dim3A_449, %add3A_469], %gather3A_466 : memref<16x64xf32, #tpu.memory_space<vmem>>[vector<16xi32>, vector<16xi32>], vector<16xf32>,
        %slice3A_470 = vector.extract_strided_slice %sub3A_327 {offsets = [6], sizes = [1], strides = [1]} : vector<16xi32> to vector<1xi32>
        %squeeze3A_471 = vector.extract %slice3A_470[0] : i32 from vector<1xi32>
        %broadcast_in_dim3A_472 = arith.constant 6 : i32
        %broadcast_in_dim3A_473 = vector.broadcast %broadcast_in_dim3A_472 : i32 to vector<16xi32>
        %broadcast_in_dim3A_474 = vector.broadcast %squeeze3A_471 : i32 to vector<16xi32>
        %gather3A_475 = tpu.vector_load_idx %arg8[%add3A_17, %broadcast_in_dim3A_474] : memref<64x128xf32, #tpu.memory_space<vmem>>[vector<16xi32>, vector<16xi32>], vector<16xf32>,
        %add3A_476 = arith.constant 0 : i32
        %add3A_477 = vector.broadcast %add3A_476 : i32 to vector<16xi32>
        %add3A_478 = arith.addi %add3A_477, %iota3A : vector<16xi32>
        tpu.vector_store_idx %arg9[%broadcast_in_dim3A_473, %add3A_478], %gather3A_475 : memref<16x64xf32, #tpu.memory_space<vmem>>[vector<16xi32>, vector<16xi32>], vector<16xf32>,
        %broadcast_in_dim3A_479 = vector.broadcast %squeeze3A_471 : i32 to vector<16xi32>
        %gather3A_480 = tpu.vector_load_idx %arg8[%add3A_20, %broadcast_in_dim3A_479] : memref<64x128xf32, #tpu.memory_space<vmem>>[vector<16xi32>, vector<16xi32>], vector<16xf32>,
        %add3A_481 = arith.constant 16 : i32
        %add3A_482 = vector.broadcast %add3A_481 : i32 to vector<16xi32>
        %add3A_483 = arith.addi %add3A_482, %iota3A : vector<16xi32>
        tpu.vector_store_idx %arg9[%broadcast_in_dim3A_473, %add3A_483], %gather3A_480 : memref<16x64xf32, #tpu.memory_space<vmem>>[vector<16xi32>, vector<16xi32>], vector<16xf32>,
        %broadcast_in_dim3A_484 = vector.broadcast %squeeze3A_471 : i32 to vector<16xi32>
        %gather3A_485 = tpu.vector_load_idx %arg8[%add3A_23, %broadcast_in_dim3A_484] : memref<64x128xf32, #tpu.memory_space<vmem>>[vector<16xi32>, vector<16xi32>], vector<16xf32>,
        %add3A_486 = arith.constant 32 : i32
        %add3A_487 = vector.broadcast %add3A_486 : i32 to vector<16xi32>
        %add3A_488 = arith.addi %add3A_487, %iota3A : vector<16xi32>
        tpu.vector_store_idx %arg9[%broadcast_in_dim3A_473, %add3A_488], %gather3A_485 : memref<16x64xf32, #tpu.memory_space<vmem>>[vector<16xi32>, vector<16xi32>], vector<16xf32>,
        %broadcast_in_dim3A_489 = vector.broadcast %squeeze3A_471 : i32 to vector<16xi32>
        %gather3A_490 = tpu.vector_load_idx %arg8[%add3A_26, %broadcast_in_dim3A_489] : memref<64x128xf32, #tpu.memory_space<vmem>>[vector<16xi32>, vector<16xi32>], vector<16xf32>,
        %add3A_491 = arith.constant 48 : i32
        %add3A_492 = vector.broadcast %add3A_491 : i32 to vector<16xi32>
        %add3A_493 = arith.addi %add3A_492, %iota3A : vector<16xi32>
        tpu.vector_store_idx %arg9[%broadcast_in_dim3A_473, %add3A_493], %gather3A_490 : memref<16x64xf32, #tpu.memory_space<vmem>>[vector<16xi32>, vector<16xi32>], vector<16xf32>,
        %slice3A_494 = vector.extract_strided_slice %sub3A_327 {offsets = [7], sizes = [1], strides = [1]} : vector<16xi32> to vector<1xi32>
        %squeeze3A_495 = vector.extract %slice3A_494[0] : i32 from vector<1xi32>
        %broadcast_in_dim3A_496 = arith.constant 7 : i32
        %broadcast_in_dim3A_497 = vector.broadcast %broadcast_in_dim3A_496 : i32 to vector<16xi32>
        %broadcast_in_dim3A_498 = vector.broadcast %squeeze3A_495 : i32 to vector<16xi32>
        %gather3A_499 = tpu.vector_load_idx %arg8[%add3A_17, %broadcast_in_dim3A_498] : memref<64x128xf32, #tpu.memory_space<vmem>>[vector<16xi32>, vector<16xi32>], vector<16xf32>,
        %add3A_500 = arith.constant 0 : i32
        %add3A_501 = vector.broadcast %add3A_500 : i32 to vector<16xi32>
        %add3A_502 = arith.addi %add3A_501, %iota3A : vector<16xi32>
        tpu.vector_store_idx %arg9[%broadcast_in_dim3A_497, %add3A_502], %gather3A_499 : memref<16x64xf32, #tpu.memory_space<vmem>>[vector<16xi32>, vector<16xi32>], vector<16xf32>,
        %broadcast_in_dim3A_503 = vector.broadcast %squeeze3A_495 : i32 to vector<16xi32>
        %gather3A_504 = tpu.vector_load_idx %arg8[%add3A_20, %broadcast_in_dim3A_503] : memref<64x128xf32, #tpu.memory_space<vmem>>[vector<16xi32>, vector<16xi32>], vector<16xf32>,
        %add3A_505 = arith.constant 16 : i32
        %add3A_506 = vector.broadcast %add3A_505 : i32 to vector<16xi32>
        %add3A_507 = arith.addi %add3A_506, %iota3A : vector<16xi32>
        tpu.vector_store_idx %arg9[%broadcast_in_dim3A_497, %add3A_507], %gather3A_504 : memref<16x64xf32, #tpu.memory_space<vmem>>[vector<16xi32>, vector<16xi32>], vector<16xf32>,
        %broadcast_in_dim3A_508 = vector.broadcast %squeeze3A_495 : i32 to vector<16xi32>
        %gather3A_509 = tpu.vector_load_idx %arg8[%add3A_23, %broadcast_in_dim3A_508] : memref<64x128xf32, #tpu.memory_space<vmem>>[vector<16xi32>, vector<16xi32>], vector<16xf32>,
        %add3A_510 = arith.constant 32 : i32
        %add3A_511 = vector.broadcast %add3A_510 : i32 to vector<16xi32>
        %add3A_512 = arith.addi %add3A_511, %iota3A : vector<16xi32>
        tpu.vector_store_idx %arg9[%broadcast_in_dim3A_497, %add3A_512], %gather3A_509 : memref<16x64xf32, #tpu.memory_space<vmem>>[vector<16xi32>, vector<16xi32>], vector<16xf32>,
        %broadcast_in_dim3A_513 = vector.broadcast %squeeze3A_495 : i32 to vector<16xi32>
        %gather3A_514 = tpu.vector_load_idx %arg8[%add3A_26, %broadcast_in_dim3A_513] : memref<64x128xf32, #tpu.memory_space<vmem>>[vector<16xi32>, vector<16xi32>], vector<16xf32>,
        %add3A_515 = arith.constant 48 : i32
        %add3A_516 = vector.broadcast %add3A_515 : i32 to vector<16xi32>
        %add3A_517 = arith.addi %add3A_516, %iota3A : vector<16xi32>
        tpu.vector_store_idx %arg9[%broadcast_in_dim3A_497, %add3A_517], %gather3A_514 : memref<16x64xf32, #tpu.memory_space<vmem>>[vector<16xi32>, vector<16xi32>], vector<16xf32>,
        %slice3A_518 = vector.extract_strided_slice %sub3A_327 {offsets = [8], sizes = [1], strides = [1]} : vector<16xi32> to vector<1xi32>
        %squeeze3A_519 = vector.extract %slice3A_518[0] : i32 from vector<1xi32>
        %broadcast_in_dim3A_520 = arith.constant 8 : i32
        %broadcast_in_dim3A_521 = vector.broadcast %broadcast_in_dim3A_520 : i32 to vector<16xi32>
        %broadcast_in_dim3A_522 = vector.broadcast %squeeze3A_519 : i32 to vector<16xi32>
        %gather3A_523 = tpu.vector_load_idx %arg8[%add3A_17, %broadcast_in_dim3A_522] : memref<64x128xf32, #tpu.memory_space<vmem>>[vector<16xi32>, vector<16xi32>], vector<16xf32>,
        %add3A_524 = arith.constant 0 : i32
        %add3A_525 = vector.broadcast %add3A_524 : i32 to vector<16xi32>
        %add3A_526 = arith.addi %add3A_525, %iota3A : vector<16xi32>
        tpu.vector_store_idx %arg9[%broadcast_in_dim3A_521, %add3A_526], %gather3A_523 : memref<16x64xf32, #tpu.memory_space<vmem>>[vector<16xi32>, vector<16xi32>], vector<16xf32>,
        %broadcast_in_dim3A_527 = vector.broadcast %squeeze3A_519 : i32 to vector<16xi32>
        %gather3A_528 = tpu.vector_load_idx %arg8[%add3A_20, %broadcast_in_dim3A_527] : memref<64x128xf32, #tpu.memory_space<vmem>>[vector<16xi32>, vector<16xi32>], vector<16xf32>,
        %add3A_529 = arith.constant 16 : i32
        %add3A_530 = vector.broadcast %add3A_529 : i32 to vector<16xi32>
        %add3A_531 = arith.addi %add3A_530, %iota3A : vector<16xi32>
        tpu.vector_store_idx %arg9[%broadcast_in_dim3A_521, %add3A_531], %gather3A_528 : memref<16x64xf32, #tpu.memory_space<vmem>>[vector<16xi32>, vector<16xi32>], vector<16xf32>,
        %broadcast_in_dim3A_532 = vector.broadcast %squeeze3A_519 : i32 to vector<16xi32>
        %gather3A_533 = tpu.vector_load_idx %arg8[%add3A_23, %broadcast_in_dim3A_532] : memref<64x128xf32, #tpu.memory_space<vmem>>[vector<16xi32>, vector<16xi32>], vector<16xf32>,
        %add3A_534 = arith.constant 32 : i32
        %add3A_535 = vector.broadcast %add3A_534 : i32 to vector<16xi32>
        %add3A_536 = arith.addi %add3A_535, %iota3A : vector<16xi32>
        tpu.vector_store_idx %arg9[%broadcast_in_dim3A_521, %add3A_536], %gather3A_533 : memref<16x64xf32, #tpu.memory_space<vmem>>[vector<16xi32>, vector<16xi32>], vector<16xf32>,
        %broadcast_in_dim3A_537 = vector.broadcast %squeeze3A_519 : i32 to vector<16xi32>
        %gather3A_538 = tpu.vector_load_idx %arg8[%add3A_26, %broadcast_in_dim3A_537] : memref<64x128xf32, #tpu.memory_space<vmem>>[vector<16xi32>, vector<16xi32>], vector<16xf32>,
        %add3A_539 = arith.constant 48 : i32
        %add3A_540 = vector.broadcast %add3A_539 : i32 to vector<16xi32>
        %add3A_541 = arith.addi %add3A_540, %iota3A : vector<16xi32>
        tpu.vector_store_idx %arg9[%broadcast_in_dim3A_521, %add3A_541], %gather3A_538 : memref<16x64xf32, #tpu.memory_space<vmem>>[vector<16xi32>, vector<16xi32>], vector<16xf32>,
        %slice3A_542 = vector.extract_strided_slice %sub3A_327 {offsets = [9], sizes = [1], strides = [1]} : vector<16xi32> to vector<1xi32>
        %squeeze3A_543 = vector.extract %slice3A_542[0] : i32 from vector<1xi32>
        %broadcast_in_dim3A_544 = arith.constant 9 : i32
        %broadcast_in_dim3A_545 = vector.broadcast %broadcast_in_dim3A_544 : i32 to vector<16xi32>
        %broadcast_in_dim3A_546 = vector.broadcast %squeeze3A_543 : i32 to vector<16xi32>
        %gather3A_547 = tpu.vector_load_idx %arg8[%add3A_17, %broadcast_in_dim3A_546] : memref<64x128xf32, #tpu.memory_space<vmem>>[vector<16xi32>, vector<16xi32>], vector<16xf32>,
        %add3A_548 = arith.constant 0 : i32
        %add3A_549 = vector.broadcast %add3A_548 : i32 to vector<16xi32>
        %add3A_550 = arith.addi %add3A_549, %iota3A : vector<16xi32>
        tpu.vector_store_idx %arg9[%broadcast_in_dim3A_545, %add3A_550], %gather3A_547 : memref<16x64xf32, #tpu.memory_space<vmem>>[vector<16xi32>, vector<16xi32>], vector<16xf32>,
        %broadcast_in_dim3A_551 = vector.broadcast %squeeze3A_543 : i32 to vector<16xi32>
        %gather3A_552 = tpu.vector_load_idx %arg8[%add3A_20, %broadcast_in_dim3A_551] : memref<64x128xf32, #tpu.memory_space<vmem>>[vector<16xi32>, vector<16xi32>], vector<16xf32>,
        %add3A_553 = arith.constant 16 : i32
        %add3A_554 = vector.broadcast %add3A_553 : i32 to vector<16xi32>
        %add3A_555 = arith.addi %add3A_554, %iota3A : vector<16xi32>
        tpu.vector_store_idx %arg9[%broadcast_in_dim3A_545, %add3A_555], %gather3A_552 : memref<16x64xf32, #tpu.memory_space<vmem>>[vector<16xi32>, vector<16xi32>], vector<16xf32>,
        %broadcast_in_dim3A_556 = vector.broadcast %squeeze3A_543 : i32 to vector<16xi32>
        %gather3A_557 = tpu.vector_load_idx %arg8[%add3A_23, %broadcast_in_dim3A_556] : memref<64x128xf32, #tpu.memory_space<vmem>>[vector<16xi32>, vector<16xi32>], vector<16xf32>,
        %add3A_558 = arith.constant 32 : i32
        %add3A_559 = vector.broadcast %add3A_558 : i32 to vector<16xi32>
        %add3A_560 = arith.addi %add3A_559, %iota3A : vector<16xi32>
        tpu.vector_store_idx %arg9[%broadcast_in_dim3A_545, %add3A_560], %gather3A_557 : memref<16x64xf32, #tpu.memory_space<vmem>>[vector<16xi32>, vector<16xi32>], vector<16xf32>,
        %broadcast_in_dim3A_561 = vector.broadcast %squeeze3A_543 : i32 to vector<16xi32>
        %gather3A_562 = tpu.vector_load_idx %arg8[%add3A_26, %broadcast_in_dim3A_561] : memref<64x128xf32, #tpu.memory_space<vmem>>[vector<16xi32>, vector<16xi32>], vector<16xf32>,
        %add3A_563 = arith.constant 48 : i32
        %add3A_564 = vector.broadcast %add3A_563 : i32 to vector<16xi32>
        %add3A_565 = arith.addi %add3A_564, %iota3A : vector<16xi32>
        tpu.vector_store_idx %arg9[%broadcast_in_dim3A_545, %add3A_565], %gather3A_562 : memref<16x64xf32, #tpu.memory_space<vmem>>[vector<16xi32>, vector<16xi32>], vector<16xf32>,
        %slice3A_566 = vector.extract_strided_slice %sub3A_327 {offsets = [10], sizes = [1], strides = [1]} : vector<16xi32> to vector<1xi32>
        %squeeze3A_567 = vector.extract %slice3A_566[0] : i32 from vector<1xi32>
        %broadcast_in_dim3A_568 = arith.constant 10 : i32
        %broadcast_in_dim3A_569 = vector.broadcast %broadcast_in_dim3A_568 : i32 to vector<16xi32>
        %broadcast_in_dim3A_570 = vector.broadcast %squeeze3A_567 : i32 to vector<16xi32>
        %gather3A_571 = tpu.vector_load_idx %arg8[%add3A_17, %broadcast_in_dim3A_570] : memref<64x128xf32, #tpu.memory_space<vmem>>[vector<16xi32>, vector<16xi32>], vector<16xf32>,
        %add3A_572 = arith.constant 0 : i32
        %add3A_573 = vector.broadcast %add3A_572 : i32 to vector<16xi32>
        %add3A_574 = arith.addi %add3A_573, %iota3A : vector<16xi32>
        tpu.vector_store_idx %arg9[%broadcast_in_dim3A_569, %add3A_574], %gather3A_571 : memref<16x64xf32, #tpu.memory_space<vmem>>[vector<16xi32>, vector<16xi32>], vector<16xf32>,
        %broadcast_in_dim3A_575 = vector.broadcast %squeeze3A_567 : i32 to vector<16xi32>
        %gather3A_576 = tpu.vector_load_idx %arg8[%add3A_20, %broadcast_in_dim3A_575] : memref<64x128xf32, #tpu.memory_space<vmem>>[vector<16xi32>, vector<16xi32>], vector<16xf32>,
        %add3A_577 = arith.constant 16 : i32
        %add3A_578 = vector.broadcast %add3A_577 : i32 to vector<16xi32>
        %add3A_579 = arith.addi %add3A_578, %iota3A : vector<16xi32>
        tpu.vector_store_idx %arg9[%broadcast_in_dim3A_569, %add3A_579], %gather3A_576 : memref<16x64xf32, #tpu.memory_space<vmem>>[vector<16xi32>, vector<16xi32>], vector<16xf32>,
        %broadcast_in_dim3A_580 = vector.broadcast %squeeze3A_567 : i32 to vector<16xi32>
        %gather3A_581 = tpu.vector_load_idx %arg8[%add3A_23, %broadcast_in_dim3A_580] : memref<64x128xf32, #tpu.memory_space<vmem>>[vector<16xi32>, vector<16xi32>], vector<16xf32>,
        %add3A_582 = arith.constant 32 : i32
        %add3A_583 = vector.broadcast %add3A_582 : i32 to vector<16xi32>
        %add3A_584 = arith.addi %add3A_583, %iota3A : vector<16xi32>
        tpu.vector_store_idx %arg9[%broadcast_in_dim3A_569, %add3A_584], %gather3A_581 : memref<16x64xf32, #tpu.memory_space<vmem>>[vector<16xi32>, vector<16xi32>], vector<16xf32>,
        %broadcast_in_dim3A_585 = vector.broadcast %squeeze3A_567 : i32 to vector<16xi32>
        %gather3A_586 = tpu.vector_load_idx %arg8[%add3A_26, %broadcast_in_dim3A_585] : memref<64x128xf32, #tpu.memory_space<vmem>>[vector<16xi32>, vector<16xi32>], vector<16xf32>,
        %add3A_587 = arith.constant 48 : i32
        %add3A_588 = vector.broadcast %add3A_587 : i32 to vector<16xi32>
        %add3A_589 = arith.addi %add3A_588, %iota3A : vector<16xi32>
        tpu.vector_store_idx %arg9[%broadcast_in_dim3A_569, %add3A_589], %gather3A_586 : memref<16x64xf32, #tpu.memory_space<vmem>>[vector<16xi32>, vector<16xi32>], vector<16xf32>,
        %slice3A_590 = vector.extract_strided_slice %sub3A_327 {offsets = [11], sizes = [1], strides = [1]} : vector<16xi32> to vector<1xi32>
        %squeeze3A_591 = vector.extract %slice3A_590[0] : i32 from vector<1xi32>
        %broadcast_in_dim3A_592 = arith.constant 11 : i32
        %broadcast_in_dim3A_593 = vector.broadcast %broadcast_in_dim3A_592 : i32 to vector<16xi32>
        %broadcast_in_dim3A_594 = vector.broadcast %squeeze3A_591 : i32 to vector<16xi32>
        %gather3A_595 = tpu.vector_load_idx %arg8[%add3A_17, %broadcast_in_dim3A_594] : memref<64x128xf32, #tpu.memory_space<vmem>>[vector<16xi32>, vector<16xi32>], vector<16xf32>,
        %add3A_596 = arith.constant 0 : i32
        %add3A_597 = vector.broadcast %add3A_596 : i32 to vector<16xi32>
        %add3A_598 = arith.addi %add3A_597, %iota3A : vector<16xi32>
        tpu.vector_store_idx %arg9[%broadcast_in_dim3A_593, %add3A_598], %gather3A_595 : memref<16x64xf32, #tpu.memory_space<vmem>>[vector<16xi32>, vector<16xi32>], vector<16xf32>,
        %broadcast_in_dim3A_599 = vector.broadcast %squeeze3A_591 : i32 to vector<16xi32>
        %gather3A_600 = tpu.vector_load_idx %arg8[%add3A_20, %broadcast_in_dim3A_599] : memref<64x128xf32, #tpu.memory_space<vmem>>[vector<16xi32>, vector<16xi32>], vector<16xf32>,
        %add3A_601 = arith.constant 16 : i32
        %add3A_602 = vector.broadcast %add3A_601 : i32 to vector<16xi32>
        %add3A_603 = arith.addi %add3A_602, %iota3A : vector<16xi32>
        tpu.vector_store_idx %arg9[%broadcast_in_dim3A_593, %add3A_603], %gather3A_600 : memref<16x64xf32, #tpu.memory_space<vmem>>[vector<16xi32>, vector<16xi32>], vector<16xf32>,
        %broadcast_in_dim3A_604 = vector.broadcast %squeeze3A_591 : i32 to vector<16xi32>
        %gather3A_605 = tpu.vector_load_idx %arg8[%add3A_23, %broadcast_in_dim3A_604] : memref<64x128xf32, #tpu.memory_space<vmem>>[vector<16xi32>, vector<16xi32>], vector<16xf32>,
        %add3A_606 = arith.constant 32 : i32
        %add3A_607 = vector.broadcast %add3A_606 : i32 to vector<16xi32>
        %add3A_608 = arith.addi %add3A_607, %iota3A : vector<16xi32>
        tpu.vector_store_idx %arg9[%broadcast_in_dim3A_593, %add3A_608], %gather3A_605 : memref<16x64xf32, #tpu.memory_space<vmem>>[vector<16xi32>, vector<16xi32>], vector<16xf32>,
        %broadcast_in_dim3A_609 = vector.broadcast %squeeze3A_591 : i32 to vector<16xi32>
        %gather3A_610 = tpu.vector_load_idx %arg8[%add3A_26, %broadcast_in_dim3A_609] : memref<64x128xf32, #tpu.memory_space<vmem>>[vector<16xi32>, vector<16xi32>], vector<16xf32>,
        %add3A_611 = arith.constant 48 : i32
        %add3A_612 = vector.broadcast %add3A_611 : i32 to vector<16xi32>
        %add3A_613 = arith.addi %add3A_612, %iota3A : vector<16xi32>
        tpu.vector_store_idx %arg9[%broadcast_in_dim3A_593, %add3A_613], %gather3A_610 : memref<16x64xf32, #tpu.memory_space<vmem>>[vector<16xi32>, vector<16xi32>], vector<16xf32>,
        %slice3A_614 = vector.extract_strided_slice %sub3A_327 {offsets = [12], sizes = [1], strides = [1]} : vector<16xi32> to vector<1xi32>
        %squeeze3A_615 = vector.extract %slice3A_614[0] : i32 from vector<1xi32>
        %broadcast_in_dim3A_616 = arith.constant 12 : i32
        %broadcast_in_dim3A_617 = vector.broadcast %broadcast_in_dim3A_616 : i32 to vector<16xi32>
        %broadcast_in_dim3A_618 = vector.broadcast %squeeze3A_615 : i32 to vector<16xi32>
        %gather3A_619 = tpu.vector_load_idx %arg8[%add3A_17, %broadcast_in_dim3A_618] : memref<64x128xf32, #tpu.memory_space<vmem>>[vector<16xi32>, vector<16xi32>], vector<16xf32>,
        %add3A_620 = arith.constant 0 : i32
        %add3A_621 = vector.broadcast %add3A_620 : i32 to vector<16xi32>
        %add3A_622 = arith.addi %add3A_621, %iota3A : vector<16xi32>
        tpu.vector_store_idx %arg9[%broadcast_in_dim3A_617, %add3A_622], %gather3A_619 : memref<16x64xf32, #tpu.memory_space<vmem>>[vector<16xi32>, vector<16xi32>], vector<16xf32>,
        %broadcast_in_dim3A_623 = vector.broadcast %squeeze3A_615 : i32 to vector<16xi32>
        %gather3A_624 = tpu.vector_load_idx %arg8[%add3A_20, %broadcast_in_dim3A_623] : memref<64x128xf32, #tpu.memory_space<vmem>>[vector<16xi32>, vector<16xi32>], vector<16xf32>,
        %add3A_625 = arith.constant 16 : i32
        %add3A_626 = vector.broadcast %add3A_625 : i32 to vector<16xi32>
        %add3A_627 = arith.addi %add3A_626, %iota3A : vector<16xi32>
        tpu.vector_store_idx %arg9[%broadcast_in_dim3A_617, %add3A_627], %gather3A_624 : memref<16x64xf32, #tpu.memory_space<vmem>>[vector<16xi32>, vector<16xi32>], vector<16xf32>,
        %broadcast_in_dim3A_628 = vector.broadcast %squeeze3A_615 : i32 to vector<16xi32>
        %gather3A_629 = tpu.vector_load_idx %arg8[%add3A_23, %broadcast_in_dim3A_628] : memref<64x128xf32, #tpu.memory_space<vmem>>[vector<16xi32>, vector<16xi32>], vector<16xf32>,
        %add3A_630 = arith.constant 32 : i32
        %add3A_631 = vector.broadcast %add3A_630 : i32 to vector<16xi32>
        %add3A_632 = arith.addi %add3A_631, %iota3A : vector<16xi32>
        tpu.vector_store_idx %arg9[%broadcast_in_dim3A_617, %add3A_632], %gather3A_629 : memref<16x64xf32, #tpu.memory_space<vmem>>[vector<16xi32>, vector<16xi32>], vector<16xf32>,
        %broadcast_in_dim3A_633 = vector.broadcast %squeeze3A_615 : i32 to vector<16xi32>
        %gather3A_634 = tpu.vector_load_idx %arg8[%add3A_26, %broadcast_in_dim3A_633] : memref<64x128xf32, #tpu.memory_space<vmem>>[vector<16xi32>, vector<16xi32>], vector<16xf32>,
        %add3A_635 = arith.constant 48 : i32
        %add3A_636 = vector.broadcast %add3A_635 : i32 to vector<16xi32>
        %add3A_637 = arith.addi %add3A_636, %iota3A : vector<16xi32>
        tpu.vector_store_idx %arg9[%broadcast_in_dim3A_617, %add3A_637], %gather3A_634 : memref<16x64xf32, #tpu.memory_space<vmem>>[vector<16xi32>, vector<16xi32>], vector<16xf32>,
        %slice3A_638 = vector.extract_strided_slice %sub3A_327 {offsets = [13], sizes = [1], strides = [1]} : vector<16xi32> to vector<1xi32>
        %squeeze3A_639 = vector.extract %slice3A_638[0] : i32 from vector<1xi32>
        %broadcast_in_dim3A_640 = arith.constant 13 : i32
        %broadcast_in_dim3A_641 = vector.broadcast %broadcast_in_dim3A_640 : i32 to vector<16xi32>
        %broadcast_in_dim3A_642 = vector.broadcast %squeeze3A_639 : i32 to vector<16xi32>
        %gather3A_643 = tpu.vector_load_idx %arg8[%add3A_17, %broadcast_in_dim3A_642] : memref<64x128xf32, #tpu.memory_space<vmem>>[vector<16xi32>, vector<16xi32>], vector<16xf32>,
        %add3A_644 = arith.constant 0 : i32
        %add3A_645 = vector.broadcast %add3A_644 : i32 to vector<16xi32>
        %add3A_646 = arith.addi %add3A_645, %iota3A : vector<16xi32>
        tpu.vector_store_idx %arg9[%broadcast_in_dim3A_641, %add3A_646], %gather3A_643 : memref<16x64xf32, #tpu.memory_space<vmem>>[vector<16xi32>, vector<16xi32>], vector<16xf32>,
        %broadcast_in_dim3A_647 = vector.broadcast %squeeze3A_639 : i32 to vector<16xi32>
        %gather3A_648 = tpu.vector_load_idx %arg8[%add3A_20, %broadcast_in_dim3A_647] : memref<64x128xf32, #tpu.memory_space<vmem>>[vector<16xi32>, vector<16xi32>], vector<16xf32>,
        %add3A_649 = arith.constant 16 : i32
        %add3A_650 = vector.broadcast %add3A_649 : i32 to vector<16xi32>
        %add3A_651 = arith.addi %add3A_650, %iota3A : vector<16xi32>
        tpu.vector_store_idx %arg9[%broadcast_in_dim3A_641, %add3A_651], %gather3A_648 : memref<16x64xf32, #tpu.memory_space<vmem>>[vector<16xi32>, vector<16xi32>], vector<16xf32>,
        %broadcast_in_dim3A_652 = vector.broadcast %squeeze3A_639 : i32 to vector<16xi32>
        %gather3A_653 = tpu.vector_load_idx %arg8[%add3A_23, %broadcast_in_dim3A_652] : memref<64x128xf32, #tpu.memory_space<vmem>>[vector<16xi32>, vector<16xi32>], vector<16xf32>,
        %add3A_654 = arith.constant 32 : i32
        %add3A_655 = vector.broadcast %add3A_654 : i32 to vector<16xi32>
        %add3A_656 = arith.addi %add3A_655, %iota3A : vector<16xi32>
        tpu.vector_store_idx %arg9[%broadcast_in_dim3A_641, %add3A_656], %gather3A_653 : memref<16x64xf32, #tpu.memory_space<vmem>>[vector<16xi32>, vector<16xi32>], vector<16xf32>,
        %broadcast_in_dim3A_657 = vector.broadcast %squeeze3A_639 : i32 to vector<16xi32>
        %gather3A_658 = tpu.vector_load_idx %arg8[%add3A_26, %broadcast_in_dim3A_657] : memref<64x128xf32, #tpu.memory_space<vmem>>[vector<16xi32>, vector<16xi32>], vector<16xf32>,
        %add3A_659 = arith.constant 48 : i32
        %add3A_660 = vector.broadcast %add3A_659 : i32 to vector<16xi32>
        %add3A_661 = arith.addi %add3A_660, %iota3A : vector<16xi32>
        tpu.vector_store_idx %arg9[%broadcast_in_dim3A_641, %add3A_661], %gather3A_658 : memref<16x64xf32, #tpu.memory_space<vmem>>[vector<16xi32>, vector<16xi32>], vector<16xf32>,
        %slice3A_662 = vector.extract_strided_slice %sub3A_327 {offsets = [14], sizes = [1], strides = [1]} : vector<16xi32> to vector<1xi32>
        %squeeze3A_663 = vector.extract %slice3A_662[0] : i32 from vector<1xi32>
        %broadcast_in_dim3A_664 = arith.constant 14 : i32
        %broadcast_in_dim3A_665 = vector.broadcast %broadcast_in_dim3A_664 : i32 to vector<16xi32>
        %broadcast_in_dim3A_666 = vector.broadcast %squeeze3A_663 : i32 to vector<16xi32>
        %gather3A_667 = tpu.vector_load_idx %arg8[%add3A_17, %broadcast_in_dim3A_666] : memref<64x128xf32, #tpu.memory_space<vmem>>[vector<16xi32>, vector<16xi32>], vector<16xf32>,
        %add3A_668 = arith.constant 0 : i32
        %add3A_669 = vector.broadcast %add3A_668 : i32 to vector<16xi32>
        %add3A_670 = arith.addi %add3A_669, %iota3A : vector<16xi32>
        tpu.vector_store_idx %arg9[%broadcast_in_dim3A_665, %add3A_670], %gather3A_667 : memref<16x64xf32, #tpu.memory_space<vmem>>[vector<16xi32>, vector<16xi32>], vector<16xf32>,
        %broadcast_in_dim3A_671 = vector.broadcast %squeeze3A_663 : i32 to vector<16xi32>
        %gather3A_672 = tpu.vector_load_idx %arg8[%add3A_20, %broadcast_in_dim3A_671] : memref<64x128xf32, #tpu.memory_space<vmem>>[vector<16xi32>, vector<16xi32>], vector<16xf32>,
        %add3A_673 = arith.constant 16 : i32
        %add3A_674 = vector.broadcast %add3A_673 : i32 to vector<16xi32>
        %add3A_675 = arith.addi %add3A_674, %iota3A : vector<16xi32>
        tpu.vector_store_idx %arg9[%broadcast_in_dim3A_665, %add3A_675], %gather3A_672 : memref<16x64xf32, #tpu.memory_space<vmem>>[vector<16xi32>, vector<16xi32>], vector<16xf32>,
        %broadcast_in_dim3A_676 = vector.broadcast %squeeze3A_663 : i32 to vector<16xi32>
        %gather3A_677 = tpu.vector_load_idx %arg8[%add3A_23, %broadcast_in_dim3A_676] : memref<64x128xf32, #tpu.memory_space<vmem>>[vector<16xi32>, vector<16xi32>], vector<16xf32>,
        %add3A_678 = arith.constant 32 : i32
        %add3A_679 = vector.broadcast %add3A_678 : i32 to vector<16xi32>
        %add3A_680 = arith.addi %add3A_679, %iota3A : vector<16xi32>
        tpu.vector_store_idx %arg9[%broadcast_in_dim3A_665, %add3A_680], %gather3A_677 : memref<16x64xf32, #tpu.memory_space<vmem>>[vector<16xi32>, vector<16xi32>], vector<16xf32>,
        %broadcast_in_dim3A_681 = vector.broadcast %squeeze3A_663 : i32 to vector<16xi32>
        %gather3A_682 = tpu.vector_load_idx %arg8[%add3A_26, %broadcast_in_dim3A_681] : memref<64x128xf32, #tpu.memory_space<vmem>>[vector<16xi32>, vector<16xi32>], vector<16xf32>,
        %add3A_683 = arith.constant 48 : i32
        %add3A_684 = vector.broadcast %add3A_683 : i32 to vector<16xi32>
        %add3A_685 = arith.addi %add3A_684, %iota3A : vector<16xi32>
        tpu.vector_store_idx %arg9[%broadcast_in_dim3A_665, %add3A_685], %gather3A_682 : memref<16x64xf32, #tpu.memory_space<vmem>>[vector<16xi32>, vector<16xi32>], vector<16xf32>,
        %slice3A_686 = vector.extract_strided_slice %sub3A_327 {offsets = [15], sizes = [1], strides = [1]} : vector<16xi32> to vector<1xi32>
        %squeeze3A_687 = vector.extract %slice3A_686[0] : i32 from vector<1xi32>
        %broadcast_in_dim3A_688 = arith.constant 15 : i32
        %broadcast_in_dim3A_689 = vector.broadcast %broadcast_in_dim3A_688 : i32 to vector<16xi32>
        %broadcast_in_dim3A_690 = vector.broadcast %squeeze3A_687 : i32 to vector<16xi32>
        %gather3A_691 = tpu.vector_load_idx %arg8[%add3A_17, %broadcast_in_dim3A_690] : memref<64x128xf32, #tpu.memory_space<vmem>>[vector<16xi32>, vector<16xi32>], vector<16xf32>,
        %add3A_692 = arith.constant 0 : i32
        %add3A_693 = vector.broadcast %add3A_692 : i32 to vector<16xi32>
        %add3A_694 = arith.addi %add3A_693, %iota3A : vector<16xi32>
        tpu.vector_store_idx %arg9[%broadcast_in_dim3A_689, %add3A_694], %gather3A_691 : memref<16x64xf32, #tpu.memory_space<vmem>>[vector<16xi32>, vector<16xi32>], vector<16xf32>,
        %broadcast_in_dim3A_695 = vector.broadcast %squeeze3A_687 : i32 to vector<16xi32>
        %gather3A_696 = tpu.vector_load_idx %arg8[%add3A_20, %broadcast_in_dim3A_695] : memref<64x128xf32, #tpu.memory_space<vmem>>[vector<16xi32>, vector<16xi32>], vector<16xf32>,
        %add3A_697 = arith.constant 16 : i32
        %add3A_698 = vector.broadcast %add3A_697 : i32 to vector<16xi32>
        %add3A_699 = arith.addi %add3A_698, %iota3A : vector<16xi32>
        tpu.vector_store_idx %arg9[%broadcast_in_dim3A_689, %add3A_699], %gather3A_696 : memref<16x64xf32, #tpu.memory_space<vmem>>[vector<16xi32>, vector<16xi32>], vector<16xf32>,
        %broadcast_in_dim3A_700 = vector.broadcast %squeeze3A_687 : i32 to vector<16xi32>
        %gather3A_701 = tpu.vector_load_idx %arg8[%add3A_23, %broadcast_in_dim3A_700] : memref<64x128xf32, #tpu.memory_space<vmem>>[vector<16xi32>, vector<16xi32>], vector<16xf32>,
        %add3A_702 = arith.constant 32 : i32
        %add3A_703 = vector.broadcast %add3A_702 : i32 to vector<16xi32>
        %add3A_704 = arith.addi %add3A_703, %iota3A : vector<16xi32>
        tpu.vector_store_idx %arg9[%broadcast_in_dim3A_689, %add3A_704], %gather3A_701 : memref<16x64xf32, #tpu.memory_space<vmem>>[vector<16xi32>, vector<16xi32>], vector<16xf32>,
        %broadcast_in_dim3A_705 = vector.broadcast %squeeze3A_687 : i32 to vector<16xi32>
        %gather3A_706 = tpu.vector_load_idx %arg8[%add3A_26, %broadcast_in_dim3A_705] : memref<64x128xf32, #tpu.memory_space<vmem>>[vector<16xi32>, vector<16xi32>], vector<16xf32>,
        %add3A_707 = arith.constant 48 : i32
        %add3A_708 = vector.broadcast %add3A_707 : i32 to vector<16xi32>
        %add3A_709 = arith.addi %add3A_708, %iota3A : vector<16xi32>
        tpu.vector_store_idx %arg9[%broadcast_in_dim3A_689, %add3A_709], %gather3A_706 : memref<16x64xf32, #tpu.memory_space<vmem>>[vector<16xi32>, vector<16xi32>], vector<16xf32>,
        %slice3A_710 = vector.extract_strided_slice %and3A_329 {offsets = [0], sizes = [1], strides = [1]} : vector<16xi32> to vector<1xi32>
        %squeeze3A_711 = vector.extract %slice3A_710[0] : i32 from vector<1xi32>
        %dma_start3A_712 = arith.constant 0 : i32
        %dma_start3A_713 = arith.constant 0 : i32
        %dma_start3A_714 = tpu.memref_slice %arg9[%dma_start3A_712, %dma_start3A_713] : memref<16x64xf32, #tpu.memory_space<vmem>> -> memref<1x64xf32, #tpu.memory_space<vmem>>
        %dma_start3A_715 = arith.constant 0 : i32
        %dma_start3A_716 = tpu.memref_slice %arg5[%squeeze3A_711, %dma_start3A_715] : memref<16384x64xf32, #tpu.memory_space<hbm>> -> memref<1x64xf32, #tpu.memory_space<hbm>>
        %dma_start3A_717 = arith.constant 0 : i32
        %dma_start3A_718 = tpu.memref_slice %arg5[%squeeze3A_711, %dma_start3A_717] : memref<16384x64xf32, #tpu.memory_space<hbm>> -> memref<1x64xf32, #tpu.memory_space<hbm>>
        %dma_start3A_719 = arith.constant 0 : i32
        %dma_start3A_720 = arith.constant 0 : i32
        %dma_start3A_721 = tpu.memref_slice %arg9[%dma_start3A_719, %dma_start3A_720] : memref<16x64xf32, #tpu.memory_space<vmem>> -> memref<1x64xf32, #tpu.memory_space<vmem>>
        tpu.enqueue_dma source(%dma_start3A_721 : memref<1x64xf32, #tpu.memory_space<vmem>>) target(%dma_start3A_718 : memref<1x64xf32, #tpu.memory_space<hbm>>) target_semaphore(%arg12 : memref<!tpu.dma_semaphore, #tpu.memory_space<semaphore_mem>>)
        %slice3A_722 = vector.extract_strided_slice %and3A_329 {offsets = [1], sizes = [1], strides = [1]} : vector<16xi32> to vector<1xi32>
        %squeeze3A_723 = vector.extract %slice3A_722[0] : i32 from vector<1xi32>
        %dma_start3A_724 = arith.constant 1 : i32
        %dma_start3A_725 = arith.constant 0 : i32
        %dma_start3A_726 = tpu.memref_slice %arg9[%dma_start3A_724, %dma_start3A_725] : memref<16x64xf32, #tpu.memory_space<vmem>> -> memref<1x64xf32, #tpu.memory_space<vmem>>
        %dma_start3A_727 = arith.constant 0 : i32
        %dma_start3A_728 = tpu.memref_slice %arg5[%squeeze3A_723, %dma_start3A_727] : memref<16384x64xf32, #tpu.memory_space<hbm>> -> memref<1x64xf32, #tpu.memory_space<hbm>>
        %dma_start3A_729 = arith.constant 0 : i32
        %dma_start3A_730 = tpu.memref_slice %arg5[%squeeze3A_723, %dma_start3A_729] : memref<16384x64xf32, #tpu.memory_space<hbm>> -> memref<1x64xf32, #tpu.memory_space<hbm>>
        %dma_start3A_731 = arith.constant 1 : i32
        %dma_start3A_732 = arith.constant 0 : i32
        %dma_start3A_733 = tpu.memref_slice %arg9[%dma_start3A_731, %dma_start3A_732] : memref<16x64xf32, #tpu.memory_space<vmem>> -> memref<1x64xf32, #tpu.memory_space<vmem>>
        tpu.enqueue_dma source(%dma_start3A_733 : memref<1x64xf32, #tpu.memory_space<vmem>>) target(%dma_start3A_730 : memref<1x64xf32, #tpu.memory_space<hbm>>) target_semaphore(%arg12 : memref<!tpu.dma_semaphore, #tpu.memory_space<semaphore_mem>>)
        %slice3A_734 = vector.extract_strided_slice %and3A_329 {offsets = [2], sizes = [1], strides = [1]} : vector<16xi32> to vector<1xi32>
        %squeeze3A_735 = vector.extract %slice3A_734[0] : i32 from vector<1xi32>
        %dma_start3A_736 = arith.constant 2 : i32
        %dma_start3A_737 = arith.constant 0 : i32
        %dma_start3A_738 = tpu.memref_slice %arg9[%dma_start3A_736, %dma_start3A_737] : memref<16x64xf32, #tpu.memory_space<vmem>> -> memref<1x64xf32, #tpu.memory_space<vmem>>
        %dma_start3A_739 = arith.constant 0 : i32
        %dma_start3A_740 = tpu.memref_slice %arg5[%squeeze3A_735, %dma_start3A_739] : memref<16384x64xf32, #tpu.memory_space<hbm>> -> memref<1x64xf32, #tpu.memory_space<hbm>>
        %dma_start3A_741 = arith.constant 0 : i32
        %dma_start3A_742 = tpu.memref_slice %arg5[%squeeze3A_735, %dma_start3A_741] : memref<16384x64xf32, #tpu.memory_space<hbm>> -> memref<1x64xf32, #tpu.memory_space<hbm>>
        %dma_start3A_743 = arith.constant 2 : i32
        %dma_start3A_744 = arith.constant 0 : i32
        %dma_start3A_745 = tpu.memref_slice %arg9[%dma_start3A_743, %dma_start3A_744] : memref<16x64xf32, #tpu.memory_space<vmem>> -> memref<1x64xf32, #tpu.memory_space<vmem>>
        tpu.enqueue_dma source(%dma_start3A_745 : memref<1x64xf32, #tpu.memory_space<vmem>>) target(%dma_start3A_742 : memref<1x64xf32, #tpu.memory_space<hbm>>) target_semaphore(%arg12 : memref<!tpu.dma_semaphore, #tpu.memory_space<semaphore_mem>>)
        %slice3A_746 = vector.extract_strided_slice %and3A_329 {offsets = [3], sizes = [1], strides = [1]} : vector<16xi32> to vector<1xi32>
        %squeeze3A_747 = vector.extract %slice3A_746[0] : i32 from vector<1xi32>
        %dma_start3A_748 = arith.constant 3 : i32
        %dma_start3A_749 = arith.constant 0 : i32
        %dma_start3A_750 = tpu.memref_slice %arg9[%dma_start3A_748, %dma_start3A_749] : memref<16x64xf32, #tpu.memory_space<vmem>> -> memref<1x64xf32, #tpu.memory_space<vmem>>
        %dma_start3A_751 = arith.constant 0 : i32
        %dma_start3A_752 = tpu.memref_slice %arg5[%squeeze3A_747, %dma_start3A_751] : memref<16384x64xf32, #tpu.memory_space<hbm>> -> memref<1x64xf32, #tpu.memory_space<hbm>>
        %dma_start3A_753 = arith.constant 0 : i32
        %dma_start3A_754 = tpu.memref_slice %arg5[%squeeze3A_747, %dma_start3A_753] : memref<16384x64xf32, #tpu.memory_space<hbm>> -> memref<1x64xf32, #tpu.memory_space<hbm>>
        %dma_start3A_755 = arith.constant 3 : i32
        %dma_start3A_756 = arith.constant 0 : i32
        %dma_start3A_757 = tpu.memref_slice %arg9[%dma_start3A_755, %dma_start3A_756] : memref<16x64xf32, #tpu.memory_space<vmem>> -> memref<1x64xf32, #tpu.memory_space<vmem>>
        tpu.enqueue_dma source(%dma_start3A_757 : memref<1x64xf32, #tpu.memory_space<vmem>>) target(%dma_start3A_754 : memref<1x64xf32, #tpu.memory_space<hbm>>) target_semaphore(%arg12 : memref<!tpu.dma_semaphore, #tpu.memory_space<semaphore_mem>>)
        %slice3A_758 = vector.extract_strided_slice %and3A_329 {offsets = [4], sizes = [1], strides = [1]} : vector<16xi32> to vector<1xi32>
        %squeeze3A_759 = vector.extract %slice3A_758[0] : i32 from vector<1xi32>
        %dma_start3A_760 = arith.constant 4 : i32
        %dma_start3A_761 = arith.constant 0 : i32
        %dma_start3A_762 = tpu.memref_slice %arg9[%dma_start3A_760, %dma_start3A_761] : memref<16x64xf32, #tpu.memory_space<vmem>> -> memref<1x64xf32, #tpu.memory_space<vmem>>
        %dma_start3A_763 = arith.constant 0 : i32
        %dma_start3A_764 = tpu.memref_slice %arg5[%squeeze3A_759, %dma_start3A_763] : memref<16384x64xf32, #tpu.memory_space<hbm>> -> memref<1x64xf32, #tpu.memory_space<hbm>>
        %dma_start3A_765 = arith.constant 0 : i32
        %dma_start3A_766 = tpu.memref_slice %arg5[%squeeze3A_759, %dma_start3A_765] : memref<16384x64xf32, #tpu.memory_space<hbm>> -> memref<1x64xf32, #tpu.memory_space<hbm>>
        %dma_start3A_767 = arith.constant 4 : i32
        %dma_start3A_768 = arith.constant 0 : i32
        %dma_start3A_769 = tpu.memref_slice %arg9[%dma_start3A_767, %dma_start3A_768] : memref<16x64xf32, #tpu.memory_space<vmem>> -> memref<1x64xf32, #tpu.memory_space<vmem>>
        tpu.enqueue_dma source(%dma_start3A_769 : memref<1x64xf32, #tpu.memory_space<vmem>>) target(%dma_start3A_766 : memref<1x64xf32, #tpu.memory_space<hbm>>) target_semaphore(%arg12 : memref<!tpu.dma_semaphore, #tpu.memory_space<semaphore_mem>>)
        %slice3A_770 = vector.extract_strided_slice %and3A_329 {offsets = [5], sizes = [1], strides = [1]} : vector<16xi32> to vector<1xi32>
        %squeeze3A_771 = vector.extract %slice3A_770[0] : i32 from vector<1xi32>
        %dma_start3A_772 = arith.constant 5 : i32
        %dma_start3A_773 = arith.constant 0 : i32
        %dma_start3A_774 = tpu.memref_slice %arg9[%dma_start3A_772, %dma_start3A_773] : memref<16x64xf32, #tpu.memory_space<vmem>> -> memref<1x64xf32, #tpu.memory_space<vmem>>
        %dma_start3A_775 = arith.constant 0 : i32
        %dma_start3A_776 = tpu.memref_slice %arg5[%squeeze3A_771, %dma_start3A_775] : memref<16384x64xf32, #tpu.memory_space<hbm>> -> memref<1x64xf32, #tpu.memory_space<hbm>>
        %dma_start3A_777 = arith.constant 0 : i32
        %dma_start3A_778 = tpu.memref_slice %arg5[%squeeze3A_771, %dma_start3A_777] : memref<16384x64xf32, #tpu.memory_space<hbm>> -> memref<1x64xf32, #tpu.memory_space<hbm>>
        %dma_start3A_779 = arith.constant 5 : i32
        %dma_start3A_780 = arith.constant 0 : i32
        %dma_start3A_781 = tpu.memref_slice %arg9[%dma_start3A_779, %dma_start3A_780] : memref<16x64xf32, #tpu.memory_space<vmem>> -> memref<1x64xf32, #tpu.memory_space<vmem>>
        tpu.enqueue_dma source(%dma_start3A_781 : memref<1x64xf32, #tpu.memory_space<vmem>>) target(%dma_start3A_778 : memref<1x64xf32, #tpu.memory_space<hbm>>) target_semaphore(%arg12 : memref<!tpu.dma_semaphore, #tpu.memory_space<semaphore_mem>>)
        %slice3A_782 = vector.extract_strided_slice %and3A_329 {offsets = [6], sizes = [1], strides = [1]} : vector<16xi32> to vector<1xi32>
        %squeeze3A_783 = vector.extract %slice3A_782[0] : i32 from vector<1xi32>
        %dma_start3A_784 = arith.constant 6 : i32
        %dma_start3A_785 = arith.constant 0 : i32
        %dma_start3A_786 = tpu.memref_slice %arg9[%dma_start3A_784, %dma_start3A_785] : memref<16x64xf32, #tpu.memory_space<vmem>> -> memref<1x64xf32, #tpu.memory_space<vmem>>
        %dma_start3A_787 = arith.constant 0 : i32
        %dma_start3A_788 = tpu.memref_slice %arg5[%squeeze3A_783, %dma_start3A_787] : memref<16384x64xf32, #tpu.memory_space<hbm>> -> memref<1x64xf32, #tpu.memory_space<hbm>>
        %dma_start3A_789 = arith.constant 0 : i32
        %dma_start3A_790 = tpu.memref_slice %arg5[%squeeze3A_783, %dma_start3A_789] : memref<16384x64xf32, #tpu.memory_space<hbm>> -> memref<1x64xf32, #tpu.memory_space<hbm>>
        %dma_start3A_791 = arith.constant 6 : i32
        %dma_start3A_792 = arith.constant 0 : i32
        %dma_start3A_793 = tpu.memref_slice %arg9[%dma_start3A_791, %dma_start3A_792] : memref<16x64xf32, #tpu.memory_space<vmem>> -> memref<1x64xf32, #tpu.memory_space<vmem>>
        tpu.enqueue_dma source(%dma_start3A_793 : memref<1x64xf32, #tpu.memory_space<vmem>>) target(%dma_start3A_790 : memref<1x64xf32, #tpu.memory_space<hbm>>) target_semaphore(%arg12 : memref<!tpu.dma_semaphore, #tpu.memory_space<semaphore_mem>>)
        %slice3A_794 = vector.extract_strided_slice %and3A_329 {offsets = [7], sizes = [1], strides = [1]} : vector<16xi32> to vector<1xi32>
        %squeeze3A_795 = vector.extract %slice3A_794[0] : i32 from vector<1xi32>
        %dma_start3A_796 = arith.constant 7 : i32
        %dma_start3A_797 = arith.constant 0 : i32
        %dma_start3A_798 = tpu.memref_slice %arg9[%dma_start3A_796, %dma_start3A_797] : memref<16x64xf32, #tpu.memory_space<vmem>> -> memref<1x64xf32, #tpu.memory_space<vmem>>
        %dma_start3A_799 = arith.constant 0 : i32
        %dma_start3A_800 = tpu.memref_slice %arg5[%squeeze3A_795, %dma_start3A_799] : memref<16384x64xf32, #tpu.memory_space<hbm>> -> memref<1x64xf32, #tpu.memory_space<hbm>>
        %dma_start3A_801 = arith.constant 0 : i32
        %dma_start3A_802 = tpu.memref_slice %arg5[%squeeze3A_795, %dma_start3A_801] : memref<16384x64xf32, #tpu.memory_space<hbm>> -> memref<1x64xf32, #tpu.memory_space<hbm>>
        %dma_start3A_803 = arith.constant 7 : i32
        %dma_start3A_804 = arith.constant 0 : i32
        %dma_start3A_805 = tpu.memref_slice %arg9[%dma_start3A_803, %dma_start3A_804] : memref<16x64xf32, #tpu.memory_space<vmem>> -> memref<1x64xf32, #tpu.memory_space<vmem>>
        tpu.enqueue_dma source(%dma_start3A_805 : memref<1x64xf32, #tpu.memory_space<vmem>>) target(%dma_start3A_802 : memref<1x64xf32, #tpu.memory_space<hbm>>) target_semaphore(%arg12 : memref<!tpu.dma_semaphore, #tpu.memory_space<semaphore_mem>>)
        %slice3A_806 = vector.extract_strided_slice %and3A_329 {offsets = [8], sizes = [1], strides = [1]} : vector<16xi32> to vector<1xi32>
        %squeeze3A_807 = vector.extract %slice3A_806[0] : i32 from vector<1xi32>
        %dma_start3A_808 = arith.constant 8 : i32
        %dma_start3A_809 = arith.constant 0 : i32
        %dma_start3A_810 = tpu.memref_slice %arg9[%dma_start3A_808, %dma_start3A_809] : memref<16x64xf32, #tpu.memory_space<vmem>> -> memref<1x64xf32, #tpu.memory_space<vmem>>
        %dma_start3A_811 = arith.constant 0 : i32
        %dma_start3A_812 = tpu.memref_slice %arg5[%squeeze3A_807, %dma_start3A_811] : memref<16384x64xf32, #tpu.memory_space<hbm>> -> memref<1x64xf32, #tpu.memory_space<hbm>>
        %dma_start3A_813 = arith.constant 0 : i32
        %dma_start3A_814 = tpu.memref_slice %arg5[%squeeze3A_807, %dma_start3A_813] : memref<16384x64xf32, #tpu.memory_space<hbm>> -> memref<1x64xf32, #tpu.memory_space<hbm>>
        %dma_start3A_815 = arith.constant 8 : i32
        %dma_start3A_816 = arith.constant 0 : i32
        %dma_start3A_817 = tpu.memref_slice %arg9[%dma_start3A_815, %dma_start3A_816] : memref<16x64xf32, #tpu.memory_space<vmem>> -> memref<1x64xf32, #tpu.memory_space<vmem>>
        tpu.enqueue_dma source(%dma_start3A_817 : memref<1x64xf32, #tpu.memory_space<vmem>>) target(%dma_start3A_814 : memref<1x64xf32, #tpu.memory_space<hbm>>) target_semaphore(%arg12 : memref<!tpu.dma_semaphore, #tpu.memory_space<semaphore_mem>>)
        %slice3A_818 = vector.extract_strided_slice %and3A_329 {offsets = [9], sizes = [1], strides = [1]} : vector<16xi32> to vector<1xi32>
        %squeeze3A_819 = vector.extract %slice3A_818[0] : i32 from vector<1xi32>
        %dma_start3A_820 = arith.constant 9 : i32
        %dma_start3A_821 = arith.constant 0 : i32
        %dma_start3A_822 = tpu.memref_slice %arg9[%dma_start3A_820, %dma_start3A_821] : memref<16x64xf32, #tpu.memory_space<vmem>> -> memref<1x64xf32, #tpu.memory_space<vmem>>
        %dma_start3A_823 = arith.constant 0 : i32
        %dma_start3A_824 = tpu.memref_slice %arg5[%squeeze3A_819, %dma_start3A_823] : memref<16384x64xf32, #tpu.memory_space<hbm>> -> memref<1x64xf32, #tpu.memory_space<hbm>>
        %dma_start3A_825 = arith.constant 0 : i32
        %dma_start3A_826 = tpu.memref_slice %arg5[%squeeze3A_819, %dma_start3A_825] : memref<16384x64xf32, #tpu.memory_space<hbm>> -> memref<1x64xf32, #tpu.memory_space<hbm>>
        %dma_start3A_827 = arith.constant 9 : i32
        %dma_start3A_828 = arith.constant 0 : i32
        %dma_start3A_829 = tpu.memref_slice %arg9[%dma_start3A_827, %dma_start3A_828] : memref<16x64xf32, #tpu.memory_space<vmem>> -> memref<1x64xf32, #tpu.memory_space<vmem>>
        tpu.enqueue_dma source(%dma_start3A_829 : memref<1x64xf32, #tpu.memory_space<vmem>>) target(%dma_start3A_826 : memref<1x64xf32, #tpu.memory_space<hbm>>) target_semaphore(%arg12 : memref<!tpu.dma_semaphore, #tpu.memory_space<semaphore_mem>>)
        %slice3A_830 = vector.extract_strided_slice %and3A_329 {offsets = [10], sizes = [1], strides = [1]} : vector<16xi32> to vector<1xi32>
        %squeeze3A_831 = vector.extract %slice3A_830[0] : i32 from vector<1xi32>
        %dma_start3A_832 = arith.constant 10 : i32
        %dma_start3A_833 = arith.constant 0 : i32
        %dma_start3A_834 = tpu.memref_slice %arg9[%dma_start3A_832, %dma_start3A_833] : memref<16x64xf32, #tpu.memory_space<vmem>> -> memref<1x64xf32, #tpu.memory_space<vmem>>
        %dma_start3A_835 = arith.constant 0 : i32
        %dma_start3A_836 = tpu.memref_slice %arg5[%squeeze3A_831, %dma_start3A_835] : memref<16384x64xf32, #tpu.memory_space<hbm>> -> memref<1x64xf32, #tpu.memory_space<hbm>>
        %dma_start3A_837 = arith.constant 0 : i32
        %dma_start3A_838 = tpu.memref_slice %arg5[%squeeze3A_831, %dma_start3A_837] : memref<16384x64xf32, #tpu.memory_space<hbm>> -> memref<1x64xf32, #tpu.memory_space<hbm>>
        %dma_start3A_839 = arith.constant 10 : i32
        %dma_start3A_840 = arith.constant 0 : i32
        %dma_start3A_841 = tpu.memref_slice %arg9[%dma_start3A_839, %dma_start3A_840] : memref<16x64xf32, #tpu.memory_space<vmem>> -> memref<1x64xf32, #tpu.memory_space<vmem>>
        tpu.enqueue_dma source(%dma_start3A_841 : memref<1x64xf32, #tpu.memory_space<vmem>>) target(%dma_start3A_838 : memref<1x64xf32, #tpu.memory_space<hbm>>) target_semaphore(%arg12 : memref<!tpu.dma_semaphore, #tpu.memory_space<semaphore_mem>>)
        %slice3A_842 = vector.extract_strided_slice %and3A_329 {offsets = [11], sizes = [1], strides = [1]} : vector<16xi32> to vector<1xi32>
        %squeeze3A_843 = vector.extract %slice3A_842[0] : i32 from vector<1xi32>
        %dma_start3A_844 = arith.constant 11 : i32
        %dma_start3A_845 = arith.constant 0 : i32
        %dma_start3A_846 = tpu.memref_slice %arg9[%dma_start3A_844, %dma_start3A_845] : memref<16x64xf32, #tpu.memory_space<vmem>> -> memref<1x64xf32, #tpu.memory_space<vmem>>
        %dma_start3A_847 = arith.constant 0 : i32
        %dma_start3A_848 = tpu.memref_slice %arg5[%squeeze3A_843, %dma_start3A_847] : memref<16384x64xf32, #tpu.memory_space<hbm>> -> memref<1x64xf32, #tpu.memory_space<hbm>>
        %dma_start3A_849 = arith.constant 0 : i32
        %dma_start3A_850 = tpu.memref_slice %arg5[%squeeze3A_843, %dma_start3A_849] : memref<16384x64xf32, #tpu.memory_space<hbm>> -> memref<1x64xf32, #tpu.memory_space<hbm>>
        %dma_start3A_851 = arith.constant 11 : i32
        %dma_start3A_852 = arith.constant 0 : i32
        %dma_start3A_853 = tpu.memref_slice %arg9[%dma_start3A_851, %dma_start3A_852] : memref<16x64xf32, #tpu.memory_space<vmem>> -> memref<1x64xf32, #tpu.memory_space<vmem>>
        tpu.enqueue_dma source(%dma_start3A_853 : memref<1x64xf32, #tpu.memory_space<vmem>>) target(%dma_start3A_850 : memref<1x64xf32, #tpu.memory_space<hbm>>) target_semaphore(%arg12 : memref<!tpu.dma_semaphore, #tpu.memory_space<semaphore_mem>>)
        %slice3A_854 = vector.extract_strided_slice %and3A_329 {offsets = [12], sizes = [1], strides = [1]} : vector<16xi32> to vector<1xi32>
        %squeeze3A_855 = vector.extract %slice3A_854[0] : i32 from vector<1xi32>
        %dma_start3A_856 = arith.constant 12 : i32
        %dma_start3A_857 = arith.constant 0 : i32
        %dma_start3A_858 = tpu.memref_slice %arg9[%dma_start3A_856, %dma_start3A_857] : memref<16x64xf32, #tpu.memory_space<vmem>> -> memref<1x64xf32, #tpu.memory_space<vmem>>
        %dma_start3A_859 = arith.constant 0 : i32
        %dma_start3A_860 = tpu.memref_slice %arg5[%squeeze3A_855, %dma_start3A_859] : memref<16384x64xf32, #tpu.memory_space<hbm>> -> memref<1x64xf32, #tpu.memory_space<hbm>>
        %dma_start3A_861 = arith.constant 0 : i32
        %dma_start3A_862 = tpu.memref_slice %arg5[%squeeze3A_855, %dma_start3A_861] : memref<16384x64xf32, #tpu.memory_space<hbm>> -> memref<1x64xf32, #tpu.memory_space<hbm>>
        %dma_start3A_863 = arith.constant 12 : i32
        %dma_start3A_864 = arith.constant 0 : i32
        %dma_start3A_865 = tpu.memref_slice %arg9[%dma_start3A_863, %dma_start3A_864] : memref<16x64xf32, #tpu.memory_space<vmem>> -> memref<1x64xf32, #tpu.memory_space<vmem>>
        tpu.enqueue_dma source(%dma_start3A_865 : memref<1x64xf32, #tpu.memory_space<vmem>>) target(%dma_start3A_862 : memref<1x64xf32, #tpu.memory_space<hbm>>) target_semaphore(%arg12 : memref<!tpu.dma_semaphore, #tpu.memory_space<semaphore_mem>>)
        %slice3A_866 = vector.extract_strided_slice %and3A_329 {offsets = [13], sizes = [1], strides = [1]} : vector<16xi32> to vector<1xi32>
        %squeeze3A_867 = vector.extract %slice3A_866[0] : i32 from vector<1xi32>
        %dma_start3A_868 = arith.constant 13 : i32
        %dma_start3A_869 = arith.constant 0 : i32
        %dma_start3A_870 = tpu.memref_slice %arg9[%dma_start3A_868, %dma_start3A_869] : memref<16x64xf32, #tpu.memory_space<vmem>> -> memref<1x64xf32, #tpu.memory_space<vmem>>
        %dma_start3A_871 = arith.constant 0 : i32
        %dma_start3A_872 = tpu.memref_slice %arg5[%squeeze3A_867, %dma_start3A_871] : memref<16384x64xf32, #tpu.memory_space<hbm>> -> memref<1x64xf32, #tpu.memory_space<hbm>>
        %dma_start3A_873 = arith.constant 0 : i32
        %dma_start3A_874 = tpu.memref_slice %arg5[%squeeze3A_867, %dma_start3A_873] : memref<16384x64xf32, #tpu.memory_space<hbm>> -> memref<1x64xf32, #tpu.memory_space<hbm>>
        %dma_start3A_875 = arith.constant 13 : i32
        %dma_start3A_876 = arith.constant 0 : i32
        %dma_start3A_877 = tpu.memref_slice %arg9[%dma_start3A_875, %dma_start3A_876] : memref<16x64xf32, #tpu.memory_space<vmem>> -> memref<1x64xf32, #tpu.memory_space<vmem>>
        tpu.enqueue_dma source(%dma_start3A_877 : memref<1x64xf32, #tpu.memory_space<vmem>>) target(%dma_start3A_874 : memref<1x64xf32, #tpu.memory_space<hbm>>) target_semaphore(%arg12 : memref<!tpu.dma_semaphore, #tpu.memory_space<semaphore_mem>>)
        %slice3A_878 = vector.extract_strided_slice %and3A_329 {offsets = [14], sizes = [1], strides = [1]} : vector<16xi32> to vector<1xi32>
        %squeeze3A_879 = vector.extract %slice3A_878[0] : i32 from vector<1xi32>
        %dma_start3A_880 = arith.constant 14 : i32
        %dma_start3A_881 = arith.constant 0 : i32
        %dma_start3A_882 = tpu.memref_slice %arg9[%dma_start3A_880, %dma_start3A_881] : memref<16x64xf32, #tpu.memory_space<vmem>> -> memref<1x64xf32, #tpu.memory_space<vmem>>
        %dma_start3A_883 = arith.constant 0 : i32
        %dma_start3A_884 = tpu.memref_slice %arg5[%squeeze3A_879, %dma_start3A_883] : memref<16384x64xf32, #tpu.memory_space<hbm>> -> memref<1x64xf32, #tpu.memory_space<hbm>>
        %dma_start3A_885 = arith.constant 0 : i32
        %dma_start3A_886 = tpu.memref_slice %arg5[%squeeze3A_879, %dma_start3A_885] : memref<16384x64xf32, #tpu.memory_space<hbm>> -> memref<1x64xf32, #tpu.memory_space<hbm>>
        %dma_start3A_887 = arith.constant 14 : i32
        %dma_start3A_888 = arith.constant 0 : i32
        %dma_start3A_889 = tpu.memref_slice %arg9[%dma_start3A_887, %dma_start3A_888] : memref<16x64xf32, #tpu.memory_space<vmem>> -> memref<1x64xf32, #tpu.memory_space<vmem>>
        tpu.enqueue_dma source(%dma_start3A_889 : memref<1x64xf32, #tpu.memory_space<vmem>>) target(%dma_start3A_886 : memref<1x64xf32, #tpu.memory_space<hbm>>) target_semaphore(%arg12 : memref<!tpu.dma_semaphore, #tpu.memory_space<semaphore_mem>>)
        %slice3A_890 = vector.extract_strided_slice %and3A_329 {offsets = [15], sizes = [1], strides = [1]} : vector<16xi32> to vector<1xi32>
        %squeeze3A_891 = vector.extract %slice3A_890[0] : i32 from vector<1xi32>
        %dma_start3A_892 = arith.constant 15 : i32
        %dma_start3A_893 = arith.constant 0 : i32
        %dma_start3A_894 = tpu.memref_slice %arg9[%dma_start3A_892, %dma_start3A_893] : memref<16x64xf32, #tpu.memory_space<vmem>> -> memref<1x64xf32, #tpu.memory_space<vmem>>
        %dma_start3A_895 = arith.constant 0 : i32
        %dma_start3A_896 = tpu.memref_slice %arg5[%squeeze3A_891, %dma_start3A_895] : memref<16384x64xf32, #tpu.memory_space<hbm>> -> memref<1x64xf32, #tpu.memory_space<hbm>>
        %dma_start3A_897 = arith.constant 0 : i32
        %dma_start3A_898 = tpu.memref_slice %arg5[%squeeze3A_891, %dma_start3A_897] : memref<16384x64xf32, #tpu.memory_space<hbm>> -> memref<1x64xf32, #tpu.memory_space<hbm>>
        %dma_start3A_899 = arith.constant 15 : i32
        %dma_start3A_900 = arith.constant 0 : i32
        %dma_start3A_901 = tpu.memref_slice %arg9[%dma_start3A_899, %dma_start3A_900] : memref<16x64xf32, #tpu.memory_space<vmem>> -> memref<1x64xf32, #tpu.memory_space<vmem>>
        tpu.enqueue_dma source(%dma_start3A_901 : memref<1x64xf32, #tpu.memory_space<vmem>>) target(%dma_start3A_898 : memref<1x64xf32, #tpu.memory_space<hbm>>) target_semaphore(%arg12 : memref<!tpu.dma_semaphore, #tpu.memory_space<semaphore_mem>>)
        %dma_wait3A_902 = arith.constant 0 : i32
        %dma_wait3A_903 = arith.constant 0 : i32
        %dma_wait3A_904 = tpu.memref_slice %arg9[%dma_wait3A_902, %dma_wait3A_903] : memref<16x64xf32, #tpu.memory_space<vmem>> -> memref<1x64xf32, #tpu.memory_space<vmem>>
        %dma_wait3A_905 = arith.constant 0 : i32
        %dma_wait3A_906 = arith.constant 0 : i32
        %dma_wait3A_907 = tpu.memref_slice %arg5[%dma_wait3A_905, %dma_wait3A_906] : memref<16384x64xf32, #tpu.memory_space<hbm>> -> memref<1x64xf32, #tpu.memory_space<hbm>>
        %dma_wait3A_908 = arith.constant 0 : i32
        %dma_wait3A_909 = arith.constant 0 : i32
        %dma_wait3A_910 = tpu.memref_slice %arg5[%dma_wait3A_908, %dma_wait3A_909] : memref<16384x64xf32, #tpu.memory_space<hbm>> -> memref<1x64xf32, #tpu.memory_space<hbm>>
        %dma_wait3A_911 = arith.constant 0 : i32
        %dma_wait3A_912 = arith.constant 0 : i32
        %dma_wait3A_913 = tpu.memref_slice %arg9[%dma_wait3A_911, %dma_wait3A_912] : memref<16x64xf32, #tpu.memory_space<vmem>> -> memref<1x64xf32, #tpu.memory_space<vmem>>
        tpu.wait_dma2 semaphore(%arg12 : memref<!tpu.dma_semaphore, #tpu.memory_space<semaphore_mem>>) src(%dma_wait3A_913 : memref<1x64xf32, #tpu.memory_space<vmem>>) dst(%dma_wait3A_910 : memref<1x64xf32, #tpu.memory_space<hbm>>)
        %dma_wait3A_914 = arith.constant 0 : i32
        %dma_wait3A_915 = arith.constant 0 : i32
        %dma_wait3A_916 = tpu.memref_slice %arg9[%dma_wait3A_914, %dma_wait3A_915] : memref<16x64xf32, #tpu.memory_space<vmem>> -> memref<1x64xf32, #tpu.memory_space<vmem>>
        %dma_wait3A_917 = arith.constant 0 : i32
        %dma_wait3A_918 = arith.constant 0 : i32
        %dma_wait3A_919 = tpu.memref_slice %arg5[%dma_wait3A_917, %dma_wait3A_918] : memref<16384x64xf32, #tpu.memory_space<hbm>> -> memref<1x64xf32, #tpu.memory_space<hbm>>
        %dma_wait3A_920 = arith.constant 0 : i32
        %dma_wait3A_921 = arith.constant 0 : i32
        %dma_wait3A_922 = tpu.memref_slice %arg5[%dma_wait3A_920, %dma_wait3A_921] : memref<16384x64xf32, #tpu.memory_space<hbm>> -> memref<1x64xf32, #tpu.memory_space<hbm>>
        %dma_wait3A_923 = arith.constant 0 : i32
        %dma_wait3A_924 = arith.constant 0 : i32
        %dma_wait3A_925 = tpu.memref_slice %arg9[%dma_wait3A_923, %dma_wait3A_924] : memref<16x64xf32, #tpu.memory_space<vmem>> -> memref<1x64xf32, #tpu.memory_space<vmem>>
        tpu.wait_dma2 semaphore(%arg12 : memref<!tpu.dma_semaphore, #tpu.memory_space<semaphore_mem>>) src(%dma_wait3A_925 : memref<1x64xf32, #tpu.memory_space<vmem>>) dst(%dma_wait3A_922 : memref<1x64xf32, #tpu.memory_space<hbm>>)
        %dma_wait3A_926 = arith.constant 0 : i32
        %dma_wait3A_927 = arith.constant 0 : i32
        %dma_wait3A_928 = tpu.memref_slice %arg9[%dma_wait3A_926, %dma_wait3A_927] : memref<16x64xf32, #tpu.memory_space<vmem>> -> memref<1x64xf32, #tpu.memory_space<vmem>>
        %dma_wait3A_929 = arith.constant 0 : i32
        %dma_wait3A_930 = arith.constant 0 : i32
        %dma_wait3A_931 = tpu.memref_slice %arg5[%dma_wait3A_929, %dma_wait3A_930] : memref<16384x64xf32, #tpu.memory_space<hbm>> -> memref<1x64xf32, #tpu.memory_space<hbm>>
        %dma_wait3A_932 = arith.constant 0 : i32
        %dma_wait3A_933 = arith.constant 0 : i32
        %dma_wait3A_934 = tpu.memref_slice %arg5[%dma_wait3A_932, %dma_wait3A_933] : memref<16384x64xf32, #tpu.memory_space<hbm>> -> memref<1x64xf32, #tpu.memory_space<hbm>>
        %dma_wait3A_935 = arith.constant 0 : i32
        %dma_wait3A_936 = arith.constant 0 : i32
        %dma_wait3A_937 = tpu.memref_slice %arg9[%dma_wait3A_935, %dma_wait3A_936] : memref<16x64xf32, #tpu.memory_space<vmem>> -> memref<1x64xf32, #tpu.memory_space<vmem>>
        tpu.wait_dma2 semaphore(%arg12 : memref<!tpu.dma_semaphore, #tpu.memory_space<semaphore_mem>>) src(%dma_wait3A_937 : memref<1x64xf32, #tpu.memory_space<vmem>>) dst(%dma_wait3A_934 : memref<1x64xf32, #tpu.memory_space<hbm>>)
        %dma_wait3A_938 = arith.constant 0 : i32
        %dma_wait3A_939 = arith.constant 0 : i32
        %dma_wait3A_940 = tpu.memref_slice %arg9[%dma_wait3A_938, %dma_wait3A_939] : memref<16x64xf32, #tpu.memory_space<vmem>> -> memref<1x64xf32, #tpu.memory_space<vmem>>
        %dma_wait3A_941 = arith.constant 0 : i32
        %dma_wait3A_942 = arith.constant 0 : i32
        %dma_wait3A_943 = tpu.memref_slice %arg5[%dma_wait3A_941, %dma_wait3A_942] : memref<16384x64xf32, #tpu.memory_space<hbm>> -> memref<1x64xf32, #tpu.memory_space<hbm>>
        %dma_wait3A_944 = arith.constant 0 : i32
        %dma_wait3A_945 = arith.constant 0 : i32
        %dma_wait3A_946 = tpu.memref_slice %arg5[%dma_wait3A_944, %dma_wait3A_945] : memref<16384x64xf32, #tpu.memory_space<hbm>> -> memref<1x64xf32, #tpu.memory_space<hbm>>
        %dma_wait3A_947 = arith.constant 0 : i32
        %dma_wait3A_948 = arith.constant 0 : i32
        %dma_wait3A_949 = tpu.memref_slice %arg9[%dma_wait3A_947, %dma_wait3A_948] : memref<16x64xf32, #tpu.memory_space<vmem>> -> memref<1x64xf32, #tpu.memory_space<vmem>>
        tpu.wait_dma2 semaphore(%arg12 : memref<!tpu.dma_semaphore, #tpu.memory_space<semaphore_mem>>) src(%dma_wait3A_949 : memref<1x64xf32, #tpu.memory_space<vmem>>) dst(%dma_wait3A_946 : memref<1x64xf32, #tpu.memory_space<hbm>>)
        %dma_wait3A_950 = arith.constant 0 : i32
        %dma_wait3A_951 = arith.constant 0 : i32
        %dma_wait3A_952 = tpu.memref_slice %arg9[%dma_wait3A_950, %dma_wait3A_951] : memref<16x64xf32, #tpu.memory_space<vmem>> -> memref<1x64xf32, #tpu.memory_space<vmem>>
        %dma_wait3A_953 = arith.constant 0 : i32
        %dma_wait3A_954 = arith.constant 0 : i32
        %dma_wait3A_955 = tpu.memref_slice %arg5[%dma_wait3A_953, %dma_wait3A_954] : memref<16384x64xf32, #tpu.memory_space<hbm>> -> memref<1x64xf32, #tpu.memory_space<hbm>>
        %dma_wait3A_956 = arith.constant 0 : i32
        %dma_wait3A_957 = arith.constant 0 : i32
        %dma_wait3A_958 = tpu.memref_slice %arg5[%dma_wait3A_956, %dma_wait3A_957] : memref<16384x64xf32, #tpu.memory_space<hbm>> -> memref<1x64xf32, #tpu.memory_space<hbm>>
        %dma_wait3A_959 = arith.constant 0 : i32
        %dma_wait3A_960 = arith.constant 0 : i32
        %dma_wait3A_961 = tpu.memref_slice %arg9[%dma_wait3A_959, %dma_wait3A_960] : memref<16x64xf32, #tpu.memory_space<vmem>> -> memref<1x64xf32, #tpu.memory_space<vmem>>
        tpu.wait_dma2 semaphore(%arg12 : memref<!tpu.dma_semaphore, #tpu.memory_space<semaphore_mem>>) src(%dma_wait3A_961 : memref<1x64xf32, #tpu.memory_space<vmem>>) dst(%dma_wait3A_958 : memref<1x64xf32, #tpu.memory_space<hbm>>)
        %dma_wait3A_962 = arith.constant 0 : i32
        %dma_wait3A_963 = arith.constant 0 : i32
        %dma_wait3A_964 = tpu.memref_slice %arg9[%dma_wait3A_962, %dma_wait3A_963] : memref<16x64xf32, #tpu.memory_space<vmem>> -> memref<1x64xf32, #tpu.memory_space<vmem>>
        %dma_wait3A_965 = arith.constant 0 : i32
        %dma_wait3A_966 = arith.constant 0 : i32
        %dma_wait3A_967 = tpu.memref_slice %arg5[%dma_wait3A_965, %dma_wait3A_966] : memref<16384x64xf32, #tpu.memory_space<hbm>> -> memref<1x64xf32, #tpu.memory_space<hbm>>
        %dma_wait3A_968 = arith.constant 0 : i32
        %dma_wait3A_969 = arith.constant 0 : i32
        %dma_wait3A_970 = tpu.memref_slice %arg5[%dma_wait3A_968, %dma_wait3A_969] : memref<16384x64xf32, #tpu.memory_space<hbm>> -> memref<1x64xf32, #tpu.memory_space<hbm>>
        %dma_wait3A_971 = arith.constant 0 : i32
        %dma_wait3A_972 = arith.constant 0 : i32
        %dma_wait3A_973 = tpu.memref_slice %arg9[%dma_wait3A_971, %dma_wait3A_972] : memref<16x64xf32, #tpu.memory_space<vmem>> -> memref<1x64xf32, #tpu.memory_space<vmem>>
        tpu.wait_dma2 semaphore(%arg12 : memref<!tpu.dma_semaphore, #tpu.memory_space<semaphore_mem>>) src(%dma_wait3A_973 : memref<1x64xf32, #tpu.memory_space<vmem>>) dst(%dma_wait3A_970 : memref<1x64xf32, #tpu.memory_space<hbm>>)
        %dma_wait3A_974 = arith.constant 0 : i32
        %dma_wait3A_975 = arith.constant 0 : i32
        %dma_wait3A_976 = tpu.memref_slice %arg9[%dma_wait3A_974, %dma_wait3A_975] : memref<16x64xf32, #tpu.memory_space<vmem>> -> memref<1x64xf32, #tpu.memory_space<vmem>>
        %dma_wait3A_977 = arith.constant 0 : i32
        %dma_wait3A_978 = arith.constant 0 : i32
        %dma_wait3A_979 = tpu.memref_slice %arg5[%dma_wait3A_977, %dma_wait3A_978] : memref<16384x64xf32, #tpu.memory_space<hbm>> -> memref<1x64xf32, #tpu.memory_space<hbm>>
        %dma_wait3A_980 = arith.constant 0 : i32
        %dma_wait3A_981 = arith.constant 0 : i32
        %dma_wait3A_982 = tpu.memref_slice %arg5[%dma_wait3A_980, %dma_wait3A_981] : memref<16384x64xf32, #tpu.memory_space<hbm>> -> memref<1x64xf32, #tpu.memory_space<hbm>>
        %dma_wait3A_983 = arith.constant 0 : i32
        %dma_wait3A_984 = arith.constant 0 : i32
        %dma_wait3A_985 = tpu.memref_slice %arg9[%dma_wait3A_983, %dma_wait3A_984] : memref<16x64xf32, #tpu.memory_space<vmem>> -> memref<1x64xf32, #tpu.memory_space<vmem>>
        tpu.wait_dma2 semaphore(%arg12 : memref<!tpu.dma_semaphore, #tpu.memory_space<semaphore_mem>>) src(%dma_wait3A_985 : memref<1x64xf32, #tpu.memory_space<vmem>>) dst(%dma_wait3A_982 : memref<1x64xf32, #tpu.memory_space<hbm>>)
        %dma_wait3A_986 = arith.constant 0 : i32
        %dma_wait3A_987 = arith.constant 0 : i32
        %dma_wait3A_988 = tpu.memref_slice %arg9[%dma_wait3A_986, %dma_wait3A_987] : memref<16x64xf32, #tpu.memory_space<vmem>> -> memref<1x64xf32, #tpu.memory_space<vmem>>
        %dma_wait3A_989 = arith.constant 0 : i32
        %dma_wait3A_990 = arith.constant 0 : i32
        %dma_wait3A_991 = tpu.memref_slice %arg5[%dma_wait3A_989, %dma_wait3A_990] : memref<16384x64xf32, #tpu.memory_space<hbm>> -> memref<1x64xf32, #tpu.memory_space<hbm>>
        %dma_wait3A_992 = arith.constant 0 : i32
        %dma_wait3A_993 = arith.constant 0 : i32
        %dma_wait3A_994 = tpu.memref_slice %arg5[%dma_wait3A_992, %dma_wait3A_993] : memref<16384x64xf32, #tpu.memory_space<hbm>> -> memref<1x64xf32, #tpu.memory_space<hbm>>
        %dma_wait3A_995 = arith.constant 0 : i32
        %dma_wait3A_996 = arith.constant 0 : i32
        %dma_wait3A_997 = tpu.memref_slice %arg9[%dma_wait3A_995, %dma_wait3A_996] : memref<16x64xf32, #tpu.memory_space<vmem>> -> memref<1x64xf32, #tpu.memory_space<vmem>>
        tpu.wait_dma2 semaphore(%arg12 : memref<!tpu.dma_semaphore, #tpu.memory_space<semaphore_mem>>) src(%dma_wait3A_997 : memref<1x64xf32, #tpu.memory_space<vmem>>) dst(%dma_wait3A_994 : memref<1x64xf32, #tpu.memory_space<hbm>>)
        %dma_wait3A_998 = arith.constant 0 : i32
        %dma_wait3A_999 = arith.constant 0 : i32
        %dma_wait3A_1000 = tpu.memref_slice %arg9[%dma_wait3A_998, %dma_wait3A_999] : memref<16x64xf32, #tpu.memory_space<vmem>> -> memref<1x64xf32, #tpu.memory_space<vmem>>
        %dma_wait3A_1001 = arith.constant 0 : i32
        %dma_wait3A_1002 = arith.constant 0 : i32
        %dma_wait3A_1003 = tpu.memref_slice %arg5[%dma_wait3A_1001, %dma_wait3A_1002] : memref<16384x64xf32, #tpu.memory_space<hbm>> -> memref<1x64xf32, #tpu.memory_space<hbm>>
        %dma_wait3A_1004 = arith.constant 0 : i32
        %dma_wait3A_1005 = arith.constant 0 : i32
        %dma_wait3A_1006 = tpu.memref_slice %arg5[%dma_wait3A_1004, %dma_wait3A_1005] : memref<16384x64xf32, #tpu.memory_space<hbm>> -> memref<1x64xf32, #tpu.memory_space<hbm>>
        %dma_wait3A_1007 = arith.constant 0 : i32
        %dma_wait3A_1008 = arith.constant 0 : i32
        %dma_wait3A_1009 = tpu.memref_slice %arg9[%dma_wait3A_1007, %dma_wait3A_1008] : memref<16x64xf32, #tpu.memory_space<vmem>> -> memref<1x64xf32, #tpu.memory_space<vmem>>
        tpu.wait_dma2 semaphore(%arg12 : memref<!tpu.dma_semaphore, #tpu.memory_space<semaphore_mem>>) src(%dma_wait3A_1009 : memref<1x64xf32, #tpu.memory_space<vmem>>) dst(%dma_wait3A_1006 : memref<1x64xf32, #tpu.memory_space<hbm>>)
        %dma_wait3A_1010 = arith.constant 0 : i32
        %dma_wait3A_1011 = arith.constant 0 : i32
        %dma_wait3A_1012 = tpu.memref_slice %arg9[%dma_wait3A_1010, %dma_wait3A_1011] : memref<16x64xf32, #tpu.memory_space<vmem>> -> memref<1x64xf32, #tpu.memory_space<vmem>>
        %dma_wait3A_1013 = arith.constant 0 : i32
        %dma_wait3A_1014 = arith.constant 0 : i32
        %dma_wait3A_1015 = tpu.memref_slice %arg5[%dma_wait3A_1013, %dma_wait3A_1014] : memref<16384x64xf32, #tpu.memory_space<hbm>> -> memref<1x64xf32, #tpu.memory_space<hbm>>
        %dma_wait3A_1016 = arith.constant 0 : i32
        %dma_wait3A_1017 = arith.constant 0 : i32
        %dma_wait3A_1018 = tpu.memref_slice %arg5[%dma_wait3A_1016, %dma_wait3A_1017] : memref<16384x64xf32, #tpu.memory_space<hbm>> -> memref<1x64xf32, #tpu.memory_space<hbm>>
        %dma_wait3A_1019 = arith.constant 0 : i32
        %dma_wait3A_1020 = arith.constant 0 : i32
        %dma_wait3A_1021 = tpu.memref_slice %arg9[%dma_wait3A_1019, %dma_wait3A_1020] : memref<16x64xf32, #tpu.memory_space<vmem>> -> memref<1x64xf32, #tpu.memory_space<vmem>>
        tpu.wait_dma2 semaphore(%arg12 : memref<!tpu.dma_semaphore, #tpu.memory_space<semaphore_mem>>) src(%dma_wait3A_1021 : memref<1x64xf32, #tpu.memory_space<vmem>>) dst(%dma_wait3A_1018 : memref<1x64xf32, #tpu.memory_space<hbm>>)
        %dma_wait3A_1022 = arith.constant 0 : i32
        %dma_wait3A_1023 = arith.constant 0 : i32
        %dma_wait3A_1024 = tpu.memref_slice %arg9[%dma_wait3A_1022, %dma_wait3A_1023] : memref<16x64xf32, #tpu.memory_space<vmem>> -> memref<1x64xf32, #tpu.memory_space<vmem>>
        %dma_wait3A_1025 = arith.constant 0 : i32
        %dma_wait3A_1026 = arith.constant 0 : i32
        %dma_wait3A_1027 = tpu.memref_slice %arg5[%dma_wait3A_1025, %dma_wait3A_1026] : memref<16384x64xf32, #tpu.memory_space<hbm>> -> memref<1x64xf32, #tpu.memory_space<hbm>>
        %dma_wait3A_1028 = arith.constant 0 : i32
        %dma_wait3A_1029 = arith.constant 0 : i32
        %dma_wait3A_1030 = tpu.memref_slice %arg5[%dma_wait3A_1028, %dma_wait3A_1029] : memref<16384x64xf32, #tpu.memory_space<hbm>> -> memref<1x64xf32, #tpu.memory_space<hbm>>
        %dma_wait3A_1031 = arith.constant 0 : i32
        %dma_wait3A_1032 = arith.constant 0 : i32
        %dma_wait3A_1033 = tpu.memref_slice %arg9[%dma_wait3A_1031, %dma_wait3A_1032] : memref<16x64xf32, #tpu.memory_space<vmem>> -> memref<1x64xf32, #tpu.memory_space<vmem>>
        tpu.wait_dma2 semaphore(%arg12 : memref<!tpu.dma_semaphore, #tpu.memory_space<semaphore_mem>>) src(%dma_wait3A_1033 : memref<1x64xf32, #tpu.memory_space<vmem>>) dst(%dma_wait3A_1030 : memref<1x64xf32, #tpu.memory_space<hbm>>)
        %dma_wait3A_1034 = arith.constant 0 : i32
        %dma_wait3A_1035 = arith.constant 0 : i32
        %dma_wait3A_1036 = tpu.memref_slice %arg9[%dma_wait3A_1034, %dma_wait3A_1035] : memref<16x64xf32, #tpu.memory_space<vmem>> -> memref<1x64xf32, #tpu.memory_space<vmem>>
        %dma_wait3A_1037 = arith.constant 0 : i32
        %dma_wait3A_1038 = arith.constant 0 : i32
        %dma_wait3A_1039 = tpu.memref_slice %arg5[%dma_wait3A_1037, %dma_wait3A_1038] : memref<16384x64xf32, #tpu.memory_space<hbm>> -> memref<1x64xf32, #tpu.memory_space<hbm>>
        %dma_wait3A_1040 = arith.constant 0 : i32
        %dma_wait3A_1041 = arith.constant 0 : i32
        %dma_wait3A_1042 = tpu.memref_slice %arg5[%dma_wait3A_1040, %dma_wait3A_1041] : memref<16384x64xf32, #tpu.memory_space<hbm>> -> memref<1x64xf32, #tpu.memory_space<hbm>>
        %dma_wait3A_1043 = arith.constant 0 : i32
        %dma_wait3A_1044 = arith.constant 0 : i32
        %dma_wait3A_1045 = tpu.memref_slice %arg9[%dma_wait3A_1043, %dma_wait3A_1044] : memref<16x64xf32, #tpu.memory_space<vmem>> -> memref<1x64xf32, #tpu.memory_space<vmem>>
        tpu.wait_dma2 semaphore(%arg12 : memref<!tpu.dma_semaphore, #tpu.memory_space<semaphore_mem>>) src(%dma_wait3A_1045 : memref<1x64xf32, #tpu.memory_space<vmem>>) dst(%dma_wait3A_1042 : memref<1x64xf32, #tpu.memory_space<hbm>>)
        %dma_wait3A_1046 = arith.constant 0 : i32
        %dma_wait3A_1047 = arith.constant 0 : i32
        %dma_wait3A_1048 = tpu.memref_slice %arg9[%dma_wait3A_1046, %dma_wait3A_1047] : memref<16x64xf32, #tpu.memory_space<vmem>> -> memref<1x64xf32, #tpu.memory_space<vmem>>
        %dma_wait3A_1049 = arith.constant 0 : i32
        %dma_wait3A_1050 = arith.constant 0 : i32
        %dma_wait3A_1051 = tpu.memref_slice %arg5[%dma_wait3A_1049, %dma_wait3A_1050] : memref<16384x64xf32, #tpu.memory_space<hbm>> -> memref<1x64xf32, #tpu.memory_space<hbm>>
        %dma_wait3A_1052 = arith.constant 0 : i32
        %dma_wait3A_1053 = arith.constant 0 : i32
        %dma_wait3A_1054 = tpu.memref_slice %arg5[%dma_wait3A_1052, %dma_wait3A_1053] : memref<16384x64xf32, #tpu.memory_space<hbm>> -> memref<1x64xf32, #tpu.memory_space<hbm>>
        %dma_wait3A_1055 = arith.constant 0 : i32
        %dma_wait3A_1056 = arith.constant 0 : i32
        %dma_wait3A_1057 = tpu.memref_slice %arg9[%dma_wait3A_1055, %dma_wait3A_1056] : memref<16x64xf32, #tpu.memory_space<vmem>> -> memref<1x64xf32, #tpu.memory_space<vmem>>
        tpu.wait_dma2 semaphore(%arg12 : memref<!tpu.dma_semaphore, #tpu.memory_space<semaphore_mem>>) src(%dma_wait3A_1057 : memref<1x64xf32, #tpu.memory_space<vmem>>) dst(%dma_wait3A_1054 : memref<1x64xf32, #tpu.memory_space<hbm>>)
        %dma_wait3A_1058 = arith.constant 0 : i32
        %dma_wait3A_1059 = arith.constant 0 : i32
        %dma_wait3A_1060 = tpu.memref_slice %arg9[%dma_wait3A_1058, %dma_wait3A_1059] : memref<16x64xf32, #tpu.memory_space<vmem>> -> memref<1x64xf32, #tpu.memory_space<vmem>>
        %dma_wait3A_1061 = arith.constant 0 : i32
        %dma_wait3A_1062 = arith.constant 0 : i32
        %dma_wait3A_1063 = tpu.memref_slice %arg5[%dma_wait3A_1061, %dma_wait3A_1062] : memref<16384x64xf32, #tpu.memory_space<hbm>> -> memref<1x64xf32, #tpu.memory_space<hbm>>
        %dma_wait3A_1064 = arith.constant 0 : i32
        %dma_wait3A_1065 = arith.constant 0 : i32
        %dma_wait3A_1066 = tpu.memref_slice %arg5[%dma_wait3A_1064, %dma_wait3A_1065] : memref<16384x64xf32, #tpu.memory_space<hbm>> -> memref<1x64xf32, #tpu.memory_space<hbm>>
        %dma_wait3A_1067 = arith.constant 0 : i32
        %dma_wait3A_1068 = arith.constant 0 : i32
        %dma_wait3A_1069 = tpu.memref_slice %arg9[%dma_wait3A_1067, %dma_wait3A_1068] : memref<16x64xf32, #tpu.memory_space<vmem>> -> memref<1x64xf32, #tpu.memory_space<vmem>>
        tpu.wait_dma2 semaphore(%arg12 : memref<!tpu.dma_semaphore, #tpu.memory_space<semaphore_mem>>) src(%dma_wait3A_1069 : memref<1x64xf32, #tpu.memory_space<vmem>>) dst(%dma_wait3A_1066 : memref<1x64xf32, #tpu.memory_space<hbm>>)
        %dma_wait3A_1070 = arith.constant 0 : i32
        %dma_wait3A_1071 = arith.constant 0 : i32
        %dma_wait3A_1072 = tpu.memref_slice %arg9[%dma_wait3A_1070, %dma_wait3A_1071] : memref<16x64xf32, #tpu.memory_space<vmem>> -> memref<1x64xf32, #tpu.memory_space<vmem>>
        %dma_wait3A_1073 = arith.constant 0 : i32
        %dma_wait3A_1074 = arith.constant 0 : i32
        %dma_wait3A_1075 = tpu.memref_slice %arg5[%dma_wait3A_1073, %dma_wait3A_1074] : memref<16384x64xf32, #tpu.memory_space<hbm>> -> memref<1x64xf32, #tpu.memory_space<hbm>>
        %dma_wait3A_1076 = arith.constant 0 : i32
        %dma_wait3A_1077 = arith.constant 0 : i32
        %dma_wait3A_1078 = tpu.memref_slice %arg5[%dma_wait3A_1076, %dma_wait3A_1077] : memref<16384x64xf32, #tpu.memory_space<hbm>> -> memref<1x64xf32, #tpu.memory_space<hbm>>
        %dma_wait3A_1079 = arith.constant 0 : i32
        %dma_wait3A_1080 = arith.constant 0 : i32
        %dma_wait3A_1081 = tpu.memref_slice %arg9[%dma_wait3A_1079, %dma_wait3A_1080] : memref<16x64xf32, #tpu.memory_space<vmem>> -> memref<1x64xf32, #tpu.memory_space<vmem>>
        tpu.wait_dma2 semaphore(%arg12 : memref<!tpu.dma_semaphore, #tpu.memory_space<semaphore_mem>>) src(%dma_wait3A_1081 : memref<1x64xf32, #tpu.memory_space<vmem>>) dst(%dma_wait3A_1078 : memref<1x64xf32, #tpu.memory_space<hbm>>)
        %dma_wait3A_1082 = arith.constant 0 : i32
        %dma_wait3A_1083 = arith.constant 0 : i32
        %dma_wait3A_1084 = tpu.memref_slice %arg9[%dma_wait3A_1082, %dma_wait3A_1083] : memref<16x64xf32, #tpu.memory_space<vmem>> -> memref<1x64xf32, #tpu.memory_space<vmem>>
        %dma_wait3A_1085 = arith.constant 0 : i32
        %dma_wait3A_1086 = arith.constant 0 : i32
        %dma_wait3A_1087 = tpu.memref_slice %arg5[%dma_wait3A_1085, %dma_wait3A_1086] : memref<16384x64xf32, #tpu.memory_space<hbm>> -> memref<1x64xf32, #tpu.memory_space<hbm>>
        %dma_wait3A_1088 = arith.constant 0 : i32
        %dma_wait3A_1089 = arith.constant 0 : i32
        %dma_wait3A_1090 = tpu.memref_slice %arg5[%dma_wait3A_1088, %dma_wait3A_1089] : memref<16384x64xf32, #tpu.memory_space<hbm>> -> memref<1x64xf32, #tpu.memory_space<hbm>>
        %dma_wait3A_1091 = arith.constant 0 : i32
        %dma_wait3A_1092 = arith.constant 0 : i32
        %dma_wait3A_1093 = tpu.memref_slice %arg9[%dma_wait3A_1091, %dma_wait3A_1092] : memref<16x64xf32, #tpu.memory_space<vmem>> -> memref<1x64xf32, #tpu.memory_space<vmem>>
        tpu.wait_dma2 semaphore(%arg12 : memref<!tpu.dma_semaphore, #tpu.memory_space<semaphore_mem>>) src(%dma_wait3A_1093 : memref<1x64xf32, #tpu.memory_space<vmem>>) dst(%dma_wait3A_1090 : memref<1x64xf32, #tpu.memory_space<hbm>>)
        %while3A_1094 = arith.constant 0 : i32
        scf.yield %while3A_1094 : i32
      }
    } else {
    }
    return
  }
}

</mosaic_0001>

<sc_bundles>
// kernel: kernel.3.cloned.1.call-start
scs
__scs_entry_jumppad:
0x0: {  	(pc) =	sbr.rel $0x88, $3  }
0x1: {  	(tag) =	ssettag $0x0;
	lr =	simm.s32 $0x1  }
0x2: {  	[smem:$0x3F9F] =	sst lr;
	_ =	strace $0xD0000000  }
0x3: {  	_ = 	snop  }
0x4: {  	_ = 	snop  }
0x5: {  	_ = 	snop  }
0x6: {  	_ = 	snop  }
0x7: {  	_ = 	snop  }
__scs_overlays_trampoline_lowered:
0x8: {  	[smem:$0x3FAE] =	sst s0  }
0x9: {  	[smem:$0x3FAF] =	sst s1  }
0xa: {  	[smem:$0x3FB0] =	sst s2  }
0xb: {  	[smem:$0x3FB1] =	sst s3  }
0xc: {  	[smem:$0x3FB2] =	sst s4  }
0xd: {  	[smem:$0x3FB3] =	sst s5  }
0xe: {  	[smem:$0x3FB4] =	sst s6  }
0xf: {  	[smem:$0x3FB5] =	sst s7  }
0x10: {  	[smem:$0x3FB6] =	sst s8  }
0x11: {  	[smem:$0x3FB7] =	sst s9;
	s0 =	simm.s32 @!p0 $0x0  }
0x12: {  	s1 =	sld [smem:$0x3F9D];
	s0 =	simm.s32 @p0 $0x1  }
0x13: {  	[smem:$0x3FB8] =	sst s0;
	s0 =	simm.s32 @!p1 $0x0  }
0x14: {  	s2 =	sld [smem:$0x3F9C];
	s0 =	simm.s32 @p1 $0x1  }
0x15: {  	[smem:$0x3FB9] =	sst s0;
	s0 =	simm.s32 @!p2 $0x0  }
0x16: {  	s3 =	sld [smem:$0x3FDB];
	s0 =	simm.s32 @p2 $0x1  }
0x17: {  	s4 =	simm.s32 $0x1BF5;
	[smem:$0x3FBB] =	sst s0  }
0x18: {  	s0 =	sld [smem:$0x3F9E];
	_ =	swait.ge [sflag:s4], $0x0  }
0x19: {  	s7 =	sld [smem:$0x3F9F]  }
0x1a: {  	s8 =	sadd.s32 $0xFFFFE003, lr  }
0x1b: {  	s9 =	sadd.s32 $0xFFFFFEF7, lr;
	s5 =	simm.s32 $0xFFFFFFFF;
	p2 =	slt.u32 s8, $0xFFFFF086  }
0x1c: {  	p1 =	slt.u32 s9, $0xF7A;
	s5 =	simm.s32 @!p2 $0x0  }
0x1d: {  	s5 =	simm.s32 @p1 $0x1;
	p0 =	seq.s32 s7, s2  }
0x1e: {  	s7 =	smul.u32 @!p0 $0xF7A, s2;
	p2 =	seq.s32 @!p0 s5, $0x0  }
0x1f: {  	s9 =	smul.u32 $0xF7A, s1;
	s8 =	simm.s32 @!p0 $0x1BF5;
	p2 =	por !p2, p0  }
0x20: {  	[sflag:s8] =	ssyncset.s32 @!p0 $0xFFFFF086;
	s6 =	sadd.s32 @!p0 s3, s7;
	s7 =	simm.s32 @!p0 $0x108  }
0x21: {  	s3 =	sadd.s32 s3, s9;
	s6 =	sadd.s32 @!p0 $0x88, s6;
	s7 =	simm.s32 @p2 $0x1082  }
0x22: {  	[simem:s7], [sflag:s8] =	dma.local @!p0 [hbm:s6], $0xF7A  }
0x23: {  	s9 =	sor.u32 $0xD0000000, s2;
	s6 =	simm.s32 $0x108;
	_ =	swait.ge @!p0 [sflag:s8], $0x0  }
0x24: {  	s3 =	sadd.s32 $0x88, s3;
	s6 =	simm.s32 @!p1 $0x1082;
	[sflag:s4] =	ssyncset.s32 $0xFFFFF086  }
0x25: {  	[simem:s6], [sflag:s4] =	dma.local [hbm:s3], $0xF7A  }
0x26: {  	[smem:$0x3F9F] =	sst s1;
	(tag) =	ssettag s2;
	_ =	strace s9  }
0x27: {  	s1 =	sld [smem:$0x3FAF]  }
0x28: {  	s2 =	sld [smem:$0x3FB0]  }
0x29: {  	s4 =	sld [smem:$0x3FB2]  }
0x2a: {  	p0 =	seq.s32 s5, $0x0;
	s5 =	sld [smem:$0x3FB3]  }
0x2b: {  	s6 =	sld [smem:$0x3FB4]  }
0x2c: {  	s7 =	sld [smem:$0x3FB5]  }
0x2d: {  	s3 =	simm.s32 $0x108;
	s8 =	sld [smem:$0x3FB6]  }
0x2e: {  	s3 =	simm.s32 @!p0 $0x1082;
	s9 =	sld [smem:$0x3FB7]  }
0x2f: {  	lr =	sadd.s32 s0, s3;
	s0 =	sld [smem:$0x3FAE]  }
0x30: {  	s3 =	sld [smem:$0x3FB1]  }
0x31: {  	[smem:$0x3FBA] =	sst s10  }
0x32: {  	s10 =	sld [smem:$0x3FB8];
	_ =	sdelay $0x3  }
0x33: {  	p0 =	seq.s32 s10, $0x1;
	s10 =	sld [smem:$0x3FBA];
	_ =	sdelay $0x3  }
0x34: {  	[smem:$0x3FBA] =	sst s10  }
0x35: {  	s10 =	sld [smem:$0x3FB9];
	_ =	sdelay $0x3  }
0x36: {  	p1 =	seq.s32 s10, $0x1;
	s10 =	sld [smem:$0x3FBA];
	_ =	sdelay $0x3  }
0x37: {  	[smem:$0x3FBA] =	sst s10  }
0x38: {  	s10 =	sld [smem:$0x3FBB]  }
0x39: {  	_ = 	snop;
	(pc) =	sbr.ind lr, $3  }
0x3a: {  	_ = 	snop  }
0x3b: {  	_ = 	snop  }
0x3c: {  	p2 =	seq.s32 s10, $0x1;
	s10 =	sld [smem:$0x3FBA]  }
0x3d: {  	_ =	shalt  }
0x3e: {  	_ =	shalt  }
0x3f: {  	_ =	shalt  }
0x40: {  	_ =	shalt  }
0x41: {  	_ =	shalt  }
0x42: {  	_ =	shalt  }
0x43: {  	_ =	shalt  }
0x44: {  	_ =	shalt  }
0x45: {  	_ =	shalt  }
0x46: {  	_ =	shalt  }
0x47: {  	_ =	shalt  }
0x48: {  	_ =	shalt  }
0x49: {  	_ =	shalt  }
0x4a: {  	_ =	shalt  }
0x4b: {  	_ =	shalt  }
0x4c: {  	_ =	shalt  }
0x4d: {  	_ =	shalt  }
0x4e: {  	_ =	shalt  }
0x4f: {  	_ =	shalt  }
0x50: {  	_ =	shalt  }
0x51: {  	_ =	shalt  }
0x52: {  	_ =	shalt  }
0x53: {  	_ =	shalt  }
0x54: {  	_ =	shalt  }
0x55: {  	_ =	shalt  }
0x56: {  	_ =	shalt  }
0x57: {  	_ =	shalt  }
0x58: {  	_ =	shalt  }
0x59: {  	_ =	shalt  }
0x5a: {  	_ =	shalt  }
0x5b: {  	_ =	shalt  }
0x5c: {  	_ =	shalt  }
0x5d: {  	_ =	shalt  }
0x5e: {  	_ =	shalt  }
0x5f: {  	_ =	shalt  }
0x60: {  	_ =	shalt  }
0x61: {  	_ =	shalt  }
0x62: {  	_ =	shalt  }
0x63: {  	_ =	shalt  }
0x64: {  	_ =	shalt  }
0x65: {  	_ =	shalt  }
0x66: {  	_ =	shalt  }
0x67: {  	_ =	shalt  }
0x68: {  	_ =	shalt  }
0x69: {  	_ =	shalt  }
0x6a: {  	_ =	shalt  }
0x6b: {  	_ =	shalt  }
0x6c: {  	_ =	shalt  }
0x6d: {  	_ =	shalt  }
0x6e: {  	_ =	shalt  }
0x6f: {  	_ =	shalt  }
0x70: {  	_ =	shalt  }
0x71: {  	_ =	shalt  }
0x72: {  	_ =	shalt  }
0x73: {  	_ =	shalt  }
0x74: {  	_ =	shalt  }
0x75: {  	_ =	shalt  }
0x76: {  	_ =	shalt  }
0x77: {  	_ =	shalt  }
0x78: {  	_ =	shalt  }
0x79: {  	_ =	shalt  }
0x7a: {  	_ =	shalt  }
0x7b: {  	_ =	shalt  }
0x7c: {  	_ =	shalt  }
0x7d: {  	_ =	shalt  }
0x7e: {  	_ =	shalt  }
0x7f: {  	_ =	shalt  }
0x80: {  	_ =	shalt  }
0x81: {  	_ =	shalt  }
0x82: {  	_ =	shalt  }
0x83: {  	_ =	shalt  }
0x84: {  	_ =	shalt  }
0x85: {  	_ =	shalt  }
0x86: {  	_ =	shalt  }
0x87: {  	_ =	shalt  }
.Lfunc_end0:
.L_simem_size_0:
called_computation_lowered:
.L_overlay_start_0:
0x88: {  	s2 =	sld [smem:$0x3FD9]  }
0x89: {  	s3 =	sld [smem:$0x3FFE];
	_ =	sdelay $0x1  }
0x8a: {  	s1 =	srdreg.scid  }
0x8b: {  	s0 =	sand.u32 $0x1, s1  }
0x8c: {  	s17 =	sshll.u32 s0, $0xA;
	s2 =	sadd.s32 s3, s2  }
0x8d: {  	s2 =	sadd.s32 s2, s17  }
0x8e: {  	[smem:$0x3FC6] =	sst s2  }
0x8f: {  	_ = 	snop  }
0x90: {  	s2 =	sld [smem:$0x3FC9]  }
0x91: {  	s18 =	sld [smem:$0x3FC8]  }
0x92: {  	s4 =	sld [smem:$0x3FD0];
	(tm) =	ssettm $0x1  }
0x93: {  	s5 =	sld [smem:$0x3FFB];
	_ =	sdelay $0x3  }
0x94: {  	_ =	strace s5  }
0x95: {  	s5 =	sld [smem:$0x3FFC];
	_ =	sdelay $0x3  }
0x96: {  	_ =	strace s5  }
0x97: {  	s5 =	sld [smem:$0x3FFD];
	_ =	sdelay $0x3  }
0x98: {  	_ =	strace s5  }
0x99: {  	_ =	strace $0x8FFFFFFF  }
0x9a: {  	s19 =	sld [smem:$0x3FDB];
	_ =	sdelay $0x1  }
0x9b: {  	s6 =	simm.s32 $_scs_section_size  }
0x9c: {  	s7 =	simm.s32 $_size__tile_overlayer_lowered;
	s8 =	simm.s32 $_tile_overlayer_lowered  }
0x9d: {  	s22 =	simm.s32 $0x1BFF;
	s21 =	sshll.u32 s8, $0x1;
	s5 =	sadd.s32 s6, s19  }
0x9e: {  	s9 =	simm.s32 $0x0;
	s20 =	sshll.u32 s7, $0x1;
	s7 =	sadd.s32 s21, s5  }
0x9f: {  	[timem:s9], [sflag:s22] =	dma.local [hbm:s7], s20  }
0xa0: {  	_ =	swait.ge [sflag:s22], s20  }
0xa1: {  	s6 =	ssub.s32 $0x0, s20;
	[sflag:s22] =	ssyncset.done $0x0  }
0xa2: {  	[sflag:s22] =	ssyncadd.s32 s6;
	_ =	sdelay $0x1  }
0xa3: {  	s23 =	simm.s32 $0x1B8B  }
0xa4: {  	_ =	swait.ge [sflag:s23], $0x1  }
0xa5: {  	[sflag:s23] =	ssyncset.done $0x0  }
0xa6: {  	s25 =	simm.s32 $0x1B8E;
	s24 =	sld [smem:$0x3FFE];
	[sflag:s23] =	ssyncadd.s32 $0xFFFFFFFF  }
0xa7: {  	s26 =	simm.s32 $execute0_lowered;
	[smem:$0x3FD2] =	sst s25  }
0xa8: {  	s7 =	sshll.u32 s26, $0x1;
	_ =	strace $0x80000046;
	[dreg:$0x1] =	wrdreg $0xFFFFFFFF  }
0xa9: {  	s28 =	simm.s32 $_size_execute0_lowered;
	s5 =	sadd.s32 s5, s7;
	[dreg:$0x0] =	wrdreg $0x0  }
0xaa: {  	s7 =	sshll.u32 s28, $0x1;
	[dreg:$0x2] =	wrdreg s5  }
0xab: {  	[dreg:$0x3] =	wrdreg s7  }
0xac: {  	[dreg:$0x4] =	wrdreg $0xC0  }
0xad: {  	_ =	task [dreg:s9], $0x5FFFF  }
0xae: {  	[dreg:$0x1] =	wrdreg $0xFFFFFFFF  }
0xaf: {  	[dreg:$0x0] =	wrdreg $0x60  }
0xb0: {  	[dreg:$0x2] =	wrdreg s2  }
0xb1: {  	[dreg:$0x3] =	wrdreg s18  }
0xb2: {  	[dreg:$0x4] =	wrdreg s4  }
0xb3: {  	[dreg:$0x5] =	wrdreg s24  }
0xb4: {  	[dreg:$0x6] =	wrdreg $0x9  }
0xb5: {  	_ =	task.clear_ibuf [dreg:s9], $0x7FFFF;
	_ =	strace $0x90000046  }
0xb6: {  	s29 =	simm.s32 $0x9;
	_ =	strace $0x80000048  }
0xb7: {  	_ =	swait.ge [sflag:s29], $0x1  }
0xb8: {  	[sflag:s29] =	ssyncadd.s32 $0xFFFFFFFF  }
0xb9: {  	_ =	strace $0x90000048  }
0xba: {  	_ =	sfence  }
0xbb: {  	s30 =	sld [smem:$0x0];
	_ =	sdelay $0x2  }
0xbc: {  	s31 =	sshll.u32 s1, $0xD;
	s1 =	sshrl.u32 s1, $0x2  }
0xbd: {  	s3 =	sand.u32 $0x4000, s31;
	s1 =	sadd.s32 s1, s30  }
0xbe: {  	s0 =	sor.u32 s3, s0;
	s1 =	sshll.u32 s1, $0x11  }
0xbf: {  	s0 =	sor.u32 s1, s0  }
0xc0: {  	s0 =	sadd.s32 $0x8F2B, s0  }
0xc1: {  	[sflag:s0] =	ssyncadd.remote.s32 $0x1  }
0xc2: {  	_ =	sfence.sel $0xFFFF  }
0xc3: {  	[dreg:$0x0] =	wrdreg $0xFFFFFFFF;
	(pc) =	sbr.abs _section_cstart, $3  }
0xc4: {  	[dreg:$0x1] =	wrdreg $0xFFFFFFFF  }
0xc5: {  	_ =	task.clear_ibuf [dreg:s9], $0x2FFFF;
	_ =	strace $0x9FFFFFFF  }
0xc6: {  	(tm) =	ssettm $0x7FFFFFFF  }
0xc7: {  	_ =	shalt  }
tec
execute0_lowered:
.L_overlay_start_1:
0x0: {  	(tag) =	ssettag $0x1  }
0x1: {  	v0 =	vlaneseq.u32  }
0x2: {  	s0 =	srdreg.scid;
	vm14 =	vcmask $0x300;
	vm13 =	vcmask $0x704;
	vm12 =	vcmask $0xB08  }
0x3: {  	vm11 =	vcmask $0xF0C;
	vm10 =	vcmask $0x1310;
	vm9 =	vcmask $0x1714;
	s0 =	sand.u32 $0x1, s0  }
0x4: {  	s2 =	stileid.u32;
	vm8 =	vcmask $0x1B18;
	vm7 =	vcmask $0x1F1C;
	vm6 =	vcmask $0x2320;
	s1 =	sshll.u32 s0, $0x4  }
0x5: {  	vm5 =	vcmask $0x2724;
	vm4 =	vcmask $0x2B28;
	vm3 =	vcmask $0x2F2C;
	s1 =	sor.u32 s2, s1  }
0x6: {  	vm2 =	vcmask $0x3330;
	vm1 =	vcmask $0x3734;
	vm0 =	vcmask $0x3B38;
	s2 =	smul.u32 $0xF4, s1  }
0x7: {  	v7 =	vimm.s32 $0x7380;
	v11 =	vmul.u32 $0x80, v0;
	v16 =	vor.u32 $0x10, v0;
	s3 =	smin.u32 s1, $0x4  }
0x8: {  	v17 =	vor.u32 $0x20, v0;
	v18 =	vor.u32 $0x30, v0;
	v19 =	vor.u32 $0x80, v0;
	s2 =	sadd.s32 s3, s2  }
0x9: {  	v20 =	vor.u32 $0x90, v0;
	v21 =	vor.u32 $0xA0, v0;
	v22 =	vor.u32 $0xB0, v0;
	s21 =	sshll.u32 s2, $0x7  }
0xa: {  	v23 =	vor.u32 $0x100, v0;
	v24 =	vor.u32 $0x110, v0;
	v25 =	vor.u32 $0x120, v0;
	s2 =	ssub.s32 $0xF4240, s21  }
0xb: {  	v26 =	vor.u32 $0x130, v0;
	v27 =	vor.u32 $0x180, v0;
	v1 =	vmov s2  }
0xc: {  	v28 =	vor.u32 $0x190, v0;
	v29 =	vor.u32 $0x1A0, v0;
	[tilespmem:$0x1FEE0] =	vst v1;
	v1 =	vimm.s32 $0x1380  }
0xd: {  	v30 =	vor.u32 $0x1B0, v0;
	v31 =	vor.u32 $0x200, v0;
	v1 =	vsel vm14, $0x0, v1  }
0xe: {  	v32 =	vor.u32 $0x210, v0;
	v33 =	vor.u32 $0x220, v0;
	v1 =	vsel vm13, $0x80, v1  }
0xf: {  	v34 =	vor.u32 $0x230, v0;
	v35 =	vor.u32 $0x280, v0;
	v1 =	vsel vm12, $0x100, v1  }
0x10: {  	v36 =	vor.u32 $0x290, v0;
	v37 =	vor.u32 $0x2A0, v0;
	v1 =	vsel vm11, $0x180, v1  }
0x11: {  	v38 =	vor.u32 $0x2B0, v0;
	v39 =	vor.u32 $0x300, v0;
	v1 =	vsel vm10, $0x200, v1  }
0x12: {  	v40 =	vor.u32 $0x310, v0;
	v41 =	vor.u32 $0x320, v0;
	v1 =	vsel vm9, $0x280, v1  }
0x13: {  	v42 =	vor.u32 $0x330, v0;
	v43 =	vor.u32 $0x380, v0;
	v1 =	vsel vm8, $0x300, v1  }
0x14: {  	v44 =	vor.u32 $0x390, v0;
	v45 =	vor.u32 $0x3A0, v0;
	v1 =	vsel vm7, $0x380, v1  }
0x15: {  	v46 =	vor.u32 $0x3B0, v0;
	v47 =	vor.u32 $0x400, v0;
	v1 =	vsel vm6, $0x1000, v1  }
0x16: {  	v48 =	vor.u32 $0x410, v0;
	v49 =	vor.u32 $0x420, v0;
	v1 =	vsel vm5, $0x1080, v1  }
0x17: {  	v50 =	vor.u32 $0x430, v0;
	v51 =	vor.u32 $0x480, v0;
	v1 =	vsel vm4, $0x1100, v1  }
0x18: {  	v52 =	vor.u32 $0x490, v0;
	v53 =	vor.u32 $0x4A0, v0;
	v1 =	vsel vm3, $0x1180, v1  }
0x19: {  	s17 =	rddreg [dreg:$0x1];
	v5 =	vor.u32 $0x600, v0;
	v15 =	vor.u32 $0x610, v0;
	v1 =	vsel vm2, $0x1200, v1  }
0x1a: {  	s8 =	simm.s32 $0x0;
	s28 =	simm.s32 $0xA900;
	s30 =	simm.s32 $0x8100;
	v10 =	vor.u32 $0x620, v0;
	v7 =	vsel vm14, $0x6000, v7;
	v1 =	vsel vm1, $0x1280, v1  }
0x1b: {  	[smem:$0x7FF] =	sst s8;
	v6 =	vor.u32 $0x630, v0;
	v7 =	vsel vm13, $0x6080, v7;
	p0 =	slt.u32 s1, $0x4;
	s3 =	simm.s32 $0x7A80;
	v1 =	vsel vm0, $0x1300, v1  }
0x1c: {  	s7 =	rddreg [dreg:$0x3];
	v12 =	vor.u32 $0x800, v11;
	s3 =	simm.s32 @!p0 $0x7A00;
	_ =	strace $0x80000047;
	[tilespmem:$0x1FF00] =	vst v1;
	v1 =	vimm.s32 $0x3380  }
0x1d: {  	s31 =	simm.s32 $0xA100;
	s13 =	simm.s32 $0xA380;
	v13 =	vor.u32 $0x1000, v11;
	s3 =	sadd.s32 s3, s21;
	[tilespmem:$0x1FEF0] =	vst v6;
	v6 =	vimm.s32 $0x5380;
	v1 =	vsel vm14, $0x2000, v1  }
0x1e: {  	s4 =	sadd.s32 $0x1E8500, s17;
	s22 =	sadd.s32 $0xF4280, s17;
	v14 =	vor.u32 $0x1800, v11;
	[dreg:$0x5] =	wrdreg s3;
	v6 =	vsel vm14, $0x4000, v6;
	v1 =	vsel vm13, $0x2080, v1  }
0x1f: {  	s29 =	simm.s32 $0xA880;
	s19 =	sadd.s32 $0x2DC780, s17;
	v7 =	vsel vm12, $0x6100, v7;
	[dreg:$0xb] =	wrdreg s22;
	v6 =	vsel vm13, $0x4080, v6;
	v1 =	vsel vm12, $0x2100, v1  }
0x20: {  	s5 =	sadd.s32 $0x3D0A00, s17;
	s0 =	ssub.s32 $0x2, s0;
	v7 =	vsel vm11, $0x6180, v7;
	[dreg:$0x6] =	wrdreg s4;
	v6 =	vsel vm12, $0x4100, v6;
	v1 =	vsel vm11, $0x2180, v1  }
0x21: {  	s9 =	sadd.s32 $0x4C4C80, s17;
	s18 =	sshrl.u32 s0, $0x1;
	v7 =	vsel vm10, $0x6200, v7;
	[dreg:$0x8] =	wrdreg s19;
	v6 =	vsel vm11, $0x4180, v6;
	v1 =	vsel vm10, $0x2200, v1  }
0x22: {  	s23 =	sadd.s32 $0x5B8F00, s17;
	s0 =	ssub.s32 s0, s18;
	v7 =	vsel vm9, $0x6280, v7;
	[dreg:$0x9] =	wrdreg s5;
	v6 =	vsel vm10, $0x4200, v6;
	v1 =	vsel vm9, $0x2280, v1  }
0x23: {  	p0 =	sne.s32 s1, $0x1F;
	v7 =	vsel vm8, $0x6300, v7;
	s16 =	ssub.s32 $0xF4200, s21;
	[dreg:$0xc] =	wrdreg s9;
	[tilespmem:$0x1FF70] =	vst v5;
	v6 =	vsel vm9, $0x4280, v6;
	v1 =	vsel vm8, $0x2300, v1  }
0x24: {  	s0 =	smax.u32 s0, $0x1;
	v7 =	vsel vm7, $0x6380, v7;
	s2 =	sadd.s32 $0x6AD180, s17;
	[dreg:$0xf] =	wrdreg s23;
	[tilespmem:$0x1FF80] =	vst v11;
	v6 =	vsel vm8, $0x4300, v6;
	v1 =	vsel vm7, $0x2380, v1  }
0x25: {  	s1 =	smov.u32 s3;
	v4 =	vmov s16;
	s10 =	sadd.s32 $0xFFFFFE00, s3;
	[dreg:$0x12] =	wrdreg s2;
	[tilespmem:$0x1FF90] =	vst v12;
	v6 =	vsel vm7, $0x4380, v6;
	v1 =	vsel vm6, $0x3000, v1  }
0x26: {  	v7 =	vsel vm6, $0x7000, v7;
	s16 =	simm.s32 $0xA400;
	s20 =	smin.u32 s21, s10;
	[dreg:$0x16] =	wrdreg s0;
	[tilespmem:$0x1FFA0] =	vst v13;
	v6 =	vsel vm6, $0x5000, v6;
	v1 =	vsel vm5, $0x3080, v1  }
0x27: {  	s1 =	simm.s32 @!p0 $0xF4240;
	v7 =	vsel vm5, $0x7080, v7;
	s6 =	sadd.s32 s17, s20;
	[tilespmem:$0x1FFB0] =	vst v14;
	[dreg:$0x7] =	wrdreg s10;
	v6 =	vsel vm5, $0x5080, v6;
	v1 =	vsel vm4, $0x3100, v1  }
0x28: {  	v3 =	vmov s1;
	s4 =	sadd.s32 s20, s4;
	s3 =	sadd.s32 s20, s19;
	[tilespmem:$0x1FFC0] =	vst v15;
	[dreg:$0xa] =	wrdreg s6;
	v6 =	vsel vm4, $0x5100, v6;
	v1 =	vsel vm3, $0x3180, v1  }
0x29: {  	s24 =	sadd.s32 s20, s5;
	s25 =	sadd.s32 s20, s9;
	v7 =	vsel vm4, $0x7100, v7;
	[tilespmem:$0x1FFD0] =	vst v4;
	[dreg:$0xe] =	wrdreg s4;
	v6 =	vsel vm3, $0x5180, v6;
	v1 =	vsel vm2, $0x3200, v1  }
0x2a: {  	s26 =	sadd.s32 s20, s23;
	s1 =	sadd.s32 s20, s2;
	[tilespmem:$0x1FFE0] =	vst v10;
	[dreg:$0x10] =	wrdreg s3;
	v7 =	vsel vm3, $0x7180, v7;
	v6 =	vsel vm2, $0x5200, v6;
	v1 =	vsel vm1, $0x3280, v1  }
0x2b: {  	s0 =	simm.s32 $0xA200;
	s5 =	simm.s32 $0xA300;
	[dreg:$0x11] =	wrdreg s24;
	[tilespmem:$0x1FFF0] =	vst v3;
	v7 =	vsel vm2, $0x7200, v7;
	v6 =	vsel vm1, $0x5280, v6;
	v1 =	vsel vm0, $0x3300, v1  }
0x2c: {  	v54 =	vor.u32 $0x4B0, v0;
	s17 =	simm.s32 $0xA480;
	s19 =	simm.s32 $0xA500;
	[dreg:$0x13] =	wrdreg s25;
	v7 =	vsel vm1, $0x7280, v7;
	[tilespmem:$0x1FF10] =	vst v1;
	v1 =	vsel vm0, $0x5300, v6  }
.Ltmp0:
0x2d: {  	v55 =	vor.u32 $0x500, v0;
	v56 =	vor.u32 $0x510, v0;
	s23 =	simm.s32 $0xA680;
	[dreg:$0x14] =	wrdreg s26;
	[tilespmem:$0x1FF20] =	vst v1;
	v1 =	vsel vm0, $0x7300, v7;
	(pc) =	sbr.rel .LBB2_1-.Ltmp0, $4  }
0x2e: {  	v57 =	vor.u32 $0x520, v0;
	v58 =	vor.u32 $0x530, v0;
	s2 =	simm.s32 $0x0;
	s6 =	sadd.s32 s20, s22;
	[dreg:$0x15] =	wrdreg s1;
	[tilespmem:$0x1FF30] =	vst v1;
	v1 =	vor.u32 $0x680, v0  }
0x2f: {  	v59 =	vor.u32 $0x580, v0;
	s3 =	simm.s32 $0xA280;
	s20 =	simm.s32 $0xA580;
	s22 =	simm.s32 $0xA600;
	[tilespmem:$0x1FF40] =	vst v1;
	v1 =	vor.u32 $0x690, v0  }
0x30: {  	v60 =	vor.u32 $0x590, v0;
	s24 =	simm.s32 $0xA700;
	s25 =	simm.s32 $0xA780;
	s26 =	simm.s32 $0xA800;
	[tilespmem:$0x1FF50] =	vst v1;
	v1 =	vor.u32 $0x6A0, v0  }
0x31: {  	v61 =	vor.u32 $0x5A0, v0;
	v62 =	vor.u32 $0x5B0, v0;
	v2 =	vmov s21;
	s4 =	simm.s32 $0x2;
	[dreg:$0xd] =	wrdreg s6;
	s6 =	simm.s32 $0xA180;
	[tilespmem:$0x1FF60] =	vst v1  }
.LBB2_23:
0x32: {  	s2 =	rddreg [dreg:$0x17]  }
0x33: {  	s1 =	rddreg [dreg:$0x16];
	s2 =	sadd.s32 $0x1, s2  }
0x34: {  	p1 =	sne.s32 s2, s1  }
.Ltmp1:
0x35: {  	_ = 	snop;
	(pc) =	sbr.rel @!p1 .LBB2_24-.Ltmp1, $1  }
0x36: {  	_ =	sdelay $0x3  }
.LBB2_1:
0x37: {  	[dreg:$0x17] =	wrdreg s2  }
0x38: {  	s1 =	rddreg [dreg:$0x0];
	s18 =	simm.s32 $0x3  }
0x39: {  	[tilespmem:s8], [sflag:$0x3] =	stream.linear.gather [hbm4b:s1+s8], $0x4000, $0x38;
	[tilespmem:$0x1A900] =	vst v63  }
0x3a: {  	_ =	swait.ge [sflag:s18], $0x4000  }
0x3b: {  	[sflag:s18] =	ssyncset.done $0x0  }
0x3c: {  	[sflag:s18] =	ssyncadd.s32 $0xFFFFC000  }
0x3d: {  	v1 =	vld [tilespmem:s8+$0x0];
	_ =	sdelay $0x4  }
0x3e: {  	vm0 =	vge.s32 v1, v2;
	vm1 =	vlt.s32 v1, v3  }
0x3f: {  	vm0 =	vmand vm0, vm1  }
0x40: {  	v6 =	vmpcnt.ones.xlane vm0;
	_ =	sdelay $0x1  }
0x41: {  	(v2sf) =	vpush v6, $0x0  }
0x42: {  	v1 =	vsub.s32 v1, v2  }
0x43: {  	v1 =	vshll.u32 v1, $0xE  }
0x44: {  	v1 =	vadd.s32 s8, v1  }
0x45: {  	v1 =	vadd.s32 v0, v1  }
0x46: {  	s2 =	simm.s32 $0x10;
	[tilespmem:s8+$0x4080] =	vst.msk vm0, v1  }
0x47: {  	v1 =	vld [tilespmem:s2+$0x0];
	_ =	sdelay $0x4  }
0x48: {  	vm0 =	vge.s32 v1, v2;
	vm1 =	vlt.s32 v1, v3  }
0x49: {  	v1 =	vsub.s32 v1, v2;
	vm0 =	vmand vm0, vm1  }
0x4a: {  	v1 =	vshll.u32 v1, $0xE;
	v6 =	vmpcnt.ones.xlane vm0  }
0x4b: {  	v1 =	vadd.s32 s2, v1  }
0x4c: {  	s9 =	simm.s32 $0x0;
	s1 =	simm.s32 $0x20;
	v1 =	vadd.s32 v0, v1;
	(v2sf) =	vpush v6, $0x0;
	s11 =	spop (v2sf)  }
.LBB2_2:
0x4d: {  	p1 =	sne.s32 s1, $0x3FF0  }
0x4e: {  	s9 =	sadd.s32 s9, s11;
	s11 =	smov.u32 s1;
	s1 =	sadd.s32 $0x10, s1  }
0x4f: {  	[tilespmem:s9+$0x4080] =	vst.msk vm0, v1  }
0x50: {  	s2 =	sadd.s32 $0x10, s2  }
0x51: {  	v1 =	vld [tilespmem:s2+$0x0];
	_ =	sdelay $0x4  }
0x52: {  	vm0 =	vge.s32 v1, v2;
	vm1 =	vlt.s32 v1, v3;
	v1 =	vsub.s32 v1, v2  }
.Ltmp2:
0x53: {  	vm0 =	vmand vm0, vm1;
	v1 =	vshll.u32 v1, $0xE;
	(pc) =	sbr.rel @p1 .LBB2_2-.Ltmp2, $4  }
0x54: {  	v1 =	vadd.s32 s11, v1;
	v6 =	vmpcnt.ones.xlane vm0  }
0x55: {  	v1 =	vadd.s32 v0, v1  }
0x56: {  	(v2sf) =	vpush v6, $0x0  }
0x57: {  	s11 =	spop (v2sf)  }
0x58: {  	_ =	sdelay $0x9  }
0x59: {  	s1 =	sadd.s32 s9, s11  }
0x5a: {  	s2 =	simm.s32 @!p0 $0x0;
	s9 =	simm.s32 @!p0 $0x8100;
	s10 =	rddreg [dreg:$0x2];
	[tilespmem:s1+$0x4080] =	vst.msk vm0, v1  }
0x5b: {  	[tilespmem:s9], [sflag:$0x3] =	stream.linear.gather @!p0 [hbm4b:s10+s2], $0x2000, $0x38;
	[tilespmem:$0x1A900] =	vst v63  }
0x5c: {  	s2 =	simm.s32 @!p0 $0x3;
	s9 =	spop (v2sf)  }
0x5d: {  	_ =	swait.ge @!p0 [sflag:s2], $0x2000  }
0x5e: {  	[sflag:s2] =	ssyncset.done @!p0 $0x0  }
0x5f: {  	s14 =	rddreg [dreg:$0xa];
	[sflag:s2] =	ssyncadd.s32 @!p0 $0xFFFFE000;
	s2 =	simm.s32 $0x0  }
0x60: {  	[tilespmem:s28], [sflag:$0x1] =	stream.linear.gather [hbm4b:s14+s2], $0x1000, $0x38;
	[tilespmem:$0x1A900] =	vst v63  }
0x61: {  	s18 =	simm.s32 $0xB900;
	s15 =	rddreg [dreg:$0xd]  }
0x62: {  	[tilespmem:s18], [sflag:$0x1] =	stream.linear.gather [hbm4b:s15+s2], $0x1000, $0x38;
	[tilespmem:$0x1A900] =	vst v63  }
0x63: {  	s12 =	rddreg [dreg:$0xe];
	s14 =	simm.s32 $0xC900  }
0x64: {  	[tilespmem:s14], [sflag:$0x1] =	stream.linear.gather [hbm4b:s12+s2], $0x1000, $0x38;
	[tilespmem:$0x1A900] =	vst v63  }
0x65: {  	s15 =	rddreg [dreg:$0x10];
	s18 =	simm.s32 $0xD900  }
0x66: {  	[tilespmem:s18], [sflag:$0x1] =	stream.linear.gather [hbm4b:s15+s2], $0x1000, $0x38;
	[tilespmem:$0x1A900] =	vst v63  }
0x67: {  	s12 =	rddreg [dreg:$0x11];
	s14 =	simm.s32 $0xE900  }
0x68: {  	[tilespmem:s14], [sflag:$0x1] =	stream.linear.gather [hbm4b:s12+s2], $0x1000, $0x38;
	[tilespmem:$0x1A900] =	vst v63  }
0x69: {  	s15 =	rddreg [dreg:$0x13];
	s18 =	simm.s32 $0xF900  }
0x6a: {  	[tilespmem:s18], [sflag:$0x1] =	stream.linear.gather [hbm4b:s15+s2], $0x1000, $0x38;
	[tilespmem:$0x1A900] =	vst v63  }
0x6b: {  	s11 =	rddreg [dreg:$0x14];
	s12 =	simm.s32 $0x10900  }
0x6c: {  	[tilespmem:s12], [sflag:$0x1] =	stream.linear.gather [hbm4b:s11+s2], $0x1000, $0x38;
	[tilespmem:$0x1A900] =	vst v63  }
0x6d: {  	s14 =	rddreg [dreg:$0x15];
	s15 =	simm.s32 $0x11900;
	s18 =	simm.s32 $0x1  }
0x6e: {  	[tilespmem:s15], [sflag:$0x1] =	stream.linear.gather [hbm4b:s14+s2], $0x1000, $0x38;
	[tilespmem:$0x1A900] =	vst v63  }
0x6f: {  	_ =	swait.ge [sflag:s18], $0x1000  }
0x70: {  	[sflag:s18] =	ssyncset.done $0x0  }
0x71: {  	[sflag:s18] =	ssyncadd.s32 $0xFFFFF000  }
0x72: {  	_ =	swait.ge [sflag:s18], $0x1000  }
0x73: {  	[sflag:s18] =	ssyncset.done $0x0  }
0x74: {  	[sflag:s18] =	ssyncadd.s32 $0xFFFFF000  }
0x75: {  	_ =	swait.ge [sflag:s18], $0x1000  }
0x76: {  	[sflag:s18] =	ssyncset.done $0x0  }
0x77: {  	[sflag:s18] =	ssyncadd.s32 $0xFFFFF000  }
0x78: {  	_ =	swait.ge [sflag:s18], $0x1000  }
0x79: {  	[sflag:s18] =	ssyncset.done $0x0  }
0x7a: {  	[sflag:s18] =	ssyncadd.s32 $0xFFFFF000  }
0x7b: {  	_ =	swait.ge [sflag:s18], $0x1000  }
0x7c: {  	[sflag:s18] =	ssyncset.done $0x0  }
0x7d: {  	[sflag:s18] =	ssyncadd.s32 $0xFFFFF000  }
0x7e: {  	_ =	swait.ge [sflag:s18], $0x1000  }
0x7f: {  	[sflag:s18] =	ssyncset.done $0x0  }
0x80: {  	[sflag:s18] =	ssyncadd.s32 $0xFFFFF000  }
0x81: {  	_ =	swait.ge [sflag:s18], $0x1000  }
.Ltmp3:
0x82: {  	s1 =	sadd.s32 s1, s9;
	[sflag:s18] =	ssyncset.done $0x0;
	(pc) =	sbr.rel .LBB2_4-.Ltmp3, $4  }
0x83: {  	s9 =	sadd.s32 $0xF, s1;
	[sflag:s18] =	ssyncadd.s32 $0xFFFFF000  }
0x84: {  	s9 =	sshra.s32 s9, $0x4;
	_ =	swait.ge [sflag:s18], $0x1000  }
0x85: {  	[dreg:$0x18] =	wrdreg s9;
	[sflag:s18] =	ssyncset.done $0x0  }
0x86: {  	v63 =	vmov s1;
	p1 =	slt.s32 s9, $0x1;
	s10 =	rddreg [dreg:$0x7];
	[sflag:s18] =	ssyncadd.s32 $0xFFFFF000  }
.LBB2_14:
0x87: {  	s1 =	simm.s32 @!p2 $0x1  }
0x88: {  	_ =	swait.ge @!p2 [sflag:s1], $0x1000  }
0x89: {  	[sflag:s1] =	ssyncset.done @!p2 $0x0  }
0x8a: {  	[sflag:s1] =	ssyncadd.s32 @!p2 $0xFFFFF000  }
0x8b: {  	_ =	swait.ge @!p2 [sflag:s1], $0x1000  }
0x8c: {  	[sflag:s1] =	ssyncset.done @!p2 $0x0  }
0x8d: {  	[sflag:s1] =	ssyncadd.s32 @!p2 $0xFFFFF000  }
0x8e: {  	_ =	swait.ge @!p2 [sflag:s1], $0x1000  }
0x8f: {  	[sflag:s1] =	ssyncset.done @!p2 $0x0  }
0x90: {  	[sflag:s1] =	ssyncadd.s32 @!p2 $0xFFFFF000  }
0x91: {  	_ =	swait.ge @!p2 [sflag:s1], $0x1000  }
0x92: {  	[sflag:s1] =	ssyncset.done @!p2 $0x0  }
0x93: {  	[sflag:s1] =	ssyncadd.s32 @!p2 $0xFFFFF000  }
0x94: {  	_ =	swait.ge @!p2 [sflag:s1], $0x1000  }
0x95: {  	[sflag:s1] =	ssyncset.done @!p2 $0x0  }
0x96: {  	[sflag:s1] =	ssyncadd.s32 @!p2 $0xFFFFF000  }
0x97: {  	_ =	swait.ge @!p2 [sflag:s1], $0x1000  }
0x98: {  	[sflag:s1] =	ssyncset.done @!p2 $0x0  }
0x99: {  	p3 =	sne.s32 @!p2 s2, $0x3E;
	[sflag:s1] =	ssyncadd.s32 @!p2 $0xFFFFF000  }
0x9a: {  	p3 =	por p2, !p3;
	_ =	swait.ge @!p2 [sflag:s1], $0x1000  }
.Ltmp4:
0x9b: {  	[sflag:s1] =	ssyncset.done @!p2 $0x0;
	(pc) =	sbr.rel @p3 .LBB2_15-.Ltmp4, $4  }
0x9c: {  	[sflag:s1] =	ssyncadd.s32 @!p2 $0xFFFFF000  }
0x9d: {  	_ =	swait.ge @!p2 [sflag:s1], $0x1000  }
0x9e: {  	[sflag:s1] =	ssyncset.done @!p2 $0x0  }
0x9f: {  	[sflag:s1] =	ssyncadd.s32 @!p2 $0xFFFFF000  }
.LBB2_4:
0xa0: {  	s11 =	smov.u32 s2  }
0xa1: {  	s2 =	sadd.s32 $0x1, s2;
	p2 =	seq.s32 s11, $0x3D  }
0xa2: {  	s1 =	sshll.u32 @!p2 s2, $0x9  }
0xa3: {  	s1 =	sadd.s32 @!p2 s21, s1  }
0xa4: {  	p3 =	slt.s32 @!p2 s1, s10  }
0xa5: {  	s9 =	rddreg [dreg:$0x1];
	s12 =	sshll.u32 @!p2 s2, $0xF;
	p3 =	por !p3, p2  }
0xa6: {  	s18 =	simm.s32 @!p2 $0x0;
	s12 =	sand.u32 @!p2 $0x8000, s12;
	s1 =	smov.u32 @p3 s10  }
0xa7: {  	s14 =	sadd.s32 @!p2 $0xA900, s12;
	s15 =	sadd.s32 @!p2 s9, s1;
	s9 =	rddreg [dreg:$0xb]  }
0xa8: {  	[tilespmem:s14], [sflag:$0x1] =	stream.linear.gather @!p2 [hbm4b:s15+s18], $0x1000, $0x38;
	[tilespmem:$0x1A900] =	vst v63  }
0xa9: {  	s14 =	sadd.s32 @!p2 $0xB900, s12;
	s15 =	sadd.s32 @!p2 s1, s9;
	s9 =	rddreg [dreg:$0x6]  }
0xaa: {  	[tilespmem:s14], [sflag:$0x1] =	stream.linear.gather @!p2 [hbm4b:s15+s18], $0x1000, $0x38;
	[tilespmem:$0x1A900] =	vst v63  }
0xab: {  	s14 =	sadd.s32 @!p2 $0xC900, s12;
	s15 =	sadd.s32 @!p2 s1, s9;
	s9 =	rddreg [dreg:$0x8]  }
0xac: {  	[tilespmem:s14], [sflag:$0x1] =	stream.linear.gather @!p2 [hbm4b:s15+s18], $0x1000, $0x38;
	[tilespmem:$0x1A900] =	vst v63  }
0xad: {  	s14 =	sadd.s32 @!p2 $0xD900, s12;
	s15 =	sadd.s32 @!p2 s1, s9;
	s9 =	rddreg [dreg:$0x9]  }
0xae: {  	[tilespmem:s14], [sflag:$0x1] =	stream.linear.gather @!p2 [hbm4b:s15+s18], $0x1000, $0x38;
	[tilespmem:$0x1A900] =	vst v63  }
0xaf: {  	s14 =	sadd.s32 @!p2 $0xE900, s12;
	s15 =	sadd.s32 @!p2 s1, s9;
	s9 =	rddreg [dreg:$0xc]  }
0xb0: {  	[tilespmem:s14], [sflag:$0x1] =	stream.linear.gather @!p2 [hbm4b:s15+s18], $0x1000, $0x38;
	[tilespmem:$0x1A900] =	vst v63  }
0xb1: {  	s14 =	sadd.s32 @!p2 $0xF900, s12;
	s15 =	sadd.s32 @!p2 s1, s9  }
0xb2: {  	[tilespmem:s14], [sflag:$0x1] =	stream.linear.gather @!p2 [hbm4b:s15+s18], $0x1000, $0x38;
	[tilespmem:$0x1A900] =	vst v63  }
.Ltmp5:
0xb3: {  	s9 =	rddreg [dreg:$0xf];
	(pc) =	sbr.rel @p1 .LBB2_14-.Ltmp5, $4  }
0xb4: {  	s14 =	sor.u32 @!p2 $0x10900, s12;
	s15 =	sadd.s32 @!p2 s1, s9;
	s9 =	rddreg [dreg:$0x12]  }
0xb5: {  	[tilespmem:s14], [sflag:$0x1] =	stream.linear.gather @!p2 [hbm4b:s15+s18], $0x1000, $0x38;
	[tilespmem:$0x1A900] =	vst v63  }
0xb6: {  	s12 =	sor.u32 @!p2 $0x11900, s12;
	s1 =	sadd.s32 @!p2 s1, s9  }
0xb7: {  	[tilespmem:s12], [sflag:$0x1] =	stream.linear.gather @!p2 [hbm4b:s1+s18], $0x1000, $0x38;
	[tilespmem:$0x1A900] =	vst v63  }
0xb8: {  	s1 =	sshll.u32 s11, $0x9  }
0xb9: {  	s12 =	smov.u32 s10;
	s14 =	sadd.s32 s21, s1  }
0xba: {  	s9 =	rddreg [dreg:$0x5];
	p3 =	slt.s32 s14, s10;
	s15 =	sadd.s32 $0x200, s14  }
0xbb: {  	s12 =	smov.u32 @p3 s14;
	s18 =	smin.u32 s15, s9  }
0xbc: {  	s14 =	sand.u32 $0x1, s11;
	s11 =	ssub.s32 s18, s21;
	s18 =	rddreg [dreg:$0x18]  }
0xbd: {  	p4 =	sne.s32 s18, $0x1  }
.Ltmp6:
0xbe: {  	_ = 	snop;
	(pc) =	sbr.rel @!p4 .LBB2_6-.Ltmp6, $3  }
0xbf: {  	_ =	sdelay $0x1  }
0xc0: {  	s9 =	simm.s32 $0x4080  }
0xc1: {  	v1 =	vmov s1;
	p3 =	por $0x0, $0x0;
	v7 =	vld [tilespmem:s9+$0x0];
	v6 =	vmov s11;
	s11 =	simm.s32 $0x0;
	s1 =	sadd.s32 $0xFFFFFFFF, s18  }
0xc2: {  	_ =	sdelay $0x3  }
0xc3: {  	v9 =	vor.u32 s11, v0;
	v8 =	vshra.s32 v7, $0xE  }
0xc4: {  	vm0 =	vlt.s32 v9, v63;
	vm1 =	vlt.s32 v8, v6  }
0xc5: {  	vm2 =	vge.s32 v8, v1;
	vm0 =	vmand vm1, vm0  }
0xc6: {  	vm0 =	vmand vm0, vm2  }
0xc7: {  	v8 =	vmpcnt.ones.xlane vm0;
	_ =	sdelay $0x1  }
0xc8: {  	p4 =	sne.s32 s1, $0x1;
	(v2sf) =	vpush v8, $0x0  }
.Ltmp7:
0xc9: {  	_ = 	snop;
	(pc) =	sbr.rel @!p4 .LBB2_8-.Ltmp7, $3  }
0xca: {  	_ =	sdelay $0x1  }
0xcb: {  	s10 =	smov.u32 s21;
	s21 =	simm.s32 $0x4090;
	s1 =	sadd.s32 $0xFFFFFFFF, s1;
	[tilespmem:s11+$0x0] =	vst.msk vm0, v7  }
0xcc: {  	p3 =	por $0x1, $0x1;
	s18 =	simm.s32 $0x0;
	s15 =	simm.s32 $0x0;
	v7 =	vld [tilespmem:s21+$0x0]  }
.LBB2_9:
0xcd: {  	p4 =	sne.s32 s1, $0x1;
	_ =	sdelay $0x2  }
0xce: {  	s18 =	sadd.s32 $0x10, s18  }
0xcf: {  	v9 =	vor.u32 s18, v0;
	v8 =	vshra.s32 v7, $0xE  }
0xd0: {  	vm0 =	vlt.s32 v9, v63;
	vm1 =	vlt.s32 v8, v6  }
0xd1: {  	vm2 =	vge.s32 v8, v1;
	vm0 =	vmand vm1, vm0  }
0xd2: {  	vm0 =	vmand vm0, vm2  }
0xd3: {  	v8 =	vmpcnt.ones.xlane vm0  }
0xd4: {  	s9 =	spop (v2sf)  }
0xd5: {  	(v2sf) =	vpush v8, $0x0;
	s15 =	sadd.s32 s15, s9  }
.Ltmp8:
0xd6: {  	[tilespmem:s15+$0x0] =	vst.msk vm0, v7;
	(pc) =	sbr.rel @p4 .LBB2_9-.Ltmp8, $3  }
0xd7: {  	_ =	sdelay $0x1  }
0xd8: {  	s21 =	sadd.s32 $0x10, s21  }
0xd9: {  	s1 =	sadd.s32 $0xFFFFFFFF, s1;
	v7 =	vld [tilespmem:s21+$0x0]  }
0xda: {  	s21 =	smov.u32 s10;
	s10 =	rddreg [dreg:$0x7]  }
.LBB2_11:
0xdb: {  	_ = 	snop  }
0xdc: {  	s1 =	sadd.s32 @p3 $0x10, s18;
	s9 =	simm.s32 $0x0  }
0xdd: {  	s9 =	smov.u32 @p3 s1  }
0xde: {  	v9 =	vor.u32 s9, v0;
	v8 =	vshra.s32 v7, $0xE  }
0xdf: {  	vm0 =	vlt.s32 v9, v63;
	vm1 =	vlt.s32 v8, v6  }
0xe0: {  	vm2 =	vge.s32 v8, v1;
	vm0 =	vmand vm1, vm0  }
0xe1: {  	vm0 =	vmand vm0, vm2  }
0xe2: {  	v1 =	vmpcnt.ones.xlane vm0;
	_ =	sdelay $0x1  }
0xe3: {  	(v2sf) =	vpush v1, $0x0;
	_ =	sdelay $0xc  }
0xe4: {  	s1 =	spop @p3 (v2sf)  }
0xe5: {  	s1 =	sadd.s32 @p3 s15, s1  }
0xe6: {  	s11 =	smov.u32 @p3 s1;
	s18 =	spop (v2sf)  }
0xe7: {  	s1 =	sadd.s32 s11, s18  }
0xe8: {  	p3 =	slt.s32 s1, $0x1  }
0xe9: {  	s9 =	sadd.s32 @!p3 $0xF, s1  }
0xea: {  	[tilespmem:s11+$0x0] =	vst.msk vm0, v7;
	s11 =	sshra.s32 @!p3 s9, $0x4  }
0xeb: {  	p4 =	slt.s32 @!p3 s11, $0x1  }
0xec: {  	v1 =	vld.msk @!p3 [tilespmem:$0x0 ss:$0x0], $0xffff;
	p4 =	por p3, p4  }
.Ltmp9:
0xed: {  	_ = 	snop;
	(pc) =	sbr.rel @p4 .LBB2_14-.Ltmp9, $4  }
0xee: {  	_ = 	snop  }
0xef: {  	v4 =	vld [tilespmem:$0x1FF40]  }
0xf0: {  	v3 =	vld [tilespmem:$0x1FF50]  }
0xf1: {  	[tilespmem:s1+$0x0] =	vst @!p3 v1;
	v1 =	vld [tilespmem:$0x1FF60]  }
0xf2: {  	v7 =	vld [tilespmem:$0x1FF10];
	_ =	sdelay $0x3  }
0xf3: {  	s9 =	sshll.u32 s14, $0xF  }
0xf4: {  	v8 =	vor.u32 s9, v7;
	v7 =	vld [tilespmem:$0x1FF20];
	_ =	sdelay $0x1  }
0xf5: {  	s1 =	ssub.s32 s21, s12  }
0xf6: {  	v6 =	vmov s1  }
0xf7: {  	[tilespmem:$0x1FED0] =	vst v6;
	v6 =	vld [tilespmem:$0x1FF00]  }
0xf8: {  	v10 =	vor.u32 s9, v7;
	v7 =	vld [tilespmem:$0x1FF30];
	_ =	sdelay $0x4  }
0xf9: {  	s12 =	simm.s32 $0x0;
	s14 =	simm.s32 $0x0;
	v6 =	vor.u32 s9, v6;
	v7 =	vor.u32 s9, v7  }
.LBB2_13:
0xfa: {  	v9 =	vld [tilespmem:s12+$0x0]  }
0xfb: {  	v12 =	vld [tilespmem:$0x1FED0];
	_ =	sdelay $0x3  }
0xfc: {  	v11 =	vshra.s32 v9, $0xE  }
0xfd: {  	v11 =	vadd.s32 v12, v11  }
0xfe: {  	v12 =	vbroadcast v11, $0x0;
	_ =	sdelay $0x1  }
0xff: {  	v13 =	vshll.u32 v12, $0x3  }
0x100: {  	v13 =	vand.u32 $0xFFFFFC00, v13  }
0x101: {  	v12 =	vand.u32 $0x7F, v12;
	v14 =	vadd.s32 v6, v13  }
0x102: {  	v14 =	vor.u32 v12, v14;
	_ =	sdelay $0x4  }
0x103: {  	v15 =	vadd.s32 v8, v13;
	v14 =	vld.idx.msk [tilespmem:v14+s28+$0x0], $0xffff  }
0x104: {  	v15 =	vor.u32 v12, v15;
	_ =	sdelay $0x3  }
0x105: {  	[tilespmem:v0+s31+$0x0] =	vst.idx.msk $0xffff, v14  }
0x106: {  	v14 =	vld.idx.msk [tilespmem:v15+s28+$0x0], $0xffff;
	v15 =	vadd.s32 v10, v13  }
0x107: {  	v15 =	vor.u32 v12, v15;
	_ =	sdelay $0x3  }
0x108: {  	[tilespmem:v16+s31+$0x0] =	vst.idx.msk $0xffff, v14  }
0x109: {  	v13 =	vadd.s32 v7, v13;
	v14 =	vld.idx.msk [tilespmem:v15+s28+$0x0], $0xffff  }
0x10a: {  	v12 =	vor.u32 v12, v13  }
0x10b: {  	v13 =	vbroadcast v11, $0x1;
	_ =	sdelay $0x1  }
0x10c: {  	v15 =	vshll.u32 v13, $0x3  }
0x10d: {  	[tilespmem:v17+s31+$0x0] =	vst.idx.msk $0xffff, v14;
	v14 =	vand.u32 $0xFFFFFC00, v15  }
0x10e: {  	v13 =	vand.u32 $0x7F, v13;
	v12 =	vld.idx.msk [tilespmem:v12+s28+$0x0], $0xffff;
	v15 =	vadd.s32 v6, v14  }
0x10f: {  	v15 =	vor.u32 v13, v15;
	_ =	sdelay $0x3  }
0x110: {  	[tilespmem:v18+s31+$0x0] =	vst.idx.msk $0xffff, v12  }
0x111: {  	v12 =	vld.idx.msk [tilespmem:v15+s28+$0x0], $0xffff;
	v15 =	vadd.s32 v8, v14  }
0x112: {  	v15 =	vor.u32 v13, v15;
	_ =	sdelay $0x3  }
0x113: {  	[tilespmem:v19+s31+$0x0] =	vst.idx.msk $0xffff, v12  }
0x114: {  	v12 =	vld.idx.msk [tilespmem:v15+s28+$0x0], $0xffff;
	v15 =	vadd.s32 v10, v14  }
0x115: {  	v15 =	vor.u32 v13, v15;
	_ =	sdelay $0x3  }
0x116: {  	[tilespmem:v20+s31+$0x0] =	vst.idx.msk $0xffff, v12  }
0x117: {  	v14 =	vadd.s32 v7, v14;
	v12 =	vld.idx.msk [tilespmem:v15+s28+$0x0], $0xffff  }
0x118: {  	v13 =	vor.u32 v13, v14  }
0x119: {  	v14 =	vbroadcast v11, $0x2;
	_ =	sdelay $0x1  }
0x11a: {  	v15 =	vshll.u32 v14, $0x3  }
0x11b: {  	[tilespmem:v21+s31+$0x0] =	vst.idx.msk $0xffff, v12;
	v12 =	vand.u32 $0xFFFFFC00, v15  }
0x11c: {  	v14 =	vand.u32 $0x7F, v14;
	v13 =	vld.idx.msk [tilespmem:v13+s28+$0x0], $0xffff;
	v15 =	vadd.s32 v6, v12  }
0x11d: {  	v15 =	vor.u32 v14, v15;
	_ =	sdelay $0x3  }
0x11e: {  	[tilespmem:v22+s31+$0x0] =	vst.idx.msk $0xffff, v13  }
0x11f: {  	v13 =	vld.idx.msk [tilespmem:v15+s28+$0x0], $0xffff;
	v15 =	vadd.s32 v8, v12  }
0x120: {  	v15 =	vor.u32 v14, v15;
	_ =	sdelay $0x3  }
0x121: {  	[tilespmem:v23+s31+$0x0] =	vst.idx.msk $0xffff, v13  }
0x122: {  	v13 =	vld.idx.msk [tilespmem:v15+s28+$0x0], $0xffff;
	v15 =	vadd.s32 v10, v12  }
0x123: {  	v15 =	vor.u32 v14, v15;
	_ =	sdelay $0x3  }
0x124: {  	[tilespmem:v24+s31+$0x0] =	vst.idx.msk $0xffff, v13  }
0x125: {  	v12 =	vadd.s32 v7, v12;
	v13 =	vld.idx.msk [tilespmem:v15+s28+$0x0], $0xffff  }
0x126: {  	v12 =	vor.u32 v14, v12  }
0x127: {  	v14 =	vbroadcast v11, $0x3;
	_ =	sdelay $0x1  }
0x128: {  	v15 =	vshll.u32 v14, $0x3  }
0x129: {  	[tilespmem:v25+s31+$0x0] =	vst.idx.msk $0xffff, v13;
	v13 =	vand.u32 $0xFFFFFC00, v15  }
0x12a: {  	v14 =	vand.u32 $0x7F, v14;
	v12 =	vld.idx.msk [tilespmem:v12+s28+$0x0], $0xffff;
	v15 =	vadd.s32 v6, v13  }
0x12b: {  	v15 =	vor.u32 v14, v15;
	_ =	sdelay $0x3  }
0x12c: {  	[tilespmem:v26+s31+$0x0] =	vst.idx.msk $0xffff, v12  }
0x12d: {  	v12 =	vld.idx.msk [tilespmem:v15+s28+$0x0], $0xffff;
	v15 =	vadd.s32 v8, v13  }
0x12e: {  	v15 =	vor.u32 v14, v15;
	_ =	sdelay $0x3  }
0x12f: {  	[tilespmem:v27+s31+$0x0] =	vst.idx.msk $0xffff, v12  }
0x130: {  	v12 =	vld.idx.msk [tilespmem:v15+s28+$0x0], $0xffff;
	v15 =	vadd.s32 v10, v13  }
0x131: {  	v15 =	vor.u32 v14, v15;
	_ =	sdelay $0x3  }
0x132: {  	[tilespmem:v28+s31+$0x0] =	vst.idx.msk $0xffff, v12  }
0x133: {  	v13 =	vadd.s32 v7, v13;
	v12 =	vld.idx.msk [tilespmem:v15+s28+$0x0], $0xffff  }
0x134: {  	v13 =	vor.u32 v14, v13  }
0x135: {  	v14 =	vbroadcast v11, $0x4;
	_ =	sdelay $0x1  }
0x136: {  	v15 =	vshll.u32 v14, $0x3  }
0x137: {  	[tilespmem:v29+s31+$0x0] =	vst.idx.msk $0xffff, v12;
	v12 =	vand.u32 $0xFFFFFC00, v15  }
0x138: {  	v14 =	vand.u32 $0x7F, v14;
	v13 =	vld.idx.msk [tilespmem:v13+s28+$0x0], $0xffff;
	v15 =	vadd.s32 v6, v12  }
0x139: {  	v15 =	vor.u32 v14, v15;
	_ =	sdelay $0x3  }
0x13a: {  	[tilespmem:v30+s31+$0x0] =	vst.idx.msk $0xffff, v13  }
0x13b: {  	v13 =	vld.idx.msk [tilespmem:v15+s28+$0x0], $0xffff;
	v15 =	vadd.s32 v8, v12  }
0x13c: {  	v15 =	vor.u32 v14, v15;
	_ =	sdelay $0x3  }
0x13d: {  	[tilespmem:v31+s31+$0x0] =	vst.idx.msk $0xffff, v13  }
0x13e: {  	v13 =	vld.idx.msk [tilespmem:v15+s28+$0x0], $0xffff;
	v15 =	vadd.s32 v10, v12  }
0x13f: {  	v15 =	vor.u32 v14, v15;
	_ =	sdelay $0x3  }
0x140: {  	[tilespmem:v32+s31+$0x0] =	vst.idx.msk $0xffff, v13  }
0x141: {  	v12 =	vadd.s32 v7, v12;
	v13 =	vld.idx.msk [tilespmem:v15+s28+$0x0], $0xffff  }
0x142: {  	v12 =	vor.u32 v14, v12  }
0x143: {  	v14 =	vbroadcast v11, $0x5;
	_ =	sdelay $0x1  }
0x144: {  	v15 =	vshll.u32 v14, $0x3  }
0x145: {  	[tilespmem:v33+s31+$0x0] =	vst.idx.msk $0xffff, v13;
	v13 =	vand.u32 $0xFFFFFC00, v15  }
0x146: {  	v14 =	vand.u32 $0x7F, v14;
	v12 =	vld.idx.msk [tilespmem:v12+s28+$0x0], $0xffff;
	v15 =	vadd.s32 v6, v13  }
0x147: {  	v15 =	vor.u32 v14, v15;
	_ =	sdelay $0x3  }
0x148: {  	[tilespmem:v34+s31+$0x0] =	vst.idx.msk $0xffff, v12  }
0x149: {  	v12 =	vld.idx.msk [tilespmem:v15+s28+$0x0], $0xffff;
	v15 =	vadd.s32 v8, v13  }
0x14a: {  	v15 =	vor.u32 v14, v15;
	_ =	sdelay $0x3  }
0x14b: {  	[tilespmem:v35+s31+$0x0] =	vst.idx.msk $0xffff, v12  }
0x14c: {  	v12 =	vld.idx.msk [tilespmem:v15+s28+$0x0], $0xffff;
	v15 =	vadd.s32 v10, v13  }
0x14d: {  	v15 =	vor.u32 v14, v15;
	_ =	sdelay $0x3  }
0x14e: {  	[tilespmem:v36+s31+$0x0] =	vst.idx.msk $0xffff, v12  }
0x14f: {  	v13 =	vadd.s32 v7, v13;
	v12 =	vld.idx.msk [tilespmem:v15+s28+$0x0], $0xffff  }
0x150: {  	v13 =	vor.u32 v14, v13  }
0x151: {  	v14 =	vbroadcast v11, $0x6;
	_ =	sdelay $0x1  }
0x152: {  	v15 =	vshll.u32 v14, $0x3  }
0x153: {  	[tilespmem:v37+s31+$0x0] =	vst.idx.msk $0xffff, v12;
	v12 =	vand.u32 $0xFFFFFC00, v15  }
0x154: {  	v14 =	vand.u32 $0x7F, v14;
	v13 =	vld.idx.msk [tilespmem:v13+s28+$0x0], $0xffff;
	v15 =	vadd.s32 v6, v12  }
0x155: {  	v15 =	vor.u32 v14, v15;
	_ =	sdelay $0x3  }
0x156: {  	[tilespmem:v38+s31+$0x0] =	vst.idx.msk $0xffff, v13  }
0x157: {  	v13 =	vld.idx.msk [tilespmem:v15+s28+$0x0], $0xffff;
	v15 =	vadd.s32 v8, v12  }
0x158: {  	v15 =	vor.u32 v14, v15;
	_ =	sdelay $0x3  }
0x159: {  	[tilespmem:v39+s31+$0x0] =	vst.idx.msk $0xffff, v13  }
0x15a: {  	v13 =	vld.idx.msk [tilespmem:v15+s28+$0x0], $0xffff;
	v15 =	vadd.s32 v10, v12  }
0x15b: {  	v15 =	vor.u32 v14, v15;
	_ =	sdelay $0x3  }
0x15c: {  	[tilespmem:v40+s31+$0x0] =	vst.idx.msk $0xffff, v13  }
0x15d: {  	v12 =	vadd.s32 v7, v12;
	v13 =	vld.idx.msk [tilespmem:v15+s28+$0x0], $0xffff  }
0x15e: {  	v12 =	vor.u32 v14, v12  }
0x15f: {  	v14 =	vbroadcast v11, $0x7;
	_ =	sdelay $0x1  }
0x160: {  	v15 =	vshll.u32 v14, $0x3  }
0x161: {  	[tilespmem:v41+s31+$0x0] =	vst.idx.msk $0xffff, v13;
	v13 =	vand.u32 $0xFFFFFC00, v15  }
0x162: {  	v14 =	vand.u32 $0x7F, v14;
	v12 =	vld.idx.msk [tilespmem:v12+s28+$0x0], $0xffff;
	v15 =	vadd.s32 v6, v13  }
0x163: {  	v15 =	vor.u32 v14, v15;
	_ =	sdelay $0x3  }
0x164: {  	[tilespmem:v42+s31+$0x0] =	vst.idx.msk $0xffff, v12  }
0x165: {  	v12 =	vld.idx.msk [tilespmem:v15+s28+$0x0], $0xffff;
	v15 =	vadd.s32 v8, v13  }
0x166: {  	v15 =	vor.u32 v14, v15;
	_ =	sdelay $0x3  }
0x167: {  	[tilespmem:v43+s31+$0x0] =	vst.idx.msk $0xffff, v12  }
0x168: {  	v12 =	vld.idx.msk [tilespmem:v15+s28+$0x0], $0xffff;
	v15 =	vadd.s32 v10, v13  }
0x169: {  	v15 =	vor.u32 v14, v15;
	_ =	sdelay $0x3  }
0x16a: {  	[tilespmem:v44+s31+$0x0] =	vst.idx.msk $0xffff, v12  }
0x16b: {  	v13 =	vadd.s32 v7, v13;
	v12 =	vld.idx.msk [tilespmem:v15+s28+$0x0], $0xffff  }
0x16c: {  	v13 =	vor.u32 v14, v13  }
0x16d: {  	v14 =	vbroadcast v11, $0x8;
	_ =	sdelay $0x1  }
0x16e: {  	v15 =	vshll.u32 v14, $0x3  }
0x16f: {  	[tilespmem:v45+s31+$0x0] =	vst.idx.msk $0xffff, v12;
	v12 =	vand.u32 $0xFFFFFC00, v15  }
0x170: {  	v14 =	vand.u32 $0x7F, v14;
	v13 =	vld.idx.msk [tilespmem:v13+s28+$0x0], $0xffff;
	v15 =	vadd.s32 v6, v12  }
0x171: {  	v15 =	vor.u32 v14, v15;
	_ =	sdelay $0x3  }
0x172: {  	[tilespmem:v46+s31+$0x0] =	vst.idx.msk $0xffff, v13  }
0x173: {  	v13 =	vld.idx.msk [tilespmem:v15+s28+$0x0], $0xffff;
	v15 =	vadd.s32 v8, v12  }
0x174: {  	v15 =	vor.u32 v14, v15;
	_ =	sdelay $0x3  }
0x175: {  	[tilespmem:v47+s31+$0x0] =	vst.idx.msk $0xffff, v13  }
0x176: {  	v13 =	vld.idx.msk [tilespmem:v15+s28+$0x0], $0xffff;
	v15 =	vadd.s32 v10, v12  }
0x177: {  	v15 =	vor.u32 v14, v15;
	_ =	sdelay $0x3  }
0x178: {  	[tilespmem:v48+s31+$0x0] =	vst.idx.msk $0xffff, v13  }
0x179: {  	v12 =	vadd.s32 v7, v12;
	v13 =	vld.idx.msk [tilespmem:v15+s28+$0x0], $0xffff  }
0x17a: {  	v12 =	vor.u32 v14, v12  }
0x17b: {  	v14 =	vbroadcast v11, $0x9;
	_ =	sdelay $0x1  }
0x17c: {  	v15 =	vshll.u32 v14, $0x3  }
0x17d: {  	[tilespmem:v49+s31+$0x0] =	vst.idx.msk $0xffff, v13;
	v13 =	vand.u32 $0xFFFFFC00, v15  }
0x17e: {  	v14 =	vand.u32 $0x7F, v14;
	v12 =	vld.idx.msk [tilespmem:v12+s28+$0x0], $0xffff;
	v15 =	vadd.s32 v6, v13  }
0x17f: {  	v15 =	vor.u32 v14, v15;
	_ =	sdelay $0x3  }
0x180: {  	[tilespmem:v50+s31+$0x0] =	vst.idx.msk $0xffff, v12  }
0x181: {  	v12 =	vld.idx.msk [tilespmem:v15+s28+$0x0], $0xffff;
	v15 =	vadd.s32 v8, v13  }
0x182: {  	v15 =	vor.u32 v14, v15;
	_ =	sdelay $0x3  }
0x183: {  	[tilespmem:v51+s31+$0x0] =	vst.idx.msk $0xffff, v12  }
0x184: {  	v12 =	vld.idx.msk [tilespmem:v15+s28+$0x0], $0xffff;
	v15 =	vadd.s32 v10, v13  }
0x185: {  	v15 =	vor.u32 v14, v15;
	_ =	sdelay $0x3  }
0x186: {  	[tilespmem:v52+s31+$0x0] =	vst.idx.msk $0xffff, v12  }
0x187: {  	v13 =	vadd.s32 v7, v13;
	v12 =	vld.idx.msk [tilespmem:v15+s28+$0x0], $0xffff  }
0x188: {  	v13 =	vor.u32 v14, v13  }
0x189: {  	v14 =	vbroadcast v11, $0xA;
	_ =	sdelay $0x1  }
0x18a: {  	v15 =	vshll.u32 v14, $0x3  }
0x18b: {  	[tilespmem:v53+s31+$0x0] =	vst.idx.msk $0xffff, v12;
	v12 =	vand.u32 $0xFFFFFC00, v15  }
0x18c: {  	v14 =	vand.u32 $0x7F, v14;
	v13 =	vld.idx.msk [tilespmem:v13+s28+$0x0], $0xffff;
	v15 =	vadd.s32 v6, v12  }
0x18d: {  	v15 =	vor.u32 v14, v15;
	_ =	sdelay $0x3  }
0x18e: {  	[tilespmem:v54+s31+$0x0] =	vst.idx.msk $0xffff, v13  }
0x18f: {  	v13 =	vld.idx.msk [tilespmem:v15+s28+$0x0], $0xffff;
	v15 =	vadd.s32 v8, v12  }
0x190: {  	v15 =	vor.u32 v14, v15;
	_ =	sdelay $0x3  }
0x191: {  	[tilespmem:v55+s31+$0x0] =	vst.idx.msk $0xffff, v13  }
0x192: {  	v13 =	vld.idx.msk [tilespmem:v15+s28+$0x0], $0xffff;
	v15 =	vadd.s32 v10, v12  }
0x193: {  	v15 =	vor.u32 v14, v15;
	_ =	sdelay $0x3  }
0x194: {  	[tilespmem:v56+s31+$0x0] =	vst.idx.msk $0xffff, v13  }
0x195: {  	v12 =	vadd.s32 v7, v12;
	v13 =	vld.idx.msk [tilespmem:v15+s28+$0x0], $0xffff  }
0x196: {  	v12 =	vor.u32 v14, v12  }
0x197: {  	v14 =	vbroadcast v11, $0xB;
	_ =	sdelay $0x1  }
0x198: {  	v15 =	vshll.u32 v14, $0x3  }
0x199: {  	[tilespmem:v57+s31+$0x0] =	vst.idx.msk $0xffff, v13;
	v13 =	vand.u32 $0xFFFFFC00, v15  }
0x19a: {  	v14 =	vand.u32 $0x7F, v14;
	v12 =	vld.idx.msk [tilespmem:v12+s28+$0x0], $0xffff;
	v15 =	vadd.s32 v6, v13  }
0x19b: {  	v15 =	vor.u32 v14, v15;
	_ =	sdelay $0x3  }
0x19c: {  	[tilespmem:v58+s31+$0x0] =	vst.idx.msk $0xffff, v12  }
0x19d: {  	v12 =	vld.idx.msk [tilespmem:v15+s28+$0x0], $0xffff;
	v15 =	vadd.s32 v8, v13  }
0x19e: {  	v15 =	vor.u32 v14, v15;
	_ =	sdelay $0x3  }
0x19f: {  	[tilespmem:v59+s31+$0x0] =	vst.idx.msk $0xffff, v12  }
0x1a0: {  	v12 =	vld.idx.msk [tilespmem:v15+s28+$0x0], $0xffff;
	v15 =	vadd.s32 v10, v13  }
0x1a1: {  	v15 =	vor.u32 v14, v15;
	_ =	sdelay $0x3  }
0x1a2: {  	[tilespmem:v60+s31+$0x0] =	vst.idx.msk $0xffff, v12  }
0x1a3: {  	v13 =	vadd.s32 v7, v13;
	v12 =	vld.idx.msk [tilespmem:v15+s28+$0x0], $0xffff  }
0x1a4: {  	v13 =	vor.u32 v14, v13  }
0x1a5: {  	v14 =	vbroadcast v11, $0xC;
	_ =	sdelay $0x1  }
0x1a6: {  	v15 =	vshll.u32 v14, $0x3  }
0x1a7: {  	[tilespmem:v61+s31+$0x0] =	vst.idx.msk $0xffff, v12;
	v12 =	vand.u32 $0xFFFFFC00, v15  }
0x1a8: {  	v14 =	vand.u32 $0x7F, v14;
	v13 =	vld.idx.msk [tilespmem:v13+s28+$0x0], $0xffff;
	v15 =	vadd.s32 v6, v12  }
0x1a9: {  	v15 =	vor.u32 v14, v15;
	_ =	sdelay $0x3  }
0x1aa: {  	[tilespmem:v62+s31+$0x0] =	vst.idx.msk $0xffff, v13  }
0x1ab: {  	v13 =	vld.idx.msk [tilespmem:v15+s28+$0x0], $0xffff;
	_ =	sdelay $0x1  }
0x1ac: {  	v15 =	vadd.s32 v8, v12  }
0x1ad: {  	v15 =	vor.u32 v14, v15;
	_ =	sdelay $0x1  }
0x1ae: {  	[tilespmem:v5+s31+$0x0] =	vst.idx.msk $0xffff, v13;
	v5 =	vld [tilespmem:$0x1FFC0];
	_ =	sdelay $0x2  }
0x1af: {  	v13 =	vld.idx.msk [tilespmem:v15+s28+$0x0], $0xffff;
	_ =	sdelay $0x1  }
0x1b0: {  	v15 =	vadd.s32 v10, v12  }
0x1b1: {  	v15 =	vor.u32 v14, v15;
	_ =	sdelay $0x1  }
0x1b2: {  	[tilespmem:v5+s31+$0x0] =	vst.idx.msk $0xffff, v13;
	v5 =	vld [tilespmem:$0x1FFE0];
	_ =	sdelay $0x2  }
0x1b3: {  	v13 =	vld.idx.msk [tilespmem:v15+s28+$0x0], $0xffff;
	_ =	sdelay $0x1  }
0x1b4: {  	v12 =	vadd.s32 v7, v12  }
0x1b5: {  	v12 =	vor.u32 v14, v12  }
0x1b6: {  	v14 =	vbroadcast v11, $0xD  }
0x1b7: {  	[tilespmem:v5+s31+$0x0] =	vst.idx.msk $0xffff, v13;
	v5 =	vld [tilespmem:$0x1FEF0]  }
0x1b8: {  	v15 =	vshll.u32 v14, $0x3  }
0x1b9: {  	v13 =	vand.u32 $0xFFFFFC00, v15  }
0x1ba: {  	v14 =	vand.u32 $0x7F, v14;
	v12 =	vld.idx.msk [tilespmem:v12+s28+$0x0], $0xffff;
	v15 =	vadd.s32 v6, v13  }
0x1bb: {  	v15 =	vor.u32 v14, v15;
	_ =	sdelay $0x3  }
0x1bc: {  	[tilespmem:v5+s31+$0x0] =	vst.idx.msk $0xffff, v12  }
0x1bd: {  	v12 =	vld.idx.msk [tilespmem:v15+s28+$0x0], $0xffff;
	v15 =	vadd.s32 v8, v13  }
0x1be: {  	v15 =	vor.u32 v14, v15;
	_ =	sdelay $0x3  }
0x1bf: {  	[tilespmem:v4+s31+$0x0] =	vst.idx.msk $0xffff, v12  }
0x1c0: {  	v12 =	vld.idx.msk [tilespmem:v15+s28+$0x0], $0xffff;
	v15 =	vadd.s32 v10, v13  }
0x1c1: {  	v15 =	vor.u32 v14, v15  }
0x1c2: {  	v5 =	vmovc v62;
	v62 =	vmovc v61;
	v61 =	vmov v60;
	v60 =	vmov v59;
	v59 =	vmov v58  }
0x1c3: {  	v58 =	vmovc v57;
	v57 =	vmovc v56;
	v56 =	vmov v55;
	v55 =	vmov v54;
	v54 =	vmov v53  }
0x1c4: {  	v53 =	vmovc v52;
	v52 =	vmovc v51;
	v51 =	vmov v50;
	v50 =	vmov v49;
	v49 =	vmov v48  }
0x1c5: {  	v48 =	vmovc v47;
	v47 =	vmovc v46;
	v46 =	vmov v45;
	v45 =	vmov v44;
	v44 =	vmov v43;
	[tilespmem:v3+s31+$0x0] =	vst.idx.msk $0xffff, v12  }
0x1c6: {  	v43 =	vmovc v42;
	v42 =	vmovc v41;
	v41 =	vmov v40;
	v40 =	vmov v39;
	v13 =	vadd.s32 v7, v13;
	v12 =	vld.idx.msk [tilespmem:v15+s28+$0x0], $0xffff  }
0x1c7: {  	v39 =	vmovc v38;
	v38 =	vmovc v37;
	v37 =	vmov v36;
	v36 =	vmov v35;
	v13 =	vor.u32 v14, v13  }
0x1c8: {  	v35 =	vmovc v34;
	v34 =	vmovc v33;
	v33 =	vmov v32;
	v32 =	vmov v31;
	v14 =	vbroadcast v11, $0xE  }
0x1c9: {  	v31 =	vmovc v30;
	v30 =	vmovc v29;
	v29 =	vmov v28;
	v28 =	vmov v27;
	v27 =	vmov v26  }
0x1ca: {  	v26 =	vmovc v25;
	v25 =	vmovc v24;
	v24 =	vmov v23;
	v23 =	vmov v22;
	v15 =	vshll.u32 v14, $0x3  }
0x1cb: {  	v22 =	vmovc v21;
	v21 =	vmovc v20;
	v20 =	vmov v19;
	v19 =	vmov v18;
	[tilespmem:v1+s31+$0x0] =	vst.idx.msk $0xffff, v12;
	v12 =	vand.u32 $0xFFFFFC00, v15  }
0x1cc: {  	v18 =	vmovc v17;
	v17 =	vmovc v16;
	v14 =	vand.u32 $0x7F, v14;
	v15 =	vor.u32 $0x6B0, v0;
	v13 =	vld.idx.msk [tilespmem:v13+s28+$0x0], $0xffff;
	v16 =	vadd.s32 v6, v12  }
0x1cd: {  	v16 =	vor.u32 v14, v16;
	_ =	sdelay $0x3  }
0x1ce: {  	[tilespmem:v15+s31+$0x0] =	vst.idx.msk $0xffff, v13  }
0x1cf: {  	v15 =	vor.u32 $0x700, v0;
	v13 =	vld.idx.msk [tilespmem:v16+s28+$0x0], $0xffff;
	v16 =	vadd.s32 v8, v12  }
0x1d0: {  	v16 =	vor.u32 v14, v16;
	_ =	sdelay $0x3  }
0x1d1: {  	[tilespmem:v15+s31+$0x0] =	vst.idx.msk $0xffff, v13  }
0x1d2: {  	v15 =	vor.u32 $0x710, v0;
	v13 =	vld.idx.msk [tilespmem:v16+s28+$0x0], $0xffff;
	v16 =	vadd.s32 v10, v12  }
0x1d3: {  	v16 =	vor.u32 v14, v16;
	_ =	sdelay $0x3  }
0x1d4: {  	[tilespmem:v15+s31+$0x0] =	vst.idx.msk $0xffff, v13  }
0x1d5: {  	v12 =	vadd.s32 v7, v12;
	v15 =	vor.u32 $0x720, v0;
	v13 =	vld.idx.msk [tilespmem:v16+s28+$0x0], $0xffff  }
0x1d6: {  	v12 =	vor.u32 v14, v12  }
0x1d7: {  	v11 =	vbroadcast v11, $0xF;
	_ =	sdelay $0x1  }
0x1d8: {  	v14 =	vshll.u32 v11, $0x3  }
0x1d9: {  	[tilespmem:v15+s31+$0x0] =	vst.idx.msk $0xffff, v13;
	v13 =	vand.u32 $0xFFFFFC00, v14  }
0x1da: {  	v11 =	vand.u32 $0x7F, v11;
	v14 =	vor.u32 $0x730, v0;
	v12 =	vld.idx.msk [tilespmem:v12+s28+$0x0], $0xffff;
	v15 =	vadd.s32 v6, v13  }
0x1db: {  	v15 =	vor.u32 v11, v15;
	_ =	sdelay $0x3  }
0x1dc: {  	[tilespmem:v14+s31+$0x0] =	vst.idx.msk $0xffff, v12  }
0x1dd: {  	v14 =	vor.u32 $0x780, v0;
	v12 =	vld.idx.msk [tilespmem:v15+s28+$0x0], $0xffff;
	v15 =	vadd.s32 v8, v13  }
0x1de: {  	v15 =	vor.u32 v11, v15;
	_ =	sdelay $0x3  }
0x1df: {  	v9 =	vand.u32 $0x3FFF, v9;
	[tilespmem:v14+s31+$0x0] =	vst.idx.msk $0xffff, v12  }
0x1e0: {  	v9 =	vshll.u32 v9, $0x4;
	v14 =	vor.u32 $0x790, v0;
	v12 =	vld.idx.msk [tilespmem:v15+s28+$0x0], $0xffff;
	v15 =	vadd.s32 v10, v13  }
0x1e1: {  	v9 =	vadd.s32 s7, v9;
	v15 =	vor.u32 v11, v15  }
0x1e2: {  	(v2sf) =	vpush v9, $0x0;
	_ =	sdelay $0x1  }
0x1e3: {  	(v2sf) =	vpush v9, $0x1  }
0x1e4: {  	[tilespmem:v14+s31+$0x0] =	vst.idx.msk $0xffff, v12  }
0x1e5: {  	(v2sf) =	vpush v9, $0x2;
	v13 =	vadd.s32 v7, v13;
	v14 =	vor.u32 $0x7A0, v0;
	v12 =	vld.idx.msk [tilespmem:v15+s28+$0x0], $0xffff  }
0x1e6: {  	v11 =	vor.u32 v11, v13  }
0x1e7: {  	(v2sf) =	vpush v9, $0x3;
	_ =	sdelay $0x1  }
0x1e8: {  	(v2sf) =	vpush v9, $0x4  }
0x1e9: {  	[tilespmem:v14+s31+$0x0] =	vst.idx.msk $0xffff, v12  }
0x1ea: {  	(v2sf) =	vpush v9, $0x5;
	v12 =	vor.u32 $0x7B0, v0;
	v11 =	vld.idx.msk [tilespmem:v11+s28+$0x0], $0xffff;
	_ =	sdelay $0x1  }
0x1eb: {  	(v2sf) =	vpush v9, $0x6;
	_ =	sdelay $0x1  }
0x1ec: {  	(v2sf) =	vpush v9, $0x7  }
0x1ed: {  	s1 =	spop (v2sf);
	[tilespmem:v12+s31+$0x0] =	vst.idx.msk $0xffff, v11  }
0x1ee: {  	(v2sf) =	vpush v9, $0x8;
	[hbm4b:s1+s8] =	stream.linear.scatter [tilespmem:s31], [sflag:$0x2], $0x80, $0x38;
	[tilespmem:$0x1A900] =	vst v63  }
0x1ef: {  	s9 =	spop (v2sf)  }
0x1f0: {  	(v2sf) =	vpush v9, $0x9;
	[hbm4b:s9+s8] =	stream.linear.scatter [tilespmem:s6], [sflag:$0x2], $0x80, $0x38;
	[tilespmem:$0x1A900] =	vst v63  }
0x1f1: {  	s15 =	spop (v2sf)  }
0x1f2: {  	(v2sf) =	vpush v9, $0xA;
	[hbm4b:s15+s8] =	stream.linear.scatter [tilespmem:s0], [sflag:$0x2], $0x80, $0x38;
	[tilespmem:$0x1A900] =	vst v63  }
0x1f3: {  	s18 =	spop (v2sf)  }
0x1f4: {  	(v2sf) =	vpush v9, $0xB;
	[hbm4b:s18+s8] =	stream.linear.scatter [tilespmem:s3], [sflag:$0x2], $0x80, $0x38;
	[tilespmem:$0x1A900] =	vst v63  }
0x1f5: {  	s9 =	spop (v2sf)  }
0x1f6: {  	(v2sf) =	vpush v9, $0xC;
	[hbm4b:s9+s8] =	stream.linear.scatter [tilespmem:s5], [sflag:$0x2], $0x80, $0x38;
	[tilespmem:$0x1A900] =	vst v63  }
0x1f7: {  	s15 =	spop (v2sf)  }
0x1f8: {  	(v2sf) =	vpush v9, $0xD;
	[hbm4b:s15+s8] =	stream.linear.scatter [tilespmem:s13], [sflag:$0x2], $0x80, $0x38;
	[tilespmem:$0x1A900] =	vst v63  }
0x1f9: {  	s18 =	spop (v2sf)  }
0x1fa: {  	(v2sf) =	vpush v9, $0xE;
	[hbm4b:s18+s8] =	stream.linear.scatter [tilespmem:s16], [sflag:$0x2], $0x80, $0x38;
	[tilespmem:$0x1A900] =	vst v63  }
0x1fb: {  	s9 =	spop (v2sf)  }
0x1fc: {  	(v2sf) =	vpush v9, $0xF;
	[hbm4b:s9+s8] =	stream.linear.scatter [tilespmem:s17], [sflag:$0x2], $0x80, $0x38;
	[tilespmem:$0x1A900] =	vst v63  }
0x1fd: {  	s15 =	spop (v2sf)  }
0x1fe: {  	[hbm4b:s15+s8] =	stream.linear.scatter [tilespmem:s19], [sflag:$0x2], $0x80, $0x38;
	[tilespmem:$0x1A900] =	vst v63  }
0x1ff: {  	s18 =	spop (v2sf)  }
0x200: {  	[hbm4b:s18+s8] =	stream.linear.scatter [tilespmem:s20], [sflag:$0x2], $0x80, $0x38;
	[tilespmem:$0x1A900] =	vst v63  }
0x201: {  	s9 =	spop (v2sf)  }
0x202: {  	[hbm4b:s9+s8] =	stream.linear.scatter [tilespmem:s22], [sflag:$0x2], $0x80, $0x38;
	[tilespmem:$0x1A900] =	vst v63  }
0x203: {  	s15 =	spop (v2sf)  }
0x204: {  	v16 =	vmov v17;
	v17 =	vmov v18;
	[hbm4b:s15+s8] =	stream.linear.scatter [tilespmem:s23], [sflag:$0x2], $0x80, $0x38;
	[tilespmem:$0x1A900] =	vst v63  }
0x205: {  	v18 =	vmovc v19;
	v19 =	vmovc v20;
	v20 =	vmov v21;
	v21 =	vmov v22;
	v22 =	vmov v23;
	s18 =	spop (v2sf)  }
0x206: {  	v23 =	vmovc v24;
	v24 =	vmovc v25;
	v25 =	vmov v26;
	v26 =	vmov v27;
	v27 =	vmov v28;
	[hbm4b:s18+s8] =	stream.linear.scatter [tilespmem:s24], [sflag:$0x2], $0x80, $0x38;
	[tilespmem:$0x1A900] =	vst v63  }
0x207: {  	v28 =	vmovc v29;
	v29 =	vmovc v30;
	v30 =	vmov v31;
	v31 =	vmov v32;
	v32 =	vmov v33;
	s9 =	spop (v2sf)  }
0x208: {  	v33 =	vmovc v34;
	v34 =	vmovc v35;
	v35 =	vmov v36;
	v36 =	vmov v37;
	v37 =	vmov v38;
	[hbm4b:s9+s8] =	stream.linear.scatter [tilespmem:s25], [sflag:$0x2], $0x80, $0x38;
	[tilespmem:$0x1A900] =	vst v63  }
0x209: {  	v38 =	vmovc v39;
	v39 =	vmovc v40;
	v40 =	vmov v41;
	v41 =	vmov v42;
	v42 =	vmov v43;
	s15 =	spop (v2sf)  }
0x20a: {  	v43 =	vmovc v44;
	v44 =	vmovc v45;
	v45 =	vmov v46;
	v46 =	vmov v47;
	v47 =	vmov v48;
	[hbm4b:s15+s8] =	stream.linear.scatter [tilespmem:s26], [sflag:$0x2], $0x80, $0x38;
	[tilespmem:$0x1A900] =	vst v63  }
0x20b: {  	v48 =	vmovc v49;
	v49 =	vmovc v50;
	v50 =	vmov v51;
	v51 =	vmov v52;
	v52 =	vmov v53;
	s18 =	spop (v2sf)  }
0x20c: {  	v53 =	vmovc v54;
	v54 =	vmovc v55;
	v55 =	vmov v56;
	v56 =	vmov v57;
	v57 =	vmov v58;
	[hbm4b:s18+s8] =	stream.linear.scatter [tilespmem:s29], [sflag:$0x2], $0x80, $0x38;
	[tilespmem:$0x1A900] =	vst v63  }
0x20d: {  	v58 =	vmovc v59;
	v59 =	vmovc v60;
	v60 =	vmov v61;
	v61 =	vmov v62;
	v62 =	vmov v5;
	v5 =	vld [tilespmem:$0x1FF70];
	_ =	swait.ge [sflag:s4], $0x80  }
0x20e: {  	[sflag:s4] =	ssyncset.done $0x0  }
0x20f: {  	[sflag:s4] =	ssyncadd.s32 $0xFFFFFF80  }
0x210: {  	_ =	swait.ge [sflag:s4], $0x80  }
0x211: {  	[sflag:s4] =	ssyncset.done $0x0  }
0x212: {  	[sflag:s4] =	ssyncadd.s32 $0xFFFFFF80  }
0x213: {  	_ =	swait.ge [sflag:s4], $0x80  }
0x214: {  	[sflag:s4] =	ssyncset.done $0x0  }
0x215: {  	[sflag:s4] =	ssyncadd.s32 $0xFFFFFF80  }
0x216: {  	_ =	swait.ge [sflag:s4], $0x80  }
0x217: {  	[sflag:s4] =	ssyncset.done $0x0  }
0x218: {  	[sflag:s4] =	ssyncadd.s32 $0xFFFFFF80  }
0x219: {  	_ =	swait.ge [sflag:s4], $0x80  }
0x21a: {  	[sflag:s4] =	ssyncset.done $0x0  }
0x21b: {  	[sflag:s4] =	ssyncadd.s32 $0xFFFFFF80  }
0x21c: {  	_ =	swait.ge [sflag:s4], $0x80  }
0x21d: {  	[sflag:s4] =	ssyncset.done $0x0  }
0x21e: {  	[sflag:s4] =	ssyncadd.s32 $0xFFFFFF80  }
0x21f: {  	_ =	swait.ge [sflag:s4], $0x80  }
0x220: {  	[sflag:s4] =	ssyncset.done $0x0  }
0x221: {  	[sflag:s4] =	ssyncadd.s32 $0xFFFFFF80  }
0x222: {  	_ =	swait.ge [sflag:s4], $0x80  }
0x223: {  	[sflag:s4] =	ssyncset.done $0x0  }
0x224: {  	[sflag:s4] =	ssyncadd.s32 $0xFFFFFF80  }
0x225: {  	_ =	swait.ge [sflag:s4], $0x80  }
0x226: {  	[sflag:s4] =	ssyncset.done $0x0  }
0x227: {  	[sflag:s4] =	ssyncadd.s32 $0xFFFFFF80  }
0x228: {  	_ =	swait.ge [sflag:s4], $0x80  }
0x229: {  	[sflag:s4] =	ssyncset.done $0x0  }
0x22a: {  	[sflag:s4] =	ssyncadd.s32 $0xFFFFFF80  }
0x22b: {  	_ =	swait.ge [sflag:s4], $0x80  }
0x22c: {  	[sflag:s4] =	ssyncset.done $0x0  }
0x22d: {  	[sflag:s4] =	ssyncadd.s32 $0xFFFFFF80  }
0x22e: {  	_ =	swait.ge [sflag:s4], $0x80  }
0x22f: {  	[sflag:s4] =	ssyncset.done $0x0  }
0x230: {  	[sflag:s4] =	ssyncadd.s32 $0xFFFFFF80  }
0x231: {  	_ =	swait.ge [sflag:s4], $0x80  }
0x232: {  	[sflag:s4] =	ssyncset.done $0x0  }
0x233: {  	[sflag:s4] =	ssyncadd.s32 $0xFFFFFF80  }
0x234: {  	_ =	swait.ge [sflag:s4], $0x80  }
0x235: {  	[sflag:s4] =	ssyncset.done $0x0  }
0x236: {  	s14 =	sadd.s32 $0x1, s14;
	[sflag:s4] =	ssyncadd.s32 $0xFFFFFF80  }
0x237: {  	p3 =	sgt.s32 s11, s14;
	_ =	swait.ge [sflag:s4], $0x80  }
.Ltmp10:
0x238: {  	[sflag:s4] =	ssyncset.done $0x0;
	(pc) =	sbr.rel @p3 .LBB2_13-.Ltmp10, $4  }
0x239: {  	[sflag:s4] =	ssyncadd.s32 $0xFFFFFF80  }
0x23a: {  	_ =	swait.ge [sflag:s4], $0x80  }
0x23b: {  	[sflag:s4] =	ssyncset.done $0x0  }
0x23c: {  	s12 =	sadd.s32 $0x10, s12;
	[sflag:s4] =	ssyncadd.s32 $0xFFFFFF80  }
.Ltmp11:
0x23d: {  	_ = 	snop;
	(pc) =	sbr.rel .LBB2_14-.Ltmp11, $1  }
0x23e: {  	_ =	sdelay $0x3  }
.LBB2_6:
.Ltmp12:
0x23f: {  	(pc) =	sbr.rel .LBB2_11-.Ltmp12, $2  }
0x240: {  	_ =	sdelay $0x2  }
0x241: {  	s18 =	simm.s32 $0x0;
	s15 =	simm.s32 $0x0  }
.LBB2_8:
.Ltmp13:
0x242: {  	(pc) =	sbr.rel .LBB2_11-.Ltmp13, $3  }
0x243: {  	_ =	sdelay $0x1  }
0x244: {  	s18 =	simm.s32 $0x0  }
0x245: {  	s15 =	simm.s32 $0x0;
	s21 =	smov.u32 s10;
	s10 =	rddreg [dreg:$0x7]  }
.LBB2_15:
0x246: {  	s9 =	rddreg [dreg:$0x18];
	v11 =	vld [tilespmem:$0x1FF80]  }
0x247: {  	v12 =	vld [tilespmem:$0x1FF90];
	p1 =	slt.s32 @!p0 s9, $0x1  }
0x248: {  	v13 =	vld [tilespmem:$0x1FFA0];
	p1 =	por p0, p1  }
.Ltmp14:
0x249: {  	v14 =	vld [tilespmem:$0x1FFB0];
	(pc) =	sbr.rel @p1 .LBB2_23-.Ltmp14, $4  }
0x24a: {  	v15 =	vld [tilespmem:$0x1FFC0]  }
0x24b: {  	v4 =	vld [tilespmem:$0x1FFD0]  }
0x24c: {  	v10 =	vld [tilespmem:$0x1FFE0]  }
0x24d: {  	v3 =	vld [tilespmem:$0x1FFF0]  }
0x24e: {  	p2 =	sne.s32 s9, $0x1  }
.Ltmp15:
0x24f: {  	_ = 	snop;
	(pc) =	sbr.rel @!p2 .LBB2_17-.Ltmp15, $3  }
0x250: {  	_ =	sdelay $0x1  }
0x251: {  	s1 =	simm.s32 $0x4080  }
0x252: {  	s2 =	simm.s32 $0x0;
	p1 =	por $0x0, $0x0;
	v1 =	vld [tilespmem:s1+$0x0];
	s1 =	sadd.s32 $0xFFFFFFFF, s9  }
0x253: {  	v5 =	vld [tilespmem:$0x1FEE0];
	_ =	sdelay $0x3  }
0x254: {  	v7 =	vor.u32 s2, v0;
	v6 =	vshra.s32 v1, $0xE  }
0x255: {  	vm0 =	vlt.s32 v7, v63;
	vm1 =	vlt.s32 v6, v5  }
0x256: {  	vm2 =	vge.s32 v6, v4;
	vm0 =	vmand vm1, vm0  }
0x257: {  	vm0 =	vmand vm0, vm2  }
0x258: {  	v6 =	vmpcnt.ones.xlane vm0;
	_ =	sdelay $0x1  }
0x259: {  	p2 =	sne.s32 s1, $0x1;
	(v2sf) =	vpush v6, $0x0  }
.Ltmp16:
0x25a: {  	_ = 	snop;
	(pc) =	sbr.rel @!p2 .LBB2_19-.Ltmp16, $3  }
0x25b: {  	_ =	sdelay $0x1  }
0x25c: {  	s12 =	simm.s32 $0x4090;
	s1 =	sadd.s32 $0xFFFFFFFF, s1;
	[tilespmem:s2+$0x0] =	vst.msk vm0, v1  }
0x25d: {  	p1 =	por $0x1, $0x1;
	s11 =	simm.s32 $0x0;
	s9 =	simm.s32 $0x0;
	v1 =	vld [tilespmem:s12+$0x0]  }
.LBB2_20:
0x25e: {  	p2 =	sne.s32 s1, $0x1;
	_ =	sdelay $0x2  }
0x25f: {  	s11 =	sadd.s32 $0x10, s11  }
0x260: {  	v7 =	vor.u32 s11, v0;
	v6 =	vshra.s32 v1, $0xE  }
0x261: {  	vm0 =	vlt.s32 v7, v63;
	vm1 =	vlt.s32 v6, v5  }
0x262: {  	vm2 =	vge.s32 v6, v4;
	vm0 =	vmand vm1, vm0  }
0x263: {  	vm0 =	vmand vm0, vm2  }
0x264: {  	v6 =	vmpcnt.ones.xlane vm0  }
0x265: {  	s14 =	spop (v2sf)  }
0x266: {  	(v2sf) =	vpush v6, $0x0;
	s9 =	sadd.s32 s9, s14  }
.Ltmp17:
0x267: {  	[tilespmem:s9+$0x0] =	vst.msk vm0, v1;
	(pc) =	sbr.rel @p2 .LBB2_20-.Ltmp17, $3  }
0x268: {  	_ =	sdelay $0x1  }
0x269: {  	s12 =	sadd.s32 $0x10, s12  }
0x26a: {  	s1 =	sadd.s32 $0xFFFFFFFF, s1;
	v1 =	vld [tilespmem:s12+$0x0]  }
.LBB2_21:
0x26b: {  	_ =	sdelay $0x1  }
0x26c: {  	s1 =	sadd.s32 @p1 $0x10, s11;
	s11 =	simm.s32 $0x0  }
0x26d: {  	s11 =	smov.u32 @p1 s1  }
0x26e: {  	v7 =	vor.u32 s11, v0;
	v6 =	vshra.s32 v1, $0xE  }
0x26f: {  	vm0 =	vlt.s32 v7, v63;
	vm1 =	vlt.s32 v6, v5  }
0x270: {  	vm2 =	vge.s32 v6, v4;
	vm0 =	vmand vm1, vm0  }
0x271: {  	vm0 =	vmand vm0, vm2  }
0x272: {  	v6 =	vmpcnt.ones.xlane vm0;
	_ =	sdelay $0x1  }
0x273: {  	(v2sf) =	vpush v6, $0x0;
	_ =	sdelay $0xc  }
0x274: {  	s1 =	spop @p1 (v2sf)  }
0x275: {  	s1 =	sadd.s32 @p1 s9, s1  }
0x276: {  	s2 =	smov.u32 @p1 s1;
	s18 =	spop (v2sf)  }
0x277: {  	s1 =	sadd.s32 s2, s18  }
0x278: {  	p1 =	slt.s32 s1, $0x1  }
0x279: {  	[tilespmem:s2+$0x0] =	vst.msk vm0, v1;
	s2 =	sadd.s32 @!p1 $0xF, s1  }
0x27a: {  	s2 =	sshra.s32 @!p1 s2, $0x4  }
0x27b: {  	p2 =	slt.s32 @!p1 s2, $0x1  }
0x27c: {  	v1 =	vld.msk @!p1 [tilespmem:$0x0 ss:$0x0], $0xffff;
	p2 =	por p1, p2  }
.Ltmp18:
0x27d: {  	_ = 	snop;
	(pc) =	sbr.rel @p2 .LBB2_23-.Ltmp18, $3  }
0x27e: {  	_ =	sdelay $0x1  }
0x27f: {  	v63 =	vld [tilespmem:$0x1FF60];
	s9 =	simm.s32 @!p1 $0x0  }
0x280: {  	v5 =	vld [tilespmem:$0x1FF70];
	s11 =	smov.u32 s9;
	[tilespmem:s1+$0x0] =	vst @!p1 v1  }
.LBB2_22:
0x281: {  	v1 =	vld [tilespmem:s9+$0x0];
	_ =	sdelay $0x4  }
0x282: {  	v6 =	vshra.s32 v1, $0xE  }
0x283: {  	v6 =	vsub.s32 v6, v4  }
0x284: {  	v7 =	vbroadcast v6, $0x0;
	_ =	sdelay $0x1  }
0x285: {  	v8 =	vadd.s32 v11, v7;
	_ =	sdelay $0x4  }
0x286: {  	v8 =	vld.idx.msk [tilespmem:v8+s30+$0x0], $0xffff  }
0x287: {  	v9 =	vadd.s32 v12, v7;
	_ =	sdelay $0x3  }
0x288: {  	[tilespmem:v0+s31+$0x0] =	vst.idx.msk $0xffff, v8  }
0x289: {  	v8 =	vld.idx.msk [tilespmem:v9+s30+$0x0], $0xffff  }
0x28a: {  	v9 =	vadd.s32 v13, v7;
	_ =	sdelay $0x3  }
0x28b: {  	[tilespmem:v16+s31+$0x0] =	vst.idx.msk $0xffff, v8  }
0x28c: {  	v8 =	vld.idx.msk [tilespmem:v9+s30+$0x0], $0xffff  }
0x28d: {  	v7 =	vadd.s32 v14, v7;
	_ =	sdelay $0x3  }
0x28e: {  	[tilespmem:v17+s31+$0x0] =	vst.idx.msk $0xffff, v8;
	v8 =	vbroadcast v6, $0x1  }
0x28f: {  	v7 =	vld.idx.msk [tilespmem:v7+s30+$0x0], $0xffff  }
0x290: {  	v9 =	vadd.s32 v11, v8;
	_ =	sdelay $0x3  }
0x291: {  	[tilespmem:v18+s31+$0x0] =	vst.idx.msk $0xffff, v7  }
0x292: {  	v7 =	vld.idx.msk [tilespmem:v9+s30+$0x0], $0xffff  }
0x293: {  	v9 =	vadd.s32 v12, v8;
	_ =	sdelay $0x3  }
0x294: {  	[tilespmem:v19+s31+$0x0] =	vst.idx.msk $0xffff, v7  }
0x295: {  	v7 =	vld.idx.msk [tilespmem:v9+s30+$0x0], $0xffff  }
0x296: {  	v9 =	vadd.s32 v13, v8;
	_ =	sdelay $0x3  }
0x297: {  	[tilespmem:v20+s31+$0x0] =	vst.idx.msk $0xffff, v7  }
0x298: {  	v7 =	vld.idx.msk [tilespmem:v9+s30+$0x0], $0xffff  }
0x299: {  	v8 =	vadd.s32 v14, v8;
	_ =	sdelay $0x3  }
0x29a: {  	[tilespmem:v21+s31+$0x0] =	vst.idx.msk $0xffff, v7;
	v7 =	vbroadcast v6, $0x2  }
0x29b: {  	v8 =	vld.idx.msk [tilespmem:v8+s30+$0x0], $0xffff  }
0x29c: {  	v9 =	vadd.s32 v11, v7;
	_ =	sdelay $0x3  }
0x29d: {  	[tilespmem:v22+s31+$0x0] =	vst.idx.msk $0xffff, v8  }
0x29e: {  	v8 =	vld.idx.msk [tilespmem:v9+s30+$0x0], $0xffff  }
0x29f: {  	v9 =	vadd.s32 v12, v7;
	_ =	sdelay $0x3  }
0x2a0: {  	[tilespmem:v23+s31+$0x0] =	vst.idx.msk $0xffff, v8  }
0x2a1: {  	v8 =	vld.idx.msk [tilespmem:v9+s30+$0x0], $0xffff  }
0x2a2: {  	v9 =	vadd.s32 v13, v7;
	_ =	sdelay $0x3  }
0x2a3: {  	[tilespmem:v24+s31+$0x0] =	vst.idx.msk $0xffff, v8  }
0x2a4: {  	v8 =	vld.idx.msk [tilespmem:v9+s30+$0x0], $0xffff  }
0x2a5: {  	v7 =	vadd.s32 v14, v7;
	_ =	sdelay $0x3  }
0x2a6: {  	[tilespmem:v25+s31+$0x0] =	vst.idx.msk $0xffff, v8;
	v8 =	vbroadcast v6, $0x3  }
0x2a7: {  	v7 =	vld.idx.msk [tilespmem:v7+s30+$0x0], $0xffff  }
0x2a8: {  	v9 =	vadd.s32 v11, v8;
	_ =	sdelay $0x3  }
0x2a9: {  	[tilespmem:v26+s31+$0x0] =	vst.idx.msk $0xffff, v7  }
0x2aa: {  	v7 =	vld.idx.msk [tilespmem:v9+s30+$0x0], $0xffff  }
0x2ab: {  	v9 =	vadd.s32 v12, v8;
	_ =	sdelay $0x3  }
0x2ac: {  	[tilespmem:v27+s31+$0x0] =	vst.idx.msk $0xffff, v7  }
0x2ad: {  	v7 =	vld.idx.msk [tilespmem:v9+s30+$0x0], $0xffff  }
0x2ae: {  	v9 =	vadd.s32 v13, v8;
	_ =	sdelay $0x3  }
0x2af: {  	[tilespmem:v28+s31+$0x0] =	vst.idx.msk $0xffff, v7  }
0x2b0: {  	v7 =	vld.idx.msk [tilespmem:v9+s30+$0x0], $0xffff  }
0x2b1: {  	v8 =	vadd.s32 v14, v8;
	_ =	sdelay $0x3  }
0x2b2: {  	[tilespmem:v29+s31+$0x0] =	vst.idx.msk $0xffff, v7;
	v7 =	vbroadcast v6, $0x4  }
0x2b3: {  	v8 =	vld.idx.msk [tilespmem:v8+s30+$0x0], $0xffff  }
0x2b4: {  	v9 =	vadd.s32 v11, v7;
	_ =	sdelay $0x3  }
0x2b5: {  	[tilespmem:v30+s31+$0x0] =	vst.idx.msk $0xffff, v8  }
0x2b6: {  	v8 =	vld.idx.msk [tilespmem:v9+s30+$0x0], $0xffff  }
0x2b7: {  	v9 =	vadd.s32 v12, v7;
	_ =	sdelay $0x3  }
0x2b8: {  	[tilespmem:v31+s31+$0x0] =	vst.idx.msk $0xffff, v8  }
0x2b9: {  	v8 =	vld.idx.msk [tilespmem:v9+s30+$0x0], $0xffff  }
0x2ba: {  	v9 =	vadd.s32 v13, v7;
	_ =	sdelay $0x3  }
0x2bb: {  	[tilespmem:v32+s31+$0x0] =	vst.idx.msk $0xffff, v8  }
0x2bc: {  	v8 =	vld.idx.msk [tilespmem:v9+s30+$0x0], $0xffff  }
0x2bd: {  	v7 =	vadd.s32 v14, v7;
	_ =	sdelay $0x3  }
0x2be: {  	[tilespmem:v33+s31+$0x0] =	vst.idx.msk $0xffff, v8;
	v8 =	vbroadcast v6, $0x5  }
0x2bf: {  	v7 =	vld.idx.msk [tilespmem:v7+s30+$0x0], $0xffff  }
0x2c0: {  	v9 =	vadd.s32 v11, v8;
	_ =	sdelay $0x3  }
0x2c1: {  	[tilespmem:v34+s31+$0x0] =	vst.idx.msk $0xffff, v7  }
0x2c2: {  	v7 =	vld.idx.msk [tilespmem:v9+s30+$0x0], $0xffff  }
0x2c3: {  	v9 =	vadd.s32 v12, v8;
	_ =	sdelay $0x3  }
0x2c4: {  	[tilespmem:v35+s31+$0x0] =	vst.idx.msk $0xffff, v7  }
0x2c5: {  	v7 =	vld.idx.msk [tilespmem:v9+s30+$0x0], $0xffff  }
0x2c6: {  	v9 =	vadd.s32 v13, v8;
	_ =	sdelay $0x3  }
0x2c7: {  	[tilespmem:v36+s31+$0x0] =	vst.idx.msk $0xffff, v7  }
0x2c8: {  	v7 =	vld.idx.msk [tilespmem:v9+s30+$0x0], $0xffff  }
0x2c9: {  	v8 =	vadd.s32 v14, v8;
	_ =	sdelay $0x3  }
0x2ca: {  	[tilespmem:v37+s31+$0x0] =	vst.idx.msk $0xffff, v7;
	v7 =	vbroadcast v6, $0x6  }
0x2cb: {  	v8 =	vld.idx.msk [tilespmem:v8+s30+$0x0], $0xffff  }
0x2cc: {  	v9 =	vadd.s32 v11, v7;
	_ =	sdelay $0x3  }
0x2cd: {  	[tilespmem:v38+s31+$0x0] =	vst.idx.msk $0xffff, v8  }
0x2ce: {  	v8 =	vld.idx.msk [tilespmem:v9+s30+$0x0], $0xffff  }
0x2cf: {  	v9 =	vadd.s32 v12, v7;
	_ =	sdelay $0x3  }
0x2d0: {  	[tilespmem:v39+s31+$0x0] =	vst.idx.msk $0xffff, v8  }
0x2d1: {  	v8 =	vld.idx.msk [tilespmem:v9+s30+$0x0], $0xffff  }
0x2d2: {  	v9 =	vadd.s32 v13, v7;
	_ =	sdelay $0x3  }
0x2d3: {  	[tilespmem:v40+s31+$0x0] =	vst.idx.msk $0xffff, v8  }
0x2d4: {  	v8 =	vld.idx.msk [tilespmem:v9+s30+$0x0], $0xffff  }
0x2d5: {  	v7 =	vadd.s32 v14, v7;
	_ =	sdelay $0x3  }
0x2d6: {  	[tilespmem:v41+s31+$0x0] =	vst.idx.msk $0xffff, v8;
	v8 =	vbroadcast v6, $0x7  }
0x2d7: {  	v7 =	vld.idx.msk [tilespmem:v7+s30+$0x0], $0xffff  }
0x2d8: {  	v9 =	vadd.s32 v11, v8;
	_ =	sdelay $0x3  }
0x2d9: {  	[tilespmem:v42+s31+$0x0] =	vst.idx.msk $0xffff, v7  }
0x2da: {  	v7 =	vld.idx.msk [tilespmem:v9+s30+$0x0], $0xffff  }
0x2db: {  	v9 =	vadd.s32 v12, v8;
	_ =	sdelay $0x3  }
0x2dc: {  	[tilespmem:v43+s31+$0x0] =	vst.idx.msk $0xffff, v7  }
0x2dd: {  	v7 =	vld.idx.msk [tilespmem:v9+s30+$0x0], $0xffff  }
0x2de: {  	v9 =	vadd.s32 v13, v8;
	_ =	sdelay $0x3  }
0x2df: {  	[tilespmem:v44+s31+$0x0] =	vst.idx.msk $0xffff, v7  }
0x2e0: {  	v7 =	vld.idx.msk [tilespmem:v9+s30+$0x0], $0xffff  }
0x2e1: {  	v8 =	vadd.s32 v14, v8;
	_ =	sdelay $0x3  }
0x2e2: {  	[tilespmem:v45+s31+$0x0] =	vst.idx.msk $0xffff, v7;
	v7 =	vbroadcast v6, $0x8  }
0x2e3: {  	v8 =	vld.idx.msk [tilespmem:v8+s30+$0x0], $0xffff  }
0x2e4: {  	v9 =	vadd.s32 v11, v7;
	_ =	sdelay $0x3  }
0x2e5: {  	[tilespmem:v46+s31+$0x0] =	vst.idx.msk $0xffff, v8  }
0x2e6: {  	v8 =	vld.idx.msk [tilespmem:v9+s30+$0x0], $0xffff  }
0x2e7: {  	v9 =	vadd.s32 v12, v7;
	_ =	sdelay $0x3  }
0x2e8: {  	[tilespmem:v47+s31+$0x0] =	vst.idx.msk $0xffff, v8  }
0x2e9: {  	v8 =	vld.idx.msk [tilespmem:v9+s30+$0x0], $0xffff  }
0x2ea: {  	v9 =	vadd.s32 v13, v7;
	_ =	sdelay $0x3  }
0x2eb: {  	[tilespmem:v48+s31+$0x0] =	vst.idx.msk $0xffff, v8  }
0x2ec: {  	v8 =	vld.idx.msk [tilespmem:v9+s30+$0x0], $0xffff  }
0x2ed: {  	v7 =	vadd.s32 v14, v7;
	_ =	sdelay $0x3  }
0x2ee: {  	[tilespmem:v49+s31+$0x0] =	vst.idx.msk $0xffff, v8;
	v8 =	vbroadcast v6, $0x9  }
0x2ef: {  	v7 =	vld.idx.msk [tilespmem:v7+s30+$0x0], $0xffff  }
0x2f0: {  	v9 =	vadd.s32 v11, v8;
	_ =	sdelay $0x3  }
0x2f1: {  	[tilespmem:v50+s31+$0x0] =	vst.idx.msk $0xffff, v7  }
0x2f2: {  	v7 =	vld.idx.msk [tilespmem:v9+s30+$0x0], $0xffff  }
0x2f3: {  	v9 =	vadd.s32 v12, v8;
	_ =	sdelay $0x3  }
0x2f4: {  	[tilespmem:v51+s31+$0x0] =	vst.idx.msk $0xffff, v7  }
0x2f5: {  	v7 =	vld.idx.msk [tilespmem:v9+s30+$0x0], $0xffff  }
0x2f6: {  	v9 =	vadd.s32 v13, v8;
	_ =	sdelay $0x3  }
0x2f7: {  	[tilespmem:v52+s31+$0x0] =	vst.idx.msk $0xffff, v7  }
0x2f8: {  	v7 =	vld.idx.msk [tilespmem:v9+s30+$0x0], $0xffff  }
0x2f9: {  	v8 =	vadd.s32 v14, v8;
	_ =	sdelay $0x3  }
0x2fa: {  	[tilespmem:v53+s31+$0x0] =	vst.idx.msk $0xffff, v7;
	v7 =	vbroadcast v6, $0xA  }
0x2fb: {  	v8 =	vld.idx.msk [tilespmem:v8+s30+$0x0], $0xffff  }
0x2fc: {  	v9 =	vadd.s32 v11, v7;
	_ =	sdelay $0x3  }
0x2fd: {  	[tilespmem:v54+s31+$0x0] =	vst.idx.msk $0xffff, v8  }
0x2fe: {  	v8 =	vld.idx.msk [tilespmem:v9+s30+$0x0], $0xffff  }
0x2ff: {  	v9 =	vadd.s32 v12, v7;
	_ =	sdelay $0x3  }
0x300: {  	[tilespmem:v55+s31+$0x0] =	vst.idx.msk $0xffff, v8  }
0x301: {  	v8 =	vld.idx.msk [tilespmem:v9+s30+$0x0], $0xffff  }
0x302: {  	v9 =	vadd.s32 v13, v7;
	_ =	sdelay $0x3  }
0x303: {  	[tilespmem:v56+s31+$0x0] =	vst.idx.msk $0xffff, v8  }
0x304: {  	v8 =	vld.idx.msk [tilespmem:v9+s30+$0x0], $0xffff  }
0x305: {  	v7 =	vadd.s32 v14, v7;
	_ =	sdelay $0x3  }
0x306: {  	[tilespmem:v57+s31+$0x0] =	vst.idx.msk $0xffff, v8;
	v8 =	vbroadcast v6, $0xB  }
0x307: {  	v7 =	vld.idx.msk [tilespmem:v7+s30+$0x0], $0xffff  }
0x308: {  	v9 =	vadd.s32 v11, v8;
	_ =	sdelay $0x3  }
0x309: {  	[tilespmem:v58+s31+$0x0] =	vst.idx.msk $0xffff, v7  }
0x30a: {  	v7 =	vld.idx.msk [tilespmem:v9+s30+$0x0], $0xffff  }
0x30b: {  	v9 =	vadd.s32 v12, v8;
	_ =	sdelay $0x3  }
0x30c: {  	[tilespmem:v59+s31+$0x0] =	vst.idx.msk $0xffff, v7  }
0x30d: {  	v7 =	vld.idx.msk [tilespmem:v9+s30+$0x0], $0xffff  }
0x30e: {  	v9 =	vadd.s32 v13, v8;
	_ =	sdelay $0x3  }
0x30f: {  	[tilespmem:v60+s31+$0x0] =	vst.idx.msk $0xffff, v7  }
0x310: {  	v7 =	vld.idx.msk [tilespmem:v9+s30+$0x0], $0xffff  }
0x311: {  	v8 =	vadd.s32 v14, v8;
	_ =	sdelay $0x3  }
0x312: {  	[tilespmem:v61+s31+$0x0] =	vst.idx.msk $0xffff, v7;
	v7 =	vbroadcast v6, $0xC  }
0x313: {  	v8 =	vld.idx.msk [tilespmem:v8+s30+$0x0], $0xffff  }
0x314: {  	v9 =	vadd.s32 v11, v7;
	_ =	sdelay $0x3  }
0x315: {  	[tilespmem:v62+s31+$0x0] =	vst.idx.msk $0xffff, v8  }
0x316: {  	v8 =	vld.idx.msk [tilespmem:v9+s30+$0x0], $0xffff  }
0x317: {  	v9 =	vadd.s32 v12, v7;
	_ =	sdelay $0x3  }
0x318: {  	[tilespmem:v5+s31+$0x0] =	vst.idx.msk $0xffff, v8  }
0x319: {  	v8 =	vld.idx.msk [tilespmem:v9+s30+$0x0], $0xffff  }
0x31a: {  	v9 =	vadd.s32 v13, v7;
	_ =	sdelay $0x3  }
0x31b: {  	[tilespmem:v15+s31+$0x0] =	vst.idx.msk $0xffff, v8  }
0x31c: {  	v8 =	vld.idx.msk [tilespmem:v9+s30+$0x0], $0xffff;
	_ =	sdelay $0x2  }
0x31d: {  	v7 =	vadd.s32 v14, v7;
	_ =	sdelay $0x1  }
0x31e: {  	[tilespmem:v10+s31+$0x0] =	vst.idx.msk $0xffff, v8;
	v10 =	vld [tilespmem:$0x1FEF0];
	_ =	sdelay $0x2  }
0x31f: {  	v7 =	vld.idx.msk [tilespmem:v7+s30+$0x0], $0xffff  }
0x320: {  	v8 =	vbroadcast v6, $0xD;
	_ =	sdelay $0x1  }
0x321: {  	v9 =	vadd.s32 v11, v8;
	_ =	sdelay $0x1  }
0x322: {  	[tilespmem:v10+s31+$0x0] =	vst.idx.msk $0xffff, v7;
	v10 =	vld [tilespmem:$0x1FF40];
	_ =	sdelay $0x2  }
0x323: {  	v7 =	vld.idx.msk [tilespmem:v9+s30+$0x0], $0xffff;
	_ =	sdelay $0x2  }
0x324: {  	v9 =	vadd.s32 v12, v8;
	_ =	sdelay $0x1  }
0x325: {  	[tilespmem:v10+s31+$0x0] =	vst.idx.msk $0xffff, v7;
	v10 =	vld [tilespmem:$0x1FF50];
	_ =	sdelay $0x2  }
0x326: {  	v7 =	vld.idx.msk [tilespmem:v9+s30+$0x0], $0xffff  }
0x327: {  	v9 =	vadd.s32 v13, v8;
	_ =	sdelay $0x3  }
0x328: {  	[tilespmem:v10+s31+$0x0] =	vst.idx.msk $0xffff, v7  }
0x329: {  	v7 =	vld.idx.msk [tilespmem:v9+s30+$0x0], $0xffff  }
0x32a: {  	v8 =	vadd.s32 v14, v8;
	_ =	sdelay $0x3  }
0x32b: {  	[tilespmem:v63+s31+$0x0] =	vst.idx.msk $0xffff, v7;
	v7 =	vbroadcast v6, $0xE  }
0x32c: {  	v9 =	vor.u32 $0x6B0, v0;
	v8 =	vld.idx.msk [tilespmem:v8+s30+$0x0], $0xffff  }
0x32d: {  	v10 =	vadd.s32 v11, v7;
	_ =	sdelay $0x3  }
0x32e: {  	[tilespmem:v9+s31+$0x0] =	vst.idx.msk $0xffff, v8  }
0x32f: {  	v9 =	vor.u32 $0x700, v0;
	v8 =	vld.idx.msk [tilespmem:v10+s30+$0x0], $0xffff  }
0x330: {  	v10 =	vadd.s32 v12, v7;
	_ =	sdelay $0x3  }
0x331: {  	[tilespmem:v9+s31+$0x0] =	vst.idx.msk $0xffff, v8  }
0x332: {  	v9 =	vor.u32 $0x710, v0;
	v8 =	vld.idx.msk [tilespmem:v10+s30+$0x0], $0xffff  }
0x333: {  	v10 =	vadd.s32 v13, v7;
	_ =	sdelay $0x3  }
0x334: {  	[tilespmem:v9+s31+$0x0] =	vst.idx.msk $0xffff, v8  }
0x335: {  	v9 =	vor.u32 $0x720, v0;
	v8 =	vld.idx.msk [tilespmem:v10+s30+$0x0], $0xffff  }
0x336: {  	v7 =	vadd.s32 v14, v7;
	_ =	sdelay $0x3  }
0x337: {  	v6 =	vbroadcast v6, $0xF;
	[tilespmem:v9+s31+$0x0] =	vst.idx.msk $0xffff, v8  }
0x338: {  	v8 =	vor.u32 $0x730, v0;
	v7 =	vld.idx.msk [tilespmem:v7+s30+$0x0], $0xffff  }
0x339: {  	v9 =	vadd.s32 v11, v6;
	_ =	sdelay $0x3  }
0x33a: {  	[tilespmem:v8+s31+$0x0] =	vst.idx.msk $0xffff, v7  }
0x33b: {  	v8 =	vor.u32 $0x780, v0;
	v7 =	vld.idx.msk [tilespmem:v9+s30+$0x0], $0xffff  }
0x33c: {  	v9 =	vadd.s32 v12, v6;
	_ =	sdelay $0x3  }
0x33d: {  	v1 =	vand.u32 $0x3FFF, v1;
	[tilespmem:v8+s31+$0x0] =	vst.idx.msk $0xffff, v7  }
0x33e: {  	v1 =	vshll.u32 v1, $0x4;
	v8 =	vor.u32 $0x790, v0;
	v7 =	vld.idx.msk [tilespmem:v9+s30+$0x0], $0xffff  }
0x33f: {  	v1 =	vadd.s32 s7, v1;
	v9 =	vadd.s32 v13, v6  }
0x340: {  	(v2sf) =	vpush v1, $0x0;
	_ =	sdelay $0x1  }
0x341: {  	(v2sf) =	vpush v1, $0x1  }
0x342: {  	[tilespmem:v8+s31+$0x0] =	vst.idx.msk $0xffff, v7  }
0x343: {  	(v2sf) =	vpush v1, $0x2;
	v8 =	vor.u32 $0x7A0, v0;
	v7 =	vld.idx.msk [tilespmem:v9+s30+$0x0], $0xffff  }
0x344: {  	v6 =	vadd.s32 v14, v6  }
0x345: {  	(v2sf) =	vpush v1, $0x3;
	_ =	sdelay $0x1  }
0x346: {  	(v2sf) =	vpush v1, $0x4  }
0x347: {  	[tilespmem:v8+s31+$0x0] =	vst.idx.msk $0xffff, v7  }
0x348: {  	(v2sf) =	vpush v1, $0x5;
	v7 =	vor.u32 $0x7B0, v0;
	v6 =	vld.idx.msk [tilespmem:v6+s30+$0x0], $0xffff;
	_ =	sdelay $0x1  }
0x349: {  	(v2sf) =	vpush v1, $0x6;
	_ =	sdelay $0x1  }
0x34a: {  	(v2sf) =	vpush v1, $0x7  }
0x34b: {  	s1 =	spop (v2sf);
	[tilespmem:v7+s31+$0x0] =	vst.idx.msk $0xffff, v6  }
0x34c: {  	(v2sf) =	vpush v1, $0x8;
	[hbm4b:s1+s8] =	stream.linear.scatter [tilespmem:s31], [sflag:$0x2], $0x80, $0x38;
	[tilespmem:$0x1A900] =	vst v63  }
0x34d: {  	s10 =	spop (v2sf)  }
0x34e: {  	(v2sf) =	vpush v1, $0x9;
	[hbm4b:s10+s8] =	stream.linear.scatter [tilespmem:s6], [sflag:$0x2], $0x80, $0x38;
	[tilespmem:$0x1A900] =	vst v63  }
0x34f: {  	s12 =	spop (v2sf)  }
0x350: {  	(v2sf) =	vpush v1, $0xA;
	[hbm4b:s12+s8] =	stream.linear.scatter [tilespmem:s0], [sflag:$0x2], $0x80, $0x38;
	[tilespmem:$0x1A900] =	vst v63  }
0x351: {  	s14 =	spop (v2sf)  }
0x352: {  	(v2sf) =	vpush v1, $0xB;
	[hbm4b:s14+s8] =	stream.linear.scatter [tilespmem:s3], [sflag:$0x2], $0x80, $0x38;
	[tilespmem:$0x1A900] =	vst v63  }
0x353: {  	s15 =	spop (v2sf)  }
0x354: {  	(v2sf) =	vpush v1, $0xC;
	[hbm4b:s15+s8] =	stream.linear.scatter [tilespmem:s5], [sflag:$0x2], $0x80, $0x38;
	[tilespmem:$0x1A900] =	vst v63  }
0x355: {  	s18 =	spop (v2sf)  }
0x356: {  	(v2sf) =	vpush v1, $0xD;
	[hbm4b:s18+s8] =	stream.linear.scatter [tilespmem:s13], [sflag:$0x2], $0x80, $0x38;
	[tilespmem:$0x1A900] =	vst v63  }
0x357: {  	s10 =	spop (v2sf)  }
0x358: {  	(v2sf) =	vpush v1, $0xE;
	[hbm4b:s10+s8] =	stream.linear.scatter [tilespmem:s16], [sflag:$0x2], $0x80, $0x38;
	[tilespmem:$0x1A900] =	vst v63  }
0x359: {  	s12 =	spop (v2sf)  }
0x35a: {  	(v2sf) =	vpush v1, $0xF;
	[hbm4b:s12+s8] =	stream.linear.scatter [tilespmem:s17], [sflag:$0x2], $0x80, $0x38;
	[tilespmem:$0x1A900] =	vst v63  }
0x35b: {  	s14 =	spop (v2sf)  }
0x35c: {  	[hbm4b:s14+s8] =	stream.linear.scatter [tilespmem:s19], [sflag:$0x2], $0x80, $0x38;
	[tilespmem:$0x1A900] =	vst v63  }
0x35d: {  	s15 =	spop (v2sf)  }
0x35e: {  	[hbm4b:s15+s8] =	stream.linear.scatter [tilespmem:s20], [sflag:$0x2], $0x80, $0x38;
	[tilespmem:$0x1A900] =	vst v63  }
0x35f: {  	s18 =	spop (v2sf)  }
0x360: {  	[hbm4b:s18+s8] =	stream.linear.scatter [tilespmem:s22], [sflag:$0x2], $0x80, $0x38;
	[tilespmem:$0x1A900] =	vst v63  }
0x361: {  	s10 =	spop (v2sf)  }
0x362: {  	[hbm4b:s10+s8] =	stream.linear.scatter [tilespmem:s23], [sflag:$0x2], $0x80, $0x38;
	[tilespmem:$0x1A900] =	vst v63  }
0x363: {  	s12 =	spop (v2sf)  }
0x364: {  	[hbm4b:s12+s8] =	stream.linear.scatter [tilespmem:s24], [sflag:$0x2], $0x80, $0x38;
	[tilespmem:$0x1A900] =	vst v63  }
0x365: {  	s14 =	spop (v2sf)  }
0x366: {  	[hbm4b:s14+s8] =	stream.linear.scatter [tilespmem:s25], [sflag:$0x2], $0x80, $0x38;
	[tilespmem:$0x1A900] =	vst v63  }
0x367: {  	s15 =	spop (v2sf)  }
0x368: {  	[hbm4b:s15+s8] =	stream.linear.scatter [tilespmem:s26], [sflag:$0x2], $0x80, $0x38;
	[tilespmem:$0x1A900] =	vst v63  }
0x369: {  	s18 =	spop (v2sf)  }
0x36a: {  	[hbm4b:s18+s8] =	stream.linear.scatter [tilespmem:s29], [sflag:$0x2], $0x80, $0x38;
	[tilespmem:$0x1A900] =	vst v63  }
0x36b: {  	v10 =	vld [tilespmem:$0x1FFE0];
	_ =	swait.ge [sflag:s4], $0x80  }
0x36c: {  	[sflag:s4] =	ssyncset.done $0x0  }
0x36d: {  	[sflag:s4] =	ssyncadd.s32 $0xFFFFFF80  }
0x36e: {  	_ =	swait.ge [sflag:s4], $0x80  }
0x36f: {  	[sflag:s4] =	ssyncset.done $0x0  }
0x370: {  	[sflag:s4] =	ssyncadd.s32 $0xFFFFFF80  }
0x371: {  	_ =	swait.ge [sflag:s4], $0x80  }
0x372: {  	[sflag:s4] =	ssyncset.done $0x0  }
0x373: {  	[sflag:s4] =	ssyncadd.s32 $0xFFFFFF80  }
0x374: {  	_ =	swait.ge [sflag:s4], $0x80  }
0x375: {  	[sflag:s4] =	ssyncset.done $0x0  }
0x376: {  	[sflag:s4] =	ssyncadd.s32 $0xFFFFFF80  }
0x377: {  	_ =	swait.ge [sflag:s4], $0x80  }
0x378: {  	[sflag:s4] =	ssyncset.done $0x0  }
0x379: {  	[sflag:s4] =	ssyncadd.s32 $0xFFFFFF80  }
0x37a: {  	_ =	swait.ge [sflag:s4], $0x80  }
0x37b: {  	[sflag:s4] =	ssyncset.done $0x0  }
0x37c: {  	[sflag:s4] =	ssyncadd.s32 $0xFFFFFF80  }
0x37d: {  	_ =	swait.ge [sflag:s4], $0x80  }
0x37e: {  	[sflag:s4] =	ssyncset.done $0x0  }
0x37f: {  	[sflag:s4] =	ssyncadd.s32 $0xFFFFFF80  }
0x380: {  	_ =	swait.ge [sflag:s4], $0x80  }
0x381: {  	[sflag:s4] =	ssyncset.done $0x0  }
0x382: {  	[sflag:s4] =	ssyncadd.s32 $0xFFFFFF80  }
0x383: {  	_ =	swait.ge [sflag:s4], $0x80  }
0x384: {  	[sflag:s4] =	ssyncset.done $0x0  }
0x385: {  	[sflag:s4] =	ssyncadd.s32 $0xFFFFFF80  }
0x386: {  	_ =	swait.ge [sflag:s4], $0x80  }
0x387: {  	[sflag:s4] =	ssyncset.done $0x0  }
0x388: {  	[sflag:s4] =	ssyncadd.s32 $0xFFFFFF80  }
0x389: {  	_ =	swait.ge [sflag:s4], $0x80  }
0x38a: {  	[sflag:s4] =	ssyncset.done $0x0  }
0x38b: {  	[sflag:s4] =	ssyncadd.s32 $0xFFFFFF80  }
0x38c: {  	_ =	swait.ge [sflag:s4], $0x80  }
0x38d: {  	[sflag:s4] =	ssyncset.done $0x0  }
0x38e: {  	[sflag:s4] =	ssyncadd.s32 $0xFFFFFF80  }
0x38f: {  	_ =	swait.ge [sflag:s4], $0x80  }
0x390: {  	[sflag:s4] =	ssyncset.done $0x0  }
0x391: {  	[sflag:s4] =	ssyncadd.s32 $0xFFFFFF80  }
0x392: {  	_ =	swait.ge [sflag:s4], $0x80  }
0x393: {  	[sflag:s4] =	ssyncset.done $0x0  }
0x394: {  	s11 =	sadd.s32 $0x1, s11;
	[sflag:s4] =	ssyncadd.s32 $0xFFFFFF80  }
0x395: {  	p1 =	sgt.s32 s2, s11;
	_ =	swait.ge [sflag:s4], $0x80  }
.Ltmp19:
0x396: {  	[sflag:s4] =	ssyncset.done $0x0;
	(pc) =	sbr.rel @p1 .LBB2_22-.Ltmp19, $4  }
0x397: {  	[sflag:s4] =	ssyncadd.s32 $0xFFFFFF80  }
0x398: {  	_ =	swait.ge [sflag:s4], $0x80  }
0x399: {  	[sflag:s4] =	ssyncset.done $0x0  }
0x39a: {  	s9 =	sadd.s32 $0x10, s9;
	[sflag:s4] =	ssyncadd.s32 $0xFFFFFF80  }
.Ltmp20:
0x39b: {  	_ = 	snop;
	(pc) =	sbr.rel .LBB2_23-.Ltmp20, $1  }
0x39c: {  	_ =	sdelay $0x3  }
.LBB2_17:
.Ltmp21:
0x39d: {  	(pc) =	sbr.rel .LBB2_21-.Ltmp21, $2  }
0x39e: {  	_ =	sdelay $0x2  }
0x39f: {  	s11 =	simm.s32 $0x0;
	s9 =	simm.s32 $0x0;
	v5 =	vld [tilespmem:$0x1FEE0]  }
.LBB2_19:
.Ltmp22:
0x3a0: {  	(pc) =	sbr.rel .LBB2_21-.Ltmp22, $2  }
0x3a1: {  	_ =	sdelay $0x2  }
0x3a2: {  	s11 =	simm.s32 $0x0;
	s9 =	simm.s32 $0x0  }
.LBB2_24:
0x3a3: {  	_ =	sfence.sel $0x180000  }
0x3a4: {  	[bflag:$0x0] =	sbarrier.arrive $0xFFFF  }
0x3a5: {  	_ =	strace $0x90000047  }
0x3a6: {  	s0 =	stileid.u32;
	[bflag:$0x2] =	sbarrier.arrive $0xFFFF  }
0x3a7: {  	p0 =	sne.s32 s0, $0x0;
	s0 =	rddreg [dreg:$0x4]  }
0x3a8: {  	s0 =	sadd.s32 @!p0 $0x100000, s0  }
0x3a9: {  	[sflag:s0] =	ssyncadd.tile.s32 @!p0 $0x1;
	_ =	shalt  }
.Lfunc_end2:
_tile_overlayer_lowered:
.L_overlay_start_2:
0x3aa: {  	(tag) =	ssettag $0x2  }
0x3ab: {  	s0 =	rddreg [dreg:$0x0];
	s2 =	stileid.u32  }
0x3ac: {  	s1 =	rddreg [dreg:$0x1];
	p0 =	sne.s32 s2, $0x0  }
0x3ad: {  	s3 =	rddreg [dreg:$0x2];
	[bflag:$0x3] =	sbarrier.arrive $0xFFFF;
	s2 =	simm.s32 @!p0 $0x1C03  }
0x3ae: {  	[timem:s3], [sflag:s2] =	dma.local @!p0 [hbm:s0], s1  }
0x3af: {  	s0 =	simm.s32 @!p0 $0x3  }
0x3b0: {  	_ =	swait.ge @!p0 [sflag:s0], s1  }
0x3b1: {  	s1 =	ssub.s32 @!p0 $0x0, s1;
	[sflag:s0] =	ssyncset.done @!p0 $0x0  }
0x3b2: {  	[sflag:s0] =	ssyncadd.s32 @!p0 s1  }
0x3b3: {  	[bflag:$0x3] =	sbarrier.arrive $0xFFFF  }
0x3b4: {  	_ =	shalt  }

</sc_bundles>
